<compile_context>
chip_gen: v7x
topology: tpu7x:2x2x1
jax: 0.10.2.dev20260603
libtpu: 0.0.44.dev20260713+nightly
codegen_flags: <defaults>
</compile_context>

<pallas_src>
import functools

import jax
import jax.numpy as jnp
from jax import lax
from jax.experimental import pallas as pl
from jax.experimental.pallas import tpu as pltpu
from jax.experimental.pallas import tpu_sc as plsc

N = 10000
D = 128
NQ = 4
DQ = D // NQ
G = 64
E = 320000

NPAD = 10240
R = 512
NGRID = NPAD // R
NC = 2
NS = 16
NW = NC * NS
B = 128
CH = 80
EPAD = NW * CH * B
RPT = NPAD // NS
NBUF = 4
HR = 80
HSEG = NPAD // HR

_sc_params = pltpu.CompilerParams(needs_layout_passes=False,
                                  use_tc_tiling_on_sc=False)


@functools.lru_cache(maxsize=None)
def _sc_kernels():
    mesh = plsc.VectorSubcoreMesh(core_axis_name="c", subcore_axis_name="s",
                                  num_cores=NC, num_subcores=NS)
    deg = functools.partial(
        pl.kernel,
        out_type=jax.ShapeDtypeStruct((NC, HR, HSEG), jnp.float32),
        mesh=mesh,
        compiler_params=_sc_params,
        scratch_types=[
            pltpu.VMEM((CH, B), jnp.int32),
            pltpu.VMEM((HR, HSEG), jnp.float32),
            pltpu.VMEM((HR,), jnp.int32),
            pltpu.VMEM_SHARED((HR, HSEG), jnp.float32),
        ],
    )(_deg_body)
    edge = functools.partial(
        pl.kernel,
        out_type=jax.ShapeDtypeStruct((NC, NQ, NPAD, DQ), jnp.float32),
        mesh=mesh,
        compiler_params=_sc_params,
        scratch_types=[
            pltpu.VMEM((CH, B), jnp.int32),
            pltpu.VMEM((CH, B), jnp.int32),
            [pltpu.VMEM((B, DQ), jnp.float32) for _ in range(NBUF)],
            pltpu.VMEM((RPT, DQ), jnp.float32),
            pltpu.VMEM_SHARED((NPAD, DQ), jnp.float32),
            pltpu.VMEM_SHARED((NPAD, DQ), jnp.float32),
            [pltpu.SemaphoreType.DMA for _ in range(NBUF)],
            [pltpu.SemaphoreType.DMA for _ in range(NBUF)],
        ],
    )(_edge_body)
    return deg, edge


def _deg_body(dst_hbm, out_hbm, idx_v, hist_v, iref, acc_sh):
    c = lax.axis_index("c")
    s = lax.axis_index("s")
    w = s * NC + c
    pltpu.sync_copy(dst_hbm.at[w], idx_v)
    zero16 = jnp.zeros((16,), jnp.float32)

    def _zero(i, carry):
        for k in range(HSEG // 16):
            hist_v[i, pl.ds(k * 16, 16)] = zero16
        return carry

    lax.fori_loop(0, HR, _zero, 0)

    @pl.when(s == 0)
    def _():
        pltpu.sync_copy(hist_v, acc_sh)

    plsc.subcore_barrier()

    one16 = jnp.ones((16,), jnp.float32)

    def _hist(j, carry):
        for k in range(B // 16):
            idx = idx_v[j, pl.ds(k * 16, 16)]
            plsc.addupdate_scatter(hist_v, [idx >> 7, idx & (HSEG - 1)], one16)
        return carry

    lax.fori_loop(0, CH, _hist, 0)

    iota16 = lax.iota(jnp.int32, 16)
    for k in range(HR // 16):
        iref[pl.ds(k * 16, 16)] = iota16 + (k * 16)
    pltpu.sync_copy(hist_v, acc_sh.at[iref], add=True)
    plsc.subcore_barrier()
    rpt = HR // NS
    pltpu.sync_copy(acc_sh.at[pl.ds(rpt * s, rpt)],
                    out_hbm.at[c, pl.ds(rpt * s, rpt)])


def _edge_body(hq0_hbm, hq1_hbm, hq2_hbm, hq3_hbm, src_hbm, dst_hbm, out_hbm,
               sidx, didx, bufs, zbuf, hsh, acc, gsems, ssems):
    c = lax.axis_index("c")
    s = lax.axis_index("s")
    w = s * NC + c
    pltpu.sync_copy(src_hbm.at[w], sidx)
    pltpu.sync_copy(dst_hbm.at[w], didx)

    zero16 = jnp.zeros((16,), jnp.float32)

    def _zb(i, carry):
        for k in range(DQ // 16):
            zbuf[i, pl.ds(k * 16, 16)] = zero16
        return carry

    lax.fori_loop(0, RPT, _zb, 0)

    base = s * RPT

    for p, hq_hbm in enumerate((hq0_hbm, hq1_hbm, hq2_hbm, hq3_hbm)):
        pltpu.async_copy(hq_hbm.at[pl.ds(base, RPT)],
                         hsh.at[pl.ds(base, RPT)], gsems[0])
        pltpu.async_copy(zbuf, acc.at[pl.ds(base, RPT)], gsems[1])
        pltpu.make_async_copy(hq_hbm.at[pl.ds(base, RPT)],
                              hsh.at[pl.ds(base, RPT)], gsems[0]).wait()
        pltpu.make_async_copy(zbuf, acc.at[pl.ds(base, RPT)],
                              gsems[1]).wait()
        plsc.subcore_barrier()

        pltpu.async_copy(hsh.at[sidx.at[0]], bufs[0], gsems[0])
        pltpu.async_copy(hsh.at[sidx.at[1]], bufs[1], gsems[1])

        def _body(k, carry):
            v0 = NBUF * k
            for b in range(NBUF):
                v = v0 + b
                pltpu.make_async_copy(hsh.at[sidx.at[v]], bufs[b],
                                      gsems[b]).wait()
                pltpu.async_copy(bufs[b], acc.at[didx.at[v]], ssems[b],
                                 add=True)
                bg = (b + 2) % NBUF

                @pl.when(v >= 2)
                def _():
                    pltpu.make_async_copy(bufs[bg], acc.at[didx.at[v]],
                                          ssems[bg]).wait()

                @pl.when(v + 2 < CH)
                def _():
                    pltpu.async_copy(hsh.at[sidx.at[v + 2]], bufs[bg],
                                     gsems[bg])

            return carry

        lax.fori_loop(0, CH // NBUF, _body, 0)
        for j in (CH - 2, CH - 1):
            pltpu.make_async_copy(bufs[j % NBUF], acc.at[didx.at[j]],
                                  ssems[j % NBUF]).wait()
        plsc.subcore_barrier()
        pltpu.sync_copy(acc.at[pl.ds(base, RPT)],
                        out_hbm.at[c, p, pl.ds(base, RPT)])


def _mm(a, b):
    return lax.dot_general(a, b, (((1,), (0,)), ((), ())),
                           preferred_element_type=jnp.float32,
                           precision=lax.Precision.HIGHEST)


def _tc1_body(x_ref, w_ref, degp_ref, hq0_ref, hq1_ref, hq2_ref, hq3_ref,
              dinv_ref):
    deg = degp_ref[0] + degp_ref[1] + 1.0
    dinv = lax.rsqrt(deg)
    h = dinv * _mm(x_ref[...], w_ref[...])
    for q, ref in enumerate((hq0_ref, hq1_ref, hq2_ref, hq3_ref)):
        ref[...] = h[:, q * DQ:(q + 1) * DQ]
    dinv_ref[...] = dinv


_tc1 = pl.pallas_call(
    _tc1_body,
    grid=(NGRID,),
    in_specs=[
        pl.BlockSpec((R, D), lambda i: (i, 0)),
        pl.BlockSpec((D, D), lambda i: (0, 0)),
        pl.BlockSpec((NC, R, 1), lambda i: (0, i, 0)),
    ],
    out_specs=[pl.BlockSpec((R, DQ), lambda i: (i, 0)) for _ in range(NQ)]
    + [pl.BlockSpec((R, 1), lambda i: (i, 0))],
    out_shape=[jax.ShapeDtypeStruct((NPAD, DQ), jnp.float32)
               for _ in range(NQ)]
    + [jax.ShapeDtypeStruct((NPAD, 1), jnp.float32)],
)


def _node_emb(s_ref, hq_refs, dinv_ref, b_ref):
    dinv = dinv_ref[...]
    quarters = [dinv * (s_ref[0, q] + s_ref[1, q] + hq_refs[q][...])
                for q in range(NQ)]
    return jnp.concatenate(quarters, axis=1) + b_ref[...]


def _tc2_body(s_ref, hq0_ref, hq1_ref, hq2_ref, hq3_ref, dinv_ref, b1_ref,
              w2_ref, oq0_ref, oq1_ref, oq2_ref, oq3_ref):
    h1 = jnp.maximum(
        _node_emb(s_ref, (hq0_ref, hq1_ref, hq2_ref, hq3_ref), dinv_ref,
                  b1_ref), 0.0)
    h2 = dinv_ref[...] * _mm(h1, w2_ref[...])
    for q, ref in enumerate((oq0_ref, oq1_ref, oq2_ref, oq3_ref)):
        ref[...] = h2[:, q * DQ:(q + 1) * DQ]


_tc2 = pl.pallas_call(
    _tc2_body,
    grid=(NGRID,),
    in_specs=[
        pl.BlockSpec((NC, NQ, R, DQ), lambda i: (0, 0, i, 0)),
    ] + [pl.BlockSpec((R, DQ), lambda i: (i, 0)) for _ in range(NQ)] + [
        pl.BlockSpec((R, 1), lambda i: (i, 0)),
        pl.BlockSpec((1, D), lambda i: (0, 0)),
        pl.BlockSpec((D, D), lambda i: (0, 0)),
    ],
    out_specs=[pl.BlockSpec((R, DQ), lambda i: (i, 0)) for _ in range(NQ)],
    out_shape=[jax.ShapeDtypeStruct((NPAD, DQ), jnp.float32)
               for _ in range(NQ)],
)


def _tc3_body(s_ref, hq0_ref, hq1_ref, hq2_ref, hq3_ref, dinv_ref, b2_ref,
              batch_ref, out_ref, acc_ref, cnt_ref):
    i = pl.program_id(0)
    node = _node_emb(s_ref, (hq0_ref, hq1_ref, hq2_ref, hq3_ref), dinv_ref,
                     b2_ref)
    batch_blk = batch_ref[0]
    iota_g = lax.broadcasted_iota(jnp.int32, (G, R), 0)
    mask = (batch_blk == iota_g).astype(jnp.float32)
    contrib = _mm(mask, node)
    cntc = jnp.sum(mask, axis=1, keepdims=True)

    @pl.when(i == 0)
    def _():
        acc_ref[...] = contrib
        cnt_ref[...] = cntc

    @pl.when(i > 0)
    def _():
        acc_ref[...] += contrib
        cnt_ref[...] += cntc

    @pl.when(i == NGRID - 1)
    def _():
        out_ref[...] = acc_ref[...] / jnp.maximum(cnt_ref[...], 1.0)


_tc3 = pl.pallas_call(
    _tc3_body,
    grid=(NGRID,),
    in_specs=[
        pl.BlockSpec((NC, NQ, R, DQ), lambda i: (0, 0, i, 0)),
    ] + [pl.BlockSpec((R, DQ), lambda i: (i, 0)) for _ in range(NQ)] + [
        pl.BlockSpec((R, 1), lambda i: (i, 0)),
        pl.BlockSpec((1, D), lambda i: (0, 0)),
        pl.BlockSpec((1, 1, R), lambda i: (i, 0, 0)),
    ],
    out_specs=pl.BlockSpec((G, D), lambda i: (0, 0)),
    out_shape=jax.ShapeDtypeStruct((G, D), jnp.float32),
    scratch_shapes=[
        pltpu.VMEM((G, D), jnp.float32),
        pltpu.VMEM((G, 1), jnp.float32),
    ],
)


def kernel(x, edge_index, batch, W1, b1, W2, b2):
    src = edge_index[0].astype(jnp.int32)
    dst = edge_index[1].astype(jnp.int32)
    pad_e = EPAD - E
    src_p = jnp.concatenate([src, jnp.zeros((pad_e,), jnp.int32)]).reshape(NW, CH, B)
    dst_p = jnp.concatenate([dst, jnp.full((pad_e,), N, jnp.int32)]).reshape(NW, CH, B)
    x_p = jnp.pad(x, ((0, NPAD - N), (0, 0)))
    batch_p = jnp.concatenate(
        [batch.astype(jnp.int32), jnp.full((NPAD - N,), G, jnp.int32)]
    ).reshape(NGRID, 1, R)

    deg_kernel, edge_kernel = _sc_kernels()
    degp = deg_kernel(dst_p)
    *h1q, dinv = _tc1(x_p, W1, degp.reshape(NC, NPAD, 1))
    s1 = edge_kernel(*h1q, src_p, dst_p)
    h2q = _tc2(s1, *h1q, dinv, b1.reshape(1, D), W2)
    s2 = edge_kernel(*h2q, src_p, dst_p)
    return _tc3(s2, *h2q, dinv, b2.reshape(1, D), batch_p)

# --- scband reference (transcript-rebuilt; emitter-appended) ---
"""Pipeline reference for scband-gnn-21973052686417 (READ-ONLY COPY).

The authoritative reference and input builder live on the scoring server;
editing this copy changes nothing except your own understanding.
"""

import jax, jax.numpy as jnp
import numpy as np

N = 10000
E = 320000
D = 128
G = 64


def setup_inputs(seed: int = 0) -> dict:
    key = jax.random.key(seed)
    ks = jax.random.split(key, 6)
    x = jax.random.normal(ks[0], (N, D), dtype=jnp.float32)
    edge_index = jax.random.randint(ks[1], (2, E), 0, N)
    batch = jnp.sort(jax.random.randint(ks[2], (N,), 0, G))
    W1 = jax.random.normal(ks[3], (D, D), dtype=jnp.float32) * (1.0 / np.sqrt(D))
    b1 = jnp.zeros((D,), dtype=jnp.float32)
    W2 = jax.random.normal(ks[4], (D, D), dtype=jnp.float32) * (1.0 / np.sqrt(D))
    b2 = jnp.zeros((D,), dtype=jnp.float32)
    return {"x": x, "edge_index": edge_index, "batch": batch,
            "W1": W1, "b1": b1, "W2": W2, "b2": b2}


def _gcn_conv(x, edge_index, W, b):
    # PyG GCNConv: add self-loops, symmetric deg normalization, linear transform
    n = x.shape[0]
    loops = jnp.arange(n, dtype=edge_index.dtype)
    src = jnp.concatenate([edge_index[0], loops])
    dst = jnp.concatenate([edge_index[1], loops])
    h = x @ W
    deg = jax.ops.segment_sum(jnp.ones_like(src, dtype=h.dtype), dst, num_segments=n)
    dinv = jnp.where(deg > 0, jax.lax.rsqrt(deg), 0.0)
    norm = dinv[src] * dinv[dst]
    msg = h[src] * norm[:, None]
    agg = jax.ops.segment_sum(msg, dst, num_segments=n)
    return agg + b


def reference(x, edge_index, batch, W1, b1, W2, b2):
    h = jax.nn.relu(_gcn_conv(x, edge_index, W1, b1))
    # dropout is identity in eval mode
    node_emb = _gcn_conv(h, edge_index, W2, b2)
    # global_mean_pool over batch segment ids
    cnt = jax.ops.segment_sum(jnp.ones((x.shape[0],), dtype=node_emb.dtype), batch, num_segments=G)
    s = jax.ops.segment_sum(node_emb, batch, num_segments=G)
    graph_emb = s / jnp.clip(cnt, 1.0)[:, None]
    return graph_emb

if __name__ == "__main__":
    import jax
    _d = setup_inputs()
    print(jax.jit(kernel)(*tuple(_d.values())))

</pallas_src>

<mosaic_0001>
#map = affine_map<(d0, d1) -> (0, 0)>
#map1 = affine_map<(d0, d1) -> (0, 0, 0)>
#map2 = affine_map<(d0, d1) -> (0, 0, 0, 0)>
module attributes {stable_mosaic.version = 14 : i64} {
  func.func @_edge_body(%arg0: i32, %arg1: i32, %arg2: memref<10240x32xf32, #tpu.memory_space<hbm>>, %arg3: memref<10240x32xf32, #tpu.memory_space<hbm>>, %arg4: memref<10240x32xf32, #tpu.memory_space<hbm>>, %arg5: memref<10240x32xf32, #tpu.memory_space<hbm>>, %arg6: memref<32x80x128xi32, #tpu.memory_space<hbm>>, %arg7: memref<32x80x128xi32, #tpu.memory_space<hbm>>, %arg8: memref<2x4x10240x32xf32, #tpu.memory_space<hbm>>, %arg9: memref<80x128xi32, #tpu.memory_space<vmem>>, %arg10: memref<80x128xi32, #tpu.memory_space<vmem>>, %arg11: memref<128x32xf32, #tpu.memory_space<vmem>>, %arg12: memref<128x32xf32, #tpu.memory_space<vmem>>, %arg13: memref<128x32xf32, #tpu.memory_space<vmem>>, %arg14: memref<128x32xf32, #tpu.memory_space<vmem>>, %arg15: memref<640x32xf32, #tpu.memory_space<vmem>>, %arg16: memref<10240x32xf32, #tpu.memory_space<vmem_shared>>, %arg17: memref<10240x32xf32, #tpu.memory_space<vmem_shared>>, %arg18: memref<!tpu.dma_semaphore, #tpu.memory_space<semaphore_mem>>, %arg19: memref<!tpu.dma_semaphore, #tpu.memory_space<semaphore_mem>>, %arg20: memref<!tpu.dma_semaphore, #tpu.memory_space<semaphore_mem>>, %arg21: memref<!tpu.dma_semaphore, #tpu.memory_space<semaphore_mem>>, %arg22: memref<!tpu.dma_semaphore, #tpu.memory_space<semaphore_mem>>, %arg23: memref<!tpu.dma_semaphore, #tpu.memory_space<semaphore_mem>>, %arg24: memref<!tpu.dma_semaphore, #tpu.memory_space<semaphore_mem>>, %arg25: memref<!tpu.dma_semaphore, #tpu.memory_space<semaphore_mem>>) attributes {dimension_semantics = [#tpu.dimension_semantics<core_parallel>, #tpu.dimension_semantics<subcore_parallel>], iteration_bounds = array<i64: 2, 16>, scalar_prefetch = 0 : i64, scratch_operands = 17 : i64, tpu.core_type = #tpu.core_type<sc_vector_subcore>, window_params = [{transform_indices = #map}, {transform_indices = #map}, {transform_indices = #map}, {transform_indices = #map}, {transform_indices = #map1}, {transform_indices = #map1}, {transform_indices = #map2}]} {
    %mul3A = arith.constant 2 : i32
    %mul3A_0 = arith.muli %arg1, %mul3A : i32
    %add3A = arith.addi %mul3A_0, %arg0 : i32
    "tpu.region"() ({
      %run_scoped3A_217 = tpu.sem_alloc : memref<!tpu.dma_semaphore, #tpu.memory_space<semaphore_mem>>
      %dma_start3A_218 = arith.constant 0 : i32
      %dma_start3A_219 = arith.constant 0 : i32
      %dma_start3A_220 = tpu.memref_slice %arg6[%add3A, %dma_start3A_218, %dma_start3A_219] : memref<32x80x128xi32, #tpu.memory_space<hbm>> -> memref<1x80x128xi32, #tpu.memory_space<hbm>>
      %dma_start3A_221 = tpu.memref_squeeze %dma_start3A_220 : memref<1x80x128xi32, #tpu.memory_space<hbm>> -> memref<80x128xi32, #tpu.memory_space<hbm>>
      %dma_start3A_222 = arith.constant 0 : i32
      %dma_start3A_223 = arith.constant 0 : i32
      %dma_start3A_224 = tpu.memref_slice %arg6[%add3A, %dma_start3A_222, %dma_start3A_223] : memref<32x80x128xi32, #tpu.memory_space<hbm>> -> memref<1x80x128xi32, #tpu.memory_space<hbm>>
      %dma_start3A_225 = tpu.memref_squeeze %dma_start3A_224 : memref<1x80x128xi32, #tpu.memory_space<hbm>> -> memref<80x128xi32, #tpu.memory_space<hbm>>
      tpu.enqueue_dma source(%dma_start3A_225 : memref<80x128xi32, #tpu.memory_space<hbm>>) target(%arg9 : memref<80x128xi32, #tpu.memory_space<vmem>>) target_semaphore(%run_scoped3A_217 : memref<!tpu.dma_semaphore, #tpu.memory_space<semaphore_mem>>)
      %dma_wait3A_226 = arith.constant 0 : i32
      %dma_wait3A_227 = arith.constant 0 : i32
      %dma_wait3A_228 = tpu.memref_slice %arg6[%add3A, %dma_wait3A_226, %dma_wait3A_227] : memref<32x80x128xi32, #tpu.memory_space<hbm>> -> memref<1x80x128xi32, #tpu.memory_space<hbm>>
      %dma_wait3A_229 = tpu.memref_squeeze %dma_wait3A_228 : memref<1x80x128xi32, #tpu.memory_space<hbm>> -> memref<80x128xi32, #tpu.memory_space<hbm>>
      %dma_wait3A_230 = arith.constant 0 : i32
      %dma_wait3A_231 = arith.constant 0 : i32
      %dma_wait3A_232 = tpu.memref_slice %arg6[%add3A, %dma_wait3A_230, %dma_wait3A_231] : memref<32x80x128xi32, #tpu.memory_space<hbm>> -> memref<1x80x128xi32, #tpu.memory_space<hbm>>
      %dma_wait3A_233 = tpu.memref_squeeze %dma_wait3A_232 : memref<1x80x128xi32, #tpu.memory_space<hbm>> -> memref<80x128xi32, #tpu.memory_space<hbm>>
      tpu.wait_dma2 semaphore(%run_scoped3A_217 : memref<!tpu.dma_semaphore, #tpu.memory_space<semaphore_mem>>) src(%dma_wait3A_233 : memref<80x128xi32, #tpu.memory_space<hbm>>) dst(%arg9 : memref<80x128xi32, #tpu.memory_space<vmem>>)
      tpu.yield
    }) : () -> ()
    "tpu.region"() ({
      %run_scoped3A_217 = tpu.sem_alloc : memref<!tpu.dma_semaphore, #tpu.memory_space<semaphore_mem>>
      %dma_start3A_218 = arith.constant 0 : i32
      %dma_start3A_219 = arith.constant 0 : i32
      %dma_start3A_220 = tpu.memref_slice %arg7[%add3A, %dma_start3A_218, %dma_start3A_219] : memref<32x80x128xi32, #tpu.memory_space<hbm>> -> memref<1x80x128xi32, #tpu.memory_space<hbm>>
      %dma_start3A_221 = tpu.memref_squeeze %dma_start3A_220 : memref<1x80x128xi32, #tpu.memory_space<hbm>> -> memref<80x128xi32, #tpu.memory_space<hbm>>
      %dma_start3A_222 = arith.constant 0 : i32
      %dma_start3A_223 = arith.constant 0 : i32
      %dma_start3A_224 = tpu.memref_slice %arg7[%add3A, %dma_start3A_222, %dma_start3A_223] : memref<32x80x128xi32, #tpu.memory_space<hbm>> -> memref<1x80x128xi32, #tpu.memory_space<hbm>>
      %dma_start3A_225 = tpu.memref_squeeze %dma_start3A_224 : memref<1x80x128xi32, #tpu.memory_space<hbm>> -> memref<80x128xi32, #tpu.memory_space<hbm>>
      tpu.enqueue_dma source(%dma_start3A_225 : memref<80x128xi32, #tpu.memory_space<hbm>>) target(%arg10 : memref<80x128xi32, #tpu.memory_space<vmem>>) target_semaphore(%run_scoped3A_217 : memref<!tpu.dma_semaphore, #tpu.memory_space<semaphore_mem>>)
      %dma_wait3A_226 = arith.constant 0 : i32
      %dma_wait3A_227 = arith.constant 0 : i32
      %dma_wait3A_228 = tpu.memref_slice %arg7[%add3A, %dma_wait3A_226, %dma_wait3A_227] : memref<32x80x128xi32, #tpu.memory_space<hbm>> -> memref<1x80x128xi32, #tpu.memory_space<hbm>>
      %dma_wait3A_229 = tpu.memref_squeeze %dma_wait3A_228 : memref<1x80x128xi32, #tpu.memory_space<hbm>> -> memref<80x128xi32, #tpu.memory_space<hbm>>
      %dma_wait3A_230 = arith.constant 0 : i32
      %dma_wait3A_231 = arith.constant 0 : i32
      %dma_wait3A_232 = tpu.memref_slice %arg7[%add3A, %dma_wait3A_230, %dma_wait3A_231] : memref<32x80x128xi32, #tpu.memory_space<hbm>> -> memref<1x80x128xi32, #tpu.memory_space<hbm>>
      %dma_wait3A_233 = tpu.memref_squeeze %dma_wait3A_232 : memref<1x80x128xi32, #tpu.memory_space<hbm>> -> memref<80x128xi32, #tpu.memory_space<hbm>>
      tpu.wait_dma2 semaphore(%run_scoped3A_217 : memref<!tpu.dma_semaphore, #tpu.memory_space<semaphore_mem>>) src(%dma_wait3A_233 : memref<80x128xi32, #tpu.memory_space<hbm>>) dst(%arg10 : memref<80x128xi32, #tpu.memory_space<vmem>>)
      tpu.yield
    }) : () -> ()
    %broadcast_in_dim3A = arith.constant 0.000000e+00 : f32
    %broadcast_in_dim3A_1 = vector.broadcast %broadcast_in_dim3A : f32 to vector<16xf32>
    %scan3A = arith.constant 0 : i32
    %scan3A_2 = arith.constant 0 : i32
    %scan3A_3 = arith.constant 640 : i32
    %scan3A_4 = arith.addi %scan3A_2, %scan3A_3 : i32
    %scan3A_5 = arith.constant 1 : i32
    scf.for %scan3A_217 = %scan3A_2 to %scan3A_4 step %scan3A_5  : i32 {
      %swap3A = arith.index_cast %scan3A_217 : i32 to index
      %swap3A_218 = arith.constant 0 : index
      %swap3A_219 = tpu.vector_load %arg15[%swap3A, %swap3A_218] {strides = array<i32>} : memref<640x32xf32, #tpu.memory_space<vmem>>, vector<16xf32>,
      tpu.vector_store %arg15[%swap3A, %swap3A_218], %broadcast_in_dim3A_1 {strides = array<i32>} : memref<640x32xf32, #tpu.memory_space<vmem>>, vector<16xf32>,
      %swap3A_220 = arith.index_cast %scan3A_217 : i32 to index
      %swap3A_221 = arith.constant 16 : index
      %swap3A_222 = tpu.vector_load %arg15[%swap3A_220, %swap3A_221] {strides = array<i32>} : memref<640x32xf32, #tpu.memory_space<vmem>>, vector<16xf32>,
      tpu.vector_store %arg15[%swap3A_220, %swap3A_221], %broadcast_in_dim3A_1 {strides = array<i32>} : memref<640x32xf32, #tpu.memory_space<vmem>>, vector<16xf32>,
    }
    %scan3A_6 = arith.constant 640 : i32
    %mul3A_7 = arith.constant 640 : i32
    %mul3A_8 = arith.muli %arg1, %mul3A_7 : i32
    %dma_start3A = arith.constant 0 : i32
    %dma_start3A_9 = tpu.memref_slice %arg16[%mul3A_8, %dma_start3A] : memref<10240x32xf32, #tpu.memory_space<vmem_shared>> -> memref<640x32xf32, #tpu.memory_space<vmem_shared>>
    %dma_start3A_10 = arith.constant 0 : i32
    %dma_start3A_11 = tpu.memref_slice %arg2[%mul3A_8, %dma_start3A_10] : memref<10240x32xf32, #tpu.memory_space<hbm>> -> memref<640x32xf32, #tpu.memory_space<hbm>>
    tpu.enqueue_dma source(%dma_start3A_11 : memref<640x32xf32, #tpu.memory_space<hbm>>) target(%dma_start3A_9 : memref<640x32xf32, #tpu.memory_space<vmem_shared>>) target_semaphore(%arg18 : memref<!tpu.dma_semaphore, #tpu.memory_space<semaphore_mem>>)
    %dma_start3A_12 = arith.constant 0 : i32
    %dma_start3A_13 = tpu.memref_slice %arg17[%mul3A_8, %dma_start3A_12] : memref<10240x32xf32, #tpu.memory_space<vmem_shared>> -> memref<640x32xf32, #tpu.memory_space<vmem_shared>>
    %dma_start3A_14 = arith.constant 0 : i32
    %dma_start3A_15 = tpu.memref_slice %arg17[%mul3A_8, %dma_start3A_14] : memref<10240x32xf32, #tpu.memory_space<vmem_shared>> -> memref<640x32xf32, #tpu.memory_space<vmem_shared>>
    tpu.enqueue_dma source(%arg15 : memref<640x32xf32, #tpu.memory_space<vmem>>) target(%dma_start3A_15 : memref<640x32xf32, #tpu.memory_space<vmem_shared>>) target_semaphore(%arg19 : memref<!tpu.dma_semaphore, #tpu.memory_space<semaphore_mem>>)
    %dma_wait3A = arith.constant 0 : i32
    %dma_wait3A_16 = tpu.memref_slice %arg16[%mul3A_8, %dma_wait3A] : memref<10240x32xf32, #tpu.memory_space<vmem_shared>> -> memref<640x32xf32, #tpu.memory_space<vmem_shared>>
    %dma_wait3A_17 = arith.constant 0 : i32
    %dma_wait3A_18 = tpu.memref_slice %arg2[%mul3A_8, %dma_wait3A_17] : memref<10240x32xf32, #tpu.memory_space<hbm>> -> memref<640x32xf32, #tpu.memory_space<hbm>>
    tpu.wait_dma2 semaphore(%arg18 : memref<!tpu.dma_semaphore, #tpu.memory_space<semaphore_mem>>) src(%dma_wait3A_18 : memref<640x32xf32, #tpu.memory_space<hbm>>) dst(%dma_wait3A_16 : memref<640x32xf32, #tpu.memory_space<vmem_shared>>)
    %dma_wait3A_19 = arith.constant 0 : i32
    %dma_wait3A_20 = tpu.memref_slice %arg17[%mul3A_8, %dma_wait3A_19] : memref<10240x32xf32, #tpu.memory_space<vmem_shared>> -> memref<640x32xf32, #tpu.memory_space<vmem_shared>>
    %dma_wait3A_21 = arith.constant 0 : i32
    %dma_wait3A_22 = tpu.memref_slice %arg17[%mul3A_8, %dma_wait3A_21] : memref<10240x32xf32, #tpu.memory_space<vmem_shared>> -> memref<640x32xf32, #tpu.memory_space<vmem_shared>>
    tpu.wait_dma2 semaphore(%arg19 : memref<!tpu.dma_semaphore, #tpu.memory_space<semaphore_mem>>) src(%arg15 : memref<640x32xf32, #tpu.memory_space<vmem>>) dst(%dma_wait3A_22 : memref<640x32xf32, #tpu.memory_space<vmem_shared>>)
    %barrier3A = arith.constant 0 : index
    tpu.barrier barrier_id(%barrier3A)
    %dma_start3A_23 = arith.constant 0 : i32
    %dma_start3A_24 = arith.constant 0 : i32
    %dma_start3A_25 = tpu.memref_slice %arg9[%dma_start3A_23, %dma_start3A_24] : memref<80x128xi32, #tpu.memory_space<vmem>> -> memref<1x128xi32, #tpu.memory_space<vmem>>
    %dma_start3A_26 = tpu.memref_squeeze %dma_start3A_25 : memref<1x128xi32, #tpu.memory_space<vmem>> -> memref<128xi32, #tpu.memory_space<vmem>>
    %dma_start3A_27 = arith.constant 0 : i32
    %dma_start3A_28 = arith.constant 0 : i32
    %dma_start3A_29 = tpu.memref_slice %arg16[%dma_start3A_27, %dma_start3A_28] : memref<10240x32xf32, #tpu.memory_space<vmem_shared>> -> memref<10240x32xf32, #tpu.memory_space<vmem_shared>>
    tpu.enqueue_indirect_dma source(%dma_start3A_29 : memref<10240x32xf32, #tpu.memory_space<vmem_shared>>) target(%arg11 : memref<128x32xf32, #tpu.memory_space<vmem>>) offsets(%dma_start3A_26 : memref<128xi32, #tpu.memory_space<vmem>>) semaphore(%arg18 : memref<!tpu.dma_semaphore, #tpu.memory_space<semaphore_mem>>)
    %dma_start3A_30 = arith.constant 1 : i32
    %dma_start3A_31 = arith.constant 0 : i32
    %dma_start3A_32 = tpu.memref_slice %arg9[%dma_start3A_30, %dma_start3A_31] : memref<80x128xi32, #tpu.memory_space<vmem>> -> memref<1x128xi32, #tpu.memory_space<vmem>>
    %dma_start3A_33 = tpu.memref_squeeze %dma_start3A_32 : memref<1x128xi32, #tpu.memory_space<vmem>> -> memref<128xi32, #tpu.memory_space<vmem>>
    %dma_start3A_34 = arith.constant 0 : i32
    %dma_start3A_35 = arith.constant 0 : i32
    %dma_start3A_36 = tpu.memref_slice %arg16[%dma_start3A_34, %dma_start3A_35] : memref<10240x32xf32, #tpu.memory_space<vmem_shared>> -> memref<10240x32xf32, #tpu.memory_space<vmem_shared>>
    tpu.enqueue_indirect_dma source(%dma_start3A_36 : memref<10240x32xf32, #tpu.memory_space<vmem_shared>>) target(%arg12 : memref<128x32xf32, #tpu.memory_space<vmem>>) offsets(%dma_start3A_33 : memref<128xi32, #tpu.memory_space<vmem>>) semaphore(%arg19 : memref<!tpu.dma_semaphore, #tpu.memory_space<semaphore_mem>>)
    %scan3A_37 = arith.constant 0 : i32
    %scan3A_38 = arith.constant 0 : i32
    %scan3A_39 = arith.constant 20 : i32
    %scan3A_40 = arith.addi %scan3A_38, %scan3A_39 : i32
    %scan3A_41 = arith.constant 1 : i32
    scf.for %scan3A_217 = %scan3A_38 to %scan3A_40 step %scan3A_41  : i32 {
      %mul3A_218 = arith.constant 4 : i32
      %mul3A_219 = arith.muli %mul3A_218, %scan3A_217 : i32
      %add3A_220 = arith.constant 0 : i32
      %add3A_221 = arith.addi %mul3A_219, %add3A_220 : i32
      %dma_wait3A_222 = arith.constant 0 : i32
      %dma_wait3A_223 = tpu.memref_slice %arg9[%add3A_221, %dma_wait3A_222] : memref<80x128xi32, #tpu.memory_space<vmem>> -> memref<1x128xi32, #tpu.memory_space<vmem>>
      %dma_wait3A_224 = tpu.memref_squeeze %dma_wait3A_223 : memref<1x128xi32, #tpu.memory_space<vmem>> -> memref<128xi32, #tpu.memory_space<vmem>>
      %dma_wait3A_225 = arith.constant 0 : i32
      %dma_wait3A_226 = arith.constant 0 : i32
      %dma_wait3A_227 = tpu.memref_slice %arg16[%dma_wait3A_225, %dma_wait3A_226] : memref<10240x32xf32, #tpu.memory_space<vmem_shared>> -> memref<10240x32xf32, #tpu.memory_space<vmem_shared>>
      tpu.wait_indirect_dma semaphore(%arg18 : memref<!tpu.dma_semaphore, #tpu.memory_space<semaphore_mem>>) src(%dma_wait3A_227 : memref<10240x32xf32, #tpu.memory_space<vmem_shared>>) dst(%arg11 : memref<128x32xf32, #tpu.memory_space<vmem>>)
      %dma_start3A_228 = arith.constant 0 : i32
      %dma_start3A_229 = tpu.memref_slice %arg10[%add3A_221, %dma_start3A_228] : memref<80x128xi32, #tpu.memory_space<vmem>> -> memref<1x128xi32, #tpu.memory_space<vmem>>
      %dma_start3A_230 = tpu.memref_squeeze %dma_start3A_229 : memref<1x128xi32, #tpu.memory_space<vmem>> -> memref<128xi32, #tpu.memory_space<vmem>>
      %dma_start3A_231 = arith.constant 0 : i32
      %dma_start3A_232 = arith.constant 0 : i32
      %dma_start3A_233 = tpu.memref_slice %arg17[%dma_start3A_231, %dma_start3A_232] : memref<10240x32xf32, #tpu.memory_space<vmem_shared>> -> memref<10240x32xf32, #tpu.memory_space<vmem_shared>>
      tpu.enqueue_indirect_dma source(%arg11 : memref<128x32xf32, #tpu.memory_space<vmem>>) target(%dma_start3A_233 : memref<10240x32xf32, #tpu.memory_space<vmem_shared>>) offsets(%dma_start3A_230 : memref<128xi32, #tpu.memory_space<vmem>>) semaphore(%arg22 : memref<!tpu.dma_semaphore, #tpu.memory_space<semaphore_mem>>) {add = true}
      %ge3A = arith.constant 2 : i32
      %ge3A_234 = arith.cmpi sge, %add3A_221, %ge3A : i32
      %convert_element_type3A = arith.extui %ge3A_234 : i1 to i32
      %cond3A = arith.constant 0 : i32
      %cond3A_235 = arith.cmpi ne, %convert_element_type3A, %cond3A : i32
      scf.if %cond3A_235 {
        %dma_wait3A_320 = arith.constant 0 : i32
        %dma_wait3A_321 = tpu.memref_slice %arg10[%add3A_221, %dma_wait3A_320] : memref<80x128xi32, #tpu.memory_space<vmem>> -> memref<1x128xi32, #tpu.memory_space<vmem>>
        %dma_wait3A_322 = tpu.memref_squeeze %dma_wait3A_321 : memref<1x128xi32, #tpu.memory_space<vmem>> -> memref<128xi32, #tpu.memory_space<vmem>>
        %dma_wait3A_323 = arith.constant 0 : i32
        %dma_wait3A_324 = arith.constant 0 : i32
        %dma_wait3A_325 = tpu.memref_slice %arg17[%dma_wait3A_323, %dma_wait3A_324] : memref<10240x32xf32, #tpu.memory_space<vmem_shared>> -> memref<10240x32xf32, #tpu.memory_space<vmem_shared>>
        tpu.wait_indirect_dma semaphore(%arg24 : memref<!tpu.dma_semaphore, #tpu.memory_space<semaphore_mem>>) src(%arg13 : memref<128x32xf32, #tpu.memory_space<vmem>>) dst(%dma_wait3A_325 : memref<10240x32xf32, #tpu.memory_space<vmem_shared>>)
      } else {
      }
      %add3A_236 = arith.constant 2 : i32
      %add3A_237 = arith.addi %add3A_221, %add3A_236 : i32
      %lt3A = arith.constant 80 : i32
      %lt3A_238 = arith.cmpi slt, %add3A_237, %lt3A : i32
      %convert_element_type3A_239 = arith.extui %lt3A_238 : i1 to i32
      %cond3A_240 = arith.constant 0 : i32
      %cond3A_241 = arith.cmpi ne, %convert_element_type3A_239, %cond3A_240 : i32
      scf.if %cond3A_241 {
        %add3A_320 = arith.constant 2 : i32
        %add3A_321 = arith.addi %add3A_221, %add3A_320 : i32
        %dma_start3A_322 = arith.constant 0 : i32
        %dma_start3A_323 = tpu.memref_slice %arg9[%add3A_321, %dma_start3A_322] : memref<80x128xi32, #tpu.memory_space<vmem>> -> memref<1x128xi32, #tpu.memory_space<vmem>>
        %dma_start3A_324 = tpu.memref_squeeze %dma_start3A_323 : memref<1x128xi32, #tpu.memory_space<vmem>> -> memref<128xi32, #tpu.memory_space<vmem>>
        %dma_start3A_325 = arith.constant 0 : i32
        %dma_start3A_326 = arith.constant 0 : i32
        %dma_start3A_327 = tpu.memref_slice %arg16[%dma_start3A_325, %dma_start3A_326] : memref<10240x32xf32, #tpu.memory_space<vmem_shared>> -> memref<10240x32xf32, #tpu.memory_space<vmem_shared>>
        tpu.enqueue_indirect_dma source(%dma_start3A_327 : memref<10240x32xf32, #tpu.memory_space<vmem_shared>>) target(%arg13 : memref<128x32xf32, #tpu.memory_space<vmem>>) offsets(%dma_start3A_324 : memref<128xi32, #tpu.memory_space<vmem>>) semaphore(%arg20 : memref<!tpu.dma_semaphore, #tpu.memory_space<semaphore_mem>>)
      } else {
      }
      %add3A_242 = arith.constant 1 : i32
      %add3A_243 = arith.addi %mul3A_219, %add3A_242 : i32
      %dma_wait3A_244 = arith.constant 0 : i32
      %dma_wait3A_245 = tpu.memref_slice %arg9[%add3A_243, %dma_wait3A_244] : memref<80x128xi32, #tpu.memory_space<vmem>> -> memref<1x128xi32, #tpu.memory_space<vmem>>
      %dma_wait3A_246 = tpu.memref_squeeze %dma_wait3A_245 : memref<1x128xi32, #tpu.memory_space<vmem>> -> memref<128xi32, #tpu.memory_space<vmem>>
      %dma_wait3A_247 = arith.constant 0 : i32
      %dma_wait3A_248 = arith.constant 0 : i32
      %dma_wait3A_249 = tpu.memref_slice %arg16[%dma_wait3A_247, %dma_wait3A_248] : memref<10240x32xf32, #tpu.memory_space<vmem_shared>> -> memref<10240x32xf32, #tpu.memory_space<vmem_shared>>
      tpu.wait_indirect_dma semaphore(%arg19 : memref<!tpu.dma_semaphore, #tpu.memory_space<semaphore_mem>>) src(%dma_wait3A_249 : memref<10240x32xf32, #tpu.memory_space<vmem_shared>>) dst(%arg12 : memref<128x32xf32, #tpu.memory_space<vmem>>)
      %dma_start3A_250 = arith.constant 0 : i32
      %dma_start3A_251 = tpu.memref_slice %arg10[%add3A_243, %dma_start3A_250] : memref<80x128xi32, #tpu.memory_space<vmem>> -> memref<1x128xi32, #tpu.memory_space<vmem>>
      %dma_start3A_252 = tpu.memref_squeeze %dma_start3A_251 : memref<1x128xi32, #tpu.memory_space<vmem>> -> memref<128xi32, #tpu.memory_space<vmem>>
      %dma_start3A_253 = arith.constant 0 : i32
      %dma_start3A_254 = arith.constant 0 : i32
      %dma_start3A_255 = tpu.memref_slice %arg17[%dma_start3A_253, %dma_start3A_254] : memref<10240x32xf32, #tpu.memory_space<vmem_shared>> -> memref<10240x32xf32, #tpu.memory_space<vmem_shared>>
      tpu.enqueue_indirect_dma source(%arg12 : memref<128x32xf32, #tpu.memory_space<vmem>>) target(%dma_start3A_255 : memref<10240x32xf32, #tpu.memory_space<vmem_shared>>) offsets(%dma_start3A_252 : memref<128xi32, #tpu.memory_space<vmem>>) semaphore(%arg23 : memref<!tpu.dma_semaphore, #tpu.memory_space<semaphore_mem>>) {add = true}
      %ge3A_256 = arith.constant 2 : i32
      %ge3A_257 = arith.cmpi sge, %add3A_243, %ge3A_256 : i32
      %convert_element_type3A_258 = arith.extui %ge3A_257 : i1 to i32
      %cond3A_259 = arith.constant 0 : i32
      %cond3A_260 = arith.cmpi ne, %convert_element_type3A_258, %cond3A_259 : i32
      scf.if %cond3A_260 {
        %dma_wait3A_320 = arith.constant 0 : i32
        %dma_wait3A_321 = tpu.memref_slice %arg10[%add3A_243, %dma_wait3A_320] : memref<80x128xi32, #tpu.memory_space<vmem>> -> memref<1x128xi32, #tpu.memory_space<vmem>>
        %dma_wait3A_322 = tpu.memref_squeeze %dma_wait3A_321 : memref<1x128xi32, #tpu.memory_space<vmem>> -> memref<128xi32, #tpu.memory_space<vmem>>
        %dma_wait3A_323 = arith.constant 0 : i32
        %dma_wait3A_324 = arith.constant 0 : i32
        %dma_wait3A_325 = tpu.memref_slice %arg17[%dma_wait3A_323, %dma_wait3A_324] : memref<10240x32xf32, #tpu.memory_space<vmem_shared>> -> memref<10240x32xf32, #tpu.memory_space<vmem_shared>>
        tpu.wait_indirect_dma semaphore(%arg25 : memref<!tpu.dma_semaphore, #tpu.memory_space<semaphore_mem>>) src(%arg14 : memref<128x32xf32, #tpu.memory_space<vmem>>) dst(%dma_wait3A_325 : memref<10240x32xf32, #tpu.memory_space<vmem_shared>>)
      } else {
      }
      %add3A_261 = arith.constant 2 : i32
      %add3A_262 = arith.addi %add3A_243, %add3A_261 : i32
      %lt3A_263 = arith.constant 80 : i32
      %lt3A_264 = arith.cmpi slt, %add3A_262, %lt3A_263 : i32
      %convert_element_type3A_265 = arith.extui %lt3A_264 : i1 to i32
      %cond3A_266 = arith.constant 0 : i32
      %cond3A_267 = arith.cmpi ne, %convert_element_type3A_265, %cond3A_266 : i32
      scf.if %cond3A_267 {
        %add3A_320 = arith.constant 2 : i32
        %add3A_321 = arith.addi %add3A_243, %add3A_320 : i32
        %dma_start3A_322 = arith.constant 0 : i32
        %dma_start3A_323 = tpu.memref_slice %arg9[%add3A_321, %dma_start3A_322] : memref<80x128xi32, #tpu.memory_space<vmem>> -> memref<1x128xi32, #tpu.memory_space<vmem>>
        %dma_start3A_324 = tpu.memref_squeeze %dma_start3A_323 : memref<1x128xi32, #tpu.memory_space<vmem>> -> memref<128xi32, #tpu.memory_space<vmem>>
        %dma_start3A_325 = arith.constant 0 : i32
        %dma_start3A_326 = arith.constant 0 : i32
        %dma_start3A_327 = tpu.memref_slice %arg16[%dma_start3A_325, %dma_start3A_326] : memref<10240x32xf32, #tpu.memory_space<vmem_shared>> -> memref<10240x32xf32, #tpu.memory_space<vmem_shared>>
        tpu.enqueue_indirect_dma source(%dma_start3A_327 : memref<10240x32xf32, #tpu.memory_space<vmem_shared>>) target(%arg14 : memref<128x32xf32, #tpu.memory_space<vmem>>) offsets(%dma_start3A_324 : memref<128xi32, #tpu.memory_space<vmem>>) semaphore(%arg21 : memref<!tpu.dma_semaphore, #tpu.memory_space<semaphore_mem>>)
      } else {
      }
      %add3A_268 = arith.constant 2 : i32
      %add3A_269 = arith.addi %mul3A_219, %add3A_268 : i32
      %dma_wait3A_270 = arith.constant 0 : i32
      %dma_wait3A_271 = tpu.memref_slice %arg9[%add3A_269, %dma_wait3A_270] : memref<80x128xi32, #tpu.memory_space<vmem>> -> memref<1x128xi32, #tpu.memory_space<vmem>>
      %dma_wait3A_272 = tpu.memref_squeeze %dma_wait3A_271 : memref<1x128xi32, #tpu.memory_space<vmem>> -> memref<128xi32, #tpu.memory_space<vmem>>
      %dma_wait3A_273 = arith.constant 0 : i32
      %dma_wait3A_274 = arith.constant 0 : i32
      %dma_wait3A_275 = tpu.memref_slice %arg16[%dma_wait3A_273, %dma_wait3A_274] : memref<10240x32xf32, #tpu.memory_space<vmem_shared>> -> memref<10240x32xf32, #tpu.memory_space<vmem_shared>>
      tpu.wait_indirect_dma semaphore(%arg20 : memref<!tpu.dma_semaphore, #tpu.memory_space<semaphore_mem>>) src(%dma_wait3A_275 : memref<10240x32xf32, #tpu.memory_space<vmem_shared>>) dst(%arg13 : memref<128x32xf32, #tpu.memory_space<vmem>>)
      %dma_start3A_276 = arith.constant 0 : i32
      %dma_start3A_277 = tpu.memref_slice %arg10[%add3A_269, %dma_start3A_276] : memref<80x128xi32, #tpu.memory_space<vmem>> -> memref<1x128xi32, #tpu.memory_space<vmem>>
      %dma_start3A_278 = tpu.memref_squeeze %dma_start3A_277 : memref<1x128xi32, #tpu.memory_space<vmem>> -> memref<128xi32, #tpu.memory_space<vmem>>
      %dma_start3A_279 = arith.constant 0 : i32
      %dma_start3A_280 = arith.constant 0 : i32
      %dma_start3A_281 = tpu.memref_slice %arg17[%dma_start3A_279, %dma_start3A_280] : memref<10240x32xf32, #tpu.memory_space<vmem_shared>> -> memref<10240x32xf32, #tpu.memory_space<vmem_shared>>
      tpu.enqueue_indirect_dma source(%arg13 : memref<128x32xf32, #tpu.memory_space<vmem>>) target(%dma_start3A_281 : memref<10240x32xf32, #tpu.memory_space<vmem_shared>>) offsets(%dma_start3A_278 : memref<128xi32, #tpu.memory_space<vmem>>) semaphore(%arg24 : memref<!tpu.dma_semaphore, #tpu.memory_space<semaphore_mem>>) {add = true}
      %ge3A_282 = arith.constant 2 : i32
      %ge3A_283 = arith.cmpi sge, %add3A_269, %ge3A_282 : i32
      %convert_element_type3A_284 = arith.extui %ge3A_283 : i1 to i32
      %cond3A_285 = arith.constant 0 : i32
      %cond3A_286 = arith.cmpi ne, %convert_element_type3A_284, %cond3A_285 : i32
      scf.if %cond3A_286 {
        %dma_wait3A_320 = arith.constant 0 : i32
        %dma_wait3A_321 = tpu.memref_slice %arg10[%add3A_269, %dma_wait3A_320] : memref<80x128xi32, #tpu.memory_space<vmem>> -> memref<1x128xi32, #tpu.memory_space<vmem>>
        %dma_wait3A_322 = tpu.memref_squeeze %dma_wait3A_321 : memref<1x128xi32, #tpu.memory_space<vmem>> -> memref<128xi32, #tpu.memory_space<vmem>>
        %dma_wait3A_323 = arith.constant 0 : i32
        %dma_wait3A_324 = arith.constant 0 : i32
        %dma_wait3A_325 = tpu.memref_slice %arg17[%dma_wait3A_323, %dma_wait3A_324] : memref<10240x32xf32, #tpu.memory_space<vmem_shared>> -> memref<10240x32xf32, #tpu.memory_space<vmem_shared>>
        tpu.wait_indirect_dma semaphore(%arg22 : memref<!tpu.dma_semaphore, #tpu.memory_space<semaphore_mem>>) src(%arg11 : memref<128x32xf32, #tpu.memory_space<vmem>>) dst(%dma_wait3A_325 : memref<10240x32xf32, #tpu.memory_space<vmem_shared>>)
      } else {
      }
      %add3A_287 = arith.constant 2 : i32
      %add3A_288 = arith.addi %add3A_269, %add3A_287 : i32
      %lt3A_289 = arith.constant 80 : i32
      %lt3A_290 = arith.cmpi slt, %add3A_288, %lt3A_289 : i32
      %convert_element_type3A_291 = arith.extui %lt3A_290 : i1 to i32
      %cond3A_292 = arith.constant 0 : i32
      %cond3A_293 = arith.cmpi ne, %convert_element_type3A_291, %cond3A_292 : i32
      scf.if %cond3A_293 {
        %add3A_320 = arith.constant 2 : i32
        %add3A_321 = arith.addi %add3A_269, %add3A_320 : i32
        %dma_start3A_322 = arith.constant 0 : i32
        %dma_start3A_323 = tpu.memref_slice %arg9[%add3A_321, %dma_start3A_322] : memref<80x128xi32, #tpu.memory_space<vmem>> -> memref<1x128xi32, #tpu.memory_space<vmem>>
        %dma_start3A_324 = tpu.memref_squeeze %dma_start3A_323 : memref<1x128xi32, #tpu.memory_space<vmem>> -> memref<128xi32, #tpu.memory_space<vmem>>
        %dma_start3A_325 = arith.constant 0 : i32
        %dma_start3A_326 = arith.constant 0 : i32
        %dma_start3A_327 = tpu.memref_slice %arg16[%dma_start3A_325, %dma_start3A_326] : memref<10240x32xf32, #tpu.memory_space<vmem_shared>> -> memref<10240x32xf32, #tpu.memory_space<vmem_shared>>
        tpu.enqueue_indirect_dma source(%dma_start3A_327 : memref<10240x32xf32, #tpu.memory_space<vmem_shared>>) target(%arg11 : memref<128x32xf32, #tpu.memory_space<vmem>>) offsets(%dma_start3A_324 : memref<128xi32, #tpu.memory_space<vmem>>) semaphore(%arg18 : memref<!tpu.dma_semaphore, #tpu.memory_space<semaphore_mem>>)
      } else {
      }
      %add3A_294 = arith.constant 3 : i32
      %add3A_295 = arith.addi %mul3A_219, %add3A_294 : i32
      %dma_wait3A_296 = arith.constant 0 : i32
      %dma_wait3A_297 = tpu.memref_slice %arg9[%add3A_295, %dma_wait3A_296] : memref<80x128xi32, #tpu.memory_space<vmem>> -> memref<1x128xi32, #tpu.memory_space<vmem>>
      %dma_wait3A_298 = tpu.memref_squeeze %dma_wait3A_297 : memref<1x128xi32, #tpu.memory_space<vmem>> -> memref<128xi32, #tpu.memory_space<vmem>>
      %dma_wait3A_299 = arith.constant 0 : i32
      %dma_wait3A_300 = arith.constant 0 : i32
      %dma_wait3A_301 = tpu.memref_slice %arg16[%dma_wait3A_299, %dma_wait3A_300] : memref<10240x32xf32, #tpu.memory_space<vmem_shared>> -> memref<10240x32xf32, #tpu.memory_space<vmem_shared>>
      tpu.wait_indirect_dma semaphore(%arg21 : memref<!tpu.dma_semaphore, #tpu.memory_space<semaphore_mem>>) src(%dma_wait3A_301 : memref<10240x32xf32, #tpu.memory_space<vmem_shared>>) dst(%arg14 : memref<128x32xf32, #tpu.memory_space<vmem>>)
      %dma_start3A_302 = arith.constant 0 : i32
      %dma_start3A_303 = tpu.memref_slice %arg10[%add3A_295, %dma_start3A_302] : memref<80x128xi32, #tpu.memory_space<vmem>> -> memref<1x128xi32, #tpu.memory_space<vmem>>
      %dma_start3A_304 = tpu.memref_squeeze %dma_start3A_303 : memref<1x128xi32, #tpu.memory_space<vmem>> -> memref<128xi32, #tpu.memory_space<vmem>>
      %dma_start3A_305 = arith.constant 0 : i32
      %dma_start3A_306 = arith.constant 0 : i32
      %dma_start3A_307 = tpu.memref_slice %arg17[%dma_start3A_305, %dma_start3A_306] : memref<10240x32xf32, #tpu.memory_space<vmem_shared>> -> memref<10240x32xf32, #tpu.memory_space<vmem_shared>>
      tpu.enqueue_indirect_dma source(%arg14 : memref<128x32xf32, #tpu.memory_space<vmem>>) target(%dma_start3A_307 : memref<10240x32xf32, #tpu.memory_space<vmem_shared>>) offsets(%dma_start3A_304 : memref<128xi32, #tpu.memory_space<vmem>>) semaphore(%arg25 : memref<!tpu.dma_semaphore, #tpu.memory_space<semaphore_mem>>) {add = true}
      %ge3A_308 = arith.constant 2 : i32
      %ge3A_309 = arith.cmpi sge, %add3A_295, %ge3A_308 : i32
      %convert_element_type3A_310 = arith.extui %ge3A_309 : i1 to i32
      %cond3A_311 = arith.constant 0 : i32
      %cond3A_312 = arith.cmpi ne, %convert_element_type3A_310, %cond3A_311 : i32
      scf.if %cond3A_312 {
        %dma_wait3A_320 = arith.constant 0 : i32
        %dma_wait3A_321 = tpu.memref_slice %arg10[%add3A_295, %dma_wait3A_320] : memref<80x128xi32, #tpu.memory_space<vmem>> -> memref<1x128xi32, #tpu.memory_space<vmem>>
        %dma_wait3A_322 = tpu.memref_squeeze %dma_wait3A_321 : memref<1x128xi32, #tpu.memory_space<vmem>> -> memref<128xi32, #tpu.memory_space<vmem>>
        %dma_wait3A_323 = arith.constant 0 : i32
        %dma_wait3A_324 = arith.constant 0 : i32
        %dma_wait3A_325 = tpu.memref_slice %arg17[%dma_wait3A_323, %dma_wait3A_324] : memref<10240x32xf32, #tpu.memory_space<vmem_shared>> -> memref<10240x32xf32, #tpu.memory_space<vmem_shared>>
        tpu.wait_indirect_dma semaphore(%arg23 : memref<!tpu.dma_semaphore, #tpu.memory_space<semaphore_mem>>) src(%arg12 : memref<128x32xf32, #tpu.memory_space<vmem>>) dst(%dma_wait3A_325 : memref<10240x32xf32, #tpu.memory_space<vmem_shared>>)
      } else {
      }
      %add3A_313 = arith.constant 2 : i32
      %add3A_314 = arith.addi %add3A_295, %add3A_313 : i32
      %lt3A_315 = arith.constant 80 : i32
      %lt3A_316 = arith.cmpi slt, %add3A_314, %lt3A_315 : i32
      %convert_element_type3A_317 = arith.extui %lt3A_316 : i1 to i32
      %cond3A_318 = arith.constant 0 : i32
      %cond3A_319 = arith.cmpi ne, %convert_element_type3A_317, %cond3A_318 : i32
      scf.if %cond3A_319 {
        %add3A_320 = arith.constant 2 : i32
        %add3A_321 = arith.addi %add3A_295, %add3A_320 : i32
        %dma_start3A_322 = arith.constant 0 : i32
        %dma_start3A_323 = tpu.memref_slice %arg9[%add3A_321, %dma_start3A_322] : memref<80x128xi32, #tpu.memory_space<vmem>> -> memref<1x128xi32, #tpu.memory_space<vmem>>
        %dma_start3A_324 = tpu.memref_squeeze %dma_start3A_323 : memref<1x128xi32, #tpu.memory_space<vmem>> -> memref<128xi32, #tpu.memory_space<vmem>>
        %dma_start3A_325 = arith.constant 0 : i32
        %dma_start3A_326 = arith.constant 0 : i32
        %dma_start3A_327 = tpu.memref_slice %arg16[%dma_start3A_325, %dma_start3A_326] : memref<10240x32xf32, #tpu.memory_space<vmem_shared>> -> memref<10240x32xf32, #tpu.memory_space<vmem_shared>>
        tpu.enqueue_indirect_dma source(%dma_start3A_327 : memref<10240x32xf32, #tpu.memory_space<vmem_shared>>) target(%arg12 : memref<128x32xf32, #tpu.memory_space<vmem>>) offsets(%dma_start3A_324 : memref<128xi32, #tpu.memory_space<vmem>>) semaphore(%arg19 : memref<!tpu.dma_semaphore, #tpu.memory_space<semaphore_mem>>)
      } else {
      }
    }
    %scan3A_42 = arith.constant 20 : i32
    %dma_wait3A_43 = arith.constant 78 : i32
    %dma_wait3A_44 = arith.constant 0 : i32
    %dma_wait3A_45 = tpu.memref_slice %arg10[%dma_wait3A_43, %dma_wait3A_44] : memref<80x128xi32, #tpu.memory_space<vmem>> -> memref<1x128xi32, #tpu.memory_space<vmem>>
    %dma_wait3A_46 = tpu.memref_squeeze %dma_wait3A_45 : memref<1x128xi32, #tpu.memory_space<vmem>> -> memref<128xi32, #tpu.memory_space<vmem>>
    %dma_wait3A_47 = arith.constant 0 : i32
    %dma_wait3A_48 = arith.constant 0 : i32
    %dma_wait3A_49 = tpu.memref_slice %arg17[%dma_wait3A_47, %dma_wait3A_48] : memref<10240x32xf32, #tpu.memory_space<vmem_shared>> -> memref<10240x32xf32, #tpu.memory_space<vmem_shared>>
    tpu.wait_indirect_dma semaphore(%arg24 : memref<!tpu.dma_semaphore, #tpu.memory_space<semaphore_mem>>) src(%arg13 : memref<128x32xf32, #tpu.memory_space<vmem>>) dst(%dma_wait3A_49 : memref<10240x32xf32, #tpu.memory_space<vmem_shared>>)
    %dma_wait3A_50 = arith.constant 79 : i32
    %dma_wait3A_51 = arith.constant 0 : i32
    %dma_wait3A_52 = tpu.memref_slice %arg10[%dma_wait3A_50, %dma_wait3A_51] : memref<80x128xi32, #tpu.memory_space<vmem>> -> memref<1x128xi32, #tpu.memory_space<vmem>>
    %dma_wait3A_53 = tpu.memref_squeeze %dma_wait3A_52 : memref<1x128xi32, #tpu.memory_space<vmem>> -> memref<128xi32, #tpu.memory_space<vmem>>
    %dma_wait3A_54 = arith.constant 0 : i32
    %dma_wait3A_55 = arith.constant 0 : i32
    %dma_wait3A_56 = tpu.memref_slice %arg17[%dma_wait3A_54, %dma_wait3A_55] : memref<10240x32xf32, #tpu.memory_space<vmem_shared>> -> memref<10240x32xf32, #tpu.memory_space<vmem_shared>>
    tpu.wait_indirect_dma semaphore(%arg25 : memref<!tpu.dma_semaphore, #tpu.memory_space<semaphore_mem>>) src(%arg14 : memref<128x32xf32, #tpu.memory_space<vmem>>) dst(%dma_wait3A_56 : memref<10240x32xf32, #tpu.memory_space<vmem_shared>>)
    %barrier3A_57 = arith.constant 0 : index
    tpu.barrier barrier_id(%barrier3A_57)
    %run_scoped3A = arith.constant 0 : i32
    "tpu.region"() ({
      %run_scoped3A_217 = tpu.sem_alloc : memref<!tpu.dma_semaphore, #tpu.memory_space<semaphore_mem>>
      %dma_start3A_218 = arith.constant 0 : i32
      %dma_start3A_219 = tpu.memref_slice %arg8[%arg0, %run_scoped3A, %mul3A_8, %dma_start3A_218] : memref<2x4x10240x32xf32, #tpu.memory_space<hbm>> -> memref<1x1x640x32xf32, #tpu.memory_space<hbm>>
      %dma_start3A_220 = tpu.memref_squeeze %dma_start3A_219 : memref<1x1x640x32xf32, #tpu.memory_space<hbm>> -> memref<640x32xf32, #tpu.memory_space<hbm>>
      %dma_start3A_221 = arith.constant 0 : i32
      %dma_start3A_222 = tpu.memref_slice %arg17[%mul3A_8, %dma_start3A_221] : memref<10240x32xf32, #tpu.memory_space<vmem_shared>> -> memref<640x32xf32, #tpu.memory_space<vmem_shared>>
      tpu.enqueue_dma source(%dma_start3A_222 : memref<640x32xf32, #tpu.memory_space<vmem_shared>>) target(%dma_start3A_220 : memref<640x32xf32, #tpu.memory_space<hbm>>) target_semaphore(%run_scoped3A_217 : memref<!tpu.dma_semaphore, #tpu.memory_space<semaphore_mem>>)
      %dma_wait3A_223 = arith.constant 0 : i32
      %dma_wait3A_224 = tpu.memref_slice %arg8[%arg0, %run_scoped3A, %mul3A_8, %dma_wait3A_223] : memref<2x4x10240x32xf32, #tpu.memory_space<hbm>> -> memref<1x1x640x32xf32, #tpu.memory_space<hbm>>
      %dma_wait3A_225 = tpu.memref_squeeze %dma_wait3A_224 : memref<1x1x640x32xf32, #tpu.memory_space<hbm>> -> memref<640x32xf32, #tpu.memory_space<hbm>>
      %dma_wait3A_226 = arith.constant 0 : i32
      %dma_wait3A_227 = tpu.memref_slice %arg17[%mul3A_8, %dma_wait3A_226] : memref<10240x32xf32, #tpu.memory_space<vmem_shared>> -> memref<640x32xf32, #tpu.memory_space<vmem_shared>>
      tpu.wait_dma2 semaphore(%run_scoped3A_217 : memref<!tpu.dma_semaphore, #tpu.memory_space<semaphore_mem>>) src(%dma_wait3A_227 : memref<640x32xf32, #tpu.memory_space<vmem_shared>>) dst(%dma_wait3A_225 : memref<640x32xf32, #tpu.memory_space<hbm>>)
      tpu.yield
    }) : () -> ()
    %dma_start3A_58 = arith.constant 0 : i32
    %dma_start3A_59 = tpu.memref_slice %arg16[%mul3A_8, %dma_start3A_58] : memref<10240x32xf32, #tpu.memory_space<vmem_shared>> -> memref<640x32xf32, #tpu.memory_space<vmem_shared>>
    %dma_start3A_60 = arith.constant 0 : i32
    %dma_start3A_61 = tpu.memref_slice %arg3[%mul3A_8, %dma_start3A_60] : memref<10240x32xf32, #tpu.memory_space<hbm>> -> memref<640x32xf32, #tpu.memory_space<hbm>>
    tpu.enqueue_dma source(%dma_start3A_61 : memref<640x32xf32, #tpu.memory_space<hbm>>) target(%dma_start3A_59 : memref<640x32xf32, #tpu.memory_space<vmem_shared>>) target_semaphore(%arg18 : memref<!tpu.dma_semaphore, #tpu.memory_space<semaphore_mem>>)
    %dma_start3A_62 = arith.constant 0 : i32
    %dma_start3A_63 = tpu.memref_slice %arg17[%mul3A_8, %dma_start3A_62] : memref<10240x32xf32, #tpu.memory_space<vmem_shared>> -> memref<640x32xf32, #tpu.memory_space<vmem_shared>>
    %dma_start3A_64 = arith.constant 0 : i32
    %dma_start3A_65 = tpu.memref_slice %arg17[%mul3A_8, %dma_start3A_64] : memref<10240x32xf32, #tpu.memory_space<vmem_shared>> -> memref<640x32xf32, #tpu.memory_space<vmem_shared>>
    tpu.enqueue_dma source(%arg15 : memref<640x32xf32, #tpu.memory_space<vmem>>) target(%dma_start3A_65 : memref<640x32xf32, #tpu.memory_space<vmem_shared>>) target_semaphore(%arg19 : memref<!tpu.dma_semaphore, #tpu.memory_space<semaphore_mem>>)
    %dma_wait3A_66 = arith.constant 0 : i32
    %dma_wait3A_67 = tpu.memref_slice %arg16[%mul3A_8, %dma_wait3A_66] : memref<10240x32xf32, #tpu.memory_space<vmem_shared>> -> memref<640x32xf32, #tpu.memory_space<vmem_shared>>
    %dma_wait3A_68 = arith.constant 0 : i32
    %dma_wait3A_69 = tpu.memref_slice %arg3[%mul3A_8, %dma_wait3A_68] : memref<10240x32xf32, #tpu.memory_space<hbm>> -> memref<640x32xf32, #tpu.memory_space<hbm>>
    tpu.wait_dma2 semaphore(%arg18 : memref<!tpu.dma_semaphore, #tpu.memory_space<semaphore_mem>>) src(%dma_wait3A_69 : memref<640x32xf32, #tpu.memory_space<hbm>>) dst(%dma_wait3A_67 : memref<640x32xf32, #tpu.memory_space<vmem_shared>>)
    %dma_wait3A_70 = arith.constant 0 : i32
    %dma_wait3A_71 = tpu.memref_slice %arg17[%mul3A_8, %dma_wait3A_70] : memref<10240x32xf32, #tpu.memory_space<vmem_shared>> -> memref<640x32xf32, #tpu.memory_space<vmem_shared>>
    %dma_wait3A_72 = arith.constant 0 : i32
    %dma_wait3A_73 = tpu.memref_slice %arg17[%mul3A_8, %dma_wait3A_72] : memref<10240x32xf32, #tpu.memory_space<vmem_shared>> -> memref<640x32xf32, #tpu.memory_space<vmem_shared>>
    tpu.wait_dma2 semaphore(%arg19 : memref<!tpu.dma_semaphore, #tpu.memory_space<semaphore_mem>>) src(%arg15 : memref<640x32xf32, #tpu.memory_space<vmem>>) dst(%dma_wait3A_73 : memref<640x32xf32, #tpu.memory_space<vmem_shared>>)
    %barrier3A_74 = arith.constant 0 : index
    tpu.barrier barrier_id(%barrier3A_74)
    %dma_start3A_75 = arith.constant 0 : i32
    %dma_start3A_76 = arith.constant 0 : i32
    %dma_start3A_77 = tpu.memref_slice %arg9[%dma_start3A_75, %dma_start3A_76] : memref<80x128xi32, #tpu.memory_space<vmem>> -> memref<1x128xi32, #tpu.memory_space<vmem>>
    %dma_start3A_78 = tpu.memref_squeeze %dma_start3A_77 : memref<1x128xi32, #tpu.memory_space<vmem>> -> memref<128xi32, #tpu.memory_space<vmem>>
    %dma_start3A_79 = arith.constant 0 : i32
    %dma_start3A_80 = arith.constant 0 : i32
    %dma_start3A_81 = tpu.memref_slice %arg16[%dma_start3A_79, %dma_start3A_80] : memref<10240x32xf32, #tpu.memory_space<vmem_shared>> -> memref<10240x32xf32, #tpu.memory_space<vmem_shared>>
    tpu.enqueue_indirect_dma source(%dma_start3A_81 : memref<10240x32xf32, #tpu.memory_space<vmem_shared>>) target(%arg11 : memref<128x32xf32, #tpu.memory_space<vmem>>) offsets(%dma_start3A_78 : memref<128xi32, #tpu.memory_space<vmem>>) semaphore(%arg18 : memref<!tpu.dma_semaphore, #tpu.memory_space<semaphore_mem>>)
    %dma_start3A_82 = arith.constant 1 : i32
    %dma_start3A_83 = arith.constant 0 : i32
    %dma_start3A_84 = tpu.memref_slice %arg9[%dma_start3A_82, %dma_start3A_83] : memref<80x128xi32, #tpu.memory_space<vmem>> -> memref<1x128xi32, #tpu.memory_space<vmem>>
    %dma_start3A_85 = tpu.memref_squeeze %dma_start3A_84 : memref<1x128xi32, #tpu.memory_space<vmem>> -> memref<128xi32, #tpu.memory_space<vmem>>
    %dma_start3A_86 = arith.constant 0 : i32
    %dma_start3A_87 = arith.constant 0 : i32
    %dma_start3A_88 = tpu.memref_slice %arg16[%dma_start3A_86, %dma_start3A_87] : memref<10240x32xf32, #tpu.memory_space<vmem_shared>> -> memref<10240x32xf32, #tpu.memory_space<vmem_shared>>
    tpu.enqueue_indirect_dma source(%dma_start3A_88 : memref<10240x32xf32, #tpu.memory_space<vmem_shared>>) target(%arg12 : memref<128x32xf32, #tpu.memory_space<vmem>>) offsets(%dma_start3A_85 : memref<128xi32, #tpu.memory_space<vmem>>) semaphore(%arg19 : memref<!tpu.dma_semaphore, #tpu.memory_space<semaphore_mem>>)
    %scan3A_89 = arith.constant 0 : i32
    %scan3A_90 = arith.constant 0 : i32
    %scan3A_91 = arith.constant 20 : i32
    %scan3A_92 = arith.addi %scan3A_90, %scan3A_91 : i32
    %scan3A_93 = arith.constant 1 : i32
    scf.for %scan3A_217 = %scan3A_90 to %scan3A_92 step %scan3A_93  : i32 {
      %mul3A_218 = arith.constant 4 : i32
      %mul3A_219 = arith.muli %mul3A_218, %scan3A_217 : i32
      %add3A_220 = arith.constant 0 : i32
      %add3A_221 = arith.addi %mul3A_219, %add3A_220 : i32
      %dma_wait3A_222 = arith.constant 0 : i32
      %dma_wait3A_223 = tpu.memref_slice %arg9[%add3A_221, %dma_wait3A_222] : memref<80x128xi32, #tpu.memory_space<vmem>> -> memref<1x128xi32, #tpu.memory_space<vmem>>
      %dma_wait3A_224 = tpu.memref_squeeze %dma_wait3A_223 : memref<1x128xi32, #tpu.memory_space<vmem>> -> memref<128xi32, #tpu.memory_space<vmem>>
      %dma_wait3A_225 = arith.constant 0 : i32
      %dma_wait3A_226 = arith.constant 0 : i32
      %dma_wait3A_227 = tpu.memref_slice %arg16[%dma_wait3A_225, %dma_wait3A_226] : memref<10240x32xf32, #tpu.memory_space<vmem_shared>> -> memref<10240x32xf32, #tpu.memory_space<vmem_shared>>
      tpu.wait_indirect_dma semaphore(%arg18 : memref<!tpu.dma_semaphore, #tpu.memory_space<semaphore_mem>>) src(%dma_wait3A_227 : memref<10240x32xf32, #tpu.memory_space<vmem_shared>>) dst(%arg11 : memref<128x32xf32, #tpu.memory_space<vmem>>)
      %dma_start3A_228 = arith.constant 0 : i32
      %dma_start3A_229 = tpu.memref_slice %arg10[%add3A_221, %dma_start3A_228] : memref<80x128xi32, #tpu.memory_space<vmem>> -> memref<1x128xi32, #tpu.memory_space<vmem>>
      %dma_start3A_230 = tpu.memref_squeeze %dma_start3A_229 : memref<1x128xi32, #tpu.memory_space<vmem>> -> memref<128xi32, #tpu.memory_space<vmem>>
      %dma_start3A_231 = arith.constant 0 : i32
      %dma_start3A_232 = arith.constant 0 : i32
      %dma_start3A_233 = tpu.memref_slice %arg17[%dma_start3A_231, %dma_start3A_232] : memref<10240x32xf32, #tpu.memory_space<vmem_shared>> -> memref<10240x32xf32, #tpu.memory_space<vmem_shared>>
      tpu.enqueue_indirect_dma source(%arg11 : memref<128x32xf32, #tpu.memory_space<vmem>>) target(%dma_start3A_233 : memref<10240x32xf32, #tpu.memory_space<vmem_shared>>) offsets(%dma_start3A_230 : memref<128xi32, #tpu.memory_space<vmem>>) semaphore(%arg22 : memref<!tpu.dma_semaphore, #tpu.memory_space<semaphore_mem>>) {add = true}
      %ge3A = arith.constant 2 : i32
      %ge3A_234 = arith.cmpi sge, %add3A_221, %ge3A : i32
      %convert_element_type3A = arith.extui %ge3A_234 : i1 to i32
      %cond3A = arith.constant 0 : i32
      %cond3A_235 = arith.cmpi ne, %convert_element_type3A, %cond3A : i32
      scf.if %cond3A_235 {
        %dma_wait3A_320 = arith.constant 0 : i32
        %dma_wait3A_321 = tpu.memref_slice %arg10[%add3A_221, %dma_wait3A_320] : memref<80x128xi32, #tpu.memory_space<vmem>> -> memref<1x128xi32, #tpu.memory_space<vmem>>
        %dma_wait3A_322 = tpu.memref_squeeze %dma_wait3A_321 : memref<1x128xi32, #tpu.memory_space<vmem>> -> memref<128xi32, #tpu.memory_space<vmem>>
        %dma_wait3A_323 = arith.constant 0 : i32
        %dma_wait3A_324 = arith.constant 0 : i32
        %dma_wait3A_325 = tpu.memref_slice %arg17[%dma_wait3A_323, %dma_wait3A_324] : memref<10240x32xf32, #tpu.memory_space<vmem_shared>> -> memref<10240x32xf32, #tpu.memory_space<vmem_shared>>
        tpu.wait_indirect_dma semaphore(%arg24 : memref<!tpu.dma_semaphore, #tpu.memory_space<semaphore_mem>>) src(%arg13 : memref<128x32xf32, #tpu.memory_space<vmem>>) dst(%dma_wait3A_325 : memref<10240x32xf32, #tpu.memory_space<vmem_shared>>)
      } else {
      }
      %add3A_236 = arith.constant 2 : i32
      %add3A_237 = arith.addi %add3A_221, %add3A_236 : i32
      %lt3A = arith.constant 80 : i32
      %lt3A_238 = arith.cmpi slt, %add3A_237, %lt3A : i32
      %convert_element_type3A_239 = arith.extui %lt3A_238 : i1 to i32
      %cond3A_240 = arith.constant 0 : i32
      %cond3A_241 = arith.cmpi ne, %convert_element_type3A_239, %cond3A_240 : i32
      scf.if %cond3A_241 {
        %add3A_320 = arith.constant 2 : i32
        %add3A_321 = arith.addi %add3A_221, %add3A_320 : i32
        %dma_start3A_322 = arith.constant 0 : i32
        %dma_start3A_323 = tpu.memref_slice %arg9[%add3A_321, %dma_start3A_322] : memref<80x128xi32, #tpu.memory_space<vmem>> -> memref<1x128xi32, #tpu.memory_space<vmem>>
        %dma_start3A_324 = tpu.memref_squeeze %dma_start3A_323 : memref<1x128xi32, #tpu.memory_space<vmem>> -> memref<128xi32, #tpu.memory_space<vmem>>
        %dma_start3A_325 = arith.constant 0 : i32
        %dma_start3A_326 = arith.constant 0 : i32
        %dma_start3A_327 = tpu.memref_slice %arg16[%dma_start3A_325, %dma_start3A_326] : memref<10240x32xf32, #tpu.memory_space<vmem_shared>> -> memref<10240x32xf32, #tpu.memory_space<vmem_shared>>
        tpu.enqueue_indirect_dma source(%dma_start3A_327 : memref<10240x32xf32, #tpu.memory_space<vmem_shared>>) target(%arg13 : memref<128x32xf32, #tpu.memory_space<vmem>>) offsets(%dma_start3A_324 : memref<128xi32, #tpu.memory_space<vmem>>) semaphore(%arg20 : memref<!tpu.dma_semaphore, #tpu.memory_space<semaphore_mem>>)
      } else {
      }
      %add3A_242 = arith.constant 1 : i32
      %add3A_243 = arith.addi %mul3A_219, %add3A_242 : i32
      %dma_wait3A_244 = arith.constant 0 : i32
      %dma_wait3A_245 = tpu.memref_slice %arg9[%add3A_243, %dma_wait3A_244] : memref<80x128xi32, #tpu.memory_space<vmem>> -> memref<1x128xi32, #tpu.memory_space<vmem>>
      %dma_wait3A_246 = tpu.memref_squeeze %dma_wait3A_245 : memref<1x128xi32, #tpu.memory_space<vmem>> -> memref<128xi32, #tpu.memory_space<vmem>>
      %dma_wait3A_247 = arith.constant 0 : i32
      %dma_wait3A_248 = arith.constant 0 : i32
      %dma_wait3A_249 = tpu.memref_slice %arg16[%dma_wait3A_247, %dma_wait3A_248] : memref<10240x32xf32, #tpu.memory_space<vmem_shared>> -> memref<10240x32xf32, #tpu.memory_space<vmem_shared>>
      tpu.wait_indirect_dma semaphore(%arg19 : memref<!tpu.dma_semaphore, #tpu.memory_space<semaphore_mem>>) src(%dma_wait3A_249 : memref<10240x32xf32, #tpu.memory_space<vmem_shared>>) dst(%arg12 : memref<128x32xf32, #tpu.memory_space<vmem>>)
      %dma_start3A_250 = arith.constant 0 : i32
      %dma_start3A_251 = tpu.memref_slice %arg10[%add3A_243, %dma_start3A_250] : memref<80x128xi32, #tpu.memory_space<vmem>> -> memref<1x128xi32, #tpu.memory_space<vmem>>
      %dma_start3A_252 = tpu.memref_squeeze %dma_start3A_251 : memref<1x128xi32, #tpu.memory_space<vmem>> -> memref<128xi32, #tpu.memory_space<vmem>>
      %dma_start3A_253 = arith.constant 0 : i32
      %dma_start3A_254 = arith.constant 0 : i32
      %dma_start3A_255 = tpu.memref_slice %arg17[%dma_start3A_253, %dma_start3A_254] : memref<10240x32xf32, #tpu.memory_space<vmem_shared>> -> memref<10240x32xf32, #tpu.memory_space<vmem_shared>>
      tpu.enqueue_indirect_dma source(%arg12 : memref<128x32xf32, #tpu.memory_space<vmem>>) target(%dma_start3A_255 : memref<10240x32xf32, #tpu.memory_space<vmem_shared>>) offsets(%dma_start3A_252 : memref<128xi32, #tpu.memory_space<vmem>>) semaphore(%arg23 : memref<!tpu.dma_semaphore, #tpu.memory_space<semaphore_mem>>) {add = true}
      %ge3A_256 = arith.constant 2 : i32
      %ge3A_257 = arith.cmpi sge, %add3A_243, %ge3A_256 : i32
      %convert_element_type3A_258 = arith.extui %ge3A_257 : i1 to i32
      %cond3A_259 = arith.constant 0 : i32
      %cond3A_260 = arith.cmpi ne, %convert_element_type3A_258, %cond3A_259 : i32
      scf.if %cond3A_260 {
        %dma_wait3A_320 = arith.constant 0 : i32
        %dma_wait3A_321 = tpu.memref_slice %arg10[%add3A_243, %dma_wait3A_320] : memref<80x128xi32, #tpu.memory_space<vmem>> -> memref<1x128xi32, #tpu.memory_space<vmem>>
        %dma_wait3A_322 = tpu.memref_squeeze %dma_wait3A_321 : memref<1x128xi32, #tpu.memory_space<vmem>> -> memref<128xi32, #tpu.memory_space<vmem>>
        %dma_wait3A_323 = arith.constant 0 : i32
        %dma_wait3A_324 = arith.constant 0 : i32
        %dma_wait3A_325 = tpu.memref_slice %arg17[%dma_wait3A_323, %dma_wait3A_324] : memref<10240x32xf32, #tpu.memory_space<vmem_shared>> -> memref<10240x32xf32, #tpu.memory_space<vmem_shared>>
        tpu.wait_indirect_dma semaphore(%arg25 : memref<!tpu.dma_semaphore, #tpu.memory_space<semaphore_mem>>) src(%arg14 : memref<128x32xf32, #tpu.memory_space<vmem>>) dst(%dma_wait3A_325 : memref<10240x32xf32, #tpu.memory_space<vmem_shared>>)
      } else {
      }
      %add3A_261 = arith.constant 2 : i32
      %add3A_262 = arith.addi %add3A_243, %add3A_261 : i32
      %lt3A_263 = arith.constant 80 : i32
      %lt3A_264 = arith.cmpi slt, %add3A_262, %lt3A_263 : i32
      %convert_element_type3A_265 = arith.extui %lt3A_264 : i1 to i32
      %cond3A_266 = arith.constant 0 : i32
      %cond3A_267 = arith.cmpi ne, %convert_element_type3A_265, %cond3A_266 : i32
      scf.if %cond3A_267 {
        %add3A_320 = arith.constant 2 : i32
        %add3A_321 = arith.addi %add3A_243, %add3A_320 : i32
        %dma_start3A_322 = arith.constant 0 : i32
        %dma_start3A_323 = tpu.memref_slice %arg9[%add3A_321, %dma_start3A_322] : memref<80x128xi32, #tpu.memory_space<vmem>> -> memref<1x128xi32, #tpu.memory_space<vmem>>
        %dma_start3A_324 = tpu.memref_squeeze %dma_start3A_323 : memref<1x128xi32, #tpu.memory_space<vmem>> -> memref<128xi32, #tpu.memory_space<vmem>>
        %dma_start3A_325 = arith.constant 0 : i32
        %dma_start3A_326 = arith.constant 0 : i32
        %dma_start3A_327 = tpu.memref_slice %arg16[%dma_start3A_325, %dma_start3A_326] : memref<10240x32xf32, #tpu.memory_space<vmem_shared>> -> memref<10240x32xf32, #tpu.memory_space<vmem_shared>>
        tpu.enqueue_indirect_dma source(%dma_start3A_327 : memref<10240x32xf32, #tpu.memory_space<vmem_shared>>) target(%arg14 : memref<128x32xf32, #tpu.memory_space<vmem>>) offsets(%dma_start3A_324 : memref<128xi32, #tpu.memory_space<vmem>>) semaphore(%arg21 : memref<!tpu.dma_semaphore, #tpu.memory_space<semaphore_mem>>)
      } else {
      }
      %add3A_268 = arith.constant 2 : i32
      %add3A_269 = arith.addi %mul3A_219, %add3A_268 : i32
      %dma_wait3A_270 = arith.constant 0 : i32
      %dma_wait3A_271 = tpu.memref_slice %arg9[%add3A_269, %dma_wait3A_270] : memref<80x128xi32, #tpu.memory_space<vmem>> -> memref<1x128xi32, #tpu.memory_space<vmem>>
      %dma_wait3A_272 = tpu.memref_squeeze %dma_wait3A_271 : memref<1x128xi32, #tpu.memory_space<vmem>> -> memref<128xi32, #tpu.memory_space<vmem>>
      %dma_wait3A_273 = arith.constant 0 : i32
      %dma_wait3A_274 = arith.constant 0 : i32
      %dma_wait3A_275 = tpu.memref_slice %arg16[%dma_wait3A_273, %dma_wait3A_274] : memref<10240x32xf32, #tpu.memory_space<vmem_shared>> -> memref<10240x32xf32, #tpu.memory_space<vmem_shared>>
      tpu.wait_indirect_dma semaphore(%arg20 : memref<!tpu.dma_semaphore, #tpu.memory_space<semaphore_mem>>) src(%dma_wait3A_275 : memref<10240x32xf32, #tpu.memory_space<vmem_shared>>) dst(%arg13 : memref<128x32xf32, #tpu.memory_space<vmem>>)
      %dma_start3A_276 = arith.constant 0 : i32
      %dma_start3A_277 = tpu.memref_slice %arg10[%add3A_269, %dma_start3A_276] : memref<80x128xi32, #tpu.memory_space<vmem>> -> memref<1x128xi32, #tpu.memory_space<vmem>>
      %dma_start3A_278 = tpu.memref_squeeze %dma_start3A_277 : memref<1x128xi32, #tpu.memory_space<vmem>> -> memref<128xi32, #tpu.memory_space<vmem>>
      %dma_start3A_279 = arith.constant 0 : i32
      %dma_start3A_280 = arith.constant 0 : i32
      %dma_start3A_281 = tpu.memref_slice %arg17[%dma_start3A_279, %dma_start3A_280] : memref<10240x32xf32, #tpu.memory_space<vmem_shared>> -> memref<10240x32xf32, #tpu.memory_space<vmem_shared>>
      tpu.enqueue_indirect_dma source(%arg13 : memref<128x32xf32, #tpu.memory_space<vmem>>) target(%dma_start3A_281 : memref<10240x32xf32, #tpu.memory_space<vmem_shared>>) offsets(%dma_start3A_278 : memref<128xi32, #tpu.memory_space<vmem>>) semaphore(%arg24 : memref<!tpu.dma_semaphore, #tpu.memory_space<semaphore_mem>>) {add = true}
      %ge3A_282 = arith.constant 2 : i32
      %ge3A_283 = arith.cmpi sge, %add3A_269, %ge3A_282 : i32
      %convert_element_type3A_284 = arith.extui %ge3A_283 : i1 to i32
      %cond3A_285 = arith.constant 0 : i32
      %cond3A_286 = arith.cmpi ne, %convert_element_type3A_284, %cond3A_285 : i32
      scf.if %cond3A_286 {
        %dma_wait3A_320 = arith.constant 0 : i32
        %dma_wait3A_321 = tpu.memref_slice %arg10[%add3A_269, %dma_wait3A_320] : memref<80x128xi32, #tpu.memory_space<vmem>> -> memref<1x128xi32, #tpu.memory_space<vmem>>
        %dma_wait3A_322 = tpu.memref_squeeze %dma_wait3A_321 : memref<1x128xi32, #tpu.memory_space<vmem>> -> memref<128xi32, #tpu.memory_space<vmem>>
        %dma_wait3A_323 = arith.constant 0 : i32
        %dma_wait3A_324 = arith.constant 0 : i32
        %dma_wait3A_325 = tpu.memref_slice %arg17[%dma_wait3A_323, %dma_wait3A_324] : memref<10240x32xf32, #tpu.memory_space<vmem_shared>> -> memref<10240x32xf32, #tpu.memory_space<vmem_shared>>
        tpu.wait_indirect_dma semaphore(%arg22 : memref<!tpu.dma_semaphore, #tpu.memory_space<semaphore_mem>>) src(%arg11 : memref<128x32xf32, #tpu.memory_space<vmem>>) dst(%dma_wait3A_325 : memref<10240x32xf32, #tpu.memory_space<vmem_shared>>)
      } else {
      }
      %add3A_287 = arith.constant 2 : i32
      %add3A_288 = arith.addi %add3A_269, %add3A_287 : i32
      %lt3A_289 = arith.constant 80 : i32
      %lt3A_290 = arith.cmpi slt, %add3A_288, %lt3A_289 : i32
      %convert_element_type3A_291 = arith.extui %lt3A_290 : i1 to i32
      %cond3A_292 = arith.constant 0 : i32
      %cond3A_293 = arith.cmpi ne, %convert_element_type3A_291, %cond3A_292 : i32
      scf.if %cond3A_293 {
        %add3A_320 = arith.constant 2 : i32
        %add3A_321 = arith.addi %add3A_269, %add3A_320 : i32
        %dma_start3A_322 = arith.constant 0 : i32
        %dma_start3A_323 = tpu.memref_slice %arg9[%add3A_321, %dma_start3A_322] : memref<80x128xi32, #tpu.memory_space<vmem>> -> memref<1x128xi32, #tpu.memory_space<vmem>>
        %dma_start3A_324 = tpu.memref_squeeze %dma_start3A_323 : memref<1x128xi32, #tpu.memory_space<vmem>> -> memref<128xi32, #tpu.memory_space<vmem>>
        %dma_start3A_325 = arith.constant 0 : i32
        %dma_start3A_326 = arith.constant 0 : i32
        %dma_start3A_327 = tpu.memref_slice %arg16[%dma_start3A_325, %dma_start3A_326] : memref<10240x32xf32, #tpu.memory_space<vmem_shared>> -> memref<10240x32xf32, #tpu.memory_space<vmem_shared>>
        tpu.enqueue_indirect_dma source(%dma_start3A_327 : memref<10240x32xf32, #tpu.memory_space<vmem_shared>>) target(%arg11 : memref<128x32xf32, #tpu.memory_space<vmem>>) offsets(%dma_start3A_324 : memref<128xi32, #tpu.memory_space<vmem>>) semaphore(%arg18 : memref<!tpu.dma_semaphore, #tpu.memory_space<semaphore_mem>>)
      } else {
      }
      %add3A_294 = arith.constant 3 : i32
      %add3A_295 = arith.addi %mul3A_219, %add3A_294 : i32
      %dma_wait3A_296 = arith.constant 0 : i32
      %dma_wait3A_297 = tpu.memref_slice %arg9[%add3A_295, %dma_wait3A_296] : memref<80x128xi32, #tpu.memory_space<vmem>> -> memref<1x128xi32, #tpu.memory_space<vmem>>
      %dma_wait3A_298 = tpu.memref_squeeze %dma_wait3A_297 : memref<1x128xi32, #tpu.memory_space<vmem>> -> memref<128xi32, #tpu.memory_space<vmem>>
      %dma_wait3A_299 = arith.constant 0 : i32
      %dma_wait3A_300 = arith.constant 0 : i32
      %dma_wait3A_301 = tpu.memref_slice %arg16[%dma_wait3A_299, %dma_wait3A_300] : memref<10240x32xf32, #tpu.memory_space<vmem_shared>> -> memref<10240x32xf32, #tpu.memory_space<vmem_shared>>
      tpu.wait_indirect_dma semaphore(%arg21 : memref<!tpu.dma_semaphore, #tpu.memory_space<semaphore_mem>>) src(%dma_wait3A_301 : memref<10240x32xf32, #tpu.memory_space<vmem_shared>>) dst(%arg14 : memref<128x32xf32, #tpu.memory_space<vmem>>)
      %dma_start3A_302 = arith.constant 0 : i32
      %dma_start3A_303 = tpu.memref_slice %arg10[%add3A_295, %dma_start3A_302] : memref<80x128xi32, #tpu.memory_space<vmem>> -> memref<1x128xi32, #tpu.memory_space<vmem>>
      %dma_start3A_304 = tpu.memref_squeeze %dma_start3A_303 : memref<1x128xi32, #tpu.memory_space<vmem>> -> memref<128xi32, #tpu.memory_space<vmem>>
      %dma_start3A_305 = arith.constant 0 : i32
      %dma_start3A_306 = arith.constant 0 : i32
      %dma_start3A_307 = tpu.memref_slice %arg17[%dma_start3A_305, %dma_start3A_306] : memref<10240x32xf32, #tpu.memory_space<vmem_shared>> -> memref<10240x32xf32, #tpu.memory_space<vmem_shared>>
      tpu.enqueue_indirect_dma source(%arg14 : memref<128x32xf32, #tpu.memory_space<vmem>>) target(%dma_start3A_307 : memref<10240x32xf32, #tpu.memory_space<vmem_shared>>) offsets(%dma_start3A_304 : memref<128xi32, #tpu.memory_space<vmem>>) semaphore(%arg25 : memref<!tpu.dma_semaphore, #tpu.memory_space<semaphore_mem>>) {add = true}
      %ge3A_308 = arith.constant 2 : i32
      %ge3A_309 = arith.cmpi sge, %add3A_295, %ge3A_308 : i32
      %convert_element_type3A_310 = arith.extui %ge3A_309 : i1 to i32
      %cond3A_311 = arith.constant 0 : i32
      %cond3A_312 = arith.cmpi ne, %convert_element_type3A_310, %cond3A_311 : i32
      scf.if %cond3A_312 {
        %dma_wait3A_320 = arith.constant 0 : i32
        %dma_wait3A_321 = tpu.memref_slice %arg10[%add3A_295, %dma_wait3A_320] : memref<80x128xi32, #tpu.memory_space<vmem>> -> memref<1x128xi32, #tpu.memory_space<vmem>>
        %dma_wait3A_322 = tpu.memref_squeeze %dma_wait3A_321 : memref<1x128xi32, #tpu.memory_space<vmem>> -> memref<128xi32, #tpu.memory_space<vmem>>
        %dma_wait3A_323 = arith.constant 0 : i32
        %dma_wait3A_324 = arith.constant 0 : i32
        %dma_wait3A_325 = tpu.memref_slice %arg17[%dma_wait3A_323, %dma_wait3A_324] : memref<10240x32xf32, #tpu.memory_space<vmem_shared>> -> memref<10240x32xf32, #tpu.memory_space<vmem_shared>>
        tpu.wait_indirect_dma semaphore(%arg23 : memref<!tpu.dma_semaphore, #tpu.memory_space<semaphore_mem>>) src(%arg12 : memref<128x32xf32, #tpu.memory_space<vmem>>) dst(%dma_wait3A_325 : memref<10240x32xf32, #tpu.memory_space<vmem_shared>>)
      } else {
      }
      %add3A_313 = arith.constant 2 : i32
      %add3A_314 = arith.addi %add3A_295, %add3A_313 : i32
      %lt3A_315 = arith.constant 80 : i32
      %lt3A_316 = arith.cmpi slt, %add3A_314, %lt3A_315 : i32
      %convert_element_type3A_317 = arith.extui %lt3A_316 : i1 to i32
      %cond3A_318 = arith.constant 0 : i32
      %cond3A_319 = arith.cmpi ne, %convert_element_type3A_317, %cond3A_318 : i32
      scf.if %cond3A_319 {
        %add3A_320 = arith.constant 2 : i32
        %add3A_321 = arith.addi %add3A_295, %add3A_320 : i32
        %dma_start3A_322 = arith.constant 0 : i32
        %dma_start3A_323 = tpu.memref_slice %arg9[%add3A_321, %dma_start3A_322] : memref<80x128xi32, #tpu.memory_space<vmem>> -> memref<1x128xi32, #tpu.memory_space<vmem>>
        %dma_start3A_324 = tpu.memref_squeeze %dma_start3A_323 : memref<1x128xi32, #tpu.memory_space<vmem>> -> memref<128xi32, #tpu.memory_space<vmem>>
        %dma_start3A_325 = arith.constant 0 : i32
        %dma_start3A_326 = arith.constant 0 : i32
        %dma_start3A_327 = tpu.memref_slice %arg16[%dma_start3A_325, %dma_start3A_326] : memref<10240x32xf32, #tpu.memory_space<vmem_shared>> -> memref<10240x32xf32, #tpu.memory_space<vmem_shared>>
        tpu.enqueue_indirect_dma source(%dma_start3A_327 : memref<10240x32xf32, #tpu.memory_space<vmem_shared>>) target(%arg12 : memref<128x32xf32, #tpu.memory_space<vmem>>) offsets(%dma_start3A_324 : memref<128xi32, #tpu.memory_space<vmem>>) semaphore(%arg19 : memref<!tpu.dma_semaphore, #tpu.memory_space<semaphore_mem>>)
      } else {
      }
    }
    %scan3A_94 = arith.constant 20 : i32
    %dma_wait3A_95 = arith.constant 78 : i32
    %dma_wait3A_96 = arith.constant 0 : i32
    %dma_wait3A_97 = tpu.memref_slice %arg10[%dma_wait3A_95, %dma_wait3A_96] : memref<80x128xi32, #tpu.memory_space<vmem>> -> memref<1x128xi32, #tpu.memory_space<vmem>>
    %dma_wait3A_98 = tpu.memref_squeeze %dma_wait3A_97 : memref<1x128xi32, #tpu.memory_space<vmem>> -> memref<128xi32, #tpu.memory_space<vmem>>
    %dma_wait3A_99 = arith.constant 0 : i32
    %dma_wait3A_100 = arith.constant 0 : i32
    %dma_wait3A_101 = tpu.memref_slice %arg17[%dma_wait3A_99, %dma_wait3A_100] : memref<10240x32xf32, #tpu.memory_space<vmem_shared>> -> memref<10240x32xf32, #tpu.memory_space<vmem_shared>>
    tpu.wait_indirect_dma semaphore(%arg24 : memref<!tpu.dma_semaphore, #tpu.memory_space<semaphore_mem>>) src(%arg13 : memref<128x32xf32, #tpu.memory_space<vmem>>) dst(%dma_wait3A_101 : memref<10240x32xf32, #tpu.memory_space<vmem_shared>>)
    %dma_wait3A_102 = arith.constant 79 : i32
    %dma_wait3A_103 = arith.constant 0 : i32
    %dma_wait3A_104 = tpu.memref_slice %arg10[%dma_wait3A_102, %dma_wait3A_103] : memref<80x128xi32, #tpu.memory_space<vmem>> -> memref<1x128xi32, #tpu.memory_space<vmem>>
    %dma_wait3A_105 = tpu.memref_squeeze %dma_wait3A_104 : memref<1x128xi32, #tpu.memory_space<vmem>> -> memref<128xi32, #tpu.memory_space<vmem>>
    %dma_wait3A_106 = arith.constant 0 : i32
    %dma_wait3A_107 = arith.constant 0 : i32
    %dma_wait3A_108 = tpu.memref_slice %arg17[%dma_wait3A_106, %dma_wait3A_107] : memref<10240x32xf32, #tpu.memory_space<vmem_shared>> -> memref<10240x32xf32, #tpu.memory_space<vmem_shared>>
    tpu.wait_indirect_dma semaphore(%arg25 : memref<!tpu.dma_semaphore, #tpu.memory_space<semaphore_mem>>) src(%arg14 : memref<128x32xf32, #tpu.memory_space<vmem>>) dst(%dma_wait3A_108 : memref<10240x32xf32, #tpu.memory_space<vmem_shared>>)
    %barrier3A_109 = arith.constant 0 : index
    tpu.barrier barrier_id(%barrier3A_109)
    %run_scoped3A_110 = arith.constant 1 : i32
    "tpu.region"() ({
      %run_scoped3A_217 = tpu.sem_alloc : memref<!tpu.dma_semaphore, #tpu.memory_space<semaphore_mem>>
      %dma_start3A_218 = arith.constant 0 : i32
      %dma_start3A_219 = tpu.memref_slice %arg8[%arg0, %run_scoped3A_110, %mul3A_8, %dma_start3A_218] : memref<2x4x10240x32xf32, #tpu.memory_space<hbm>> -> memref<1x1x640x32xf32, #tpu.memory_space<hbm>>
      %dma_start3A_220 = tpu.memref_squeeze %dma_start3A_219 : memref<1x1x640x32xf32, #tpu.memory_space<hbm>> -> memref<640x32xf32, #tpu.memory_space<hbm>>
      %dma_start3A_221 = arith.constant 0 : i32
      %dma_start3A_222 = tpu.memref_slice %arg17[%mul3A_8, %dma_start3A_221] : memref<10240x32xf32, #tpu.memory_space<vmem_shared>> -> memref<640x32xf32, #tpu.memory_space<vmem_shared>>
      tpu.enqueue_dma source(%dma_start3A_222 : memref<640x32xf32, #tpu.memory_space<vmem_shared>>) target(%dma_start3A_220 : memref<640x32xf32, #tpu.memory_space<hbm>>) target_semaphore(%run_scoped3A_217 : memref<!tpu.dma_semaphore, #tpu.memory_space<semaphore_mem>>)
      %dma_wait3A_223 = arith.constant 0 : i32
      %dma_wait3A_224 = tpu.memref_slice %arg8[%arg0, %run_scoped3A_110, %mul3A_8, %dma_wait3A_223] : memref<2x4x10240x32xf32, #tpu.memory_space<hbm>> -> memref<1x1x640x32xf32, #tpu.memory_space<hbm>>
      %dma_wait3A_225 = tpu.memref_squeeze %dma_wait3A_224 : memref<1x1x640x32xf32, #tpu.memory_space<hbm>> -> memref<640x32xf32, #tpu.memory_space<hbm>>
      %dma_wait3A_226 = arith.constant 0 : i32
      %dma_wait3A_227 = tpu.memref_slice %arg17[%mul3A_8, %dma_wait3A_226] : memref<10240x32xf32, #tpu.memory_space<vmem_shared>> -> memref<640x32xf32, #tpu.memory_space<vmem_shared>>
      tpu.wait_dma2 semaphore(%run_scoped3A_217 : memref<!tpu.dma_semaphore, #tpu.memory_space<semaphore_mem>>) src(%dma_wait3A_227 : memref<640x32xf32, #tpu.memory_space<vmem_shared>>) dst(%dma_wait3A_225 : memref<640x32xf32, #tpu.memory_space<hbm>>)
      tpu.yield
    }) : () -> ()
    %dma_start3A_111 = arith.constant 0 : i32
    %dma_start3A_112 = tpu.memref_slice %arg16[%mul3A_8, %dma_start3A_111] : memref<10240x32xf32, #tpu.memory_space<vmem_shared>> -> memref<640x32xf32, #tpu.memory_space<vmem_shared>>
    %dma_start3A_113 = arith.constant 0 : i32
    %dma_start3A_114 = tpu.memref_slice %arg4[%mul3A_8, %dma_start3A_113] : memref<10240x32xf32, #tpu.memory_space<hbm>> -> memref<640x32xf32, #tpu.memory_space<hbm>>
    tpu.enqueue_dma source(%dma_start3A_114 : memref<640x32xf32, #tpu.memory_space<hbm>>) target(%dma_start3A_112 : memref<640x32xf32, #tpu.memory_space<vmem_shared>>) target_semaphore(%arg18 : memref<!tpu.dma_semaphore, #tpu.memory_space<semaphore_mem>>)
    %dma_start3A_115 = arith.constant 0 : i32
    %dma_start3A_116 = tpu.memref_slice %arg17[%mul3A_8, %dma_start3A_115] : memref<10240x32xf32, #tpu.memory_space<vmem_shared>> -> memref<640x32xf32, #tpu.memory_space<vmem_shared>>
    %dma_start3A_117 = arith.constant 0 : i32
    %dma_start3A_118 = tpu.memref_slice %arg17[%mul3A_8, %dma_start3A_117] : memref<10240x32xf32, #tpu.memory_space<vmem_shared>> -> memref<640x32xf32, #tpu.memory_space<vmem_shared>>
    tpu.enqueue_dma source(%arg15 : memref<640x32xf32, #tpu.memory_space<vmem>>) target(%dma_start3A_118 : memref<640x32xf32, #tpu.memory_space<vmem_shared>>) target_semaphore(%arg19 : memref<!tpu.dma_semaphore, #tpu.memory_space<semaphore_mem>>)
    %dma_wait3A_119 = arith.constant 0 : i32
    %dma_wait3A_120 = tpu.memref_slice %arg16[%mul3A_8, %dma_wait3A_119] : memref<10240x32xf32, #tpu.memory_space<vmem_shared>> -> memref<640x32xf32, #tpu.memory_space<vmem_shared>>
    %dma_wait3A_121 = arith.constant 0 : i32
    %dma_wait3A_122 = tpu.memref_slice %arg4[%mul3A_8, %dma_wait3A_121] : memref<10240x32xf32, #tpu.memory_space<hbm>> -> memref<640x32xf32, #tpu.memory_space<hbm>>
    tpu.wait_dma2 semaphore(%arg18 : memref<!tpu.dma_semaphore, #tpu.memory_space<semaphore_mem>>) src(%dma_wait3A_122 : memref<640x32xf32, #tpu.memory_space<hbm>>) dst(%dma_wait3A_120 : memref<640x32xf32, #tpu.memory_space<vmem_shared>>)
    %dma_wait3A_123 = arith.constant 0 : i32
    %dma_wait3A_124 = tpu.memref_slice %arg17[%mul3A_8, %dma_wait3A_123] : memref<10240x32xf32, #tpu.memory_space<vmem_shared>> -> memref<640x32xf32, #tpu.memory_space<vmem_shared>>
    %dma_wait3A_125 = arith.constant 0 : i32
    %dma_wait3A_126 = tpu.memref_slice %arg17[%mul3A_8, %dma_wait3A_125] : memref<10240x32xf32, #tpu.memory_space<vmem_shared>> -> memref<640x32xf32, #tpu.memory_space<vmem_shared>>
    tpu.wait_dma2 semaphore(%arg19 : memref<!tpu.dma_semaphore, #tpu.memory_space<semaphore_mem>>) src(%arg15 : memref<640x32xf32, #tpu.memory_space<vmem>>) dst(%dma_wait3A_126 : memref<640x32xf32, #tpu.memory_space<vmem_shared>>)
    %barrier3A_127 = arith.constant 0 : index
    tpu.barrier barrier_id(%barrier3A_127)
    %dma_start3A_128 = arith.constant 0 : i32
    %dma_start3A_129 = arith.constant 0 : i32
    %dma_start3A_130 = tpu.memref_slice %arg9[%dma_start3A_128, %dma_start3A_129] : memref<80x128xi32, #tpu.memory_space<vmem>> -> memref<1x128xi32, #tpu.memory_space<vmem>>
    %dma_start3A_131 = tpu.memref_squeeze %dma_start3A_130 : memref<1x128xi32, #tpu.memory_space<vmem>> -> memref<128xi32, #tpu.memory_space<vmem>>
    %dma_start3A_132 = arith.constant 0 : i32
    %dma_start3A_133 = arith.constant 0 : i32
    %dma_start3A_134 = tpu.memref_slice %arg16[%dma_start3A_132, %dma_start3A_133] : memref<10240x32xf32, #tpu.memory_space<vmem_shared>> -> memref<10240x32xf32, #tpu.memory_space<vmem_shared>>
    tpu.enqueue_indirect_dma source(%dma_start3A_134 : memref<10240x32xf32, #tpu.memory_space<vmem_shared>>) target(%arg11 : memref<128x32xf32, #tpu.memory_space<vmem>>) offsets(%dma_start3A_131 : memref<128xi32, #tpu.memory_space<vmem>>) semaphore(%arg18 : memref<!tpu.dma_semaphore, #tpu.memory_space<semaphore_mem>>)
    %dma_start3A_135 = arith.constant 1 : i32
    %dma_start3A_136 = arith.constant 0 : i32
    %dma_start3A_137 = tpu.memref_slice %arg9[%dma_start3A_135, %dma_start3A_136] : memref<80x128xi32, #tpu.memory_space<vmem>> -> memref<1x128xi32, #tpu.memory_space<vmem>>
    %dma_start3A_138 = tpu.memref_squeeze %dma_start3A_137 : memref<1x128xi32, #tpu.memory_space<vmem>> -> memref<128xi32, #tpu.memory_space<vmem>>
    %dma_start3A_139 = arith.constant 0 : i32
    %dma_start3A_140 = arith.constant 0 : i32
    %dma_start3A_141 = tpu.memref_slice %arg16[%dma_start3A_139, %dma_start3A_140] : memref<10240x32xf32, #tpu.memory_space<vmem_shared>> -> memref<10240x32xf32, #tpu.memory_space<vmem_shared>>
    tpu.enqueue_indirect_dma source(%dma_start3A_141 : memref<10240x32xf32, #tpu.memory_space<vmem_shared>>) target(%arg12 : memref<128x32xf32, #tpu.memory_space<vmem>>) offsets(%dma_start3A_138 : memref<128xi32, #tpu.memory_space<vmem>>) semaphore(%arg19 : memref<!tpu.dma_semaphore, #tpu.memory_space<semaphore_mem>>)
    %scan3A_142 = arith.constant 0 : i32
    %scan3A_143 = arith.constant 0 : i32
    %scan3A_144 = arith.constant 20 : i32
    %scan3A_145 = arith.addi %scan3A_143, %scan3A_144 : i32
    %scan3A_146 = arith.constant 1 : i32
    scf.for %scan3A_217 = %scan3A_143 to %scan3A_145 step %scan3A_146  : i32 {
      %mul3A_218 = arith.constant 4 : i32
      %mul3A_219 = arith.muli %mul3A_218, %scan3A_217 : i32
      %add3A_220 = arith.constant 0 : i32
      %add3A_221 = arith.addi %mul3A_219, %add3A_220 : i32
      %dma_wait3A_222 = arith.constant 0 : i32
      %dma_wait3A_223 = tpu.memref_slice %arg9[%add3A_221, %dma_wait3A_222] : memref<80x128xi32, #tpu.memory_space<vmem>> -> memref<1x128xi32, #tpu.memory_space<vmem>>
      %dma_wait3A_224 = tpu.memref_squeeze %dma_wait3A_223 : memref<1x128xi32, #tpu.memory_space<vmem>> -> memref<128xi32, #tpu.memory_space<vmem>>
      %dma_wait3A_225 = arith.constant 0 : i32
      %dma_wait3A_226 = arith.constant 0 : i32
      %dma_wait3A_227 = tpu.memref_slice %arg16[%dma_wait3A_225, %dma_wait3A_226] : memref<10240x32xf32, #tpu.memory_space<vmem_shared>> -> memref<10240x32xf32, #tpu.memory_space<vmem_shared>>
      tpu.wait_indirect_dma semaphore(%arg18 : memref<!tpu.dma_semaphore, #tpu.memory_space<semaphore_mem>>) src(%dma_wait3A_227 : memref<10240x32xf32, #tpu.memory_space<vmem_shared>>) dst(%arg11 : memref<128x32xf32, #tpu.memory_space<vmem>>)
      %dma_start3A_228 = arith.constant 0 : i32
      %dma_start3A_229 = tpu.memref_slice %arg10[%add3A_221, %dma_start3A_228] : memref<80x128xi32, #tpu.memory_space<vmem>> -> memref<1x128xi32, #tpu.memory_space<vmem>>
      %dma_start3A_230 = tpu.memref_squeeze %dma_start3A_229 : memref<1x128xi32, #tpu.memory_space<vmem>> -> memref<128xi32, #tpu.memory_space<vmem>>
      %dma_start3A_231 = arith.constant 0 : i32
      %dma_start3A_232 = arith.constant 0 : i32
      %dma_start3A_233 = tpu.memref_slice %arg17[%dma_start3A_231, %dma_start3A_232] : memref<10240x32xf32, #tpu.memory_space<vmem_shared>> -> memref<10240x32xf32, #tpu.memory_space<vmem_shared>>
      tpu.enqueue_indirect_dma source(%arg11 : memref<128x32xf32, #tpu.memory_space<vmem>>) target(%dma_start3A_233 : memref<10240x32xf32, #tpu.memory_space<vmem_shared>>) offsets(%dma_start3A_230 : memref<128xi32, #tpu.memory_space<vmem>>) semaphore(%arg22 : memref<!tpu.dma_semaphore, #tpu.memory_space<semaphore_mem>>) {add = true}
      %ge3A = arith.constant 2 : i32
      %ge3A_234 = arith.cmpi sge, %add3A_221, %ge3A : i32
      %convert_element_type3A = arith.extui %ge3A_234 : i1 to i32
      %cond3A = arith.constant 0 : i32
      %cond3A_235 = arith.cmpi ne, %convert_element_type3A, %cond3A : i32
      scf.if %cond3A_235 {
        %dma_wait3A_320 = arith.constant 0 : i32
        %dma_wait3A_321 = tpu.memref_slice %arg10[%add3A_221, %dma_wait3A_320] : memref<80x128xi32, #tpu.memory_space<vmem>> -> memref<1x128xi32, #tpu.memory_space<vmem>>
        %dma_wait3A_322 = tpu.memref_squeeze %dma_wait3A_321 : memref<1x128xi32, #tpu.memory_space<vmem>> -> memref<128xi32, #tpu.memory_space<vmem>>
        %dma_wait3A_323 = arith.constant 0 : i32
        %dma_wait3A_324 = arith.constant 0 : i32
        %dma_wait3A_325 = tpu.memref_slice %arg17[%dma_wait3A_323, %dma_wait3A_324] : memref<10240x32xf32, #tpu.memory_space<vmem_shared>> -> memref<10240x32xf32, #tpu.memory_space<vmem_shared>>
        tpu.wait_indirect_dma semaphore(%arg24 : memref<!tpu.dma_semaphore, #tpu.memory_space<semaphore_mem>>) src(%arg13 : memref<128x32xf32, #tpu.memory_space<vmem>>) dst(%dma_wait3A_325 : memref<10240x32xf32, #tpu.memory_space<vmem_shared>>)
      } else {
      }
      %add3A_236 = arith.constant 2 : i32
      %add3A_237 = arith.addi %add3A_221, %add3A_236 : i32
      %lt3A = arith.constant 80 : i32
      %lt3A_238 = arith.cmpi slt, %add3A_237, %lt3A : i32
      %convert_element_type3A_239 = arith.extui %lt3A_238 : i1 to i32
      %cond3A_240 = arith.constant 0 : i32
      %cond3A_241 = arith.cmpi ne, %convert_element_type3A_239, %cond3A_240 : i32
      scf.if %cond3A_241 {
        %add3A_320 = arith.constant 2 : i32
        %add3A_321 = arith.addi %add3A_221, %add3A_320 : i32
        %dma_start3A_322 = arith.constant 0 : i32
        %dma_start3A_323 = tpu.memref_slice %arg9[%add3A_321, %dma_start3A_322] : memref<80x128xi32, #tpu.memory_space<vmem>> -> memref<1x128xi32, #tpu.memory_space<vmem>>
        %dma_start3A_324 = tpu.memref_squeeze %dma_start3A_323 : memref<1x128xi32, #tpu.memory_space<vmem>> -> memref<128xi32, #tpu.memory_space<vmem>>
        %dma_start3A_325 = arith.constant 0 : i32
        %dma_start3A_326 = arith.constant 0 : i32
        %dma_start3A_327 = tpu.memref_slice %arg16[%dma_start3A_325, %dma_start3A_326] : memref<10240x32xf32, #tpu.memory_space<vmem_shared>> -> memref<10240x32xf32, #tpu.memory_space<vmem_shared>>
        tpu.enqueue_indirect_dma source(%dma_start3A_327 : memref<10240x32xf32, #tpu.memory_space<vmem_shared>>) target(%arg13 : memref<128x32xf32, #tpu.memory_space<vmem>>) offsets(%dma_start3A_324 : memref<128xi32, #tpu.memory_space<vmem>>) semaphore(%arg20 : memref<!tpu.dma_semaphore, #tpu.memory_space<semaphore_mem>>)
      } else {
      }
      %add3A_242 = arith.constant 1 : i32
      %add3A_243 = arith.addi %mul3A_219, %add3A_242 : i32
      %dma_wait3A_244 = arith.constant 0 : i32
      %dma_wait3A_245 = tpu.memref_slice %arg9[%add3A_243, %dma_wait3A_244] : memref<80x128xi32, #tpu.memory_space<vmem>> -> memref<1x128xi32, #tpu.memory_space<vmem>>
      %dma_wait3A_246 = tpu.memref_squeeze %dma_wait3A_245 : memref<1x128xi32, #tpu.memory_space<vmem>> -> memref<128xi32, #tpu.memory_space<vmem>>
      %dma_wait3A_247 = arith.constant 0 : i32
      %dma_wait3A_248 = arith.constant 0 : i32
      %dma_wait3A_249 = tpu.memref_slice %arg16[%dma_wait3A_247, %dma_wait3A_248] : memref<10240x32xf32, #tpu.memory_space<vmem_shared>> -> memref<10240x32xf32, #tpu.memory_space<vmem_shared>>
      tpu.wait_indirect_dma semaphore(%arg19 : memref<!tpu.dma_semaphore, #tpu.memory_space<semaphore_mem>>) src(%dma_wait3A_249 : memref<10240x32xf32, #tpu.memory_space<vmem_shared>>) dst(%arg12 : memref<128x32xf32, #tpu.memory_space<vmem>>)
      %dma_start3A_250 = arith.constant 0 : i32
      %dma_start3A_251 = tpu.memref_slice %arg10[%add3A_243, %dma_start3A_250] : memref<80x128xi32, #tpu.memory_space<vmem>> -> memref<1x128xi32, #tpu.memory_space<vmem>>
      %dma_start3A_252 = tpu.memref_squeeze %dma_start3A_251 : memref<1x128xi32, #tpu.memory_space<vmem>> -> memref<128xi32, #tpu.memory_space<vmem>>
      %dma_start3A_253 = arith.constant 0 : i32
      %dma_start3A_254 = arith.constant 0 : i32
      %dma_start3A_255 = tpu.memref_slice %arg17[%dma_start3A_253, %dma_start3A_254] : memref<10240x32xf32, #tpu.memory_space<vmem_shared>> -> memref<10240x32xf32, #tpu.memory_space<vmem_shared>>
      tpu.enqueue_indirect_dma source(%arg12 : memref<128x32xf32, #tpu.memory_space<vmem>>) target(%dma_start3A_255 : memref<10240x32xf32, #tpu.memory_space<vmem_shared>>) offsets(%dma_start3A_252 : memref<128xi32, #tpu.memory_space<vmem>>) semaphore(%arg23 : memref<!tpu.dma_semaphore, #tpu.memory_space<semaphore_mem>>) {add = true}
      %ge3A_256 = arith.constant 2 : i32
      %ge3A_257 = arith.cmpi sge, %add3A_243, %ge3A_256 : i32
      %convert_element_type3A_258 = arith.extui %ge3A_257 : i1 to i32
      %cond3A_259 = arith.constant 0 : i32
      %cond3A_260 = arith.cmpi ne, %convert_element_type3A_258, %cond3A_259 : i32
      scf.if %cond3A_260 {
        %dma_wait3A_320 = arith.constant 0 : i32
        %dma_wait3A_321 = tpu.memref_slice %arg10[%add3A_243, %dma_wait3A_320] : memref<80x128xi32, #tpu.memory_space<vmem>> -> memref<1x128xi32, #tpu.memory_space<vmem>>
        %dma_wait3A_322 = tpu.memref_squeeze %dma_wait3A_321 : memref<1x128xi32, #tpu.memory_space<vmem>> -> memref<128xi32, #tpu.memory_space<vmem>>
        %dma_wait3A_323 = arith.constant 0 : i32
        %dma_wait3A_324 = arith.constant 0 : i32
        %dma_wait3A_325 = tpu.memref_slice %arg17[%dma_wait3A_323, %dma_wait3A_324] : memref<10240x32xf32, #tpu.memory_space<vmem_shared>> -> memref<10240x32xf32, #tpu.memory_space<vmem_shared>>
        tpu.wait_indirect_dma semaphore(%arg25 : memref<!tpu.dma_semaphore, #tpu.memory_space<semaphore_mem>>) src(%arg14 : memref<128x32xf32, #tpu.memory_space<vmem>>) dst(%dma_wait3A_325 : memref<10240x32xf32, #tpu.memory_space<vmem_shared>>)
      } else {
      }
      %add3A_261 = arith.constant 2 : i32
      %add3A_262 = arith.addi %add3A_243, %add3A_261 : i32
      %lt3A_263 = arith.constant 80 : i32
      %lt3A_264 = arith.cmpi slt, %add3A_262, %lt3A_263 : i32
      %convert_element_type3A_265 = arith.extui %lt3A_264 : i1 to i32
      %cond3A_266 = arith.constant 0 : i32
      %cond3A_267 = arith.cmpi ne, %convert_element_type3A_265, %cond3A_266 : i32
      scf.if %cond3A_267 {
        %add3A_320 = arith.constant 2 : i32
        %add3A_321 = arith.addi %add3A_243, %add3A_320 : i32
        %dma_start3A_322 = arith.constant 0 : i32
        %dma_start3A_323 = tpu.memref_slice %arg9[%add3A_321, %dma_start3A_322] : memref<80x128xi32, #tpu.memory_space<vmem>> -> memref<1x128xi32, #tpu.memory_space<vmem>>
        %dma_start3A_324 = tpu.memref_squeeze %dma_start3A_323 : memref<1x128xi32, #tpu.memory_space<vmem>> -> memref<128xi32, #tpu.memory_space<vmem>>
        %dma_start3A_325 = arith.constant 0 : i32
        %dma_start3A_326 = arith.constant 0 : i32
        %dma_start3A_327 = tpu.memref_slice %arg16[%dma_start3A_325, %dma_start3A_326] : memref<10240x32xf32, #tpu.memory_space<vmem_shared>> -> memref<10240x32xf32, #tpu.memory_space<vmem_shared>>
        tpu.enqueue_indirect_dma source(%dma_start3A_327 : memref<10240x32xf32, #tpu.memory_space<vmem_shared>>) target(%arg14 : memref<128x32xf32, #tpu.memory_space<vmem>>) offsets(%dma_start3A_324 : memref<128xi32, #tpu.memory_space<vmem>>) semaphore(%arg21 : memref<!tpu.dma_semaphore, #tpu.memory_space<semaphore_mem>>)
      } else {
      }
      %add3A_268 = arith.constant 2 : i32
      %add3A_269 = arith.addi %mul3A_219, %add3A_268 : i32
      %dma_wait3A_270 = arith.constant 0 : i32
      %dma_wait3A_271 = tpu.memref_slice %arg9[%add3A_269, %dma_wait3A_270] : memref<80x128xi32, #tpu.memory_space<vmem>> -> memref<1x128xi32, #tpu.memory_space<vmem>>
      %dma_wait3A_272 = tpu.memref_squeeze %dma_wait3A_271 : memref<1x128xi32, #tpu.memory_space<vmem>> -> memref<128xi32, #tpu.memory_space<vmem>>
      %dma_wait3A_273 = arith.constant 0 : i32
      %dma_wait3A_274 = arith.constant 0 : i32
      %dma_wait3A_275 = tpu.memref_slice %arg16[%dma_wait3A_273, %dma_wait3A_274] : memref<10240x32xf32, #tpu.memory_space<vmem_shared>> -> memref<10240x32xf32, #tpu.memory_space<vmem_shared>>
      tpu.wait_indirect_dma semaphore(%arg20 : memref<!tpu.dma_semaphore, #tpu.memory_space<semaphore_mem>>) src(%dma_wait3A_275 : memref<10240x32xf32, #tpu.memory_space<vmem_shared>>) dst(%arg13 : memref<128x32xf32, #tpu.memory_space<vmem>>)
      %dma_start3A_276 = arith.constant 0 : i32
      %dma_start3A_277 = tpu.memref_slice %arg10[%add3A_269, %dma_start3A_276] : memref<80x128xi32, #tpu.memory_space<vmem>> -> memref<1x128xi32, #tpu.memory_space<vmem>>
      %dma_start3A_278 = tpu.memref_squeeze %dma_start3A_277 : memref<1x128xi32, #tpu.memory_space<vmem>> -> memref<128xi32, #tpu.memory_space<vmem>>
      %dma_start3A_279 = arith.constant 0 : i32
      %dma_start3A_280 = arith.constant 0 : i32
      %dma_start3A_281 = tpu.memref_slice %arg17[%dma_start3A_279, %dma_start3A_280] : memref<10240x32xf32, #tpu.memory_space<vmem_shared>> -> memref<10240x32xf32, #tpu.memory_space<vmem_shared>>
      tpu.enqueue_indirect_dma source(%arg13 : memref<128x32xf32, #tpu.memory_space<vmem>>) target(%dma_start3A_281 : memref<10240x32xf32, #tpu.memory_space<vmem_shared>>) offsets(%dma_start3A_278 : memref<128xi32, #tpu.memory_space<vmem>>) semaphore(%arg24 : memref<!tpu.dma_semaphore, #tpu.memory_space<semaphore_mem>>) {add = true}
      %ge3A_282 = arith.constant 2 : i32
      %ge3A_283 = arith.cmpi sge, %add3A_269, %ge3A_282 : i32
      %convert_element_type3A_284 = arith.extui %ge3A_283 : i1 to i32
      %cond3A_285 = arith.constant 0 : i32
      %cond3A_286 = arith.cmpi ne, %convert_element_type3A_284, %cond3A_285 : i32
      scf.if %cond3A_286 {
        %dma_wait3A_320 = arith.constant 0 : i32
        %dma_wait3A_321 = tpu.memref_slice %arg10[%add3A_269, %dma_wait3A_320] : memref<80x128xi32, #tpu.memory_space<vmem>> -> memref<1x128xi32, #tpu.memory_space<vmem>>
        %dma_wait3A_322 = tpu.memref_squeeze %dma_wait3A_321 : memref<1x128xi32, #tpu.memory_space<vmem>> -> memref<128xi32, #tpu.memory_space<vmem>>
        %dma_wait3A_323 = arith.constant 0 : i32
        %dma_wait3A_324 = arith.constant 0 : i32
        %dma_wait3A_325 = tpu.memref_slice %arg17[%dma_wait3A_323, %dma_wait3A_324] : memref<10240x32xf32, #tpu.memory_space<vmem_shared>> -> memref<10240x32xf32, #tpu.memory_space<vmem_shared>>
        tpu.wait_indirect_dma semaphore(%arg22 : memref<!tpu.dma_semaphore, #tpu.memory_space<semaphore_mem>>) src(%arg11 : memref<128x32xf32, #tpu.memory_space<vmem>>) dst(%dma_wait3A_325 : memref<10240x32xf32, #tpu.memory_space<vmem_shared>>)
      } else {
      }
      %add3A_287 = arith.constant 2 : i32
      %add3A_288 = arith.addi %add3A_269, %add3A_287 : i32
      %lt3A_289 = arith.constant 80 : i32
      %lt3A_290 = arith.cmpi slt, %add3A_288, %lt3A_289 : i32
      %convert_element_type3A_291 = arith.extui %lt3A_290 : i1 to i32
      %cond3A_292 = arith.constant 0 : i32
      %cond3A_293 = arith.cmpi ne, %convert_element_type3A_291, %cond3A_292 : i32
      scf.if %cond3A_293 {
        %add3A_320 = arith.constant 2 : i32
        %add3A_321 = arith.addi %add3A_269, %add3A_320 : i32
        %dma_start3A_322 = arith.constant 0 : i32
        %dma_start3A_323 = tpu.memref_slice %arg9[%add3A_321, %dma_start3A_322] : memref<80x128xi32, #tpu.memory_space<vmem>> -> memref<1x128xi32, #tpu.memory_space<vmem>>
        %dma_start3A_324 = tpu.memref_squeeze %dma_start3A_323 : memref<1x128xi32, #tpu.memory_space<vmem>> -> memref<128xi32, #tpu.memory_space<vmem>>
        %dma_start3A_325 = arith.constant 0 : i32
        %dma_start3A_326 = arith.constant 0 : i32
        %dma_start3A_327 = tpu.memref_slice %arg16[%dma_start3A_325, %dma_start3A_326] : memref<10240x32xf32, #tpu.memory_space<vmem_shared>> -> memref<10240x32xf32, #tpu.memory_space<vmem_shared>>
        tpu.enqueue_indirect_dma source(%dma_start3A_327 : memref<10240x32xf32, #tpu.memory_space<vmem_shared>>) target(%arg11 : memref<128x32xf32, #tpu.memory_space<vmem>>) offsets(%dma_start3A_324 : memref<128xi32, #tpu.memory_space<vmem>>) semaphore(%arg18 : memref<!tpu.dma_semaphore, #tpu.memory_space<semaphore_mem>>)
      } else {
      }
      %add3A_294 = arith.constant 3 : i32
      %add3A_295 = arith.addi %mul3A_219, %add3A_294 : i32
      %dma_wait3A_296 = arith.constant 0 : i32
      %dma_wait3A_297 = tpu.memref_slice %arg9[%add3A_295, %dma_wait3A_296] : memref<80x128xi32, #tpu.memory_space<vmem>> -> memref<1x128xi32, #tpu.memory_space<vmem>>
      %dma_wait3A_298 = tpu.memref_squeeze %dma_wait3A_297 : memref<1x128xi32, #tpu.memory_space<vmem>> -> memref<128xi32, #tpu.memory_space<vmem>>
      %dma_wait3A_299 = arith.constant 0 : i32
      %dma_wait3A_300 = arith.constant 0 : i32
      %dma_wait3A_301 = tpu.memref_slice %arg16[%dma_wait3A_299, %dma_wait3A_300] : memref<10240x32xf32, #tpu.memory_space<vmem_shared>> -> memref<10240x32xf32, #tpu.memory_space<vmem_shared>>
      tpu.wait_indirect_dma semaphore(%arg21 : memref<!tpu.dma_semaphore, #tpu.memory_space<semaphore_mem>>) src(%dma_wait3A_301 : memref<10240x32xf32, #tpu.memory_space<vmem_shared>>) dst(%arg14 : memref<128x32xf32, #tpu.memory_space<vmem>>)
      %dma_start3A_302 = arith.constant 0 : i32
      %dma_start3A_303 = tpu.memref_slice %arg10[%add3A_295, %dma_start3A_302] : memref<80x128xi32, #tpu.memory_space<vmem>> -> memref<1x128xi32, #tpu.memory_space<vmem>>
      %dma_start3A_304 = tpu.memref_squeeze %dma_start3A_303 : memref<1x128xi32, #tpu.memory_space<vmem>> -> memref<128xi32, #tpu.memory_space<vmem>>
      %dma_start3A_305 = arith.constant 0 : i32
      %dma_start3A_306 = arith.constant 0 : i32
      %dma_start3A_307 = tpu.memref_slice %arg17[%dma_start3A_305, %dma_start3A_306] : memref<10240x32xf32, #tpu.memory_space<vmem_shared>> -> memref<10240x32xf32, #tpu.memory_space<vmem_shared>>
      tpu.enqueue_indirect_dma source(%arg14 : memref<128x32xf32, #tpu.memory_space<vmem>>) target(%dma_start3A_307 : memref<10240x32xf32, #tpu.memory_space<vmem_shared>>) offsets(%dma_start3A_304 : memref<128xi32, #tpu.memory_space<vmem>>) semaphore(%arg25 : memref<!tpu.dma_semaphore, #tpu.memory_space<semaphore_mem>>) {add = true}
      %ge3A_308 = arith.constant 2 : i32
      %ge3A_309 = arith.cmpi sge, %add3A_295, %ge3A_308 : i32
      %convert_element_type3A_310 = arith.extui %ge3A_309 : i1 to i32
      %cond3A_311 = arith.constant 0 : i32
      %cond3A_312 = arith.cmpi ne, %convert_element_type3A_310, %cond3A_311 : i32
      scf.if %cond3A_312 {
        %dma_wait3A_320 = arith.constant 0 : i32
        %dma_wait3A_321 = tpu.memref_slice %arg10[%add3A_295, %dma_wait3A_320] : memref<80x128xi32, #tpu.memory_space<vmem>> -> memref<1x128xi32, #tpu.memory_space<vmem>>
        %dma_wait3A_322 = tpu.memref_squeeze %dma_wait3A_321 : memref<1x128xi32, #tpu.memory_space<vmem>> -> memref<128xi32, #tpu.memory_space<vmem>>
        %dma_wait3A_323 = arith.constant 0 : i32
        %dma_wait3A_324 = arith.constant 0 : i32
        %dma_wait3A_325 = tpu.memref_slice %arg17[%dma_wait3A_323, %dma_wait3A_324] : memref<10240x32xf32, #tpu.memory_space<vmem_shared>> -> memref<10240x32xf32, #tpu.memory_space<vmem_shared>>
        tpu.wait_indirect_dma semaphore(%arg23 : memref<!tpu.dma_semaphore, #tpu.memory_space<semaphore_mem>>) src(%arg12 : memref<128x32xf32, #tpu.memory_space<vmem>>) dst(%dma_wait3A_325 : memref<10240x32xf32, #tpu.memory_space<vmem_shared>>)
      } else {
      }
      %add3A_313 = arith.constant 2 : i32
      %add3A_314 = arith.addi %add3A_295, %add3A_313 : i32
      %lt3A_315 = arith.constant 80 : i32
      %lt3A_316 = arith.cmpi slt, %add3A_314, %lt3A_315 : i32
      %convert_element_type3A_317 = arith.extui %lt3A_316 : i1 to i32
      %cond3A_318 = arith.constant 0 : i32
      %cond3A_319 = arith.cmpi ne, %convert_element_type3A_317, %cond3A_318 : i32
      scf.if %cond3A_319 {
        %add3A_320 = arith.constant 2 : i32
        %add3A_321 = arith.addi %add3A_295, %add3A_320 : i32
        %dma_start3A_322 = arith.constant 0 : i32
        %dma_start3A_323 = tpu.memref_slice %arg9[%add3A_321, %dma_start3A_322] : memref<80x128xi32, #tpu.memory_space<vmem>> -> memref<1x128xi32, #tpu.memory_space<vmem>>
        %dma_start3A_324 = tpu.memref_squeeze %dma_start3A_323 : memref<1x128xi32, #tpu.memory_space<vmem>> -> memref<128xi32, #tpu.memory_space<vmem>>
        %dma_start3A_325 = arith.constant 0 : i32
        %dma_start3A_326 = arith.constant 0 : i32
        %dma_start3A_327 = tpu.memref_slice %arg16[%dma_start3A_325, %dma_start3A_326] : memref<10240x32xf32, #tpu.memory_space<vmem_shared>> -> memref<10240x32xf32, #tpu.memory_space<vmem_shared>>
        tpu.enqueue_indirect_dma source(%dma_start3A_327 : memref<10240x32xf32, #tpu.memory_space<vmem_shared>>) target(%arg12 : memref<128x32xf32, #tpu.memory_space<vmem>>) offsets(%dma_start3A_324 : memref<128xi32, #tpu.memory_space<vmem>>) semaphore(%arg19 : memref<!tpu.dma_semaphore, #tpu.memory_space<semaphore_mem>>)
      } else {
      }
    }
    %scan3A_147 = arith.constant 20 : i32
    %dma_wait3A_148 = arith.constant 78 : i32
    %dma_wait3A_149 = arith.constant 0 : i32
    %dma_wait3A_150 = tpu.memref_slice %arg10[%dma_wait3A_148, %dma_wait3A_149] : memref<80x128xi32, #tpu.memory_space<vmem>> -> memref<1x128xi32, #tpu.memory_space<vmem>>
    %dma_wait3A_151 = tpu.memref_squeeze %dma_wait3A_150 : memref<1x128xi32, #tpu.memory_space<vmem>> -> memref<128xi32, #tpu.memory_space<vmem>>
    %dma_wait3A_152 = arith.constant 0 : i32
    %dma_wait3A_153 = arith.constant 0 : i32
    %dma_wait3A_154 = tpu.memref_slice %arg17[%dma_wait3A_152, %dma_wait3A_153] : memref<10240x32xf32, #tpu.memory_space<vmem_shared>> -> memref<10240x32xf32, #tpu.memory_space<vmem_shared>>
    tpu.wait_indirect_dma semaphore(%arg24 : memref<!tpu.dma_semaphore, #tpu.memory_space<semaphore_mem>>) src(%arg13 : memref<128x32xf32, #tpu.memory_space<vmem>>) dst(%dma_wait3A_154 : memref<10240x32xf32, #tpu.memory_space<vmem_shared>>)
    %dma_wait3A_155 = arith.constant 79 : i32
    %dma_wait3A_156 = arith.constant 0 : i32
    %dma_wait3A_157 = tpu.memref_slice %arg10[%dma_wait3A_155, %dma_wait3A_156] : memref<80x128xi32, #tpu.memory_space<vmem>> -> memref<1x128xi32, #tpu.memory_space<vmem>>
    %dma_wait3A_158 = tpu.memref_squeeze %dma_wait3A_157 : memref<1x128xi32, #tpu.memory_space<vmem>> -> memref<128xi32, #tpu.memory_space<vmem>>
    %dma_wait3A_159 = arith.constant 0 : i32
    %dma_wait3A_160 = arith.constant 0 : i32
    %dma_wait3A_161 = tpu.memref_slice %arg17[%dma_wait3A_159, %dma_wait3A_160] : memref<10240x32xf32, #tpu.memory_space<vmem_shared>> -> memref<10240x32xf32, #tpu.memory_space<vmem_shared>>
    tpu.wait_indirect_dma semaphore(%arg25 : memref<!tpu.dma_semaphore, #tpu.memory_space<semaphore_mem>>) src(%arg14 : memref<128x32xf32, #tpu.memory_space<vmem>>) dst(%dma_wait3A_161 : memref<10240x32xf32, #tpu.memory_space<vmem_shared>>)
    %barrier3A_162 = arith.constant 0 : index
    tpu.barrier barrier_id(%barrier3A_162)
    %run_scoped3A_163 = arith.constant 2 : i32
    "tpu.region"() ({
      %run_scoped3A_217 = tpu.sem_alloc : memref<!tpu.dma_semaphore, #tpu.memory_space<semaphore_mem>>
      %dma_start3A_218 = arith.constant 0 : i32
      %dma_start3A_219 = tpu.memref_slice %arg8[%arg0, %run_scoped3A_163, %mul3A_8, %dma_start3A_218] : memref<2x4x10240x32xf32, #tpu.memory_space<hbm>> -> memref<1x1x640x32xf32, #tpu.memory_space<hbm>>
      %dma_start3A_220 = tpu.memref_squeeze %dma_start3A_219 : memref<1x1x640x32xf32, #tpu.memory_space<hbm>> -> memref<640x32xf32, #tpu.memory_space<hbm>>
      %dma_start3A_221 = arith.constant 0 : i32
      %dma_start3A_222 = tpu.memref_slice %arg17[%mul3A_8, %dma_start3A_221] : memref<10240x32xf32, #tpu.memory_space<vmem_shared>> -> memref<640x32xf32, #tpu.memory_space<vmem_shared>>
      tpu.enqueue_dma source(%dma_start3A_222 : memref<640x32xf32, #tpu.memory_space<vmem_shared>>) target(%dma_start3A_220 : memref<640x32xf32, #tpu.memory_space<hbm>>) target_semaphore(%run_scoped3A_217 : memref<!tpu.dma_semaphore, #tpu.memory_space<semaphore_mem>>)
      %dma_wait3A_223 = arith.constant 0 : i32
      %dma_wait3A_224 = tpu.memref_slice %arg8[%arg0, %run_scoped3A_163, %mul3A_8, %dma_wait3A_223] : memref<2x4x10240x32xf32, #tpu.memory_space<hbm>> -> memref<1x1x640x32xf32, #tpu.memory_space<hbm>>
      %dma_wait3A_225 = tpu.memref_squeeze %dma_wait3A_224 : memref<1x1x640x32xf32, #tpu.memory_space<hbm>> -> memref<640x32xf32, #tpu.memory_space<hbm>>
      %dma_wait3A_226 = arith.constant 0 : i32
      %dma_wait3A_227 = tpu.memref_slice %arg17[%mul3A_8, %dma_wait3A_226] : memref<10240x32xf32, #tpu.memory_space<vmem_shared>> -> memref<640x32xf32, #tpu.memory_space<vmem_shared>>
      tpu.wait_dma2 semaphore(%run_scoped3A_217 : memref<!tpu.dma_semaphore, #tpu.memory_space<semaphore_mem>>) src(%dma_wait3A_227 : memref<640x32xf32, #tpu.memory_space<vmem_shared>>) dst(%dma_wait3A_225 : memref<640x32xf32, #tpu.memory_space<hbm>>)
      tpu.yield
    }) : () -> ()
    %dma_start3A_164 = arith.constant 0 : i32
    %dma_start3A_165 = tpu.memref_slice %arg16[%mul3A_8, %dma_start3A_164] : memref<10240x32xf32, #tpu.memory_space<vmem_shared>> -> memref<640x32xf32, #tpu.memory_space<vmem_shared>>
    %dma_start3A_166 = arith.constant 0 : i32
    %dma_start3A_167 = tpu.memref_slice %arg5[%mul3A_8, %dma_start3A_166] : memref<10240x32xf32, #tpu.memory_space<hbm>> -> memref<640x32xf32, #tpu.memory_space<hbm>>
    tpu.enqueue_dma source(%dma_start3A_167 : memref<640x32xf32, #tpu.memory_space<hbm>>) target(%dma_start3A_165 : memref<640x32xf32, #tpu.memory_space<vmem_shared>>) target_semaphore(%arg18 : memref<!tpu.dma_semaphore, #tpu.memory_space<semaphore_mem>>)
    %dma_start3A_168 = arith.constant 0 : i32
    %dma_start3A_169 = tpu.memref_slice %arg17[%mul3A_8, %dma_start3A_168] : memref<10240x32xf32, #tpu.memory_space<vmem_shared>> -> memref<640x32xf32, #tpu.memory_space<vmem_shared>>
    %dma_start3A_170 = arith.constant 0 : i32
    %dma_start3A_171 = tpu.memref_slice %arg17[%mul3A_8, %dma_start3A_170] : memref<10240x32xf32, #tpu.memory_space<vmem_shared>> -> memref<640x32xf32, #tpu.memory_space<vmem_shared>>
    tpu.enqueue_dma source(%arg15 : memref<640x32xf32, #tpu.memory_space<vmem>>) target(%dma_start3A_171 : memref<640x32xf32, #tpu.memory_space<vmem_shared>>) target_semaphore(%arg19 : memref<!tpu.dma_semaphore, #tpu.memory_space<semaphore_mem>>)
    %dma_wait3A_172 = arith.constant 0 : i32
    %dma_wait3A_173 = tpu.memref_slice %arg16[%mul3A_8, %dma_wait3A_172] : memref<10240x32xf32, #tpu.memory_space<vmem_shared>> -> memref<640x32xf32, #tpu.memory_space<vmem_shared>>
    %dma_wait3A_174 = arith.constant 0 : i32
    %dma_wait3A_175 = tpu.memref_slice %arg5[%mul3A_8, %dma_wait3A_174] : memref<10240x32xf32, #tpu.memory_space<hbm>> -> memref<640x32xf32, #tpu.memory_space<hbm>>
    tpu.wait_dma2 semaphore(%arg18 : memref<!tpu.dma_semaphore, #tpu.memory_space<semaphore_mem>>) src(%dma_wait3A_175 : memref<640x32xf32, #tpu.memory_space<hbm>>) dst(%dma_wait3A_173 : memref<640x32xf32, #tpu.memory_space<vmem_shared>>)
    %dma_wait3A_176 = arith.constant 0 : i32
    %dma_wait3A_177 = tpu.memref_slice %arg17[%mul3A_8, %dma_wait3A_176] : memref<10240x32xf32, #tpu.memory_space<vmem_shared>> -> memref<640x32xf32, #tpu.memory_space<vmem_shared>>
    %dma_wait3A_178 = arith.constant 0 : i32
    %dma_wait3A_179 = tpu.memref_slice %arg17[%mul3A_8, %dma_wait3A_178] : memref<10240x32xf32, #tpu.memory_space<vmem_shared>> -> memref<640x32xf32, #tpu.memory_space<vmem_shared>>
    tpu.wait_dma2 semaphore(%arg19 : memref<!tpu.dma_semaphore, #tpu.memory_space<semaphore_mem>>) src(%arg15 : memref<640x32xf32, #tpu.memory_space<vmem>>) dst(%dma_wait3A_179 : memref<640x32xf32, #tpu.memory_space<vmem_shared>>)
    %barrier3A_180 = arith.constant 0 : index
    tpu.barrier barrier_id(%barrier3A_180)
    %dma_start3A_181 = arith.constant 0 : i32
    %dma_start3A_182 = arith.constant 0 : i32
    %dma_start3A_183 = tpu.memref_slice %arg9[%dma_start3A_181, %dma_start3A_182] : memref<80x128xi32, #tpu.memory_space<vmem>> -> memref<1x128xi32, #tpu.memory_space<vmem>>
    %dma_start3A_184 = tpu.memref_squeeze %dma_start3A_183 : memref<1x128xi32, #tpu.memory_space<vmem>> -> memref<128xi32, #tpu.memory_space<vmem>>
    %dma_start3A_185 = arith.constant 0 : i32
    %dma_start3A_186 = arith.constant 0 : i32
    %dma_start3A_187 = tpu.memref_slice %arg16[%dma_start3A_185, %dma_start3A_186] : memref<10240x32xf32, #tpu.memory_space<vmem_shared>> -> memref<10240x32xf32, #tpu.memory_space<vmem_shared>>
    tpu.enqueue_indirect_dma source(%dma_start3A_187 : memref<10240x32xf32, #tpu.memory_space<vmem_shared>>) target(%arg11 : memref<128x32xf32, #tpu.memory_space<vmem>>) offsets(%dma_start3A_184 : memref<128xi32, #tpu.memory_space<vmem>>) semaphore(%arg18 : memref<!tpu.dma_semaphore, #tpu.memory_space<semaphore_mem>>)
    %dma_start3A_188 = arith.constant 1 : i32
    %dma_start3A_189 = arith.constant 0 : i32
    %dma_start3A_190 = tpu.memref_slice %arg9[%dma_start3A_188, %dma_start3A_189] : memref<80x128xi32, #tpu.memory_space<vmem>> -> memref<1x128xi32, #tpu.memory_space<vmem>>
    %dma_start3A_191 = tpu.memref_squeeze %dma_start3A_190 : memref<1x128xi32, #tpu.memory_space<vmem>> -> memref<128xi32, #tpu.memory_space<vmem>>
    %dma_start3A_192 = arith.constant 0 : i32
    %dma_start3A_193 = arith.constant 0 : i32
    %dma_start3A_194 = tpu.memref_slice %arg16[%dma_start3A_192, %dma_start3A_193] : memref<10240x32xf32, #tpu.memory_space<vmem_shared>> -> memref<10240x32xf32, #tpu.memory_space<vmem_shared>>
    tpu.enqueue_indirect_dma source(%dma_start3A_194 : memref<10240x32xf32, #tpu.memory_space<vmem_shared>>) target(%arg12 : memref<128x32xf32, #tpu.memory_space<vmem>>) offsets(%dma_start3A_191 : memref<128xi32, #tpu.memory_space<vmem>>) semaphore(%arg19 : memref<!tpu.dma_semaphore, #tpu.memory_space<semaphore_mem>>)
    %scan3A_195 = arith.constant 0 : i32
    %scan3A_196 = arith.constant 0 : i32
    %scan3A_197 = arith.constant 20 : i32
    %scan3A_198 = arith.addi %scan3A_196, %scan3A_197 : i32
    %scan3A_199 = arith.constant 1 : i32
    scf.for %scan3A_217 = %scan3A_196 to %scan3A_198 step %scan3A_199  : i32 {
      %mul3A_218 = arith.constant 4 : i32
      %mul3A_219 = arith.muli %mul3A_218, %scan3A_217 : i32
      %add3A_220 = arith.constant 0 : i32
      %add3A_221 = arith.addi %mul3A_219, %add3A_220 : i32
      %dma_wait3A_222 = arith.constant 0 : i32
      %dma_wait3A_223 = tpu.memref_slice %arg9[%add3A_221, %dma_wait3A_222] : memref<80x128xi32, #tpu.memory_space<vmem>> -> memref<1x128xi32, #tpu.memory_space<vmem>>
      %dma_wait3A_224 = tpu.memref_squeeze %dma_wait3A_223 : memref<1x128xi32, #tpu.memory_space<vmem>> -> memref<128xi32, #tpu.memory_space<vmem>>
      %dma_wait3A_225 = arith.constant 0 : i32
      %dma_wait3A_226 = arith.constant 0 : i32
      %dma_wait3A_227 = tpu.memref_slice %arg16[%dma_wait3A_225, %dma_wait3A_226] : memref<10240x32xf32, #tpu.memory_space<vmem_shared>> -> memref<10240x32xf32, #tpu.memory_space<vmem_shared>>
      tpu.wait_indirect_dma semaphore(%arg18 : memref<!tpu.dma_semaphore, #tpu.memory_space<semaphore_mem>>) src(%dma_wait3A_227 : memref<10240x32xf32, #tpu.memory_space<vmem_shared>>) dst(%arg11 : memref<128x32xf32, #tpu.memory_space<vmem>>)
      %dma_start3A_228 = arith.constant 0 : i32
      %dma_start3A_229 = tpu.memref_slice %arg10[%add3A_221, %dma_start3A_228] : memref<80x128xi32, #tpu.memory_space<vmem>> -> memref<1x128xi32, #tpu.memory_space<vmem>>
      %dma_start3A_230 = tpu.memref_squeeze %dma_start3A_229 : memref<1x128xi32, #tpu.memory_space<vmem>> -> memref<128xi32, #tpu.memory_space<vmem>>
      %dma_start3A_231 = arith.constant 0 : i32
      %dma_start3A_232 = arith.constant 0 : i32
      %dma_start3A_233 = tpu.memref_slice %arg17[%dma_start3A_231, %dma_start3A_232] : memref<10240x32xf32, #tpu.memory_space<vmem_shared>> -> memref<10240x32xf32, #tpu.memory_space<vmem_shared>>
      tpu.enqueue_indirect_dma source(%arg11 : memref<128x32xf32, #tpu.memory_space<vmem>>) target(%dma_start3A_233 : memref<10240x32xf32, #tpu.memory_space<vmem_shared>>) offsets(%dma_start3A_230 : memref<128xi32, #tpu.memory_space<vmem>>) semaphore(%arg22 : memref<!tpu.dma_semaphore, #tpu.memory_space<semaphore_mem>>) {add = true}
      %ge3A = arith.constant 2 : i32
      %ge3A_234 = arith.cmpi sge, %add3A_221, %ge3A : i32
      %convert_element_type3A = arith.extui %ge3A_234 : i1 to i32
      %cond3A = arith.constant 0 : i32
      %cond3A_235 = arith.cmpi ne, %convert_element_type3A, %cond3A : i32
      scf.if %cond3A_235 {
        %dma_wait3A_320 = arith.constant 0 : i32
        %dma_wait3A_321 = tpu.memref_slice %arg10[%add3A_221, %dma_wait3A_320] : memref<80x128xi32, #tpu.memory_space<vmem>> -> memref<1x128xi32, #tpu.memory_space<vmem>>
        %dma_wait3A_322 = tpu.memref_squeeze %dma_wait3A_321 : memref<1x128xi32, #tpu.memory_space<vmem>> -> memref<128xi32, #tpu.memory_space<vmem>>
        %dma_wait3A_323 = arith.constant 0 : i32
        %dma_wait3A_324 = arith.constant 0 : i32
        %dma_wait3A_325 = tpu.memref_slice %arg17[%dma_wait3A_323, %dma_wait3A_324] : memref<10240x32xf32, #tpu.memory_space<vmem_shared>> -> memref<10240x32xf32, #tpu.memory_space<vmem_shared>>
        tpu.wait_indirect_dma semaphore(%arg24 : memref<!tpu.dma_semaphore, #tpu.memory_space<semaphore_mem>>) src(%arg13 : memref<128x32xf32, #tpu.memory_space<vmem>>) dst(%dma_wait3A_325 : memref<10240x32xf32, #tpu.memory_space<vmem_shared>>)
      } else {
      }
      %add3A_236 = arith.constant 2 : i32
      %add3A_237 = arith.addi %add3A_221, %add3A_236 : i32
      %lt3A = arith.constant 80 : i32
      %lt3A_238 = arith.cmpi slt, %add3A_237, %lt3A : i32
      %convert_element_type3A_239 = arith.extui %lt3A_238 : i1 to i32
      %cond3A_240 = arith.constant 0 : i32
      %cond3A_241 = arith.cmpi ne, %convert_element_type3A_239, %cond3A_240 : i32
      scf.if %cond3A_241 {
        %add3A_320 = arith.constant 2 : i32
        %add3A_321 = arith.addi %add3A_221, %add3A_320 : i32
        %dma_start3A_322 = arith.constant 0 : i32
        %dma_start3A_323 = tpu.memref_slice %arg9[%add3A_321, %dma_start3A_322] : memref<80x128xi32, #tpu.memory_space<vmem>> -> memref<1x128xi32, #tpu.memory_space<vmem>>
        %dma_start3A_324 = tpu.memref_squeeze %dma_start3A_323 : memref<1x128xi32, #tpu.memory_space<vmem>> -> memref<128xi32, #tpu.memory_space<vmem>>
        %dma_start3A_325 = arith.constant 0 : i32
        %dma_start3A_326 = arith.constant 0 : i32
        %dma_start3A_327 = tpu.memref_slice %arg16[%dma_start3A_325, %dma_start3A_326] : memref<10240x32xf32, #tpu.memory_space<vmem_shared>> -> memref<10240x32xf32, #tpu.memory_space<vmem_shared>>
        tpu.enqueue_indirect_dma source(%dma_start3A_327 : memref<10240x32xf32, #tpu.memory_space<vmem_shared>>) target(%arg13 : memref<128x32xf32, #tpu.memory_space<vmem>>) offsets(%dma_start3A_324 : memref<128xi32, #tpu.memory_space<vmem>>) semaphore(%arg20 : memref<!tpu.dma_semaphore, #tpu.memory_space<semaphore_mem>>)
      } else {
      }
      %add3A_242 = arith.constant 1 : i32
      %add3A_243 = arith.addi %mul3A_219, %add3A_242 : i32
      %dma_wait3A_244 = arith.constant 0 : i32
      %dma_wait3A_245 = tpu.memref_slice %arg9[%add3A_243, %dma_wait3A_244] : memref<80x128xi32, #tpu.memory_space<vmem>> -> memref<1x128xi32, #tpu.memory_space<vmem>>
      %dma_wait3A_246 = tpu.memref_squeeze %dma_wait3A_245 : memref<1x128xi32, #tpu.memory_space<vmem>> -> memref<128xi32, #tpu.memory_space<vmem>>
      %dma_wait3A_247 = arith.constant 0 : i32
      %dma_wait3A_248 = arith.constant 0 : i32
      %dma_wait3A_249 = tpu.memref_slice %arg16[%dma_wait3A_247, %dma_wait3A_248] : memref<10240x32xf32, #tpu.memory_space<vmem_shared>> -> memref<10240x32xf32, #tpu.memory_space<vmem_shared>>
      tpu.wait_indirect_dma semaphore(%arg19 : memref<!tpu.dma_semaphore, #tpu.memory_space<semaphore_mem>>) src(%dma_wait3A_249 : memref<10240x32xf32, #tpu.memory_space<vmem_shared>>) dst(%arg12 : memref<128x32xf32, #tpu.memory_space<vmem>>)
      %dma_start3A_250 = arith.constant 0 : i32
      %dma_start3A_251 = tpu.memref_slice %arg10[%add3A_243, %dma_start3A_250] : memref<80x128xi32, #tpu.memory_space<vmem>> -> memref<1x128xi32, #tpu.memory_space<vmem>>
      %dma_start3A_252 = tpu.memref_squeeze %dma_start3A_251 : memref<1x128xi32, #tpu.memory_space<vmem>> -> memref<128xi32, #tpu.memory_space<vmem>>
      %dma_start3A_253 = arith.constant 0 : i32
      %dma_start3A_254 = arith.constant 0 : i32
      %dma_start3A_255 = tpu.memref_slice %arg17[%dma_start3A_253, %dma_start3A_254] : memref<10240x32xf32, #tpu.memory_space<vmem_shared>> -> memref<10240x32xf32, #tpu.memory_space<vmem_shared>>
      tpu.enqueue_indirect_dma source(%arg12 : memref<128x32xf32, #tpu.memory_space<vmem>>) target(%dma_start3A_255 : memref<10240x32xf32, #tpu.memory_space<vmem_shared>>) offsets(%dma_start3A_252 : memref<128xi32, #tpu.memory_space<vmem>>) semaphore(%arg23 : memref<!tpu.dma_semaphore, #tpu.memory_space<semaphore_mem>>) {add = true}
      %ge3A_256 = arith.constant 2 : i32
      %ge3A_257 = arith.cmpi sge, %add3A_243, %ge3A_256 : i32
      %convert_element_type3A_258 = arith.extui %ge3A_257 : i1 to i32
      %cond3A_259 = arith.constant 0 : i32
      %cond3A_260 = arith.cmpi ne, %convert_element_type3A_258, %cond3A_259 : i32
      scf.if %cond3A_260 {
        %dma_wait3A_320 = arith.constant 0 : i32
        %dma_wait3A_321 = tpu.memref_slice %arg10[%add3A_243, %dma_wait3A_320] : memref<80x128xi32, #tpu.memory_space<vmem>> -> memref<1x128xi32, #tpu.memory_space<vmem>>
        %dma_wait3A_322 = tpu.memref_squeeze %dma_wait3A_321 : memref<1x128xi32, #tpu.memory_space<vmem>> -> memref<128xi32, #tpu.memory_space<vmem>>
        %dma_wait3A_323 = arith.constant 0 : i32
        %dma_wait3A_324 = arith.constant 0 : i32
        %dma_wait3A_325 = tpu.memref_slice %arg17[%dma_wait3A_323, %dma_wait3A_324] : memref<10240x32xf32, #tpu.memory_space<vmem_shared>> -> memref<10240x32xf32, #tpu.memory_space<vmem_shared>>
        tpu.wait_indirect_dma semaphore(%arg25 : memref<!tpu.dma_semaphore, #tpu.memory_space<semaphore_mem>>) src(%arg14 : memref<128x32xf32, #tpu.memory_space<vmem>>) dst(%dma_wait3A_325 : memref<10240x32xf32, #tpu.memory_space<vmem_shared>>)
      } else {
      }
      %add3A_261 = arith.constant 2 : i32
      %add3A_262 = arith.addi %add3A_243, %add3A_261 : i32
      %lt3A_263 = arith.constant 80 : i32
      %lt3A_264 = arith.cmpi slt, %add3A_262, %lt3A_263 : i32
      %convert_element_type3A_265 = arith.extui %lt3A_264 : i1 to i32
      %cond3A_266 = arith.constant 0 : i32
      %cond3A_267 = arith.cmpi ne, %convert_element_type3A_265, %cond3A_266 : i32
      scf.if %cond3A_267 {
        %add3A_320 = arith.constant 2 : i32
        %add3A_321 = arith.addi %add3A_243, %add3A_320 : i32
        %dma_start3A_322 = arith.constant 0 : i32
        %dma_start3A_323 = tpu.memref_slice %arg9[%add3A_321, %dma_start3A_322] : memref<80x128xi32, #tpu.memory_space<vmem>> -> memref<1x128xi32, #tpu.memory_space<vmem>>
        %dma_start3A_324 = tpu.memref_squeeze %dma_start3A_323 : memref<1x128xi32, #tpu.memory_space<vmem>> -> memref<128xi32, #tpu.memory_space<vmem>>
        %dma_start3A_325 = arith.constant 0 : i32
        %dma_start3A_326 = arith.constant 0 : i32
        %dma_start3A_327 = tpu.memref_slice %arg16[%dma_start3A_325, %dma_start3A_326] : memref<10240x32xf32, #tpu.memory_space<vmem_shared>> -> memref<10240x32xf32, #tpu.memory_space<vmem_shared>>
        tpu.enqueue_indirect_dma source(%dma_start3A_327 : memref<10240x32xf32, #tpu.memory_space<vmem_shared>>) target(%arg14 : memref<128x32xf32, #tpu.memory_space<vmem>>) offsets(%dma_start3A_324 : memref<128xi32, #tpu.memory_space<vmem>>) semaphore(%arg21 : memref<!tpu.dma_semaphore, #tpu.memory_space<semaphore_mem>>)
      } else {
      }
      %add3A_268 = arith.constant 2 : i32
      %add3A_269 = arith.addi %mul3A_219, %add3A_268 : i32
      %dma_wait3A_270 = arith.constant 0 : i32
      %dma_wait3A_271 = tpu.memref_slice %arg9[%add3A_269, %dma_wait3A_270] : memref<80x128xi32, #tpu.memory_space<vmem>> -> memref<1x128xi32, #tpu.memory_space<vmem>>
      %dma_wait3A_272 = tpu.memref_squeeze %dma_wait3A_271 : memref<1x128xi32, #tpu.memory_space<vmem>> -> memref<128xi32, #tpu.memory_space<vmem>>
      %dma_wait3A_273 = arith.constant 0 : i32
      %dma_wait3A_274 = arith.constant 0 : i32
      %dma_wait3A_275 = tpu.memref_slice %arg16[%dma_wait3A_273, %dma_wait3A_274] : memref<10240x32xf32, #tpu.memory_space<vmem_shared>> -> memref<10240x32xf32, #tpu.memory_space<vmem_shared>>
      tpu.wait_indirect_dma semaphore(%arg20 : memref<!tpu.dma_semaphore, #tpu.memory_space<semaphore_mem>>) src(%dma_wait3A_275 : memref<10240x32xf32, #tpu.memory_space<vmem_shared>>) dst(%arg13 : memref<128x32xf32, #tpu.memory_space<vmem>>)
      %dma_start3A_276 = arith.constant 0 : i32
      %dma_start3A_277 = tpu.memref_slice %arg10[%add3A_269, %dma_start3A_276] : memref<80x128xi32, #tpu.memory_space<vmem>> -> memref<1x128xi32, #tpu.memory_space<vmem>>
      %dma_start3A_278 = tpu.memref_squeeze %dma_start3A_277 : memref<1x128xi32, #tpu.memory_space<vmem>> -> memref<128xi32, #tpu.memory_space<vmem>>
      %dma_start3A_279 = arith.constant 0 : i32
      %dma_start3A_280 = arith.constant 0 : i32
      %dma_start3A_281 = tpu.memref_slice %arg17[%dma_start3A_279, %dma_start3A_280] : memref<10240x32xf32, #tpu.memory_space<vmem_shared>> -> memref<10240x32xf32, #tpu.memory_space<vmem_shared>>
      tpu.enqueue_indirect_dma source(%arg13 : memref<128x32xf32, #tpu.memory_space<vmem>>) target(%dma_start3A_281 : memref<10240x32xf32, #tpu.memory_space<vmem_shared>>) offsets(%dma_start3A_278 : memref<128xi32, #tpu.memory_space<vmem>>) semaphore(%arg24 : memref<!tpu.dma_semaphore, #tpu.memory_space<semaphore_mem>>) {add = true}
      %ge3A_282 = arith.constant 2 : i32
      %ge3A_283 = arith.cmpi sge, %add3A_269, %ge3A_282 : i32
      %convert_element_type3A_284 = arith.extui %ge3A_283 : i1 to i32
      %cond3A_285 = arith.constant 0 : i32
      %cond3A_286 = arith.cmpi ne, %convert_element_type3A_284, %cond3A_285 : i32
      scf.if %cond3A_286 {
        %dma_wait3A_320 = arith.constant 0 : i32
        %dma_wait3A_321 = tpu.memref_slice %arg10[%add3A_269, %dma_wait3A_320] : memref<80x128xi32, #tpu.memory_space<vmem>> -> memref<1x128xi32, #tpu.memory_space<vmem>>
        %dma_wait3A_322 = tpu.memref_squeeze %dma_wait3A_321 : memref<1x128xi32, #tpu.memory_space<vmem>> -> memref<128xi32, #tpu.memory_space<vmem>>
        %dma_wait3A_323 = arith.constant 0 : i32
        %dma_wait3A_324 = arith.constant 0 : i32
        %dma_wait3A_325 = tpu.memref_slice %arg17[%dma_wait3A_323, %dma_wait3A_324] : memref<10240x32xf32, #tpu.memory_space<vmem_shared>> -> memref<10240x32xf32, #tpu.memory_space<vmem_shared>>
        tpu.wait_indirect_dma semaphore(%arg22 : memref<!tpu.dma_semaphore, #tpu.memory_space<semaphore_mem>>) src(%arg11 : memref<128x32xf32, #tpu.memory_space<vmem>>) dst(%dma_wait3A_325 : memref<10240x32xf32, #tpu.memory_space<vmem_shared>>)
      } else {
      }
      %add3A_287 = arith.constant 2 : i32
      %add3A_288 = arith.addi %add3A_269, %add3A_287 : i32
      %lt3A_289 = arith.constant 80 : i32
      %lt3A_290 = arith.cmpi slt, %add3A_288, %lt3A_289 : i32
      %convert_element_type3A_291 = arith.extui %lt3A_290 : i1 to i32
      %cond3A_292 = arith.constant 0 : i32
      %cond3A_293 = arith.cmpi ne, %convert_element_type3A_291, %cond3A_292 : i32
      scf.if %cond3A_293 {
        %add3A_320 = arith.constant 2 : i32
        %add3A_321 = arith.addi %add3A_269, %add3A_320 : i32
        %dma_start3A_322 = arith.constant 0 : i32
        %dma_start3A_323 = tpu.memref_slice %arg9[%add3A_321, %dma_start3A_322] : memref<80x128xi32, #tpu.memory_space<vmem>> -> memref<1x128xi32, #tpu.memory_space<vmem>>
        %dma_start3A_324 = tpu.memref_squeeze %dma_start3A_323 : memref<1x128xi32, #tpu.memory_space<vmem>> -> memref<128xi32, #tpu.memory_space<vmem>>
        %dma_start3A_325 = arith.constant 0 : i32
        %dma_start3A_326 = arith.constant 0 : i32
        %dma_start3A_327 = tpu.memref_slice %arg16[%dma_start3A_325, %dma_start3A_326] : memref<10240x32xf32, #tpu.memory_space<vmem_shared>> -> memref<10240x32xf32, #tpu.memory_space<vmem_shared>>
        tpu.enqueue_indirect_dma source(%dma_start3A_327 : memref<10240x32xf32, #tpu.memory_space<vmem_shared>>) target(%arg11 : memref<128x32xf32, #tpu.memory_space<vmem>>) offsets(%dma_start3A_324 : memref<128xi32, #tpu.memory_space<vmem>>) semaphore(%arg18 : memref<!tpu.dma_semaphore, #tpu.memory_space<semaphore_mem>>)
      } else {
      }
      %add3A_294 = arith.constant 3 : i32
      %add3A_295 = arith.addi %mul3A_219, %add3A_294 : i32
      %dma_wait3A_296 = arith.constant 0 : i32
      %dma_wait3A_297 = tpu.memref_slice %arg9[%add3A_295, %dma_wait3A_296] : memref<80x128xi32, #tpu.memory_space<vmem>> -> memref<1x128xi32, #tpu.memory_space<vmem>>
      %dma_wait3A_298 = tpu.memref_squeeze %dma_wait3A_297 : memref<1x128xi32, #tpu.memory_space<vmem>> -> memref<128xi32, #tpu.memory_space<vmem>>
      %dma_wait3A_299 = arith.constant 0 : i32
      %dma_wait3A_300 = arith.constant 0 : i32
      %dma_wait3A_301 = tpu.memref_slice %arg16[%dma_wait3A_299, %dma_wait3A_300] : memref<10240x32xf32, #tpu.memory_space<vmem_shared>> -> memref<10240x32xf32, #tpu.memory_space<vmem_shared>>
      tpu.wait_indirect_dma semaphore(%arg21 : memref<!tpu.dma_semaphore, #tpu.memory_space<semaphore_mem>>) src(%dma_wait3A_301 : memref<10240x32xf32, #tpu.memory_space<vmem_shared>>) dst(%arg14 : memref<128x32xf32, #tpu.memory_space<vmem>>)
      %dma_start3A_302 = arith.constant 0 : i32
      %dma_start3A_303 = tpu.memref_slice %arg10[%add3A_295, %dma_start3A_302] : memref<80x128xi32, #tpu.memory_space<vmem>> -> memref<1x128xi32, #tpu.memory_space<vmem>>
      %dma_start3A_304 = tpu.memref_squeeze %dma_start3A_303 : memref<1x128xi32, #tpu.memory_space<vmem>> -> memref<128xi32, #tpu.memory_space<vmem>>
      %dma_start3A_305 = arith.constant 0 : i32
      %dma_start3A_306 = arith.constant 0 : i32
      %dma_start3A_307 = tpu.memref_slice %arg17[%dma_start3A_305, %dma_start3A_306] : memref<10240x32xf32, #tpu.memory_space<vmem_shared>> -> memref<10240x32xf32, #tpu.memory_space<vmem_shared>>
      tpu.enqueue_indirect_dma source(%arg14 : memref<128x32xf32, #tpu.memory_space<vmem>>) target(%dma_start3A_307 : memref<10240x32xf32, #tpu.memory_space<vmem_shared>>) offsets(%dma_start3A_304 : memref<128xi32, #tpu.memory_space<vmem>>) semaphore(%arg25 : memref<!tpu.dma_semaphore, #tpu.memory_space<semaphore_mem>>) {add = true}
      %ge3A_308 = arith.constant 2 : i32
      %ge3A_309 = arith.cmpi sge, %add3A_295, %ge3A_308 : i32
      %convert_element_type3A_310 = arith.extui %ge3A_309 : i1 to i32
      %cond3A_311 = arith.constant 0 : i32
      %cond3A_312 = arith.cmpi ne, %convert_element_type3A_310, %cond3A_311 : i32
      scf.if %cond3A_312 {
        %dma_wait3A_320 = arith.constant 0 : i32
        %dma_wait3A_321 = tpu.memref_slice %arg10[%add3A_295, %dma_wait3A_320] : memref<80x128xi32, #tpu.memory_space<vmem>> -> memref<1x128xi32, #tpu.memory_space<vmem>>
        %dma_wait3A_322 = tpu.memref_squeeze %dma_wait3A_321 : memref<1x128xi32, #tpu.memory_space<vmem>> -> memref<128xi32, #tpu.memory_space<vmem>>
        %dma_wait3A_323 = arith.constant 0 : i32
        %dma_wait3A_324 = arith.constant 0 : i32
        %dma_wait3A_325 = tpu.memref_slice %arg17[%dma_wait3A_323, %dma_wait3A_324] : memref<10240x32xf32, #tpu.memory_space<vmem_shared>> -> memref<10240x32xf32, #tpu.memory_space<vmem_shared>>
        tpu.wait_indirect_dma semaphore(%arg23 : memref<!tpu.dma_semaphore, #tpu.memory_space<semaphore_mem>>) src(%arg12 : memref<128x32xf32, #tpu.memory_space<vmem>>) dst(%dma_wait3A_325 : memref<10240x32xf32, #tpu.memory_space<vmem_shared>>)
      } else {
      }
      %add3A_313 = arith.constant 2 : i32
      %add3A_314 = arith.addi %add3A_295, %add3A_313 : i32
      %lt3A_315 = arith.constant 80 : i32
      %lt3A_316 = arith.cmpi slt, %add3A_314, %lt3A_315 : i32
      %convert_element_type3A_317 = arith.extui %lt3A_316 : i1 to i32
      %cond3A_318 = arith.constant 0 : i32
      %cond3A_319 = arith.cmpi ne, %convert_element_type3A_317, %cond3A_318 : i32
      scf.if %cond3A_319 {
        %add3A_320 = arith.constant 2 : i32
        %add3A_321 = arith.addi %add3A_295, %add3A_320 : i32
        %dma_start3A_322 = arith.constant 0 : i32
        %dma_start3A_323 = tpu.memref_slice %arg9[%add3A_321, %dma_start3A_322] : memref<80x128xi32, #tpu.memory_space<vmem>> -> memref<1x128xi32, #tpu.memory_space<vmem>>
        %dma_start3A_324 = tpu.memref_squeeze %dma_start3A_323 : memref<1x128xi32, #tpu.memory_space<vmem>> -> memref<128xi32, #tpu.memory_space<vmem>>
        %dma_start3A_325 = arith.constant 0 : i32
        %dma_start3A_326 = arith.constant 0 : i32
        %dma_start3A_327 = tpu.memref_slice %arg16[%dma_start3A_325, %dma_start3A_326] : memref<10240x32xf32, #tpu.memory_space<vmem_shared>> -> memref<10240x32xf32, #tpu.memory_space<vmem_shared>>
        tpu.enqueue_indirect_dma source(%dma_start3A_327 : memref<10240x32xf32, #tpu.memory_space<vmem_shared>>) target(%arg12 : memref<128x32xf32, #tpu.memory_space<vmem>>) offsets(%dma_start3A_324 : memref<128xi32, #tpu.memory_space<vmem>>) semaphore(%arg19 : memref<!tpu.dma_semaphore, #tpu.memory_space<semaphore_mem>>)
      } else {
      }
    }
    %scan3A_200 = arith.constant 20 : i32
    %dma_wait3A_201 = arith.constant 78 : i32
    %dma_wait3A_202 = arith.constant 0 : i32
    %dma_wait3A_203 = tpu.memref_slice %arg10[%dma_wait3A_201, %dma_wait3A_202] : memref<80x128xi32, #tpu.memory_space<vmem>> -> memref<1x128xi32, #tpu.memory_space<vmem>>
    %dma_wait3A_204 = tpu.memref_squeeze %dma_wait3A_203 : memref<1x128xi32, #tpu.memory_space<vmem>> -> memref<128xi32, #tpu.memory_space<vmem>>
    %dma_wait3A_205 = arith.constant 0 : i32
    %dma_wait3A_206 = arith.constant 0 : i32
    %dma_wait3A_207 = tpu.memref_slice %arg17[%dma_wait3A_205, %dma_wait3A_206] : memref<10240x32xf32, #tpu.memory_space<vmem_shared>> -> memref<10240x32xf32, #tpu.memory_space<vmem_shared>>
    tpu.wait_indirect_dma semaphore(%arg24 : memref<!tpu.dma_semaphore, #tpu.memory_space<semaphore_mem>>) src(%arg13 : memref<128x32xf32, #tpu.memory_space<vmem>>) dst(%dma_wait3A_207 : memref<10240x32xf32, #tpu.memory_space<vmem_shared>>)
    %dma_wait3A_208 = arith.constant 79 : i32
    %dma_wait3A_209 = arith.constant 0 : i32
    %dma_wait3A_210 = tpu.memref_slice %arg10[%dma_wait3A_208, %dma_wait3A_209] : memref<80x128xi32, #tpu.memory_space<vmem>> -> memref<1x128xi32, #tpu.memory_space<vmem>>
    %dma_wait3A_211 = tpu.memref_squeeze %dma_wait3A_210 : memref<1x128xi32, #tpu.memory_space<vmem>> -> memref<128xi32, #tpu.memory_space<vmem>>
    %dma_wait3A_212 = arith.constant 0 : i32
    %dma_wait3A_213 = arith.constant 0 : i32
    %dma_wait3A_214 = tpu.memref_slice %arg17[%dma_wait3A_212, %dma_wait3A_213] : memref<10240x32xf32, #tpu.memory_space<vmem_shared>> -> memref<10240x32xf32, #tpu.memory_space<vmem_shared>>
    tpu.wait_indirect_dma semaphore(%arg25 : memref<!tpu.dma_semaphore, #tpu.memory_space<semaphore_mem>>) src(%arg14 : memref<128x32xf32, #tpu.memory_space<vmem>>) dst(%dma_wait3A_214 : memref<10240x32xf32, #tpu.memory_space<vmem_shared>>)
    %barrier3A_215 = arith.constant 0 : index
    tpu.barrier barrier_id(%barrier3A_215)
    %run_scoped3A_216 = arith.constant 3 : i32
    "tpu.region"() ({
      %run_scoped3A_217 = tpu.sem_alloc : memref<!tpu.dma_semaphore, #tpu.memory_space<semaphore_mem>>
      %dma_start3A_218 = arith.constant 0 : i32
      %dma_start3A_219 = tpu.memref_slice %arg8[%arg0, %run_scoped3A_216, %mul3A_8, %dma_start3A_218] : memref<2x4x10240x32xf32, #tpu.memory_space<hbm>> -> memref<1x1x640x32xf32, #tpu.memory_space<hbm>>
      %dma_start3A_220 = tpu.memref_squeeze %dma_start3A_219 : memref<1x1x640x32xf32, #tpu.memory_space<hbm>> -> memref<640x32xf32, #tpu.memory_space<hbm>>
      %dma_start3A_221 = arith.constant 0 : i32
      %dma_start3A_222 = tpu.memref_slice %arg17[%mul3A_8, %dma_start3A_221] : memref<10240x32xf32, #tpu.memory_space<vmem_shared>> -> memref<640x32xf32, #tpu.memory_space<vmem_shared>>
      tpu.enqueue_dma source(%dma_start3A_222 : memref<640x32xf32, #tpu.memory_space<vmem_shared>>) target(%dma_start3A_220 : memref<640x32xf32, #tpu.memory_space<hbm>>) target_semaphore(%run_scoped3A_217 : memref<!tpu.dma_semaphore, #tpu.memory_space<semaphore_mem>>)
      %dma_wait3A_223 = arith.constant 0 : i32
      %dma_wait3A_224 = tpu.memref_slice %arg8[%arg0, %run_scoped3A_216, %mul3A_8, %dma_wait3A_223] : memref<2x4x10240x32xf32, #tpu.memory_space<hbm>> -> memref<1x1x640x32xf32, #tpu.memory_space<hbm>>
      %dma_wait3A_225 = tpu.memref_squeeze %dma_wait3A_224 : memref<1x1x640x32xf32, #tpu.memory_space<hbm>> -> memref<640x32xf32, #tpu.memory_space<hbm>>
      %dma_wait3A_226 = arith.constant 0 : i32
      %dma_wait3A_227 = tpu.memref_slice %arg17[%mul3A_8, %dma_wait3A_226] : memref<10240x32xf32, #tpu.memory_space<vmem_shared>> -> memref<640x32xf32, #tpu.memory_space<vmem_shared>>
      tpu.wait_dma2 semaphore(%run_scoped3A_217 : memref<!tpu.dma_semaphore, #tpu.memory_space<semaphore_mem>>) src(%dma_wait3A_227 : memref<640x32xf32, #tpu.memory_space<vmem_shared>>) dst(%dma_wait3A_225 : memref<640x32xf32, #tpu.memory_space<hbm>>)
      tpu.yield
    }) : () -> ()
    return
  }
}

#map = affine_map<(d0, d1) -> (0, 0)>
#map1 = affine_map<(d0, d1) -> (0, 0, 0)>
#map2 = affine_map<(d0, d1) -> (0, 0, 0, 0)>
module attributes {stable_mosaic.version = 14 : i64} {
  func.func @_edge_body(%arg0: i32, %arg1: i32, %arg2: memref<10240x32xf32, #tpu.memory_space<hbm>>, %arg3: memref<10240x32xf32, #tpu.memory_space<hbm>>, %arg4: memref<10240x32xf32, #tpu.memory_space<hbm>>, %arg5: memref<10240x32xf32, #tpu.memory_space<hbm>>, %arg6: memref<32x80x128xi32, #tpu.memory_space<hbm>>, %arg7: memref<32x80x128xi32, #tpu.memory_space<hbm>>, %arg8: memref<2x4x10240x32xf32, #tpu.memory_space<hbm>>, %arg9: memref<80x128xi32, #tpu.memory_space<vmem>>, %arg10: memref<80x128xi32, #tpu.memory_space<vmem>>, %arg11: memref<128x32xf32, #tpu.memory_space<vmem>>, %arg12: memref<128x32xf32, #tpu.memory_space<vmem>>, %arg13: memref<128x32xf32, #tpu.memory_space<vmem>>, %arg14: memref<128x32xf32, #tpu.memory_space<vmem>>, %arg15: memref<640x32xf32, #tpu.memory_space<vmem>>, %arg16: memref<10240x32xf32, #tpu.memory_space<vmem_shared>>, %arg17: memref<10240x32xf32, #tpu.memory_space<vmem_shared>>, %arg18: memref<!tpu.dma_semaphore, #tpu.memory_space<semaphore_mem>>, %arg19: memref<!tpu.dma_semaphore, #tpu.memory_space<semaphore_mem>>, %arg20: memref<!tpu.dma_semaphore, #tpu.memory_space<semaphore_mem>>, %arg21: memref<!tpu.dma_semaphore, #tpu.memory_space<semaphore_mem>>, %arg22: memref<!tpu.dma_semaphore, #tpu.memory_space<semaphore_mem>>, %arg23: memref<!tpu.dma_semaphore, #tpu.memory_space<semaphore_mem>>, %arg24: memref<!tpu.dma_semaphore, #tpu.memory_space<semaphore_mem>>, %arg25: memref<!tpu.dma_semaphore, #tpu.memory_space<semaphore_mem>>) attributes {dimension_semantics = [#tpu.dimension_semantics<core_parallel>, #tpu.dimension_semantics<subcore_parallel>], iteration_bounds = array<i64: 2, 16>, scalar_prefetch = 0 : i64, scratch_operands = 17 : i64, tpu.core_type = #tpu.core_type<sc_vector_subcore>, window_params = [{transform_indices = #map}, {transform_indices = #map}, {transform_indices = #map}, {transform_indices = #map}, {transform_indices = #map1}, {transform_indices = #map1}, {transform_indices = #map2}]} {
    %mul3A = arith.constant 2 : i32
    %mul3A_0 = arith.muli %arg1, %mul3A : i32
    %add3A = arith.addi %mul3A_0, %arg0 : i32
    "tpu.region"() ({
      %run_scoped3A_217 = tpu.sem_alloc : memref<!tpu.dma_semaphore, #tpu.memory_space<semaphore_mem>>
      %dma_start3A_218 = arith.constant 0 : i32
      %dma_start3A_219 = arith.constant 0 : i32
      %dma_start3A_220 = tpu.memref_slice %arg6[%add3A, %dma_start3A_218, %dma_start3A_219] : memref<32x80x128xi32, #tpu.memory_space<hbm>> -> memref<1x80x128xi32, #tpu.memory_space<hbm>>
      %dma_start3A_221 = tpu.memref_squeeze %dma_start3A_220 : memref<1x80x128xi32, #tpu.memory_space<hbm>> -> memref<80x128xi32, #tpu.memory_space<hbm>>
      %dma_start3A_222 = arith.constant 0 : i32
      %dma_start3A_223 = arith.constant 0 : i32
      %dma_start3A_224 = tpu.memref_slice %arg6[%add3A, %dma_start3A_222, %dma_start3A_223] : memref<32x80x128xi32, #tpu.memory_space<hbm>> -> memref<1x80x128xi32, #tpu.memory_space<hbm>>
      %dma_start3A_225 = tpu.memref_squeeze %dma_start3A_224 : memref<1x80x128xi32, #tpu.memory_space<hbm>> -> memref<80x128xi32, #tpu.memory_space<hbm>>
      tpu.enqueue_dma source(%dma_start3A_225 : memref<80x128xi32, #tpu.memory_space<hbm>>) target(%arg9 : memref<80x128xi32, #tpu.memory_space<vmem>>) target_semaphore(%run_scoped3A_217 : memref<!tpu.dma_semaphore, #tpu.memory_space<semaphore_mem>>)
      %dma_wait3A_226 = arith.constant 0 : i32
      %dma_wait3A_227 = arith.constant 0 : i32
      %dma_wait3A_228 = tpu.memref_slice %arg6[%add3A, %dma_wait3A_226, %dma_wait3A_227] : memref<32x80x128xi32, #tpu.memory_space<hbm>> -> memref<1x80x128xi32, #tpu.memory_space<hbm>>
      %dma_wait3A_229 = tpu.memref_squeeze %dma_wait3A_228 : memref<1x80x128xi32, #tpu.memory_space<hbm>> -> memref<80x128xi32, #tpu.memory_space<hbm>>
      %dma_wait3A_230 = arith.constant 0 : i32
      %dma_wait3A_231 = arith.constant 0 : i32
      %dma_wait3A_232 = tpu.memref_slice %arg6[%add3A, %dma_wait3A_230, %dma_wait3A_231] : memref<32x80x128xi32, #tpu.memory_space<hbm>> -> memref<1x80x128xi32, #tpu.memory_space<hbm>>
      %dma_wait3A_233 = tpu.memref_squeeze %dma_wait3A_232 : memref<1x80x128xi32, #tpu.memory_space<hbm>> -> memref<80x128xi32, #tpu.memory_space<hbm>>
      tpu.wait_dma2 semaphore(%run_scoped3A_217 : memref<!tpu.dma_semaphore, #tpu.memory_space<semaphore_mem>>) src(%dma_wait3A_233 : memref<80x128xi32, #tpu.memory_space<hbm>>) dst(%arg9 : memref<80x128xi32, #tpu.memory_space<vmem>>)
      tpu.yield
    }) : () -> ()
    "tpu.region"() ({
      %run_scoped3A_217 = tpu.sem_alloc : memref<!tpu.dma_semaphore, #tpu.memory_space<semaphore_mem>>
      %dma_start3A_218 = arith.constant 0 : i32
      %dma_start3A_219 = arith.constant 0 : i32
      %dma_start3A_220 = tpu.memref_slice %arg7[%add3A, %dma_start3A_218, %dma_start3A_219] : memref<32x80x128xi32, #tpu.memory_space<hbm>> -> memref<1x80x128xi32, #tpu.memory_space<hbm>>
      %dma_start3A_221 = tpu.memref_squeeze %dma_start3A_220 : memref<1x80x128xi32, #tpu.memory_space<hbm>> -> memref<80x128xi32, #tpu.memory_space<hbm>>
      %dma_start3A_222 = arith.constant 0 : i32
      %dma_start3A_223 = arith.constant 0 : i32
      %dma_start3A_224 = tpu.memref_slice %arg7[%add3A, %dma_start3A_222, %dma_start3A_223] : memref<32x80x128xi32, #tpu.memory_space<hbm>> -> memref<1x80x128xi32, #tpu.memory_space<hbm>>
      %dma_start3A_225 = tpu.memref_squeeze %dma_start3A_224 : memref<1x80x128xi32, #tpu.memory_space<hbm>> -> memref<80x128xi32, #tpu.memory_space<hbm>>
      tpu.enqueue_dma source(%dma_start3A_225 : memref<80x128xi32, #tpu.memory_space<hbm>>) target(%arg10 : memref<80x128xi32, #tpu.memory_space<vmem>>) target_semaphore(%run_scoped3A_217 : memref<!tpu.dma_semaphore, #tpu.memory_space<semaphore_mem>>)
      %dma_wait3A_226 = arith.constant 0 : i32
      %dma_wait3A_227 = arith.constant 0 : i32
      %dma_wait3A_228 = tpu.memref_slice %arg7[%add3A, %dma_wait3A_226, %dma_wait3A_227] : memref<32x80x128xi32, #tpu.memory_space<hbm>> -> memref<1x80x128xi32, #tpu.memory_space<hbm>>
      %dma_wait3A_229 = tpu.memref_squeeze %dma_wait3A_228 : memref<1x80x128xi32, #tpu.memory_space<hbm>> -> memref<80x128xi32, #tpu.memory_space<hbm>>
      %dma_wait3A_230 = arith.constant 0 : i32
      %dma_wait3A_231 = arith.constant 0 : i32
      %dma_wait3A_232 = tpu.memref_slice %arg7[%add3A, %dma_wait3A_230, %dma_wait3A_231] : memref<32x80x128xi32, #tpu.memory_space<hbm>> -> memref<1x80x128xi32, #tpu.memory_space<hbm>>
      %dma_wait3A_233 = tpu.memref_squeeze %dma_wait3A_232 : memref<1x80x128xi32, #tpu.memory_space<hbm>> -> memref<80x128xi32, #tpu.memory_space<hbm>>
      tpu.wait_dma2 semaphore(%run_scoped3A_217 : memref<!tpu.dma_semaphore, #tpu.memory_space<semaphore_mem>>) src(%dma_wait3A_233 : memref<80x128xi32, #tpu.memory_space<hbm>>) dst(%arg10 : memref<80x128xi32, #tpu.memory_space<vmem>>)
      tpu.yield
    }) : () -> ()
    %broadcast_in_dim3A = arith.constant 0.000000e+00 : f32
    %broadcast_in_dim3A_1 = vector.broadcast %broadcast_in_dim3A : f32 to vector<16xf32>
    %scan3A = arith.constant 0 : i32
    %scan3A_2 = arith.constant 0 : i32
    %scan3A_3 = arith.constant 640 : i32
    %scan3A_4 = arith.addi %scan3A_2, %scan3A_3 : i32
    %scan3A_5 = arith.constant 1 : i32
    scf.for %scan3A_217 = %scan3A_2 to %scan3A_4 step %scan3A_5  : i32 {
      %swap3A = arith.index_cast %scan3A_217 : i32 to index
      %swap3A_218 = arith.constant 0 : index
      %swap3A_219 = tpu.vector_load %arg15[%swap3A, %swap3A_218] {strides = array<i32>} : memref<640x32xf32, #tpu.memory_space<vmem>>, vector<16xf32>,
      tpu.vector_store %arg15[%swap3A, %swap3A_218], %broadcast_in_dim3A_1 {strides = array<i32>} : memref<640x32xf32, #tpu.memory_space<vmem>>, vector<16xf32>,
      %swap3A_220 = arith.index_cast %scan3A_217 : i32 to index
      %swap3A_221 = arith.constant 16 : index
      %swap3A_222 = tpu.vector_load %arg15[%swap3A_220, %swap3A_221] {strides = array<i32>} : memref<640x32xf32, #tpu.memory_space<vmem>>, vector<16xf32>,
      tpu.vector_store %arg15[%swap3A_220, %swap3A_221], %broadcast_in_dim3A_1 {strides = array<i32>} : memref<640x32xf32, #tpu.memory_space<vmem>>, vector<16xf32>,
    }
    %scan3A_6 = arith.constant 640 : i32
    %mul3A_7 = arith.constant 640 : i32
    %mul3A_8 = arith.muli %arg1, %mul3A_7 : i32
    %dma_start3A = arith.constant 0 : i32
    %dma_start3A_9 = tpu.memref_slice %arg16[%mul3A_8, %dma_start3A] : memref<10240x32xf32, #tpu.memory_space<vmem_shared>> -> memref<640x32xf32, #tpu.memory_space<vmem_shared>>
    %dma_start3A_10 = arith.constant 0 : i32
    %dma_start3A_11 = tpu.memref_slice %arg2[%mul3A_8, %dma_start3A_10] : memref<10240x32xf32, #tpu.memory_space<hbm>> -> memref<640x32xf32, #tpu.memory_space<hbm>>
    tpu.enqueue_dma source(%dma_start3A_11 : memref<640x32xf32, #tpu.memory_space<hbm>>) target(%dma_start3A_9 : memref<640x32xf32, #tpu.memory_space<vmem_shared>>) target_semaphore(%arg18 : memref<!tpu.dma_semaphore, #tpu.memory_space<semaphore_mem>>)
    %dma_start3A_12 = arith.constant 0 : i32
    %dma_start3A_13 = tpu.memref_slice %arg17[%mul3A_8, %dma_start3A_12] : memref<10240x32xf32, #tpu.memory_space<vmem_shared>> -> memref<640x32xf32, #tpu.memory_space<vmem_shared>>
    %dma_start3A_14 = arith.constant 0 : i32
    %dma_start3A_15 = tpu.memref_slice %arg17[%mul3A_8, %dma_start3A_14] : memref<10240x32xf32, #tpu.memory_space<vmem_shared>> -> memref<640x32xf32, #tpu.memory_space<vmem_shared>>
    tpu.enqueue_dma source(%arg15 : memref<640x32xf32, #tpu.memory_space<vmem>>) target(%dma_start3A_15 : memref<640x32xf32, #tpu.memory_space<vmem_shared>>) target_semaphore(%arg19 : memref<!tpu.dma_semaphore, #tpu.memory_space<semaphore_mem>>)
    %dma_wait3A = arith.constant 0 : i32
    %dma_wait3A_16 = tpu.memref_slice %arg16[%mul3A_8, %dma_wait3A] : memref<10240x32xf32, #tpu.memory_space<vmem_shared>> -> memref<640x32xf32, #tpu.memory_space<vmem_shared>>
    %dma_wait3A_17 = arith.constant 0 : i32
    %dma_wait3A_18 = tpu.memref_slice %arg2[%mul3A_8, %dma_wait3A_17] : memref<10240x32xf32, #tpu.memory_space<hbm>> -> memref<640x32xf32, #tpu.memory_space<hbm>>
    tpu.wait_dma2 semaphore(%arg18 : memref<!tpu.dma_semaphore, #tpu.memory_space<semaphore_mem>>) src(%dma_wait3A_18 : memref<640x32xf32, #tpu.memory_space<hbm>>) dst(%dma_wait3A_16 : memref<640x32xf32, #tpu.memory_space<vmem_shared>>)
    %dma_wait3A_19 = arith.constant 0 : i32
    %dma_wait3A_20 = tpu.memref_slice %arg17[%mul3A_8, %dma_wait3A_19] : memref<10240x32xf32, #tpu.memory_space<vmem_shared>> -> memref<640x32xf32, #tpu.memory_space<vmem_shared>>
    %dma_wait3A_21 = arith.constant 0 : i32
    %dma_wait3A_22 = tpu.memref_slice %arg17[%mul3A_8, %dma_wait3A_21] : memref<10240x32xf32, #tpu.memory_space<vmem_shared>> -> memref<640x32xf32, #tpu.memory_space<vmem_shared>>
    tpu.wait_dma2 semaphore(%arg19 : memref<!tpu.dma_semaphore, #tpu.memory_space<semaphore_mem>>) src(%arg15 : memref<640x32xf32, #tpu.memory_space<vmem>>) dst(%dma_wait3A_22 : memref<640x32xf32, #tpu.memory_space<vmem_shared>>)
    %barrier3A = arith.constant 0 : index
    tpu.barrier barrier_id(%barrier3A)
    %dma_start3A_23 = arith.constant 0 : i32
    %dma_start3A_24 = arith.constant 0 : i32
    %dma_start3A_25 = tpu.memref_slice %arg9[%dma_start3A_23, %dma_start3A_24] : memref<80x128xi32, #tpu.memory_space<vmem>> -> memref<1x128xi32, #tpu.memory_space<vmem>>
    %dma_start3A_26 = tpu.memref_squeeze %dma_start3A_25 : memref<1x128xi32, #tpu.memory_space<vmem>> -> memref<128xi32, #tpu.memory_space<vmem>>
    %dma_start3A_27 = arith.constant 0 : i32
    %dma_start3A_28 = arith.constant 0 : i32
    %dma_start3A_29 = tpu.memref_slice %arg16[%dma_start3A_27, %dma_start3A_28] : memref<10240x32xf32, #tpu.memory_space<vmem_shared>> -> memref<10240x32xf32, #tpu.memory_space<vmem_shared>>
    tpu.enqueue_indirect_dma source(%dma_start3A_29 : memref<10240x32xf32, #tpu.memory_space<vmem_shared>>) target(%arg11 : memref<128x32xf32, #tpu.memory_space<vmem>>) offsets(%dma_start3A_26 : memref<128xi32, #tpu.memory_space<vmem>>) semaphore(%arg18 : memref<!tpu.dma_semaphore, #tpu.memory_space<semaphore_mem>>)
    %dma_start3A_30 = arith.constant 1 : i32
    %dma_start3A_31 = arith.constant 0 : i32
    %dma_start3A_32 = tpu.memref_slice %arg9[%dma_start3A_30, %dma_start3A_31] : memref<80x128xi32, #tpu.memory_space<vmem>> -> memref<1x128xi32, #tpu.memory_space<vmem>>
    %dma_start3A_33 = tpu.memref_squeeze %dma_start3A_32 : memref<1x128xi32, #tpu.memory_space<vmem>> -> memref<128xi32, #tpu.memory_space<vmem>>
    %dma_start3A_34 = arith.constant 0 : i32
    %dma_start3A_35 = arith.constant 0 : i32
    %dma_start3A_36 = tpu.memref_slice %arg16[%dma_start3A_34, %dma_start3A_35] : memref<10240x32xf32, #tpu.memory_space<vmem_shared>> -> memref<10240x32xf32, #tpu.memory_space<vmem_shared>>
    tpu.enqueue_indirect_dma source(%dma_start3A_36 : memref<10240x32xf32, #tpu.memory_space<vmem_shared>>) target(%arg12 : memref<128x32xf32, #tpu.memory_space<vmem>>) offsets(%dma_start3A_33 : memref<128xi32, #tpu.memory_space<vmem>>) semaphore(%arg19 : memref<!tpu.dma_semaphore, #tpu.memory_space<semaphore_mem>>)
    %scan3A_37 = arith.constant 0 : i32
    %scan3A_38 = arith.constant 0 : i32
    %scan3A_39 = arith.constant 20 : i32
    %scan3A_40 = arith.addi %scan3A_38, %scan3A_39 : i32
    %scan3A_41 = arith.constant 1 : i32
    scf.for %scan3A_217 = %scan3A_38 to %scan3A_40 step %scan3A_41  : i32 {
      %mul3A_218 = arith.constant 4 : i32
      %mul3A_219 = arith.muli %mul3A_218, %scan3A_217 : i32
      %add3A_220 = arith.constant 0 : i32
      %add3A_221 = arith.addi %mul3A_219, %add3A_220 : i32
      %dma_wait3A_222 = arith.constant 0 : i32
      %dma_wait3A_223 = tpu.memref_slice %arg9[%add3A_221, %dma_wait3A_222] : memref<80x128xi32, #tpu.memory_space<vmem>> -> memref<1x128xi32, #tpu.memory_space<vmem>>
      %dma_wait3A_224 = tpu.memref_squeeze %dma_wait3A_223 : memref<1x128xi32, #tpu.memory_space<vmem>> -> memref<128xi32, #tpu.memory_space<vmem>>
      %dma_wait3A_225 = arith.constant 0 : i32
      %dma_wait3A_226 = arith.constant 0 : i32
      %dma_wait3A_227 = tpu.memref_slice %arg16[%dma_wait3A_225, %dma_wait3A_226] : memref<10240x32xf32, #tpu.memory_space<vmem_shared>> -> memref<10240x32xf32, #tpu.memory_space<vmem_shared>>
      tpu.wait_indirect_dma semaphore(%arg18 : memref<!tpu.dma_semaphore, #tpu.memory_space<semaphore_mem>>) src(%dma_wait3A_227 : memref<10240x32xf32, #tpu.memory_space<vmem_shared>>) dst(%arg11 : memref<128x32xf32, #tpu.memory_space<vmem>>)
      %dma_start3A_228 = arith.constant 0 : i32
      %dma_start3A_229 = tpu.memref_slice %arg10[%add3A_221, %dma_start3A_228] : memref<80x128xi32, #tpu.memory_space<vmem>> -> memref<1x128xi32, #tpu.memory_space<vmem>>
      %dma_start3A_230 = tpu.memref_squeeze %dma_start3A_229 : memref<1x128xi32, #tpu.memory_space<vmem>> -> memref<128xi32, #tpu.memory_space<vmem>>
      %dma_start3A_231 = arith.constant 0 : i32
      %dma_start3A_232 = arith.constant 0 : i32
      %dma_start3A_233 = tpu.memref_slice %arg17[%dma_start3A_231, %dma_start3A_232] : memref<10240x32xf32, #tpu.memory_space<vmem_shared>> -> memref<10240x32xf32, #tpu.memory_space<vmem_shared>>
      tpu.enqueue_indirect_dma source(%arg11 : memref<128x32xf32, #tpu.memory_space<vmem>>) target(%dma_start3A_233 : memref<10240x32xf32, #tpu.memory_space<vmem_shared>>) offsets(%dma_start3A_230 : memref<128xi32, #tpu.memory_space<vmem>>) semaphore(%arg22 : memref<!tpu.dma_semaphore, #tpu.memory_space<semaphore_mem>>) {add = true}
      %ge3A = arith.constant 2 : i32
      %ge3A_234 = arith.cmpi sge, %add3A_221, %ge3A : i32
      %convert_element_type3A = arith.extui %ge3A_234 : i1 to i32
      %cond3A = arith.constant 0 : i32
      %cond3A_235 = arith.cmpi ne, %convert_element_type3A, %cond3A : i32
      scf.if %cond3A_235 {
        %dma_wait3A_320 = arith.constant 0 : i32
        %dma_wait3A_321 = tpu.memref_slice %arg10[%add3A_221, %dma_wait3A_320] : memref<80x128xi32, #tpu.memory_space<vmem>> -> memref<1x128xi32, #tpu.memory_space<vmem>>
        %dma_wait3A_322 = tpu.memref_squeeze %dma_wait3A_321 : memref<1x128xi32, #tpu.memory_space<vmem>> -> memref<128xi32, #tpu.memory_space<vmem>>
        %dma_wait3A_323 = arith.constant 0 : i32
        %dma_wait3A_324 = arith.constant 0 : i32
        %dma_wait3A_325 = tpu.memref_slice %arg17[%dma_wait3A_323, %dma_wait3A_324] : memref<10240x32xf32, #tpu.memory_space<vmem_shared>> -> memref<10240x32xf32, #tpu.memory_space<vmem_shared>>
        tpu.wait_indirect_dma semaphore(%arg24 : memref<!tpu.dma_semaphore, #tpu.memory_space<semaphore_mem>>) src(%arg13 : memref<128x32xf32, #tpu.memory_space<vmem>>) dst(%dma_wait3A_325 : memref<10240x32xf32, #tpu.memory_space<vmem_shared>>)
      } else {
      }
      %add3A_236 = arith.constant 2 : i32
      %add3A_237 = arith.addi %add3A_221, %add3A_236 : i32
      %lt3A = arith.constant 80 : i32
      %lt3A_238 = arith.cmpi slt, %add3A_237, %lt3A : i32
      %convert_element_type3A_239 = arith.extui %lt3A_238 : i1 to i32
      %cond3A_240 = arith.constant 0 : i32
      %cond3A_241 = arith.cmpi ne, %convert_element_type3A_239, %cond3A_240 : i32
      scf.if %cond3A_241 {
        %add3A_320 = arith.constant 2 : i32
        %add3A_321 = arith.addi %add3A_221, %add3A_320 : i32
        %dma_start3A_322 = arith.constant 0 : i32
        %dma_start3A_323 = tpu.memref_slice %arg9[%add3A_321, %dma_start3A_322] : memref<80x128xi32, #tpu.memory_space<vmem>> -> memref<1x128xi32, #tpu.memory_space<vmem>>
        %dma_start3A_324 = tpu.memref_squeeze %dma_start3A_323 : memref<1x128xi32, #tpu.memory_space<vmem>> -> memref<128xi32, #tpu.memory_space<vmem>>
        %dma_start3A_325 = arith.constant 0 : i32
        %dma_start3A_326 = arith.constant 0 : i32
        %dma_start3A_327 = tpu.memref_slice %arg16[%dma_start3A_325, %dma_start3A_326] : memref<10240x32xf32, #tpu.memory_space<vmem_shared>> -> memref<10240x32xf32, #tpu.memory_space<vmem_shared>>
        tpu.enqueue_indirect_dma source(%dma_start3A_327 : memref<10240x32xf32, #tpu.memory_space<vmem_shared>>) target(%arg13 : memref<128x32xf32, #tpu.memory_space<vmem>>) offsets(%dma_start3A_324 : memref<128xi32, #tpu.memory_space<vmem>>) semaphore(%arg20 : memref<!tpu.dma_semaphore, #tpu.memory_space<semaphore_mem>>)
      } else {
      }
      %add3A_242 = arith.constant 1 : i32
      %add3A_243 = arith.addi %mul3A_219, %add3A_242 : i32
      %dma_wait3A_244 = arith.constant 0 : i32
      %dma_wait3A_245 = tpu.memref_slice %arg9[%add3A_243, %dma_wait3A_244] : memref<80x128xi32, #tpu.memory_space<vmem>> -> memref<1x128xi32, #tpu.memory_space<vmem>>
      %dma_wait3A_246 = tpu.memref_squeeze %dma_wait3A_245 : memref<1x128xi32, #tpu.memory_space<vmem>> -> memref<128xi32, #tpu.memory_space<vmem>>
      %dma_wait3A_247 = arith.constant 0 : i32
      %dma_wait3A_248 = arith.constant 0 : i32
      %dma_wait3A_249 = tpu.memref_slice %arg16[%dma_wait3A_247, %dma_wait3A_248] : memref<10240x32xf32, #tpu.memory_space<vmem_shared>> -> memref<10240x32xf32, #tpu.memory_space<vmem_shared>>
      tpu.wait_indirect_dma semaphore(%arg19 : memref<!tpu.dma_semaphore, #tpu.memory_space<semaphore_mem>>) src(%dma_wait3A_249 : memref<10240x32xf32, #tpu.memory_space<vmem_shared>>) dst(%arg12 : memref<128x32xf32, #tpu.memory_space<vmem>>)
      %dma_start3A_250 = arith.constant 0 : i32
      %dma_start3A_251 = tpu.memref_slice %arg10[%add3A_243, %dma_start3A_250] : memref<80x128xi32, #tpu.memory_space<vmem>> -> memref<1x128xi32, #tpu.memory_space<vmem>>
      %dma_start3A_252 = tpu.memref_squeeze %dma_start3A_251 : memref<1x128xi32, #tpu.memory_space<vmem>> -> memref<128xi32, #tpu.memory_space<vmem>>
      %dma_start3A_253 = arith.constant 0 : i32
      %dma_start3A_254 = arith.constant 0 : i32
      %dma_start3A_255 = tpu.memref_slice %arg17[%dma_start3A_253, %dma_start3A_254] : memref<10240x32xf32, #tpu.memory_space<vmem_shared>> -> memref<10240x32xf32, #tpu.memory_space<vmem_shared>>
      tpu.enqueue_indirect_dma source(%arg12 : memref<128x32xf32, #tpu.memory_space<vmem>>) target(%dma_start3A_255 : memref<10240x32xf32, #tpu.memory_space<vmem_shared>>) offsets(%dma_start3A_252 : memref<128xi32, #tpu.memory_space<vmem>>) semaphore(%arg23 : memref<!tpu.dma_semaphore, #tpu.memory_space<semaphore_mem>>) {add = true}
      %ge3A_256 = arith.constant 2 : i32
      %ge3A_257 = arith.cmpi sge, %add3A_243, %ge3A_256 : i32
      %convert_element_type3A_258 = arith.extui %ge3A_257 : i1 to i32
      %cond3A_259 = arith.constant 0 : i32
      %cond3A_260 = arith.cmpi ne, %convert_element_type3A_258, %cond3A_259 : i32
      scf.if %cond3A_260 {
        %dma_wait3A_320 = arith.constant 0 : i32
        %dma_wait3A_321 = tpu.memref_slice %arg10[%add3A_243, %dma_wait3A_320] : memref<80x128xi32, #tpu.memory_space<vmem>> -> memref<1x128xi32, #tpu.memory_space<vmem>>
        %dma_wait3A_322 = tpu.memref_squeeze %dma_wait3A_321 : memref<1x128xi32, #tpu.memory_space<vmem>> -> memref<128xi32, #tpu.memory_space<vmem>>
        %dma_wait3A_323 = arith.constant 0 : i32
        %dma_wait3A_324 = arith.constant 0 : i32
        %dma_wait3A_325 = tpu.memref_slice %arg17[%dma_wait3A_323, %dma_wait3A_324] : memref<10240x32xf32, #tpu.memory_space<vmem_shared>> -> memref<10240x32xf32, #tpu.memory_space<vmem_shared>>
        tpu.wait_indirect_dma semaphore(%arg25 : memref<!tpu.dma_semaphore, #tpu.memory_space<semaphore_mem>>) src(%arg14 : memref<128x32xf32, #tpu.memory_space<vmem>>) dst(%dma_wait3A_325 : memref<10240x32xf32, #tpu.memory_space<vmem_shared>>)
      } else {
      }
      %add3A_261 = arith.constant 2 : i32
      %add3A_262 = arith.addi %add3A_243, %add3A_261 : i32
      %lt3A_263 = arith.constant 80 : i32
      %lt3A_264 = arith.cmpi slt, %add3A_262, %lt3A_263 : i32
      %convert_element_type3A_265 = arith.extui %lt3A_264 : i1 to i32
      %cond3A_266 = arith.constant 0 : i32
      %cond3A_267 = arith.cmpi ne, %convert_element_type3A_265, %cond3A_266 : i32
      scf.if %cond3A_267 {
        %add3A_320 = arith.constant 2 : i32
        %add3A_321 = arith.addi %add3A_243, %add3A_320 : i32
        %dma_start3A_322 = arith.constant 0 : i32
        %dma_start3A_323 = tpu.memref_slice %arg9[%add3A_321, %dma_start3A_322] : memref<80x128xi32, #tpu.memory_space<vmem>> -> memref<1x128xi32, #tpu.memory_space<vmem>>
        %dma_start3A_324 = tpu.memref_squeeze %dma_start3A_323 : memref<1x128xi32, #tpu.memory_space<vmem>> -> memref<128xi32, #tpu.memory_space<vmem>>
        %dma_start3A_325 = arith.constant 0 : i32
        %dma_start3A_326 = arith.constant 0 : i32
        %dma_start3A_327 = tpu.memref_slice %arg16[%dma_start3A_325, %dma_start3A_326] : memref<10240x32xf32, #tpu.memory_space<vmem_shared>> -> memref<10240x32xf32, #tpu.memory_space<vmem_shared>>
        tpu.enqueue_indirect_dma source(%dma_start3A_327 : memref<10240x32xf32, #tpu.memory_space<vmem_shared>>) target(%arg14 : memref<128x32xf32, #tpu.memory_space<vmem>>) offsets(%dma_start3A_324 : memref<128xi32, #tpu.memory_space<vmem>>) semaphore(%arg21 : memref<!tpu.dma_semaphore, #tpu.memory_space<semaphore_mem>>)
      } else {
      }
      %add3A_268 = arith.constant 2 : i32
      %add3A_269 = arith.addi %mul3A_219, %add3A_268 : i32
      %dma_wait3A_270 = arith.constant 0 : i32
      %dma_wait3A_271 = tpu.memref_slice %arg9[%add3A_269, %dma_wait3A_270] : memref<80x128xi32, #tpu.memory_space<vmem>> -> memref<1x128xi32, #tpu.memory_space<vmem>>
      %dma_wait3A_272 = tpu.memref_squeeze %dma_wait3A_271 : memref<1x128xi32, #tpu.memory_space<vmem>> -> memref<128xi32, #tpu.memory_space<vmem>>
      %dma_wait3A_273 = arith.constant 0 : i32
      %dma_wait3A_274 = arith.constant 0 : i32
      %dma_wait3A_275 = tpu.memref_slice %arg16[%dma_wait3A_273, %dma_wait3A_274] : memref<10240x32xf32, #tpu.memory_space<vmem_shared>> -> memref<10240x32xf32, #tpu.memory_space<vmem_shared>>
      tpu.wait_indirect_dma semaphore(%arg20 : memref<!tpu.dma_semaphore, #tpu.memory_space<semaphore_mem>>) src(%dma_wait3A_275 : memref<10240x32xf32, #tpu.memory_space<vmem_shared>>) dst(%arg13 : memref<128x32xf32, #tpu.memory_space<vmem>>)
      %dma_start3A_276 = arith.constant 0 : i32
      %dma_start3A_277 = tpu.memref_slice %arg10[%add3A_269, %dma_start3A_276] : memref<80x128xi32, #tpu.memory_space<vmem>> -> memref<1x128xi32, #tpu.memory_space<vmem>>
      %dma_start3A_278 = tpu.memref_squeeze %dma_start3A_277 : memref<1x128xi32, #tpu.memory_space<vmem>> -> memref<128xi32, #tpu.memory_space<vmem>>
      %dma_start3A_279 = arith.constant 0 : i32
      %dma_start3A_280 = arith.constant 0 : i32
      %dma_start3A_281 = tpu.memref_slice %arg17[%dma_start3A_279, %dma_start3A_280] : memref<10240x32xf32, #tpu.memory_space<vmem_shared>> -> memref<10240x32xf32, #tpu.memory_space<vmem_shared>>
      tpu.enqueue_indirect_dma source(%arg13 : memref<128x32xf32, #tpu.memory_space<vmem>>) target(%dma_start3A_281 : memref<10240x32xf32, #tpu.memory_space<vmem_shared>>) offsets(%dma_start3A_278 : memref<128xi32, #tpu.memory_space<vmem>>) semaphore(%arg24 : memref<!tpu.dma_semaphore, #tpu.memory_space<semaphore_mem>>) {add = true}
      %ge3A_282 = arith.constant 2 : i32
      %ge3A_283 = arith.cmpi sge, %add3A_269, %ge3A_282 : i32
      %convert_element_type3A_284 = arith.extui %ge3A_283 : i1 to i32
      %cond3A_285 = arith.constant 0 : i32
      %cond3A_286 = arith.cmpi ne, %convert_element_type3A_284, %cond3A_285 : i32
      scf.if %cond3A_286 {
        %dma_wait3A_320 = arith.constant 0 : i32
        %dma_wait3A_321 = tpu.memref_slice %arg10[%add3A_269, %dma_wait3A_320] : memref<80x128xi32, #tpu.memory_space<vmem>> -> memref<1x128xi32, #tpu.memory_space<vmem>>
        %dma_wait3A_322 = tpu.memref_squeeze %dma_wait3A_321 : memref<1x128xi32, #tpu.memory_space<vmem>> -> memref<128xi32, #tpu.memory_space<vmem>>
        %dma_wait3A_323 = arith.constant 0 : i32
        %dma_wait3A_324 = arith.constant 0 : i32
        %dma_wait3A_325 = tpu.memref_slice %arg17[%dma_wait3A_323, %dma_wait3A_324] : memref<10240x32xf32, #tpu.memory_space<vmem_shared>> -> memref<10240x32xf32, #tpu.memory_space<vmem_shared>>
        tpu.wait_indirect_dma semaphore(%arg22 : memref<!tpu.dma_semaphore, #tpu.memory_space<semaphore_mem>>) src(%arg11 : memref<128x32xf32, #tpu.memory_space<vmem>>) dst(%dma_wait3A_325 : memref<10240x32xf32, #tpu.memory_space<vmem_shared>>)
      } else {
      }
      %add3A_287 = arith.constant 2 : i32
      %add3A_288 = arith.addi %add3A_269, %add3A_287 : i32
      %lt3A_289 = arith.constant 80 : i32
      %lt3A_290 = arith.cmpi slt, %add3A_288, %lt3A_289 : i32
      %convert_element_type3A_291 = arith.extui %lt3A_290 : i1 to i32
      %cond3A_292 = arith.constant 0 : i32
      %cond3A_293 = arith.cmpi ne, %convert_element_type3A_291, %cond3A_292 : i32
      scf.if %cond3A_293 {
        %add3A_320 = arith.constant 2 : i32
        %add3A_321 = arith.addi %add3A_269, %add3A_320 : i32
        %dma_start3A_322 = arith.constant 0 : i32
        %dma_start3A_323 = tpu.memref_slice %arg9[%add3A_321, %dma_start3A_322] : memref<80x128xi32, #tpu.memory_space<vmem>> -> memref<1x128xi32, #tpu.memory_space<vmem>>
        %dma_start3A_324 = tpu.memref_squeeze %dma_start3A_323 : memref<1x128xi32, #tpu.memory_space<vmem>> -> memref<128xi32, #tpu.memory_space<vmem>>
        %dma_start3A_325 = arith.constant 0 : i32
        %dma_start3A_326 = arith.constant 0 : i32
        %dma_start3A_327 = tpu.memref_slice %arg16[%dma_start3A_325, %dma_start3A_326] : memref<10240x32xf32, #tpu.memory_space<vmem_shared>> -> memref<10240x32xf32, #tpu.memory_space<vmem_shared>>
        tpu.enqueue_indirect_dma source(%dma_start3A_327 : memref<10240x32xf32, #tpu.memory_space<vmem_shared>>) target(%arg11 : memref<128x32xf32, #tpu.memory_space<vmem>>) offsets(%dma_start3A_324 : memref<128xi32, #tpu.memory_space<vmem>>) semaphore(%arg18 : memref<!tpu.dma_semaphore, #tpu.memory_space<semaphore_mem>>)
      } else {
      }
      %add3A_294 = arith.constant 3 : i32
      %add3A_295 = arith.addi %mul3A_219, %add3A_294 : i32
      %dma_wait3A_296 = arith.constant 0 : i32
      %dma_wait3A_297 = tpu.memref_slice %arg9[%add3A_295, %dma_wait3A_296] : memref<80x128xi32, #tpu.memory_space<vmem>> -> memref<1x128xi32, #tpu.memory_space<vmem>>
      %dma_wait3A_298 = tpu.memref_squeeze %dma_wait3A_297 : memref<1x128xi32, #tpu.memory_space<vmem>> -> memref<128xi32, #tpu.memory_space<vmem>>
      %dma_wait3A_299 = arith.constant 0 : i32
      %dma_wait3A_300 = arith.constant 0 : i32
      %dma_wait3A_301 = tpu.memref_slice %arg16[%dma_wait3A_299, %dma_wait3A_300] : memref<10240x32xf32, #tpu.memory_space<vmem_shared>> -> memref<10240x32xf32, #tpu.memory_space<vmem_shared>>
      tpu.wait_indirect_dma semaphore(%arg21 : memref<!tpu.dma_semaphore, #tpu.memory_space<semaphore_mem>>) src(%dma_wait3A_301 : memref<10240x32xf32, #tpu.memory_space<vmem_shared>>) dst(%arg14 : memref<128x32xf32, #tpu.memory_space<vmem>>)
      %dma_start3A_302 = arith.constant 0 : i32
      %dma_start3A_303 = tpu.memref_slice %arg10[%add3A_295, %dma_start3A_302] : memref<80x128xi32, #tpu.memory_space<vmem>> -> memref<1x128xi32, #tpu.memory_space<vmem>>
      %dma_start3A_304 = tpu.memref_squeeze %dma_start3A_303 : memref<1x128xi32, #tpu.memory_space<vmem>> -> memref<128xi32, #tpu.memory_space<vmem>>
      %dma_start3A_305 = arith.constant 0 : i32
      %dma_start3A_306 = arith.constant 0 : i32
      %dma_start3A_307 = tpu.memref_slice %arg17[%dma_start3A_305, %dma_start3A_306] : memref<10240x32xf32, #tpu.memory_space<vmem_shared>> -> memref<10240x32xf32, #tpu.memory_space<vmem_shared>>
      tpu.enqueue_indirect_dma source(%arg14 : memref<128x32xf32, #tpu.memory_space<vmem>>) target(%dma_start3A_307 : memref<10240x32xf32, #tpu.memory_space<vmem_shared>>) offsets(%dma_start3A_304 : memref<128xi32, #tpu.memory_space<vmem>>) semaphore(%arg25 : memref<!tpu.dma_semaphore, #tpu.memory_space<semaphore_mem>>) {add = true}
      %ge3A_308 = arith.constant 2 : i32
      %ge3A_309 = arith.cmpi sge, %add3A_295, %ge3A_308 : i32
      %convert_element_type3A_310 = arith.extui %ge3A_309 : i1 to i32
      %cond3A_311 = arith.constant 0 : i32
      %cond3A_312 = arith.cmpi ne, %convert_element_type3A_310, %cond3A_311 : i32
      scf.if %cond3A_312 {
        %dma_wait3A_320 = arith.constant 0 : i32
        %dma_wait3A_321 = tpu.memref_slice %arg10[%add3A_295, %dma_wait3A_320] : memref<80x128xi32, #tpu.memory_space<vmem>> -> memref<1x128xi32, #tpu.memory_space<vmem>>
        %dma_wait3A_322 = tpu.memref_squeeze %dma_wait3A_321 : memref<1x128xi32, #tpu.memory_space<vmem>> -> memref<128xi32, #tpu.memory_space<vmem>>
        %dma_wait3A_323 = arith.constant 0 : i32
        %dma_wait3A_324 = arith.constant 0 : i32
        %dma_wait3A_325 = tpu.memref_slice %arg17[%dma_wait3A_323, %dma_wait3A_324] : memref<10240x32xf32, #tpu.memory_space<vmem_shared>> -> memref<10240x32xf32, #tpu.memory_space<vmem_shared>>
        tpu.wait_indirect_dma semaphore(%arg23 : memref<!tpu.dma_semaphore, #tpu.memory_space<semaphore_mem>>) src(%arg12 : memref<128x32xf32, #tpu.memory_space<vmem>>) dst(%dma_wait3A_325 : memref<10240x32xf32, #tpu.memory_space<vmem_shared>>)
      } else {
      }
      %add3A_313 = arith.constant 2 : i32
      %add3A_314 = arith.addi %add3A_295, %add3A_313 : i32
      %lt3A_315 = arith.constant 80 : i32
      %lt3A_316 = arith.cmpi slt, %add3A_314, %lt3A_315 : i32
      %convert_element_type3A_317 = arith.extui %lt3A_316 : i1 to i32
      %cond3A_318 = arith.constant 0 : i32
      %cond3A_319 = arith.cmpi ne, %convert_element_type3A_317, %cond3A_318 : i32
      scf.if %cond3A_319 {
        %add3A_320 = arith.constant 2 : i32
        %add3A_321 = arith.addi %add3A_295, %add3A_320 : i32
        %dma_start3A_322 = arith.constant 0 : i32
        %dma_start3A_323 = tpu.memref_slice %arg9[%add3A_321, %dma_start3A_322] : memref<80x128xi32, #tpu.memory_space<vmem>> -> memref<1x128xi32, #tpu.memory_space<vmem>>
        %dma_start3A_324 = tpu.memref_squeeze %dma_start3A_323 : memref<1x128xi32, #tpu.memory_space<vmem>> -> memref<128xi32, #tpu.memory_space<vmem>>
        %dma_start3A_325 = arith.constant 0 : i32
        %dma_start3A_326 = arith.constant 0 : i32
        %dma_start3A_327 = tpu.memref_slice %arg16[%dma_start3A_325, %dma_start3A_326] : memref<10240x32xf32, #tpu.memory_space<vmem_shared>> -> memref<10240x32xf32, #tpu.memory_space<vmem_shared>>
        tpu.enqueue_indirect_dma source(%dma_start3A_327 : memref<10240x32xf32, #tpu.memory_space<vmem_shared>>) target(%arg12 : memref<128x32xf32, #tpu.memory_space<vmem>>) offsets(%dma_start3A_324 : memref<128xi32, #tpu.memory_space<vmem>>) semaphore(%arg19 : memref<!tpu.dma_semaphore, #tpu.memory_space<semaphore_mem>>)
      } else {
      }
    }
    %scan3A_42 = arith.constant 20 : i32
    %dma_wait3A_43 = arith.constant 78 : i32
    %dma_wait3A_44 = arith.constant 0 : i32
    %dma_wait3A_45 = tpu.memref_slice %arg10[%dma_wait3A_43, %dma_wait3A_44] : memref<80x128xi32, #tpu.memory_space<vmem>> -> memref<1x128xi32, #tpu.memory_space<vmem>>
    %dma_wait3A_46 = tpu.memref_squeeze %dma_wait3A_45 : memref<1x128xi32, #tpu.memory_space<vmem>> -> memref<128xi32, #tpu.memory_space<vmem>>
    %dma_wait3A_47 = arith.constant 0 : i32
    %dma_wait3A_48 = arith.constant 0 : i32
    %dma_wait3A_49 = tpu.memref_slice %arg17[%dma_wait3A_47, %dma_wait3A_48] : memref<10240x32xf32, #tpu.memory_space<vmem_shared>> -> memref<10240x32xf32, #tpu.memory_space<vmem_shared>>
    tpu.wait_indirect_dma semaphore(%arg24 : memref<!tpu.dma_semaphore, #tpu.memory_space<semaphore_mem>>) src(%arg13 : memref<128x32xf32, #tpu.memory_space<vmem>>) dst(%dma_wait3A_49 : memref<10240x32xf32, #tpu.memory_space<vmem_shared>>)
    %dma_wait3A_50 = arith.constant 79 : i32
    %dma_wait3A_51 = arith.constant 0 : i32
    %dma_wait3A_52 = tpu.memref_slice %arg10[%dma_wait3A_50, %dma_wait3A_51] : memref<80x128xi32, #tpu.memory_space<vmem>> -> memref<1x128xi32, #tpu.memory_space<vmem>>
    %dma_wait3A_53 = tpu.memref_squeeze %dma_wait3A_52 : memref<1x128xi32, #tpu.memory_space<vmem>> -> memref<128xi32, #tpu.memory_space<vmem>>
    %dma_wait3A_54 = arith.constant 0 : i32
    %dma_wait3A_55 = arith.constant 0 : i32
    %dma_wait3A_56 = tpu.memref_slice %arg17[%dma_wait3A_54, %dma_wait3A_55] : memref<10240x32xf32, #tpu.memory_space<vmem_shared>> -> memref<10240x32xf32, #tpu.memory_space<vmem_shared>>
    tpu.wait_indirect_dma semaphore(%arg25 : memref<!tpu.dma_semaphore, #tpu.memory_space<semaphore_mem>>) src(%arg14 : memref<128x32xf32, #tpu.memory_space<vmem>>) dst(%dma_wait3A_56 : memref<10240x32xf32, #tpu.memory_space<vmem_shared>>)
    %barrier3A_57 = arith.constant 0 : index
    tpu.barrier barrier_id(%barrier3A_57)
    %run_scoped3A = arith.constant 0 : i32
    "tpu.region"() ({
      %run_scoped3A_217 = tpu.sem_alloc : memref<!tpu.dma_semaphore, #tpu.memory_space<semaphore_mem>>
      %dma_start3A_218 = arith.constant 0 : i32
      %dma_start3A_219 = tpu.memref_slice %arg8[%arg0, %run_scoped3A, %mul3A_8, %dma_start3A_218] : memref<2x4x10240x32xf32, #tpu.memory_space<hbm>> -> memref<1x1x640x32xf32, #tpu.memory_space<hbm>>
      %dma_start3A_220 = tpu.memref_squeeze %dma_start3A_219 : memref<1x1x640x32xf32, #tpu.memory_space<hbm>> -> memref<640x32xf32, #tpu.memory_space<hbm>>
      %dma_start3A_221 = arith.constant 0 : i32
      %dma_start3A_222 = tpu.memref_slice %arg17[%mul3A_8, %dma_start3A_221] : memref<10240x32xf32, #tpu.memory_space<vmem_shared>> -> memref<640x32xf32, #tpu.memory_space<vmem_shared>>
      tpu.enqueue_dma source(%dma_start3A_222 : memref<640x32xf32, #tpu.memory_space<vmem_shared>>) target(%dma_start3A_220 : memref<640x32xf32, #tpu.memory_space<hbm>>) target_semaphore(%run_scoped3A_217 : memref<!tpu.dma_semaphore, #tpu.memory_space<semaphore_mem>>)
      %dma_wait3A_223 = arith.constant 0 : i32
      %dma_wait3A_224 = tpu.memref_slice %arg8[%arg0, %run_scoped3A, %mul3A_8, %dma_wait3A_223] : memref<2x4x10240x32xf32, #tpu.memory_space<hbm>> -> memref<1x1x640x32xf32, #tpu.memory_space<hbm>>
      %dma_wait3A_225 = tpu.memref_squeeze %dma_wait3A_224 : memref<1x1x640x32xf32, #tpu.memory_space<hbm>> -> memref<640x32xf32, #tpu.memory_space<hbm>>
      %dma_wait3A_226 = arith.constant 0 : i32
      %dma_wait3A_227 = tpu.memref_slice %arg17[%mul3A_8, %dma_wait3A_226] : memref<10240x32xf32, #tpu.memory_space<vmem_shared>> -> memref<640x32xf32, #tpu.memory_space<vmem_shared>>
      tpu.wait_dma2 semaphore(%run_scoped3A_217 : memref<!tpu.dma_semaphore, #tpu.memory_space<semaphore_mem>>) src(%dma_wait3A_227 : memref<640x32xf32, #tpu.memory_space<vmem_shared>>) dst(%dma_wait3A_225 : memref<640x32xf32, #tpu.memory_space<hbm>>)
      tpu.yield
    }) : () -> ()
    %dma_start3A_58 = arith.constant 0 : i32
    %dma_start3A_59 = tpu.memref_slice %arg16[%mul3A_8, %dma_start3A_58] : memref<10240x32xf32, #tpu.memory_space<vmem_shared>> -> memref<640x32xf32, #tpu.memory_space<vmem_shared>>
    %dma_start3A_60 = arith.constant 0 : i32
    %dma_start3A_61 = tpu.memref_slice %arg3[%mul3A_8, %dma_start3A_60] : memref<10240x32xf32, #tpu.memory_space<hbm>> -> memref<640x32xf32, #tpu.memory_space<hbm>>
    tpu.enqueue_dma source(%dma_start3A_61 : memref<640x32xf32, #tpu.memory_space<hbm>>) target(%dma_start3A_59 : memref<640x32xf32, #tpu.memory_space<vmem_shared>>) target_semaphore(%arg18 : memref<!tpu.dma_semaphore, #tpu.memory_space<semaphore_mem>>)
    %dma_start3A_62 = arith.constant 0 : i32
    %dma_start3A_63 = tpu.memref_slice %arg17[%mul3A_8, %dma_start3A_62] : memref<10240x32xf32, #tpu.memory_space<vmem_shared>> -> memref<640x32xf32, #tpu.memory_space<vmem_shared>>
    %dma_start3A_64 = arith.constant 0 : i32
    %dma_start3A_65 = tpu.memref_slice %arg17[%mul3A_8, %dma_start3A_64] : memref<10240x32xf32, #tpu.memory_space<vmem_shared>> -> memref<640x32xf32, #tpu.memory_space<vmem_shared>>
    tpu.enqueue_dma source(%arg15 : memref<640x32xf32, #tpu.memory_space<vmem>>) target(%dma_start3A_65 : memref<640x32xf32, #tpu.memory_space<vmem_shared>>) target_semaphore(%arg19 : memref<!tpu.dma_semaphore, #tpu.memory_space<semaphore_mem>>)
    %dma_wait3A_66 = arith.constant 0 : i32
    %dma_wait3A_67 = tpu.memref_slice %arg16[%mul3A_8, %dma_wait3A_66] : memref<10240x32xf32, #tpu.memory_space<vmem_shared>> -> memref<640x32xf32, #tpu.memory_space<vmem_shared>>
    %dma_wait3A_68 = arith.constant 0 : i32
    %dma_wait3A_69 = tpu.memref_slice %arg3[%mul3A_8, %dma_wait3A_68] : memref<10240x32xf32, #tpu.memory_space<hbm>> -> memref<640x32xf32, #tpu.memory_space<hbm>>
    tpu.wait_dma2 semaphore(%arg18 : memref<!tpu.dma_semaphore, #tpu.memory_space<semaphore_mem>>) src(%dma_wait3A_69 : memref<640x32xf32, #tpu.memory_space<hbm>>) dst(%dma_wait3A_67 : memref<640x32xf32, #tpu.memory_space<vmem_shared>>)
    %dma_wait3A_70 = arith.constant 0 : i32
    %dma_wait3A_71 = tpu.memref_slice %arg17[%mul3A_8, %dma_wait3A_70] : memref<10240x32xf32, #tpu.memory_space<vmem_shared>> -> memref<640x32xf32, #tpu.memory_space<vmem_shared>>
    %dma_wait3A_72 = arith.constant 0 : i32
    %dma_wait3A_73 = tpu.memref_slice %arg17[%mul3A_8, %dma_wait3A_72] : memref<10240x32xf32, #tpu.memory_space<vmem_shared>> -> memref<640x32xf32, #tpu.memory_space<vmem_shared>>
    tpu.wait_dma2 semaphore(%arg19 : memref<!tpu.dma_semaphore, #tpu.memory_space<semaphore_mem>>) src(%arg15 : memref<640x32xf32, #tpu.memory_space<vmem>>) dst(%dma_wait3A_73 : memref<640x32xf32, #tpu.memory_space<vmem_shared>>)
    %barrier3A_74 = arith.constant 0 : index
    tpu.barrier barrier_id(%barrier3A_74)
    %dma_start3A_75 = arith.constant 0 : i32
    %dma_start3A_76 = arith.constant 0 : i32
    %dma_start3A_77 = tpu.memref_slice %arg9[%dma_start3A_75, %dma_start3A_76] : memref<80x128xi32, #tpu.memory_space<vmem>> -> memref<1x128xi32, #tpu.memory_space<vmem>>
    %dma_start3A_78 = tpu.memref_squeeze %dma_start3A_77 : memref<1x128xi32, #tpu.memory_space<vmem>> -> memref<128xi32, #tpu.memory_space<vmem>>
    %dma_start3A_79 = arith.constant 0 : i32
    %dma_start3A_80 = arith.constant 0 : i32
    %dma_start3A_81 = tpu.memref_slice %arg16[%dma_start3A_79, %dma_start3A_80] : memref<10240x32xf32, #tpu.memory_space<vmem_shared>> -> memref<10240x32xf32, #tpu.memory_space<vmem_shared>>
    tpu.enqueue_indirect_dma source(%dma_start3A_81 : memref<10240x32xf32, #tpu.memory_space<vmem_shared>>) target(%arg11 : memref<128x32xf32, #tpu.memory_space<vmem>>) offsets(%dma_start3A_78 : memref<128xi32, #tpu.memory_space<vmem>>) semaphore(%arg18 : memref<!tpu.dma_semaphore, #tpu.memory_space<semaphore_mem>>)
    %dma_start3A_82 = arith.constant 1 : i32
    %dma_start3A_83 = arith.constant 0 : i32
    %dma_start3A_84 = tpu.memref_slice %arg9[%dma_start3A_82, %dma_start3A_83] : memref<80x128xi32, #tpu.memory_space<vmem>> -> memref<1x128xi32, #tpu.memory_space<vmem>>
    %dma_start3A_85 = tpu.memref_squeeze %dma_start3A_84 : memref<1x128xi32, #tpu.memory_space<vmem>> -> memref<128xi32, #tpu.memory_space<vmem>>
    %dma_start3A_86 = arith.constant 0 : i32
    %dma_start3A_87 = arith.constant 0 : i32
    %dma_start3A_88 = tpu.memref_slice %arg16[%dma_start3A_86, %dma_start3A_87] : memref<10240x32xf32, #tpu.memory_space<vmem_shared>> -> memref<10240x32xf32, #tpu.memory_space<vmem_shared>>
    tpu.enqueue_indirect_dma source(%dma_start3A_88 : memref<10240x32xf32, #tpu.memory_space<vmem_shared>>) target(%arg12 : memref<128x32xf32, #tpu.memory_space<vmem>>) offsets(%dma_start3A_85 : memref<128xi32, #tpu.memory_space<vmem>>) semaphore(%arg19 : memref<!tpu.dma_semaphore, #tpu.memory_space<semaphore_mem>>)
    %scan3A_89 = arith.constant 0 : i32
    %scan3A_90 = arith.constant 0 : i32
    %scan3A_91 = arith.constant 20 : i32
    %scan3A_92 = arith.addi %scan3A_90, %scan3A_91 : i32
    %scan3A_93 = arith.constant 1 : i32
    scf.for %scan3A_217 = %scan3A_90 to %scan3A_92 step %scan3A_93  : i32 {
      %mul3A_218 = arith.constant 4 : i32
      %mul3A_219 = arith.muli %mul3A_218, %scan3A_217 : i32
      %add3A_220 = arith.constant 0 : i32
      %add3A_221 = arith.addi %mul3A_219, %add3A_220 : i32
      %dma_wait3A_222 = arith.constant 0 : i32
      %dma_wait3A_223 = tpu.memref_slice %arg9[%add3A_221, %dma_wait3A_222] : memref<80x128xi32, #tpu.memory_space<vmem>> -> memref<1x128xi32, #tpu.memory_space<vmem>>
      %dma_wait3A_224 = tpu.memref_squeeze %dma_wait3A_223 : memref<1x128xi32, #tpu.memory_space<vmem>> -> memref<128xi32, #tpu.memory_space<vmem>>
      %dma_wait3A_225 = arith.constant 0 : i32
      %dma_wait3A_226 = arith.constant 0 : i32
      %dma_wait3A_227 = tpu.memref_slice %arg16[%dma_wait3A_225, %dma_wait3A_226] : memref<10240x32xf32, #tpu.memory_space<vmem_shared>> -> memref<10240x32xf32, #tpu.memory_space<vmem_shared>>
      tpu.wait_indirect_dma semaphore(%arg18 : memref<!tpu.dma_semaphore, #tpu.memory_space<semaphore_mem>>) src(%dma_wait3A_227 : memref<10240x32xf32, #tpu.memory_space<vmem_shared>>) dst(%arg11 : memref<128x32xf32, #tpu.memory_space<vmem>>)
      %dma_start3A_228 = arith.constant 0 : i32
      %dma_start3A_229 = tpu.memref_slice %arg10[%add3A_221, %dma_start3A_228] : memref<80x128xi32, #tpu.memory_space<vmem>> -> memref<1x128xi32, #tpu.memory_space<vmem>>
      %dma_start3A_230 = tpu.memref_squeeze %dma_start3A_229 : memref<1x128xi32, #tpu.memory_space<vmem>> -> memref<128xi32, #tpu.memory_space<vmem>>
      %dma_start3A_231 = arith.constant 0 : i32
      %dma_start3A_232 = arith.constant 0 : i32
      %dma_start3A_233 = tpu.memref_slice %arg17[%dma_start3A_231, %dma_start3A_232] : memref<10240x32xf32, #tpu.memory_space<vmem_shared>> -> memref<10240x32xf32, #tpu.memory_space<vmem_shared>>
      tpu.enqueue_indirect_dma source(%arg11 : memref<128x32xf32, #tpu.memory_space<vmem>>) target(%dma_start3A_233 : memref<10240x32xf32, #tpu.memory_space<vmem_shared>>) offsets(%dma_start3A_230 : memref<128xi32, #tpu.memory_space<vmem>>) semaphore(%arg22 : memref<!tpu.dma_semaphore, #tpu.memory_space<semaphore_mem>>) {add = true}
      %ge3A = arith.constant 2 : i32
      %ge3A_234 = arith.cmpi sge, %add3A_221, %ge3A : i32
      %convert_element_type3A = arith.extui %ge3A_234 : i1 to i32
      %cond3A = arith.constant 0 : i32
      %cond3A_235 = arith.cmpi ne, %convert_element_type3A, %cond3A : i32
      scf.if %cond3A_235 {
        %dma_wait3A_320 = arith.constant 0 : i32
        %dma_wait3A_321 = tpu.memref_slice %arg10[%add3A_221, %dma_wait3A_320] : memref<80x128xi32, #tpu.memory_space<vmem>> -> memref<1x128xi32, #tpu.memory_space<vmem>>
        %dma_wait3A_322 = tpu.memref_squeeze %dma_wait3A_321 : memref<1x128xi32, #tpu.memory_space<vmem>> -> memref<128xi32, #tpu.memory_space<vmem>>
        %dma_wait3A_323 = arith.constant 0 : i32
        %dma_wait3A_324 = arith.constant 0 : i32
        %dma_wait3A_325 = tpu.memref_slice %arg17[%dma_wait3A_323, %dma_wait3A_324] : memref<10240x32xf32, #tpu.memory_space<vmem_shared>> -> memref<10240x32xf32, #tpu.memory_space<vmem_shared>>
        tpu.wait_indirect_dma semaphore(%arg24 : memref<!tpu.dma_semaphore, #tpu.memory_space<semaphore_mem>>) src(%arg13 : memref<128x32xf32, #tpu.memory_space<vmem>>) dst(%dma_wait3A_325 : memref<10240x32xf32, #tpu.memory_space<vmem_shared>>)
      } else {
      }
      %add3A_236 = arith.constant 2 : i32
      %add3A_237 = arith.addi %add3A_221, %add3A_236 : i32
      %lt3A = arith.constant 80 : i32
      %lt3A_238 = arith.cmpi slt, %add3A_237, %lt3A : i32
      %convert_element_type3A_239 = arith.extui %lt3A_238 : i1 to i32
      %cond3A_240 = arith.constant 0 : i32
      %cond3A_241 = arith.cmpi ne, %convert_element_type3A_239, %cond3A_240 : i32
      scf.if %cond3A_241 {
        %add3A_320 = arith.constant 2 : i32
        %add3A_321 = arith.addi %add3A_221, %add3A_320 : i32
        %dma_start3A_322 = arith.constant 0 : i32
        %dma_start3A_323 = tpu.memref_slice %arg9[%add3A_321, %dma_start3A_322] : memref<80x128xi32, #tpu.memory_space<vmem>> -> memref<1x128xi32, #tpu.memory_space<vmem>>
        %dma_start3A_324 = tpu.memref_squeeze %dma_start3A_323 : memref<1x128xi32, #tpu.memory_space<vmem>> -> memref<128xi32, #tpu.memory_space<vmem>>
        %dma_start3A_325 = arith.constant 0 : i32
        %dma_start3A_326 = arith.constant 0 : i32
        %dma_start3A_327 = tpu.memref_slice %arg16[%dma_start3A_325, %dma_start3A_326] : memref<10240x32xf32, #tpu.memory_space<vmem_shared>> -> memref<10240x32xf32, #tpu.memory_space<vmem_shared>>
        tpu.enqueue_indirect_dma source(%dma_start3A_327 : memref<10240x32xf32, #tpu.memory_space<vmem_shared>>) target(%arg13 : memref<128x32xf32, #tpu.memory_space<vmem>>) offsets(%dma_start3A_324 : memref<128xi32, #tpu.memory_space<vmem>>) semaphore(%arg20 : memref<!tpu.dma_semaphore, #tpu.memory_space<semaphore_mem>>)
      } else {
      }
      %add3A_242 = arith.constant 1 : i32
      %add3A_243 = arith.addi %mul3A_219, %add3A_242 : i32
      %dma_wait3A_244 = arith.constant 0 : i32
      %dma_wait3A_245 = tpu.memref_slice %arg9[%add3A_243, %dma_wait3A_244] : memref<80x128xi32, #tpu.memory_space<vmem>> -> memref<1x128xi32, #tpu.memory_space<vmem>>
      %dma_wait3A_246 = tpu.memref_squeeze %dma_wait3A_245 : memref<1x128xi32, #tpu.memory_space<vmem>> -> memref<128xi32, #tpu.memory_space<vmem>>
      %dma_wait3A_247 = arith.constant 0 : i32
      %dma_wait3A_248 = arith.constant 0 : i32
      %dma_wait3A_249 = tpu.memref_slice %arg16[%dma_wait3A_247, %dma_wait3A_248] : memref<10240x32xf32, #tpu.memory_space<vmem_shared>> -> memref<10240x32xf32, #tpu.memory_space<vmem_shared>>
      tpu.wait_indirect_dma semaphore(%arg19 : memref<!tpu.dma_semaphore, #tpu.memory_space<semaphore_mem>>) src(%dma_wait3A_249 : memref<10240x32xf32, #tpu.memory_space<vmem_shared>>) dst(%arg12 : memref<128x32xf32, #tpu.memory_space<vmem>>)
      %dma_start3A_250 = arith.constant 0 : i32
      %dma_start3A_251 = tpu.memref_slice %arg10[%add3A_243, %dma_start3A_250] : memref<80x128xi32, #tpu.memory_space<vmem>> -> memref<1x128xi32, #tpu.memory_space<vmem>>
      %dma_start3A_252 = tpu.memref_squeeze %dma_start3A_251 : memref<1x128xi32, #tpu.memory_space<vmem>> -> memref<128xi32, #tpu.memory_space<vmem>>
      %dma_start3A_253 = arith.constant 0 : i32
      %dma_start3A_254 = arith.constant 0 : i32
      %dma_start3A_255 = tpu.memref_slice %arg17[%dma_start3A_253, %dma_start3A_254] : memref<10240x32xf32, #tpu.memory_space<vmem_shared>> -> memref<10240x32xf32, #tpu.memory_space<vmem_shared>>
      tpu.enqueue_indirect_dma source(%arg12 : memref<128x32xf32, #tpu.memory_space<vmem>>) target(%dma_start3A_255 : memref<10240x32xf32, #tpu.memory_space<vmem_shared>>) offsets(%dma_start3A_252 : memref<128xi32, #tpu.memory_space<vmem>>) semaphore(%arg23 : memref<!tpu.dma_semaphore, #tpu.memory_space<semaphore_mem>>) {add = true}
      %ge3A_256 = arith.constant 2 : i32
      %ge3A_257 = arith.cmpi sge, %add3A_243, %ge3A_256 : i32
      %convert_element_type3A_258 = arith.extui %ge3A_257 : i1 to i32
      %cond3A_259 = arith.constant 0 : i32
      %cond3A_260 = arith.cmpi ne, %convert_element_type3A_258, %cond3A_259 : i32
      scf.if %cond3A_260 {
        %dma_wait3A_320 = arith.constant 0 : i32
        %dma_wait3A_321 = tpu.memref_slice %arg10[%add3A_243, %dma_wait3A_320] : memref<80x128xi32, #tpu.memory_space<vmem>> -> memref<1x128xi32, #tpu.memory_space<vmem>>
        %dma_wait3A_322 = tpu.memref_squeeze %dma_wait3A_321 : memref<1x128xi32, #tpu.memory_space<vmem>> -> memref<128xi32, #tpu.memory_space<vmem>>
        %dma_wait3A_323 = arith.constant 0 : i32
        %dma_wait3A_324 = arith.constant 0 : i32
        %dma_wait3A_325 = tpu.memref_slice %arg17[%dma_wait3A_323, %dma_wait3A_324] : memref<10240x32xf32, #tpu.memory_space<vmem_shared>> -> memref<10240x32xf32, #tpu.memory_space<vmem_shared>>
        tpu.wait_indirect_dma semaphore(%arg25 : memref<!tpu.dma_semaphore, #tpu.memory_space<semaphore_mem>>) src(%arg14 : memref<128x32xf32, #tpu.memory_space<vmem>>) dst(%dma_wait3A_325 : memref<10240x32xf32, #tpu.memory_space<vmem_shared>>)
      } else {
      }
      %add3A_261 = arith.constant 2 : i32
      %add3A_262 = arith.addi %add3A_243, %add3A_261 : i32
      %lt3A_263 = arith.constant 80 : i32
      %lt3A_264 = arith.cmpi slt, %add3A_262, %lt3A_263 : i32
      %convert_element_type3A_265 = arith.extui %lt3A_264 : i1 to i32
      %cond3A_266 = arith.constant 0 : i32
      %cond3A_267 = arith.cmpi ne, %convert_element_type3A_265, %cond3A_266 : i32
      scf.if %cond3A_267 {
        %add3A_320 = arith.constant 2 : i32
        %add3A_321 = arith.addi %add3A_243, %add3A_320 : i32
        %dma_start3A_322 = arith.constant 0 : i32
        %dma_start3A_323 = tpu.memref_slice %arg9[%add3A_321, %dma_start3A_322] : memref<80x128xi32, #tpu.memory_space<vmem>> -> memref<1x128xi32, #tpu.memory_space<vmem>>
        %dma_start3A_324 = tpu.memref_squeeze %dma_start3A_323 : memref<1x128xi32, #tpu.memory_space<vmem>> -> memref<128xi32, #tpu.memory_space<vmem>>
        %dma_start3A_325 = arith.constant 0 : i32
        %dma_start3A_326 = arith.constant 0 : i32
        %dma_start3A_327 = tpu.memref_slice %arg16[%dma_start3A_325, %dma_start3A_326] : memref<10240x32xf32, #tpu.memory_space<vmem_shared>> -> memref<10240x32xf32, #tpu.memory_space<vmem_shared>>
        tpu.enqueue_indirect_dma source(%dma_start3A_327 : memref<10240x32xf32, #tpu.memory_space<vmem_shared>>) target(%arg14 : memref<128x32xf32, #tpu.memory_space<vmem>>) offsets(%dma_start3A_324 : memref<128xi32, #tpu.memory_space<vmem>>) semaphore(%arg21 : memref<!tpu.dma_semaphore, #tpu.memory_space<semaphore_mem>>)
      } else {
      }
      %add3A_268 = arith.constant 2 : i32
      %add3A_269 = arith.addi %mul3A_219, %add3A_268 : i32
      %dma_wait3A_270 = arith.constant 0 : i32
      %dma_wait3A_271 = tpu.memref_slice %arg9[%add3A_269, %dma_wait3A_270] : memref<80x128xi32, #tpu.memory_space<vmem>> -> memref<1x128xi32, #tpu.memory_space<vmem>>
      %dma_wait3A_272 = tpu.memref_squeeze %dma_wait3A_271 : memref<1x128xi32, #tpu.memory_space<vmem>> -> memref<128xi32, #tpu.memory_space<vmem>>
      %dma_wait3A_273 = arith.constant 0 : i32
      %dma_wait3A_274 = arith.constant 0 : i32
      %dma_wait3A_275 = tpu.memref_slice %arg16[%dma_wait3A_273, %dma_wait3A_274] : memref<10240x32xf32, #tpu.memory_space<vmem_shared>> -> memref<10240x32xf32, #tpu.memory_space<vmem_shared>>
      tpu.wait_indirect_dma semaphore(%arg20 : memref<!tpu.dma_semaphore, #tpu.memory_space<semaphore_mem>>) src(%dma_wait3A_275 : memref<10240x32xf32, #tpu.memory_space<vmem_shared>>) dst(%arg13 : memref<128x32xf32, #tpu.memory_space<vmem>>)
      %dma_start3A_276 = arith.constant 0 : i32
      %dma_start3A_277 = tpu.memref_slice %arg10[%add3A_269, %dma_start3A_276] : memref<80x128xi32, #tpu.memory_space<vmem>> -> memref<1x128xi32, #tpu.memory_space<vmem>>
      %dma_start3A_278 = tpu.memref_squeeze %dma_start3A_277 : memref<1x128xi32, #tpu.memory_space<vmem>> -> memref<128xi32, #tpu.memory_space<vmem>>
      %dma_start3A_279 = arith.constant 0 : i32
      %dma_start3A_280 = arith.constant 0 : i32
      %dma_start3A_281 = tpu.memref_slice %arg17[%dma_start3A_279, %dma_start3A_280] : memref<10240x32xf32, #tpu.memory_space<vmem_shared>> -> memref<10240x32xf32, #tpu.memory_space<vmem_shared>>
      tpu.enqueue_indirect_dma source(%arg13 : memref<128x32xf32, #tpu.memory_space<vmem>>) target(%dma_start3A_281 : memref<10240x32xf32, #tpu.memory_space<vmem_shared>>) offsets(%dma_start3A_278 : memref<128xi32, #tpu.memory_space<vmem>>) semaphore(%arg24 : memref<!tpu.dma_semaphore, #tpu.memory_space<semaphore_mem>>) {add = true}
      %ge3A_282 = arith.constant 2 : i32
      %ge3A_283 = arith.cmpi sge, %add3A_269, %ge3A_282 : i32
      %convert_element_type3A_284 = arith.extui %ge3A_283 : i1 to i32
      %cond3A_285 = arith.constant 0 : i32
      %cond3A_286 = arith.cmpi ne, %convert_element_type3A_284, %cond3A_285 : i32
      scf.if %cond3A_286 {
        %dma_wait3A_320 = arith.constant 0 : i32
        %dma_wait3A_321 = tpu.memref_slice %arg10[%add3A_269, %dma_wait3A_320] : memref<80x128xi32, #tpu.memory_space<vmem>> -> memref<1x128xi32, #tpu.memory_space<vmem>>
        %dma_wait3A_322 = tpu.memref_squeeze %dma_wait3A_321 : memref<1x128xi32, #tpu.memory_space<vmem>> -> memref<128xi32, #tpu.memory_space<vmem>>
        %dma_wait3A_323 = arith.constant 0 : i32
        %dma_wait3A_324 = arith.constant 0 : i32
        %dma_wait3A_325 = tpu.memref_slice %arg17[%dma_wait3A_323, %dma_wait3A_324] : memref<10240x32xf32, #tpu.memory_space<vmem_shared>> -> memref<10240x32xf32, #tpu.memory_space<vmem_shared>>
        tpu.wait_indirect_dma semaphore(%arg22 : memref<!tpu.dma_semaphore, #tpu.memory_space<semaphore_mem>>) src(%arg11 : memref<128x32xf32, #tpu.memory_space<vmem>>) dst(%dma_wait3A_325 : memref<10240x32xf32, #tpu.memory_space<vmem_shared>>)
      } else {
      }
      %add3A_287 = arith.constant 2 : i32
      %add3A_288 = arith.addi %add3A_269, %add3A_287 : i32
      %lt3A_289 = arith.constant 80 : i32
      %lt3A_290 = arith.cmpi slt, %add3A_288, %lt3A_289 : i32
      %convert_element_type3A_291 = arith.extui %lt3A_290 : i1 to i32
      %cond3A_292 = arith.constant 0 : i32
      %cond3A_293 = arith.cmpi ne, %convert_element_type3A_291, %cond3A_292 : i32
      scf.if %cond3A_293 {
        %add3A_320 = arith.constant 2 : i32
        %add3A_321 = arith.addi %add3A_269, %add3A_320 : i32
        %dma_start3A_322 = arith.constant 0 : i32
        %dma_start3A_323 = tpu.memref_slice %arg9[%add3A_321, %dma_start3A_322] : memref<80x128xi32, #tpu.memory_space<vmem>> -> memref<1x128xi32, #tpu.memory_space<vmem>>
        %dma_start3A_324 = tpu.memref_squeeze %dma_start3A_323 : memref<1x128xi32, #tpu.memory_space<vmem>> -> memref<128xi32, #tpu.memory_space<vmem>>
        %dma_start3A_325 = arith.constant 0 : i32
        %dma_start3A_326 = arith.constant 0 : i32
        %dma_start3A_327 = tpu.memref_slice %arg16[%dma_start3A_325, %dma_start3A_326] : memref<10240x32xf32, #tpu.memory_space<vmem_shared>> -> memref<10240x32xf32, #tpu.memory_space<vmem_shared>>
        tpu.enqueue_indirect_dma source(%dma_start3A_327 : memref<10240x32xf32, #tpu.memory_space<vmem_shared>>) target(%arg11 : memref<128x32xf32, #tpu.memory_space<vmem>>) offsets(%dma_start3A_324 : memref<128xi32, #tpu.memory_space<vmem>>) semaphore(%arg18 : memref<!tpu.dma_semaphore, #tpu.memory_space<semaphore_mem>>)
      } else {
      }
      %add3A_294 = arith.constant 3 : i32
      %add3A_295 = arith.addi %mul3A_219, %add3A_294 : i32
      %dma_wait3A_296 = arith.constant 0 : i32
      %dma_wait3A_297 = tpu.memref_slice %arg9[%add3A_295, %dma_wait3A_296] : memref<80x128xi32, #tpu.memory_space<vmem>> -> memref<1x128xi32, #tpu.memory_space<vmem>>
      %dma_wait3A_298 = tpu.memref_squeeze %dma_wait3A_297 : memref<1x128xi32, #tpu.memory_space<vmem>> -> memref<128xi32, #tpu.memory_space<vmem>>
      %dma_wait3A_299 = arith.constant 0 : i32
      %dma_wait3A_300 = arith.constant 0 : i32
      %dma_wait3A_301 = tpu.memref_slice %arg16[%dma_wait3A_299, %dma_wait3A_300] : memref<10240x32xf32, #tpu.memory_space<vmem_shared>> -> memref<10240x32xf32, #tpu.memory_space<vmem_shared>>
      tpu.wait_indirect_dma semaphore(%arg21 : memref<!tpu.dma_semaphore, #tpu.memory_space<semaphore_mem>>) src(%dma_wait3A_301 : memref<10240x32xf32, #tpu.memory_space<vmem_shared>>) dst(%arg14 : memref<128x32xf32, #tpu.memory_space<vmem>>)
      %dma_start3A_302 = arith.constant 0 : i32
      %dma_start3A_303 = tpu.memref_slice %arg10[%add3A_295, %dma_start3A_302] : memref<80x128xi32, #tpu.memory_space<vmem>> -> memref<1x128xi32, #tpu.memory_space<vmem>>
      %dma_start3A_304 = tpu.memref_squeeze %dma_start3A_303 : memref<1x128xi32, #tpu.memory_space<vmem>> -> memref<128xi32, #tpu.memory_space<vmem>>
      %dma_start3A_305 = arith.constant 0 : i32
      %dma_start3A_306 = arith.constant 0 : i32
      %dma_start3A_307 = tpu.memref_slice %arg17[%dma_start3A_305, %dma_start3A_306] : memref<10240x32xf32, #tpu.memory_space<vmem_shared>> -> memref<10240x32xf32, #tpu.memory_space<vmem_shared>>
      tpu.enqueue_indirect_dma source(%arg14 : memref<128x32xf32, #tpu.memory_space<vmem>>) target(%dma_start3A_307 : memref<10240x32xf32, #tpu.memory_space<vmem_shared>>) offsets(%dma_start3A_304 : memref<128xi32, #tpu.memory_space<vmem>>) semaphore(%arg25 : memref<!tpu.dma_semaphore, #tpu.memory_space<semaphore_mem>>) {add = true}
      %ge3A_308 = arith.constant 2 : i32
      %ge3A_309 = arith.cmpi sge, %add3A_295, %ge3A_308 : i32
      %convert_element_type3A_310 = arith.extui %ge3A_309 : i1 to i32
      %cond3A_311 = arith.constant 0 : i32
      %cond3A_312 = arith.cmpi ne, %convert_element_type3A_310, %cond3A_311 : i32
      scf.if %cond3A_312 {
        %dma_wait3A_320 = arith.constant 0 : i32
        %dma_wait3A_321 = tpu.memref_slice %arg10[%add3A_295, %dma_wait3A_320] : memref<80x128xi32, #tpu.memory_space<vmem>> -> memref<1x128xi32, #tpu.memory_space<vmem>>
        %dma_wait3A_322 = tpu.memref_squeeze %dma_wait3A_321 : memref<1x128xi32, #tpu.memory_space<vmem>> -> memref<128xi32, #tpu.memory_space<vmem>>
        %dma_wait3A_323 = arith.constant 0 : i32
        %dma_wait3A_324 = arith.constant 0 : i32
        %dma_wait3A_325 = tpu.memref_slice %arg17[%dma_wait3A_323, %dma_wait3A_324] : memref<10240x32xf32, #tpu.memory_space<vmem_shared>> -> memref<10240x32xf32, #tpu.memory_space<vmem_shared>>
        tpu.wait_indirect_dma semaphore(%arg23 : memref<!tpu.dma_semaphore, #tpu.memory_space<semaphore_mem>>) src(%arg12 : memref<128x32xf32, #tpu.memory_space<vmem>>) dst(%dma_wait3A_325 : memref<10240x32xf32, #tpu.memory_space<vmem_shared>>)
      } else {
      }
      %add3A_313 = arith.constant 2 : i32
      %add3A_314 = arith.addi %add3A_295, %add3A_313 : i32
      %lt3A_315 = arith.constant 80 : i32
      %lt3A_316 = arith.cmpi slt, %add3A_314, %lt3A_315 : i32
      %convert_element_type3A_317 = arith.extui %lt3A_316 : i1 to i32
      %cond3A_318 = arith.constant 0 : i32
      %cond3A_319 = arith.cmpi ne, %convert_element_type3A_317, %cond3A_318 : i32
      scf.if %cond3A_319 {
        %add3A_320 = arith.constant 2 : i32
        %add3A_321 = arith.addi %add3A_295, %add3A_320 : i32
        %dma_start3A_322 = arith.constant 0 : i32
        %dma_start3A_323 = tpu.memref_slice %arg9[%add3A_321, %dma_start3A_322] : memref<80x128xi32, #tpu.memory_space<vmem>> -> memref<1x128xi32, #tpu.memory_space<vmem>>
        %dma_start3A_324 = tpu.memref_squeeze %dma_start3A_323 : memref<1x128xi32, #tpu.memory_space<vmem>> -> memref<128xi32, #tpu.memory_space<vmem>>
        %dma_start3A_325 = arith.constant 0 : i32
        %dma_start3A_326 = arith.constant 0 : i32
        %dma_start3A_327 = tpu.memref_slice %arg16[%dma_start3A_325, %dma_start3A_326] : memref<10240x32xf32, #tpu.memory_space<vmem_shared>> -> memref<10240x32xf32, #tpu.memory_space<vmem_shared>>
        tpu.enqueue_indirect_dma source(%dma_start3A_327 : memref<10240x32xf32, #tpu.memory_space<vmem_shared>>) target(%arg12 : memref<128x32xf32, #tpu.memory_space<vmem>>) offsets(%dma_start3A_324 : memref<128xi32, #tpu.memory_space<vmem>>) semaphore(%arg19 : memref<!tpu.dma_semaphore, #tpu.memory_space<semaphore_mem>>)
      } else {
      }
    }
    %scan3A_94 = arith.constant 20 : i32
    %dma_wait3A_95 = arith.constant 78 : i32
    %dma_wait3A_96 = arith.constant 0 : i32
    %dma_wait3A_97 = tpu.memref_slice %arg10[%dma_wait3A_95, %dma_wait3A_96] : memref<80x128xi32, #tpu.memory_space<vmem>> -> memref<1x128xi32, #tpu.memory_space<vmem>>
    %dma_wait3A_98 = tpu.memref_squeeze %dma_wait3A_97 : memref<1x128xi32, #tpu.memory_space<vmem>> -> memref<128xi32, #tpu.memory_space<vmem>>
    %dma_wait3A_99 = arith.constant 0 : i32
    %dma_wait3A_100 = arith.constant 0 : i32
    %dma_wait3A_101 = tpu.memref_slice %arg17[%dma_wait3A_99, %dma_wait3A_100] : memref<10240x32xf32, #tpu.memory_space<vmem_shared>> -> memref<10240x32xf32, #tpu.memory_space<vmem_shared>>
    tpu.wait_indirect_dma semaphore(%arg24 : memref<!tpu.dma_semaphore, #tpu.memory_space<semaphore_mem>>) src(%arg13 : memref<128x32xf32, #tpu.memory_space<vmem>>) dst(%dma_wait3A_101 : memref<10240x32xf32, #tpu.memory_space<vmem_shared>>)
    %dma_wait3A_102 = arith.constant 79 : i32
    %dma_wait3A_103 = arith.constant 0 : i32
    %dma_wait3A_104 = tpu.memref_slice %arg10[%dma_wait3A_102, %dma_wait3A_103] : memref<80x128xi32, #tpu.memory_space<vmem>> -> memref<1x128xi32, #tpu.memory_space<vmem>>
    %dma_wait3A_105 = tpu.memref_squeeze %dma_wait3A_104 : memref<1x128xi32, #tpu.memory_space<vmem>> -> memref<128xi32, #tpu.memory_space<vmem>>
    %dma_wait3A_106 = arith.constant 0 : i32
    %dma_wait3A_107 = arith.constant 0 : i32
    %dma_wait3A_108 = tpu.memref_slice %arg17[%dma_wait3A_106, %dma_wait3A_107] : memref<10240x32xf32, #tpu.memory_space<vmem_shared>> -> memref<10240x32xf32, #tpu.memory_space<vmem_shared>>
    tpu.wait_indirect_dma semaphore(%arg25 : memref<!tpu.dma_semaphore, #tpu.memory_space<semaphore_mem>>) src(%arg14 : memref<128x32xf32, #tpu.memory_space<vmem>>) dst(%dma_wait3A_108 : memref<10240x32xf32, #tpu.memory_space<vmem_shared>>)
    %barrier3A_109 = arith.constant 0 : index
    tpu.barrier barrier_id(%barrier3A_109)
    %run_scoped3A_110 = arith.constant 1 : i32
    "tpu.region"() ({
      %run_scoped3A_217 = tpu.sem_alloc : memref<!tpu.dma_semaphore, #tpu.memory_space<semaphore_mem>>
      %dma_start3A_218 = arith.constant 0 : i32
      %dma_start3A_219 = tpu.memref_slice %arg8[%arg0, %run_scoped3A_110, %mul3A_8, %dma_start3A_218] : memref<2x4x10240x32xf32, #tpu.memory_space<hbm>> -> memref<1x1x640x32xf32, #tpu.memory_space<hbm>>
      %dma_start3A_220 = tpu.memref_squeeze %dma_start3A_219 : memref<1x1x640x32xf32, #tpu.memory_space<hbm>> -> memref<640x32xf32, #tpu.memory_space<hbm>>
      %dma_start3A_221 = arith.constant 0 : i32
      %dma_start3A_222 = tpu.memref_slice %arg17[%mul3A_8, %dma_start3A_221] : memref<10240x32xf32, #tpu.memory_space<vmem_shared>> -> memref<640x32xf32, #tpu.memory_space<vmem_shared>>
      tpu.enqueue_dma source(%dma_start3A_222 : memref<640x32xf32, #tpu.memory_space<vmem_shared>>) target(%dma_start3A_220 : memref<640x32xf32, #tpu.memory_space<hbm>>) target_semaphore(%run_scoped3A_217 : memref<!tpu.dma_semaphore, #tpu.memory_space<semaphore_mem>>)
      %dma_wait3A_223 = arith.constant 0 : i32
      %dma_wait3A_224 = tpu.memref_slice %arg8[%arg0, %run_scoped3A_110, %mul3A_8, %dma_wait3A_223] : memref<2x4x10240x32xf32, #tpu.memory_space<hbm>> -> memref<1x1x640x32xf32, #tpu.memory_space<hbm>>
      %dma_wait3A_225 = tpu.memref_squeeze %dma_wait3A_224 : memref<1x1x640x32xf32, #tpu.memory_space<hbm>> -> memref<640x32xf32, #tpu.memory_space<hbm>>
      %dma_wait3A_226 = arith.constant 0 : i32
      %dma_wait3A_227 = tpu.memref_slice %arg17[%mul3A_8, %dma_wait3A_226] : memref<10240x32xf32, #tpu.memory_space<vmem_shared>> -> memref<640x32xf32, #tpu.memory_space<vmem_shared>>
      tpu.wait_dma2 semaphore(%run_scoped3A_217 : memref<!tpu.dma_semaphore, #tpu.memory_space<semaphore_mem>>) src(%dma_wait3A_227 : memref<640x32xf32, #tpu.memory_space<vmem_shared>>) dst(%dma_wait3A_225 : memref<640x32xf32, #tpu.memory_space<hbm>>)
      tpu.yield
    }) : () -> ()
    %dma_start3A_111 = arith.constant 0 : i32
    %dma_start3A_112 = tpu.memref_slice %arg16[%mul3A_8, %dma_start3A_111] : memref<10240x32xf32, #tpu.memory_space<vmem_shared>> -> memref<640x32xf32, #tpu.memory_space<vmem_shared>>
    %dma_start3A_113 = arith.constant 0 : i32
    %dma_start3A_114 = tpu.memref_slice %arg4[%mul3A_8, %dma_start3A_113] : memref<10240x32xf32, #tpu.memory_space<hbm>> -> memref<640x32xf32, #tpu.memory_space<hbm>>
    tpu.enqueue_dma source(%dma_start3A_114 : memref<640x32xf32, #tpu.memory_space<hbm>>) target(%dma_start3A_112 : memref<640x32xf32, #tpu.memory_space<vmem_shared>>) target_semaphore(%arg18 : memref<!tpu.dma_semaphore, #tpu.memory_space<semaphore_mem>>)
    %dma_start3A_115 = arith.constant 0 : i32
    %dma_start3A_116 = tpu.memref_slice %arg17[%mul3A_8, %dma_start3A_115] : memref<10240x32xf32, #tpu.memory_space<vmem_shared>> -> memref<640x32xf32, #tpu.memory_space<vmem_shared>>
    %dma_start3A_117 = arith.constant 0 : i32
    %dma_start3A_118 = tpu.memref_slice %arg17[%mul3A_8, %dma_start3A_117] : memref<10240x32xf32, #tpu.memory_space<vmem_shared>> -> memref<640x32xf32, #tpu.memory_space<vmem_shared>>
    tpu.enqueue_dma source(%arg15 : memref<640x32xf32, #tpu.memory_space<vmem>>) target(%dma_start3A_118 : memref<640x32xf32, #tpu.memory_space<vmem_shared>>) target_semaphore(%arg19 : memref<!tpu.dma_semaphore, #tpu.memory_space<semaphore_mem>>)
    %dma_wait3A_119 = arith.constant 0 : i32
    %dma_wait3A_120 = tpu.memref_slice %arg16[%mul3A_8, %dma_wait3A_119] : memref<10240x32xf32, #tpu.memory_space<vmem_shared>> -> memref<640x32xf32, #tpu.memory_space<vmem_shared>>
    %dma_wait3A_121 = arith.constant 0 : i32
    %dma_wait3A_122 = tpu.memref_slice %arg4[%mul3A_8, %dma_wait3A_121] : memref<10240x32xf32, #tpu.memory_space<hbm>> -> memref<640x32xf32, #tpu.memory_space<hbm>>
    tpu.wait_dma2 semaphore(%arg18 : memref<!tpu.dma_semaphore, #tpu.memory_space<semaphore_mem>>) src(%dma_wait3A_122 : memref<640x32xf32, #tpu.memory_space<hbm>>) dst(%dma_wait3A_120 : memref<640x32xf32, #tpu.memory_space<vmem_shared>>)
    %dma_wait3A_123 = arith.constant 0 : i32
    %dma_wait3A_124 = tpu.memref_slice %arg17[%mul3A_8, %dma_wait3A_123] : memref<10240x32xf32, #tpu.memory_space<vmem_shared>> -> memref<640x32xf32, #tpu.memory_space<vmem_shared>>
    %dma_wait3A_125 = arith.constant 0 : i32
    %dma_wait3A_126 = tpu.memref_slice %arg17[%mul3A_8, %dma_wait3A_125] : memref<10240x32xf32, #tpu.memory_space<vmem_shared>> -> memref<640x32xf32, #tpu.memory_space<vmem_shared>>
    tpu.wait_dma2 semaphore(%arg19 : memref<!tpu.dma_semaphore, #tpu.memory_space<semaphore_mem>>) src(%arg15 : memref<640x32xf32, #tpu.memory_space<vmem>>) dst(%dma_wait3A_126 : memref<640x32xf32, #tpu.memory_space<vmem_shared>>)
    %barrier3A_127 = arith.constant 0 : index
    tpu.barrier barrier_id(%barrier3A_127)
    %dma_start3A_128 = arith.constant 0 : i32
    %dma_start3A_129 = arith.constant 0 : i32
    %dma_start3A_130 = tpu.memref_slice %arg9[%dma_start3A_128, %dma_start3A_129] : memref<80x128xi32, #tpu.memory_space<vmem>> -> memref<1x128xi32, #tpu.memory_space<vmem>>
    %dma_start3A_131 = tpu.memref_squeeze %dma_start3A_130 : memref<1x128xi32, #tpu.memory_space<vmem>> -> memref<128xi32, #tpu.memory_space<vmem>>
    %dma_start3A_132 = arith.constant 0 : i32
    %dma_start3A_133 = arith.constant 0 : i32
    %dma_start3A_134 = tpu.memref_slice %arg16[%dma_start3A_132, %dma_start3A_133] : memref<10240x32xf32, #tpu.memory_space<vmem_shared>> -> memref<10240x32xf32, #tpu.memory_space<vmem_shared>>
    tpu.enqueue_indirect_dma source(%dma_start3A_134 : memref<10240x32xf32, #tpu.memory_space<vmem_shared>>) target(%arg11 : memref<128x32xf32, #tpu.memory_space<vmem>>) offsets(%dma_start3A_131 : memref<128xi32, #tpu.memory_space<vmem>>) semaphore(%arg18 : memref<!tpu.dma_semaphore, #tpu.memory_space<semaphore_mem>>)
    %dma_start3A_135 = arith.constant 1 : i32
    %dma_start3A_136 = arith.constant 0 : i32
    %dma_start3A_137 = tpu.memref_slice %arg9[%dma_start3A_135, %dma_start3A_136] : memref<80x128xi32, #tpu.memory_space<vmem>> -> memref<1x128xi32, #tpu.memory_space<vmem>>
    %dma_start3A_138 = tpu.memref_squeeze %dma_start3A_137 : memref<1x128xi32, #tpu.memory_space<vmem>> -> memref<128xi32, #tpu.memory_space<vmem>>
    %dma_start3A_139 = arith.constant 0 : i32
    %dma_start3A_140 = arith.constant 0 : i32
    %dma_start3A_141 = tpu.memref_slice %arg16[%dma_start3A_139, %dma_start3A_140] : memref<10240x32xf32, #tpu.memory_space<vmem_shared>> -> memref<10240x32xf32, #tpu.memory_space<vmem_shared>>
    tpu.enqueue_indirect_dma source(%dma_start3A_141 : memref<10240x32xf32, #tpu.memory_space<vmem_shared>>) target(%arg12 : memref<128x32xf32, #tpu.memory_space<vmem>>) offsets(%dma_start3A_138 : memref<128xi32, #tpu.memory_space<vmem>>) semaphore(%arg19 : memref<!tpu.dma_semaphore, #tpu.memory_space<semaphore_mem>>)
    %scan3A_142 = arith.constant 0 : i32
    %scan3A_143 = arith.constant 0 : i32
    %scan3A_144 = arith.constant 20 : i32
    %scan3A_145 = arith.addi %scan3A_143, %scan3A_144 : i32
    %scan3A_146 = arith.constant 1 : i32
    scf.for %scan3A_217 = %scan3A_143 to %scan3A_145 step %scan3A_146  : i32 {
      %mul3A_218 = arith.constant 4 : i32
      %mul3A_219 = arith.muli %mul3A_218, %scan3A_217 : i32
      %add3A_220 = arith.constant 0 : i32
      %add3A_221 = arith.addi %mul3A_219, %add3A_220 : i32
      %dma_wait3A_222 = arith.constant 0 : i32
      %dma_wait3A_223 = tpu.memref_slice %arg9[%add3A_221, %dma_wait3A_222] : memref<80x128xi32, #tpu.memory_space<vmem>> -> memref<1x128xi32, #tpu.memory_space<vmem>>
      %dma_wait3A_224 = tpu.memref_squeeze %dma_wait3A_223 : memref<1x128xi32, #tpu.memory_space<vmem>> -> memref<128xi32, #tpu.memory_space<vmem>>
      %dma_wait3A_225 = arith.constant 0 : i32
      %dma_wait3A_226 = arith.constant 0 : i32
      %dma_wait3A_227 = tpu.memref_slice %arg16[%dma_wait3A_225, %dma_wait3A_226] : memref<10240x32xf32, #tpu.memory_space<vmem_shared>> -> memref<10240x32xf32, #tpu.memory_space<vmem_shared>>
      tpu.wait_indirect_dma semaphore(%arg18 : memref<!tpu.dma_semaphore, #tpu.memory_space<semaphore_mem>>) src(%dma_wait3A_227 : memref<10240x32xf32, #tpu.memory_space<vmem_shared>>) dst(%arg11 : memref<128x32xf32, #tpu.memory_space<vmem>>)
      %dma_start3A_228 = arith.constant 0 : i32
      %dma_start3A_229 = tpu.memref_slice %arg10[%add3A_221, %dma_start3A_228] : memref<80x128xi32, #tpu.memory_space<vmem>> -> memref<1x128xi32, #tpu.memory_space<vmem>>
      %dma_start3A_230 = tpu.memref_squeeze %dma_start3A_229 : memref<1x128xi32, #tpu.memory_space<vmem>> -> memref<128xi32, #tpu.memory_space<vmem>>
      %dma_start3A_231 = arith.constant 0 : i32
      %dma_start3A_232 = arith.constant 0 : i32
      %dma_start3A_233 = tpu.memref_slice %arg17[%dma_start3A_231, %dma_start3A_232] : memref<10240x32xf32, #tpu.memory_space<vmem_shared>> -> memref<10240x32xf32, #tpu.memory_space<vmem_shared>>
      tpu.enqueue_indirect_dma source(%arg11 : memref<128x32xf32, #tpu.memory_space<vmem>>) target(%dma_start3A_233 : memref<10240x32xf32, #tpu.memory_space<vmem_shared>>) offsets(%dma_start3A_230 : memref<128xi32, #tpu.memory_space<vmem>>) semaphore(%arg22 : memref<!tpu.dma_semaphore, #tpu.memory_space<semaphore_mem>>) {add = true}
      %ge3A = arith.constant 2 : i32
      %ge3A_234 = arith.cmpi sge, %add3A_221, %ge3A : i32
      %convert_element_type3A = arith.extui %ge3A_234 : i1 to i32
      %cond3A = arith.constant 0 : i32
      %cond3A_235 = arith.cmpi ne, %convert_element_type3A, %cond3A : i32
      scf.if %cond3A_235 {
        %dma_wait3A_320 = arith.constant 0 : i32
        %dma_wait3A_321 = tpu.memref_slice %arg10[%add3A_221, %dma_wait3A_320] : memref<80x128xi32, #tpu.memory_space<vmem>> -> memref<1x128xi32, #tpu.memory_space<vmem>>
        %dma_wait3A_322 = tpu.memref_squeeze %dma_wait3A_321 : memref<1x128xi32, #tpu.memory_space<vmem>> -> memref<128xi32, #tpu.memory_space<vmem>>
        %dma_wait3A_323 = arith.constant 0 : i32
        %dma_wait3A_324 = arith.constant 0 : i32
        %dma_wait3A_325 = tpu.memref_slice %arg17[%dma_wait3A_323, %dma_wait3A_324] : memref<10240x32xf32, #tpu.memory_space<vmem_shared>> -> memref<10240x32xf32, #tpu.memory_space<vmem_shared>>
        tpu.wait_indirect_dma semaphore(%arg24 : memref<!tpu.dma_semaphore, #tpu.memory_space<semaphore_mem>>) src(%arg13 : memref<128x32xf32, #tpu.memory_space<vmem>>) dst(%dma_wait3A_325 : memref<10240x32xf32, #tpu.memory_space<vmem_shared>>)
      } else {
      }
      %add3A_236 = arith.constant 2 : i32
      %add3A_237 = arith.addi %add3A_221, %add3A_236 : i32
      %lt3A = arith.constant 80 : i32
      %lt3A_238 = arith.cmpi slt, %add3A_237, %lt3A : i32
      %convert_element_type3A_239 = arith.extui %lt3A_238 : i1 to i32
      %cond3A_240 = arith.constant 0 : i32
      %cond3A_241 = arith.cmpi ne, %convert_element_type3A_239, %cond3A_240 : i32
      scf.if %cond3A_241 {
        %add3A_320 = arith.constant 2 : i32
        %add3A_321 = arith.addi %add3A_221, %add3A_320 : i32
        %dma_start3A_322 = arith.constant 0 : i32
        %dma_start3A_323 = tpu.memref_slice %arg9[%add3A_321, %dma_start3A_322] : memref<80x128xi32, #tpu.memory_space<vmem>> -> memref<1x128xi32, #tpu.memory_space<vmem>>
        %dma_start3A_324 = tpu.memref_squeeze %dma_start3A_323 : memref<1x128xi32, #tpu.memory_space<vmem>> -> memref<128xi32, #tpu.memory_space<vmem>>
        %dma_start3A_325 = arith.constant 0 : i32
        %dma_start3A_326 = arith.constant 0 : i32
        %dma_start3A_327 = tpu.memref_slice %arg16[%dma_start3A_325, %dma_start3A_326] : memref<10240x32xf32, #tpu.memory_space<vmem_shared>> -> memref<10240x32xf32, #tpu.memory_space<vmem_shared>>
        tpu.enqueue_indirect_dma source(%dma_start3A_327 : memref<10240x32xf32, #tpu.memory_space<vmem_shared>>) target(%arg13 : memref<128x32xf32, #tpu.memory_space<vmem>>) offsets(%dma_start3A_324 : memref<128xi32, #tpu.memory_space<vmem>>) semaphore(%arg20 : memref<!tpu.dma_semaphore, #tpu.memory_space<semaphore_mem>>)
      } else {
      }
      %add3A_242 = arith.constant 1 : i32
      %add3A_243 = arith.addi %mul3A_219, %add3A_242 : i32
      %dma_wait3A_244 = arith.constant 0 : i32
      %dma_wait3A_245 = tpu.memref_slice %arg9[%add3A_243, %dma_wait3A_244] : memref<80x128xi32, #tpu.memory_space<vmem>> -> memref<1x128xi32, #tpu.memory_space<vmem>>
      %dma_wait3A_246 = tpu.memref_squeeze %dma_wait3A_245 : memref<1x128xi32, #tpu.memory_space<vmem>> -> memref<128xi32, #tpu.memory_space<vmem>>
      %dma_wait3A_247 = arith.constant 0 : i32
      %dma_wait3A_248 = arith.constant 0 : i32
      %dma_wait3A_249 = tpu.memref_slice %arg16[%dma_wait3A_247, %dma_wait3A_248] : memref<10240x32xf32, #tpu.memory_space<vmem_shared>> -> memref<10240x32xf32, #tpu.memory_space<vmem_shared>>
      tpu.wait_indirect_dma semaphore(%arg19 : memref<!tpu.dma_semaphore, #tpu.memory_space<semaphore_mem>>) src(%dma_wait3A_249 : memref<10240x32xf32, #tpu.memory_space<vmem_shared>>) dst(%arg12 : memref<128x32xf32, #tpu.memory_space<vmem>>)
      %dma_start3A_250 = arith.constant 0 : i32
      %dma_start3A_251 = tpu.memref_slice %arg10[%add3A_243, %dma_start3A_250] : memref<80x128xi32, #tpu.memory_space<vmem>> -> memref<1x128xi32, #tpu.memory_space<vmem>>
      %dma_start3A_252 = tpu.memref_squeeze %dma_start3A_251 : memref<1x128xi32, #tpu.memory_space<vmem>> -> memref<128xi32, #tpu.memory_space<vmem>>
      %dma_start3A_253 = arith.constant 0 : i32
      %dma_start3A_254 = arith.constant 0 : i32
      %dma_start3A_255 = tpu.memref_slice %arg17[%dma_start3A_253, %dma_start3A_254] : memref<10240x32xf32, #tpu.memory_space<vmem_shared>> -> memref<10240x32xf32, #tpu.memory_space<vmem_shared>>
      tpu.enqueue_indirect_dma source(%arg12 : memref<128x32xf32, #tpu.memory_space<vmem>>) target(%dma_start3A_255 : memref<10240x32xf32, #tpu.memory_space<vmem_shared>>) offsets(%dma_start3A_252 : memref<128xi32, #tpu.memory_space<vmem>>) semaphore(%arg23 : memref<!tpu.dma_semaphore, #tpu.memory_space<semaphore_mem>>) {add = true}
      %ge3A_256 = arith.constant 2 : i32
      %ge3A_257 = arith.cmpi sge, %add3A_243, %ge3A_256 : i32
      %convert_element_type3A_258 = arith.extui %ge3A_257 : i1 to i32
      %cond3A_259 = arith.constant 0 : i32
      %cond3A_260 = arith.cmpi ne, %convert_element_type3A_258, %cond3A_259 : i32
      scf.if %cond3A_260 {
        %dma_wait3A_320 = arith.constant 0 : i32
        %dma_wait3A_321 = tpu.memref_slice %arg10[%add3A_243, %dma_wait3A_320] : memref<80x128xi32, #tpu.memory_space<vmem>> -> memref<1x128xi32, #tpu.memory_space<vmem>>
        %dma_wait3A_322 = tpu.memref_squeeze %dma_wait3A_321 : memref<1x128xi32, #tpu.memory_space<vmem>> -> memref<128xi32, #tpu.memory_space<vmem>>
        %dma_wait3A_323 = arith.constant 0 : i32
        %dma_wait3A_324 = arith.constant 0 : i32
        %dma_wait3A_325 = tpu.memref_slice %arg17[%dma_wait3A_323, %dma_wait3A_324] : memref<10240x32xf32, #tpu.memory_space<vmem_shared>> -> memref<10240x32xf32, #tpu.memory_space<vmem_shared>>
        tpu.wait_indirect_dma semaphore(%arg25 : memref<!tpu.dma_semaphore, #tpu.memory_space<semaphore_mem>>) src(%arg14 : memref<128x32xf32, #tpu.memory_space<vmem>>) dst(%dma_wait3A_325 : memref<10240x32xf32, #tpu.memory_space<vmem_shared>>)
      } else {
      }
      %add3A_261 = arith.constant 2 : i32
      %add3A_262 = arith.addi %add3A_243, %add3A_261 : i32
      %lt3A_263 = arith.constant 80 : i32
      %lt3A_264 = arith.cmpi slt, %add3A_262, %lt3A_263 : i32
      %convert_element_type3A_265 = arith.extui %lt3A_264 : i1 to i32
      %cond3A_266 = arith.constant 0 : i32
      %cond3A_267 = arith.cmpi ne, %convert_element_type3A_265, %cond3A_266 : i32
      scf.if %cond3A_267 {
        %add3A_320 = arith.constant 2 : i32
        %add3A_321 = arith.addi %add3A_243, %add3A_320 : i32
        %dma_start3A_322 = arith.constant 0 : i32
        %dma_start3A_323 = tpu.memref_slice %arg9[%add3A_321, %dma_start3A_322] : memref<80x128xi32, #tpu.memory_space<vmem>> -> memref<1x128xi32, #tpu.memory_space<vmem>>
        %dma_start3A_324 = tpu.memref_squeeze %dma_start3A_323 : memref<1x128xi32, #tpu.memory_space<vmem>> -> memref<128xi32, #tpu.memory_space<vmem>>
        %dma_start3A_325 = arith.constant 0 : i32
        %dma_start3A_326 = arith.constant 0 : i32
        %dma_start3A_327 = tpu.memref_slice %arg16[%dma_start3A_325, %dma_start3A_326] : memref<10240x32xf32, #tpu.memory_space<vmem_shared>> -> memref<10240x32xf32, #tpu.memory_space<vmem_shared>>
        tpu.enqueue_indirect_dma source(%dma_start3A_327 : memref<10240x32xf32, #tpu.memory_space<vmem_shared>>) target(%arg14 : memref<128x32xf32, #tpu.memory_space<vmem>>) offsets(%dma_start3A_324 : memref<128xi32, #tpu.memory_space<vmem>>) semaphore(%arg21 : memref<!tpu.dma_semaphore, #tpu.memory_space<semaphore_mem>>)
      } else {
      }
      %add3A_268 = arith.constant 2 : i32
      %add3A_269 = arith.addi %mul3A_219, %add3A_268 : i32
      %dma_wait3A_270 = arith.constant 0 : i32
      %dma_wait3A_271 = tpu.memref_slice %arg9[%add3A_269, %dma_wait3A_270] : memref<80x128xi32, #tpu.memory_space<vmem>> -> memref<1x128xi32, #tpu.memory_space<vmem>>
      %dma_wait3A_272 = tpu.memref_squeeze %dma_wait3A_271 : memref<1x128xi32, #tpu.memory_space<vmem>> -> memref<128xi32, #tpu.memory_space<vmem>>
      %dma_wait3A_273 = arith.constant 0 : i32
      %dma_wait3A_274 = arith.constant 0 : i32
      %dma_wait3A_275 = tpu.memref_slice %arg16[%dma_wait3A_273, %dma_wait3A_274] : memref<10240x32xf32, #tpu.memory_space<vmem_shared>> -> memref<10240x32xf32, #tpu.memory_space<vmem_shared>>
      tpu.wait_indirect_dma semaphore(%arg20 : memref<!tpu.dma_semaphore, #tpu.memory_space<semaphore_mem>>) src(%dma_wait3A_275 : memref<10240x32xf32, #tpu.memory_space<vmem_shared>>) dst(%arg13 : memref<128x32xf32, #tpu.memory_space<vmem>>)
      %dma_start3A_276 = arith.constant 0 : i32
      %dma_start3A_277 = tpu.memref_slice %arg10[%add3A_269, %dma_start3A_276] : memref<80x128xi32, #tpu.memory_space<vmem>> -> memref<1x128xi32, #tpu.memory_space<vmem>>
      %dma_start3A_278 = tpu.memref_squeeze %dma_start3A_277 : memref<1x128xi32, #tpu.memory_space<vmem>> -> memref<128xi32, #tpu.memory_space<vmem>>
      %dma_start3A_279 = arith.constant 0 : i32
      %dma_start3A_280 = arith.constant 0 : i32
      %dma_start3A_281 = tpu.memref_slice %arg17[%dma_start3A_279, %dma_start3A_280] : memref<10240x32xf32, #tpu.memory_space<vmem_shared>> -> memref<10240x32xf32, #tpu.memory_space<vmem_shared>>
      tpu.enqueue_indirect_dma source(%arg13 : memref<128x32xf32, #tpu.memory_space<vmem>>) target(%dma_start3A_281 : memref<10240x32xf32, #tpu.memory_space<vmem_shared>>) offsets(%dma_start3A_278 : memref<128xi32, #tpu.memory_space<vmem>>) semaphore(%arg24 : memref<!tpu.dma_semaphore, #tpu.memory_space<semaphore_mem>>) {add = true}
      %ge3A_282 = arith.constant 2 : i32
      %ge3A_283 = arith.cmpi sge, %add3A_269, %ge3A_282 : i32
      %convert_element_type3A_284 = arith.extui %ge3A_283 : i1 to i32
      %cond3A_285 = arith.constant 0 : i32
      %cond3A_286 = arith.cmpi ne, %convert_element_type3A_284, %cond3A_285 : i32
      scf.if %cond3A_286 {
        %dma_wait3A_320 = arith.constant 0 : i32
        %dma_wait3A_321 = tpu.memref_slice %arg10[%add3A_269, %dma_wait3A_320] : memref<80x128xi32, #tpu.memory_space<vmem>> -> memref<1x128xi32, #tpu.memory_space<vmem>>
        %dma_wait3A_322 = tpu.memref_squeeze %dma_wait3A_321 : memref<1x128xi32, #tpu.memory_space<vmem>> -> memref<128xi32, #tpu.memory_space<vmem>>
        %dma_wait3A_323 = arith.constant 0 : i32
        %dma_wait3A_324 = arith.constant 0 : i32
        %dma_wait3A_325 = tpu.memref_slice %arg17[%dma_wait3A_323, %dma_wait3A_324] : memref<10240x32xf32, #tpu.memory_space<vmem_shared>> -> memref<10240x32xf32, #tpu.memory_space<vmem_shared>>
        tpu.wait_indirect_dma semaphore(%arg22 : memref<!tpu.dma_semaphore, #tpu.memory_space<semaphore_mem>>) src(%arg11 : memref<128x32xf32, #tpu.memory_space<vmem>>) dst(%dma_wait3A_325 : memref<10240x32xf32, #tpu.memory_space<vmem_shared>>)
      } else {
      }
      %add3A_287 = arith.constant 2 : i32
      %add3A_288 = arith.addi %add3A_269, %add3A_287 : i32
      %lt3A_289 = arith.constant 80 : i32
      %lt3A_290 = arith.cmpi slt, %add3A_288, %lt3A_289 : i32
      %convert_element_type3A_291 = arith.extui %lt3A_290 : i1 to i32
      %cond3A_292 = arith.constant 0 : i32
      %cond3A_293 = arith.cmpi ne, %convert_element_type3A_291, %cond3A_292 : i32
      scf.if %cond3A_293 {
        %add3A_320 = arith.constant 2 : i32
        %add3A_321 = arith.addi %add3A_269, %add3A_320 : i32
        %dma_start3A_322 = arith.constant 0 : i32
        %dma_start3A_323 = tpu.memref_slice %arg9[%add3A_321, %dma_start3A_322] : memref<80x128xi32, #tpu.memory_space<vmem>> -> memref<1x128xi32, #tpu.memory_space<vmem>>
        %dma_start3A_324 = tpu.memref_squeeze %dma_start3A_323 : memref<1x128xi32, #tpu.memory_space<vmem>> -> memref<128xi32, #tpu.memory_space<vmem>>
        %dma_start3A_325 = arith.constant 0 : i32
        %dma_start3A_326 = arith.constant 0 : i32
        %dma_start3A_327 = tpu.memref_slice %arg16[%dma_start3A_325, %dma_start3A_326] : memref<10240x32xf32, #tpu.memory_space<vmem_shared>> -> memref<10240x32xf32, #tpu.memory_space<vmem_shared>>
        tpu.enqueue_indirect_dma source(%dma_start3A_327 : memref<10240x32xf32, #tpu.memory_space<vmem_shared>>) target(%arg11 : memref<128x32xf32, #tpu.memory_space<vmem>>) offsets(%dma_start3A_324 : memref<128xi32, #tpu.memory_space<vmem>>) semaphore(%arg18 : memref<!tpu.dma_semaphore, #tpu.memory_space<semaphore_mem>>)
      } else {
      }
      %add3A_294 = arith.constant 3 : i32
      %add3A_295 = arith.addi %mul3A_219, %add3A_294 : i32
      %dma_wait3A_296 = arith.constant 0 : i32
      %dma_wait3A_297 = tpu.memref_slice %arg9[%add3A_295, %dma_wait3A_296] : memref<80x128xi32, #tpu.memory_space<vmem>> -> memref<1x128xi32, #tpu.memory_space<vmem>>
      %dma_wait3A_298 = tpu.memref_squeeze %dma_wait3A_297 : memref<1x128xi32, #tpu.memory_space<vmem>> -> memref<128xi32, #tpu.memory_space<vmem>>
      %dma_wait3A_299 = arith.constant 0 : i32
      %dma_wait3A_300 = arith.constant 0 : i32
      %dma_wait3A_301 = tpu.memref_slice %arg16[%dma_wait3A_299, %dma_wait3A_300] : memref<10240x32xf32, #tpu.memory_space<vmem_shared>> -> memref<10240x32xf32, #tpu.memory_space<vmem_shared>>
      tpu.wait_indirect_dma semaphore(%arg21 : memref<!tpu.dma_semaphore, #tpu.memory_space<semaphore_mem>>) src(%dma_wait3A_301 : memref<10240x32xf32, #tpu.memory_space<vmem_shared>>) dst(%arg14 : memref<128x32xf32, #tpu.memory_space<vmem>>)
      %dma_start3A_302 = arith.constant 0 : i32
      %dma_start3A_303 = tpu.memref_slice %arg10[%add3A_295, %dma_start3A_302] : memref<80x128xi32, #tpu.memory_space<vmem>> -> memref<1x128xi32, #tpu.memory_space<vmem>>
      %dma_start3A_304 = tpu.memref_squeeze %dma_start3A_303 : memref<1x128xi32, #tpu.memory_space<vmem>> -> memref<128xi32, #tpu.memory_space<vmem>>
      %dma_start3A_305 = arith.constant 0 : i32
      %dma_start3A_306 = arith.constant 0 : i32
      %dma_start3A_307 = tpu.memref_slice %arg17[%dma_start3A_305, %dma_start3A_306] : memref<10240x32xf32, #tpu.memory_space<vmem_shared>> -> memref<10240x32xf32, #tpu.memory_space<vmem_shared>>
      tpu.enqueue_indirect_dma source(%arg14 : memref<128x32xf32, #tpu.memory_space<vmem>>) target(%dma_start3A_307 : memref<10240x32xf32, #tpu.memory_space<vmem_shared>>) offsets(%dma_start3A_304 : memref<128xi32, #tpu.memory_space<vmem>>) semaphore(%arg25 : memref<!tpu.dma_semaphore, #tpu.memory_space<semaphore_mem>>) {add = true}
      %ge3A_308 = arith.constant 2 : i32
      %ge3A_309 = arith.cmpi sge, %add3A_295, %ge3A_308 : i32
      %convert_element_type3A_310 = arith.extui %ge3A_309 : i1 to i32
      %cond3A_311 = arith.constant 0 : i32
      %cond3A_312 = arith.cmpi ne, %convert_element_type3A_310, %cond3A_311 : i32
      scf.if %cond3A_312 {
        %dma_wait3A_320 = arith.constant 0 : i32
        %dma_wait3A_321 = tpu.memref_slice %arg10[%add3A_295, %dma_wait3A_320] : memref<80x128xi32, #tpu.memory_space<vmem>> -> memref<1x128xi32, #tpu.memory_space<vmem>>
        %dma_wait3A_322 = tpu.memref_squeeze %dma_wait3A_321 : memref<1x128xi32, #tpu.memory_space<vmem>> -> memref<128xi32, #tpu.memory_space<vmem>>
        %dma_wait3A_323 = arith.constant 0 : i32
        %dma_wait3A_324 = arith.constant 0 : i32
        %dma_wait3A_325 = tpu.memref_slice %arg17[%dma_wait3A_323, %dma_wait3A_324] : memref<10240x32xf32, #tpu.memory_space<vmem_shared>> -> memref<10240x32xf32, #tpu.memory_space<vmem_shared>>
        tpu.wait_indirect_dma semaphore(%arg23 : memref<!tpu.dma_semaphore, #tpu.memory_space<semaphore_mem>>) src(%arg12 : memref<128x32xf32, #tpu.memory_space<vmem>>) dst(%dma_wait3A_325 : memref<10240x32xf32, #tpu.memory_space<vmem_shared>>)
      } else {
      }
      %add3A_313 = arith.constant 2 : i32
      %add3A_314 = arith.addi %add3A_295, %add3A_313 : i32
      %lt3A_315 = arith.constant 80 : i32
      %lt3A_316 = arith.cmpi slt, %add3A_314, %lt3A_315 : i32
      %convert_element_type3A_317 = arith.extui %lt3A_316 : i1 to i32
      %cond3A_318 = arith.constant 0 : i32
      %cond3A_319 = arith.cmpi ne, %convert_element_type3A_317, %cond3A_318 : i32
      scf.if %cond3A_319 {
        %add3A_320 = arith.constant 2 : i32
        %add3A_321 = arith.addi %add3A_295, %add3A_320 : i32
        %dma_start3A_322 = arith.constant 0 : i32
        %dma_start3A_323 = tpu.memref_slice %arg9[%add3A_321, %dma_start3A_322] : memref<80x128xi32, #tpu.memory_space<vmem>> -> memref<1x128xi32, #tpu.memory_space<vmem>>
        %dma_start3A_324 = tpu.memref_squeeze %dma_start3A_323 : memref<1x128xi32, #tpu.memory_space<vmem>> -> memref<128xi32, #tpu.memory_space<vmem>>
        %dma_start3A_325 = arith.constant 0 : i32
        %dma_start3A_326 = arith.constant 0 : i32
        %dma_start3A_327 = tpu.memref_slice %arg16[%dma_start3A_325, %dma_start3A_326] : memref<10240x32xf32, #tpu.memory_space<vmem_shared>> -> memref<10240x32xf32, #tpu.memory_space<vmem_shared>>
        tpu.enqueue_indirect_dma source(%dma_start3A_327 : memref<10240x32xf32, #tpu.memory_space<vmem_shared>>) target(%arg12 : memref<128x32xf32, #tpu.memory_space<vmem>>) offsets(%dma_start3A_324 : memref<128xi32, #tpu.memory_space<vmem>>) semaphore(%arg19 : memref<!tpu.dma_semaphore, #tpu.memory_space<semaphore_mem>>)
      } else {
      }
    }
    %scan3A_147 = arith.constant 20 : i32
    %dma_wait3A_148 = arith.constant 78 : i32
    %dma_wait3A_149 = arith.constant 0 : i32
    %dma_wait3A_150 = tpu.memref_slice %arg10[%dma_wait3A_148, %dma_wait3A_149] : memref<80x128xi32, #tpu.memory_space<vmem>> -> memref<1x128xi32, #tpu.memory_space<vmem>>
    %dma_wait3A_151 = tpu.memref_squeeze %dma_wait3A_150 : memref<1x128xi32, #tpu.memory_space<vmem>> -> memref<128xi32, #tpu.memory_space<vmem>>
    %dma_wait3A_152 = arith.constant 0 : i32
    %dma_wait3A_153 = arith.constant 0 : i32
    %dma_wait3A_154 = tpu.memref_slice %arg17[%dma_wait3A_152, %dma_wait3A_153] : memref<10240x32xf32, #tpu.memory_space<vmem_shared>> -> memref<10240x32xf32, #tpu.memory_space<vmem_shared>>
    tpu.wait_indirect_dma semaphore(%arg24 : memref<!tpu.dma_semaphore, #tpu.memory_space<semaphore_mem>>) src(%arg13 : memref<128x32xf32, #tpu.memory_space<vmem>>) dst(%dma_wait3A_154 : memref<10240x32xf32, #tpu.memory_space<vmem_shared>>)
    %dma_wait3A_155 = arith.constant 79 : i32
    %dma_wait3A_156 = arith.constant 0 : i32
    %dma_wait3A_157 = tpu.memref_slice %arg10[%dma_wait3A_155, %dma_wait3A_156] : memref<80x128xi32, #tpu.memory_space<vmem>> -> memref<1x128xi32, #tpu.memory_space<vmem>>
    %dma_wait3A_158 = tpu.memref_squeeze %dma_wait3A_157 : memref<1x128xi32, #tpu.memory_space<vmem>> -> memref<128xi32, #tpu.memory_space<vmem>>
    %dma_wait3A_159 = arith.constant 0 : i32
    %dma_wait3A_160 = arith.constant 0 : i32
    %dma_wait3A_161 = tpu.memref_slice %arg17[%dma_wait3A_159, %dma_wait3A_160] : memref<10240x32xf32, #tpu.memory_space<vmem_shared>> -> memref<10240x32xf32, #tpu.memory_space<vmem_shared>>
    tpu.wait_indirect_dma semaphore(%arg25 : memref<!tpu.dma_semaphore, #tpu.memory_space<semaphore_mem>>) src(%arg14 : memref<128x32xf32, #tpu.memory_space<vmem>>) dst(%dma_wait3A_161 : memref<10240x32xf32, #tpu.memory_space<vmem_shared>>)
    %barrier3A_162 = arith.constant 0 : index
    tpu.barrier barrier_id(%barrier3A_162)
    %run_scoped3A_163 = arith.constant 2 : i32
    "tpu.region"() ({
      %run_scoped3A_217 = tpu.sem_alloc : memref<!tpu.dma_semaphore, #tpu.memory_space<semaphore_mem>>
      %dma_start3A_218 = arith.constant 0 : i32
      %dma_start3A_219 = tpu.memref_slice %arg8[%arg0, %run_scoped3A_163, %mul3A_8, %dma_start3A_218] : memref<2x4x10240x32xf32, #tpu.memory_space<hbm>> -> memref<1x1x640x32xf32, #tpu.memory_space<hbm>>
      %dma_start3A_220 = tpu.memref_squeeze %dma_start3A_219 : memref<1x1x640x32xf32, #tpu.memory_space<hbm>> -> memref<640x32xf32, #tpu.memory_space<hbm>>
      %dma_start3A_221 = arith.constant 0 : i32
      %dma_start3A_222 = tpu.memref_slice %arg17[%mul3A_8, %dma_start3A_221] : memref<10240x32xf32, #tpu.memory_space<vmem_shared>> -> memref<640x32xf32, #tpu.memory_space<vmem_shared>>
      tpu.enqueue_dma source(%dma_start3A_222 : memref<640x32xf32, #tpu.memory_space<vmem_shared>>) target(%dma_start3A_220 : memref<640x32xf32, #tpu.memory_space<hbm>>) target_semaphore(%run_scoped3A_217 : memref<!tpu.dma_semaphore, #tpu.memory_space<semaphore_mem>>)
      %dma_wait3A_223 = arith.constant 0 : i32
      %dma_wait3A_224 = tpu.memref_slice %arg8[%arg0, %run_scoped3A_163, %mul3A_8, %dma_wait3A_223] : memref<2x4x10240x32xf32, #tpu.memory_space<hbm>> -> memref<1x1x640x32xf32, #tpu.memory_space<hbm>>
      %dma_wait3A_225 = tpu.memref_squeeze %dma_wait3A_224 : memref<1x1x640x32xf32, #tpu.memory_space<hbm>> -> memref<640x32xf32, #tpu.memory_space<hbm>>
      %dma_wait3A_226 = arith.constant 0 : i32
      %dma_wait3A_227 = tpu.memref_slice %arg17[%mul3A_8, %dma_wait3A_226] : memref<10240x32xf32, #tpu.memory_space<vmem_shared>> -> memref<640x32xf32, #tpu.memory_space<vmem_shared>>
      tpu.wait_dma2 semaphore(%run_scoped3A_217 : memref<!tpu.dma_semaphore, #tpu.memory_space<semaphore_mem>>) src(%dma_wait3A_227 : memref<640x32xf32, #tpu.memory_space<vmem_shared>>) dst(%dma_wait3A_225 : memref<640x32xf32, #tpu.memory_space<hbm>>)
      tpu.yield
    }) : () -> ()
    %dma_start3A_164 = arith.constant 0 : i32
    %dma_start3A_165 = tpu.memref_slice %arg16[%mul3A_8, %dma_start3A_164] : memref<10240x32xf32, #tpu.memory_space<vmem_shared>> -> memref<640x32xf32, #tpu.memory_space<vmem_shared>>
    %dma_start3A_166 = arith.constant 0 : i32
    %dma_start3A_167 = tpu.memref_slice %arg5[%mul3A_8, %dma_start3A_166] : memref<10240x32xf32, #tpu.memory_space<hbm>> -> memref<640x32xf32, #tpu.memory_space<hbm>>
    tpu.enqueue_dma source(%dma_start3A_167 : memref<640x32xf32, #tpu.memory_space<hbm>>) target(%dma_start3A_165 : memref<640x32xf32, #tpu.memory_space<vmem_shared>>) target_semaphore(%arg18 : memref<!tpu.dma_semaphore, #tpu.memory_space<semaphore_mem>>)
    %dma_start3A_168 = arith.constant 0 : i32
    %dma_start3A_169 = tpu.memref_slice %arg17[%mul3A_8, %dma_start3A_168] : memref<10240x32xf32, #tpu.memory_space<vmem_shared>> -> memref<640x32xf32, #tpu.memory_space<vmem_shared>>
    %dma_start3A_170 = arith.constant 0 : i32
    %dma_start3A_171 = tpu.memref_slice %arg17[%mul3A_8, %dma_start3A_170] : memref<10240x32xf32, #tpu.memory_space<vmem_shared>> -> memref<640x32xf32, #tpu.memory_space<vmem_shared>>
    tpu.enqueue_dma source(%arg15 : memref<640x32xf32, #tpu.memory_space<vmem>>) target(%dma_start3A_171 : memref<640x32xf32, #tpu.memory_space<vmem_shared>>) target_semaphore(%arg19 : memref<!tpu.dma_semaphore, #tpu.memory_space<semaphore_mem>>)
    %dma_wait3A_172 = arith.constant 0 : i32
    %dma_wait3A_173 = tpu.memref_slice %arg16[%mul3A_8, %dma_wait3A_172] : memref<10240x32xf32, #tpu.memory_space<vmem_shared>> -> memref<640x32xf32, #tpu.memory_space<vmem_shared>>
    %dma_wait3A_174 = arith.constant 0 : i32
    %dma_wait3A_175 = tpu.memref_slice %arg5[%mul3A_8, %dma_wait3A_174] : memref<10240x32xf32, #tpu.memory_space<hbm>> -> memref<640x32xf32, #tpu.memory_space<hbm>>
    tpu.wait_dma2 semaphore(%arg18 : memref<!tpu.dma_semaphore, #tpu.memory_space<semaphore_mem>>) src(%dma_wait3A_175 : memref<640x32xf32, #tpu.memory_space<hbm>>) dst(%dma_wait3A_173 : memref<640x32xf32, #tpu.memory_space<vmem_shared>>)
    %dma_wait3A_176 = arith.constant 0 : i32
    %dma_wait3A_177 = tpu.memref_slice %arg17[%mul3A_8, %dma_wait3A_176] : memref<10240x32xf32, #tpu.memory_space<vmem_shared>> -> memref<640x32xf32, #tpu.memory_space<vmem_shared>>
    %dma_wait3A_178 = arith.constant 0 : i32
    %dma_wait3A_179 = tpu.memref_slice %arg17[%mul3A_8, %dma_wait3A_178] : memref<10240x32xf32, #tpu.memory_space<vmem_shared>> -> memref<640x32xf32, #tpu.memory_space<vmem_shared>>
    tpu.wait_dma2 semaphore(%arg19 : memref<!tpu.dma_semaphore, #tpu.memory_space<semaphore_mem>>) src(%arg15 : memref<640x32xf32, #tpu.memory_space<vmem>>) dst(%dma_wait3A_179 : memref<640x32xf32, #tpu.memory_space<vmem_shared>>)
    %barrier3A_180 = arith.constant 0 : index
    tpu.barrier barrier_id(%barrier3A_180)
    %dma_start3A_181 = arith.constant 0 : i32
    %dma_start3A_182 = arith.constant 0 : i32
    %dma_start3A_183 = tpu.memref_slice %arg9[%dma_start3A_181, %dma_start3A_182] : memref<80x128xi32, #tpu.memory_space<vmem>> -> memref<1x128xi32, #tpu.memory_space<vmem>>
    %dma_start3A_184 = tpu.memref_squeeze %dma_start3A_183 : memref<1x128xi32, #tpu.memory_space<vmem>> -> memref<128xi32, #tpu.memory_space<vmem>>
    %dma_start3A_185 = arith.constant 0 : i32
    %dma_start3A_186 = arith.constant 0 : i32
    %dma_start3A_187 = tpu.memref_slice %arg16[%dma_start3A_185, %dma_start3A_186] : memref<10240x32xf32, #tpu.memory_space<vmem_shared>> -> memref<10240x32xf32, #tpu.memory_space<vmem_shared>>
    tpu.enqueue_indirect_dma source(%dma_start3A_187 : memref<10240x32xf32, #tpu.memory_space<vmem_shared>>) target(%arg11 : memref<128x32xf32, #tpu.memory_space<vmem>>) offsets(%dma_start3A_184 : memref<128xi32, #tpu.memory_space<vmem>>) semaphore(%arg18 : memref<!tpu.dma_semaphore, #tpu.memory_space<semaphore_mem>>)
    %dma_start3A_188 = arith.constant 1 : i32
    %dma_start3A_189 = arith.constant 0 : i32
    %dma_start3A_190 = tpu.memref_slice %arg9[%dma_start3A_188, %dma_start3A_189] : memref<80x128xi32, #tpu.memory_space<vmem>> -> memref<1x128xi32, #tpu.memory_space<vmem>>
    %dma_start3A_191 = tpu.memref_squeeze %dma_start3A_190 : memref<1x128xi32, #tpu.memory_space<vmem>> -> memref<128xi32, #tpu.memory_space<vmem>>
    %dma_start3A_192 = arith.constant 0 : i32
    %dma_start3A_193 = arith.constant 0 : i32
    %dma_start3A_194 = tpu.memref_slice %arg16[%dma_start3A_192, %dma_start3A_193] : memref<10240x32xf32, #tpu.memory_space<vmem_shared>> -> memref<10240x32xf32, #tpu.memory_space<vmem_shared>>
    tpu.enqueue_indirect_dma source(%dma_start3A_194 : memref<10240x32xf32, #tpu.memory_space<vmem_shared>>) target(%arg12 : memref<128x32xf32, #tpu.memory_space<vmem>>) offsets(%dma_start3A_191 : memref<128xi32, #tpu.memory_space<vmem>>) semaphore(%arg19 : memref<!tpu.dma_semaphore, #tpu.memory_space<semaphore_mem>>)
    %scan3A_195 = arith.constant 0 : i32
    %scan3A_196 = arith.constant 0 : i32
    %scan3A_197 = arith.constant 20 : i32
    %scan3A_198 = arith.addi %scan3A_196, %scan3A_197 : i32
    %scan3A_199 = arith.constant 1 : i32
    scf.for %scan3A_217 = %scan3A_196 to %scan3A_198 step %scan3A_199  : i32 {
      %mul3A_218 = arith.constant 4 : i32
      %mul3A_219 = arith.muli %mul3A_218, %scan3A_217 : i32
      %add3A_220 = arith.constant 0 : i32
      %add3A_221 = arith.addi %mul3A_219, %add3A_220 : i32
      %dma_wait3A_222 = arith.constant 0 : i32
      %dma_wait3A_223 = tpu.memref_slice %arg9[%add3A_221, %dma_wait3A_222] : memref<80x128xi32, #tpu.memory_space<vmem>> -> memref<1x128xi32, #tpu.memory_space<vmem>>
      %dma_wait3A_224 = tpu.memref_squeeze %dma_wait3A_223 : memref<1x128xi32, #tpu.memory_space<vmem>> -> memref<128xi32, #tpu.memory_space<vmem>>
      %dma_wait3A_225 = arith.constant 0 : i32
      %dma_wait3A_226 = arith.constant 0 : i32
      %dma_wait3A_227 = tpu.memref_slice %arg16[%dma_wait3A_225, %dma_wait3A_226] : memref<10240x32xf32, #tpu.memory_space<vmem_shared>> -> memref<10240x32xf32, #tpu.memory_space<vmem_shared>>
      tpu.wait_indirect_dma semaphore(%arg18 : memref<!tpu.dma_semaphore, #tpu.memory_space<semaphore_mem>>) src(%dma_wait3A_227 : memref<10240x32xf32, #tpu.memory_space<vmem_shared>>) dst(%arg11 : memref<128x32xf32, #tpu.memory_space<vmem>>)
      %dma_start3A_228 = arith.constant 0 : i32
      %dma_start3A_229 = tpu.memref_slice %arg10[%add3A_221, %dma_start3A_228] : memref<80x128xi32, #tpu.memory_space<vmem>> -> memref<1x128xi32, #tpu.memory_space<vmem>>
      %dma_start3A_230 = tpu.memref_squeeze %dma_start3A_229 : memref<1x128xi32, #tpu.memory_space<vmem>> -> memref<128xi32, #tpu.memory_space<vmem>>
      %dma_start3A_231 = arith.constant 0 : i32
      %dma_start3A_232 = arith.constant 0 : i32
      %dma_start3A_233 = tpu.memref_slice %arg17[%dma_start3A_231, %dma_start3A_232] : memref<10240x32xf32, #tpu.memory_space<vmem_shared>> -> memref<10240x32xf32, #tpu.memory_space<vmem_shared>>
      tpu.enqueue_indirect_dma source(%arg11 : memref<128x32xf32, #tpu.memory_space<vmem>>) target(%dma_start3A_233 : memref<10240x32xf32, #tpu.memory_space<vmem_shared>>) offsets(%dma_start3A_230 : memref<128xi32, #tpu.memory_space<vmem>>) semaphore(%arg22 : memref<!tpu.dma_semaphore, #tpu.memory_space<semaphore_mem>>) {add = true}
      %ge3A = arith.constant 2 : i32
      %ge3A_234 = arith.cmpi sge, %add3A_221, %ge3A : i32
      %convert_element_type3A = arith.extui %ge3A_234 : i1 to i32
      %cond3A = arith.constant 0 : i32
      %cond3A_235 = arith.cmpi ne, %convert_element_type3A, %cond3A : i32
      scf.if %cond3A_235 {
        %dma_wait3A_320 = arith.constant 0 : i32
        %dma_wait3A_321 = tpu.memref_slice %arg10[%add3A_221, %dma_wait3A_320] : memref<80x128xi32, #tpu.memory_space<vmem>> -> memref<1x128xi32, #tpu.memory_space<vmem>>
        %dma_wait3A_322 = tpu.memref_squeeze %dma_wait3A_321 : memref<1x128xi32, #tpu.memory_space<vmem>> -> memref<128xi32, #tpu.memory_space<vmem>>
        %dma_wait3A_323 = arith.constant 0 : i32
        %dma_wait3A_324 = arith.constant 0 : i32
        %dma_wait3A_325 = tpu.memref_slice %arg17[%dma_wait3A_323, %dma_wait3A_324] : memref<10240x32xf32, #tpu.memory_space<vmem_shared>> -> memref<10240x32xf32, #tpu.memory_space<vmem_shared>>
        tpu.wait_indirect_dma semaphore(%arg24 : memref<!tpu.dma_semaphore, #tpu.memory_space<semaphore_mem>>) src(%arg13 : memref<128x32xf32, #tpu.memory_space<vmem>>) dst(%dma_wait3A_325 : memref<10240x32xf32, #tpu.memory_space<vmem_shared>>)
      } else {
      }
      %add3A_236 = arith.constant 2 : i32
      %add3A_237 = arith.addi %add3A_221, %add3A_236 : i32
      %lt3A = arith.constant 80 : i32
      %lt3A_238 = arith.cmpi slt, %add3A_237, %lt3A : i32
      %convert_element_type3A_239 = arith.extui %lt3A_238 : i1 to i32
      %cond3A_240 = arith.constant 0 : i32
      %cond3A_241 = arith.cmpi ne, %convert_element_type3A_239, %cond3A_240 : i32
      scf.if %cond3A_241 {
        %add3A_320 = arith.constant 2 : i32
        %add3A_321 = arith.addi %add3A_221, %add3A_320 : i32
        %dma_start3A_322 = arith.constant 0 : i32
        %dma_start3A_323 = tpu.memref_slice %arg9[%add3A_321, %dma_start3A_322] : memref<80x128xi32, #tpu.memory_space<vmem>> -> memref<1x128xi32, #tpu.memory_space<vmem>>
        %dma_start3A_324 = tpu.memref_squeeze %dma_start3A_323 : memref<1x128xi32, #tpu.memory_space<vmem>> -> memref<128xi32, #tpu.memory_space<vmem>>
        %dma_start3A_325 = arith.constant 0 : i32
        %dma_start3A_326 = arith.constant 0 : i32
        %dma_start3A_327 = tpu.memref_slice %arg16[%dma_start3A_325, %dma_start3A_326] : memref<10240x32xf32, #tpu.memory_space<vmem_shared>> -> memref<10240x32xf32, #tpu.memory_space<vmem_shared>>
        tpu.enqueue_indirect_dma source(%dma_start3A_327 : memref<10240x32xf32, #tpu.memory_space<vmem_shared>>) target(%arg13 : memref<128x32xf32, #tpu.memory_space<vmem>>) offsets(%dma_start3A_324 : memref<128xi32, #tpu.memory_space<vmem>>) semaphore(%arg20 : memref<!tpu.dma_semaphore, #tpu.memory_space<semaphore_mem>>)
      } else {
      }
      %add3A_242 = arith.constant 1 : i32
      %add3A_243 = arith.addi %mul3A_219, %add3A_242 : i32
      %dma_wait3A_244 = arith.constant 0 : i32
      %dma_wait3A_245 = tpu.memref_slice %arg9[%add3A_243, %dma_wait3A_244] : memref<80x128xi32, #tpu.memory_space<vmem>> -> memref<1x128xi32, #tpu.memory_space<vmem>>
      %dma_wait3A_246 = tpu.memref_squeeze %dma_wait3A_245 : memref<1x128xi32, #tpu.memory_space<vmem>> -> memref<128xi32, #tpu.memory_space<vmem>>
      %dma_wait3A_247 = arith.constant 0 : i32
      %dma_wait3A_248 = arith.constant 0 : i32
      %dma_wait3A_249 = tpu.memref_slice %arg16[%dma_wait3A_247, %dma_wait3A_248] : memref<10240x32xf32, #tpu.memory_space<vmem_shared>> -> memref<10240x32xf32, #tpu.memory_space<vmem_shared>>
      tpu.wait_indirect_dma semaphore(%arg19 : memref<!tpu.dma_semaphore, #tpu.memory_space<semaphore_mem>>) src(%dma_wait3A_249 : memref<10240x32xf32, #tpu.memory_space<vmem_shared>>) dst(%arg12 : memref<128x32xf32, #tpu.memory_space<vmem>>)
      %dma_start3A_250 = arith.constant 0 : i32
      %dma_start3A_251 = tpu.memref_slice %arg10[%add3A_243, %dma_start3A_250] : memref<80x128xi32, #tpu.memory_space<vmem>> -> memref<1x128xi32, #tpu.memory_space<vmem>>
      %dma_start3A_252 = tpu.memref_squeeze %dma_start3A_251 : memref<1x128xi32, #tpu.memory_space<vmem>> -> memref<128xi32, #tpu.memory_space<vmem>>
      %dma_start3A_253 = arith.constant 0 : i32
      %dma_start3A_254 = arith.constant 0 : i32
      %dma_start3A_255 = tpu.memref_slice %arg17[%dma_start3A_253, %dma_start3A_254] : memref<10240x32xf32, #tpu.memory_space<vmem_shared>> -> memref<10240x32xf32, #tpu.memory_space<vmem_shared>>
      tpu.enqueue_indirect_dma source(%arg12 : memref<128x32xf32, #tpu.memory_space<vmem>>) target(%dma_start3A_255 : memref<10240x32xf32, #tpu.memory_space<vmem_shared>>) offsets(%dma_start3A_252 : memref<128xi32, #tpu.memory_space<vmem>>) semaphore(%arg23 : memref<!tpu.dma_semaphore, #tpu.memory_space<semaphore_mem>>) {add = true}
      %ge3A_256 = arith.constant 2 : i32
      %ge3A_257 = arith.cmpi sge, %add3A_243, %ge3A_256 : i32
      %convert_element_type3A_258 = arith.extui %ge3A_257 : i1 to i32
      %cond3A_259 = arith.constant 0 : i32
      %cond3A_260 = arith.cmpi ne, %convert_element_type3A_258, %cond3A_259 : i32
      scf.if %cond3A_260 {
        %dma_wait3A_320 = arith.constant 0 : i32
        %dma_wait3A_321 = tpu.memref_slice %arg10[%add3A_243, %dma_wait3A_320] : memref<80x128xi32, #tpu.memory_space<vmem>> -> memref<1x128xi32, #tpu.memory_space<vmem>>
        %dma_wait3A_322 = tpu.memref_squeeze %dma_wait3A_321 : memref<1x128xi32, #tpu.memory_space<vmem>> -> memref<128xi32, #tpu.memory_space<vmem>>
        %dma_wait3A_323 = arith.constant 0 : i32
        %dma_wait3A_324 = arith.constant 0 : i32
        %dma_wait3A_325 = tpu.memref_slice %arg17[%dma_wait3A_323, %dma_wait3A_324] : memref<10240x32xf32, #tpu.memory_space<vmem_shared>> -> memref<10240x32xf32, #tpu.memory_space<vmem_shared>>
        tpu.wait_indirect_dma semaphore(%arg25 : memref<!tpu.dma_semaphore, #tpu.memory_space<semaphore_mem>>) src(%arg14 : memref<128x32xf32, #tpu.memory_space<vmem>>) dst(%dma_wait3A_325 : memref<10240x32xf32, #tpu.memory_space<vmem_shared>>)
      } else {
      }
      %add3A_261 = arith.constant 2 : i32
      %add3A_262 = arith.addi %add3A_243, %add3A_261 : i32
      %lt3A_263 = arith.constant 80 : i32
      %lt3A_264 = arith.cmpi slt, %add3A_262, %lt3A_263 : i32
      %convert_element_type3A_265 = arith.extui %lt3A_264 : i1 to i32
      %cond3A_266 = arith.constant 0 : i32
      %cond3A_267 = arith.cmpi ne, %convert_element_type3A_265, %cond3A_266 : i32
      scf.if %cond3A_267 {
        %add3A_320 = arith.constant 2 : i32
        %add3A_321 = arith.addi %add3A_243, %add3A_320 : i32
        %dma_start3A_322 = arith.constant 0 : i32
        %dma_start3A_323 = tpu.memref_slice %arg9[%add3A_321, %dma_start3A_322] : memref<80x128xi32, #tpu.memory_space<vmem>> -> memref<1x128xi32, #tpu.memory_space<vmem>>
        %dma_start3A_324 = tpu.memref_squeeze %dma_start3A_323 : memref<1x128xi32, #tpu.memory_space<vmem>> -> memref<128xi32, #tpu.memory_space<vmem>>
        %dma_start3A_325 = arith.constant 0 : i32
        %dma_start3A_326 = arith.constant 0 : i32
        %dma_start3A_327 = tpu.memref_slice %arg16[%dma_start3A_325, %dma_start3A_326] : memref<10240x32xf32, #tpu.memory_space<vmem_shared>> -> memref<10240x32xf32, #tpu.memory_space<vmem_shared>>
        tpu.enqueue_indirect_dma source(%dma_start3A_327 : memref<10240x32xf32, #tpu.memory_space<vmem_shared>>) target(%arg14 : memref<128x32xf32, #tpu.memory_space<vmem>>) offsets(%dma_start3A_324 : memref<128xi32, #tpu.memory_space<vmem>>) semaphore(%arg21 : memref<!tpu.dma_semaphore, #tpu.memory_space<semaphore_mem>>)
      } else {
      }
      %add3A_268 = arith.constant 2 : i32
      %add3A_269 = arith.addi %mul3A_219, %add3A_268 : i32
      %dma_wait3A_270 = arith.constant 0 : i32
      %dma_wait3A_271 = tpu.memref_slice %arg9[%add3A_269, %dma_wait3A_270] : memref<80x128xi32, #tpu.memory_space<vmem>> -> memref<1x128xi32, #tpu.memory_space<vmem>>
      %dma_wait3A_272 = tpu.memref_squeeze %dma_wait3A_271 : memref<1x128xi32, #tpu.memory_space<vmem>> -> memref<128xi32, #tpu.memory_space<vmem>>
      %dma_wait3A_273 = arith.constant 0 : i32
      %dma_wait3A_274 = arith.constant 0 : i32
      %dma_wait3A_275 = tpu.memref_slice %arg16[%dma_wait3A_273, %dma_wait3A_274] : memref<10240x32xf32, #tpu.memory_space<vmem_shared>> -> memref<10240x32xf32, #tpu.memory_space<vmem_shared>>
      tpu.wait_indirect_dma semaphore(%arg20 : memref<!tpu.dma_semaphore, #tpu.memory_space<semaphore_mem>>) src(%dma_wait3A_275 : memref<10240x32xf32, #tpu.memory_space<vmem_shared>>) dst(%arg13 : memref<128x32xf32, #tpu.memory_space<vmem>>)
      %dma_start3A_276 = arith.constant 0 : i32
      %dma_start3A_277 = tpu.memref_slice %arg10[%add3A_269, %dma_start3A_276] : memref<80x128xi32, #tpu.memory_space<vmem>> -> memref<1x128xi32, #tpu.memory_space<vmem>>
      %dma_start3A_278 = tpu.memref_squeeze %dma_start3A_277 : memref<1x128xi32, #tpu.memory_space<vmem>> -> memref<128xi32, #tpu.memory_space<vmem>>
      %dma_start3A_279 = arith.constant 0 : i32
      %dma_start3A_280 = arith.constant 0 : i32
      %dma_start3A_281 = tpu.memref_slice %arg17[%dma_start3A_279, %dma_start3A_280] : memref<10240x32xf32, #tpu.memory_space<vmem_shared>> -> memref<10240x32xf32, #tpu.memory_space<vmem_shared>>
      tpu.enqueue_indirect_dma source(%arg13 : memref<128x32xf32, #tpu.memory_space<vmem>>) target(%dma_start3A_281 : memref<10240x32xf32, #tpu.memory_space<vmem_shared>>) offsets(%dma_start3A_278 : memref<128xi32, #tpu.memory_space<vmem>>) semaphore(%arg24 : memref<!tpu.dma_semaphore, #tpu.memory_space<semaphore_mem>>) {add = true}
      %ge3A_282 = arith.constant 2 : i32
      %ge3A_283 = arith.cmpi sge, %add3A_269, %ge3A_282 : i32
      %convert_element_type3A_284 = arith.extui %ge3A_283 : i1 to i32
      %cond3A_285 = arith.constant 0 : i32
      %cond3A_286 = arith.cmpi ne, %convert_element_type3A_284, %cond3A_285 : i32
      scf.if %cond3A_286 {
        %dma_wait3A_320 = arith.constant 0 : i32
        %dma_wait3A_321 = tpu.memref_slice %arg10[%add3A_269, %dma_wait3A_320] : memref<80x128xi32, #tpu.memory_space<vmem>> -> memref<1x128xi32, #tpu.memory_space<vmem>>
        %dma_wait3A_322 = tpu.memref_squeeze %dma_wait3A_321 : memref<1x128xi32, #tpu.memory_space<vmem>> -> memref<128xi32, #tpu.memory_space<vmem>>
        %dma_wait3A_323 = arith.constant 0 : i32
        %dma_wait3A_324 = arith.constant 0 : i32
        %dma_wait3A_325 = tpu.memref_slice %arg17[%dma_wait3A_323, %dma_wait3A_324] : memref<10240x32xf32, #tpu.memory_space<vmem_shared>> -> memref<10240x32xf32, #tpu.memory_space<vmem_shared>>
        tpu.wait_indirect_dma semaphore(%arg22 : memref<!tpu.dma_semaphore, #tpu.memory_space<semaphore_mem>>) src(%arg11 : memref<128x32xf32, #tpu.memory_space<vmem>>) dst(%dma_wait3A_325 : memref<10240x32xf32, #tpu.memory_space<vmem_shared>>)
      } else {
      }
      %add3A_287 = arith.constant 2 : i32
      %add3A_288 = arith.addi %add3A_269, %add3A_287 : i32
      %lt3A_289 = arith.constant 80 : i32
      %lt3A_290 = arith.cmpi slt, %add3A_288, %lt3A_289 : i32
      %convert_element_type3A_291 = arith.extui %lt3A_290 : i1 to i32
      %cond3A_292 = arith.constant 0 : i32
      %cond3A_293 = arith.cmpi ne, %convert_element_type3A_291, %cond3A_292 : i32
      scf.if %cond3A_293 {
        %add3A_320 = arith.constant 2 : i32
        %add3A_321 = arith.addi %add3A_269, %add3A_320 : i32
        %dma_start3A_322 = arith.constant 0 : i32
        %dma_start3A_323 = tpu.memref_slice %arg9[%add3A_321, %dma_start3A_322] : memref<80x128xi32, #tpu.memory_space<vmem>> -> memref<1x128xi32, #tpu.memory_space<vmem>>
        %dma_start3A_324 = tpu.memref_squeeze %dma_start3A_323 : memref<1x128xi32, #tpu.memory_space<vmem>> -> memref<128xi32, #tpu.memory_space<vmem>>
        %dma_start3A_325 = arith.constant 0 : i32
        %dma_start3A_326 = arith.constant 0 : i32
        %dma_start3A_327 = tpu.memref_slice %arg16[%dma_start3A_325, %dma_start3A_326] : memref<10240x32xf32, #tpu.memory_space<vmem_shared>> -> memref<10240x32xf32, #tpu.memory_space<vmem_shared>>
        tpu.enqueue_indirect_dma source(%dma_start3A_327 : memref<10240x32xf32, #tpu.memory_space<vmem_shared>>) target(%arg11 : memref<128x32xf32, #tpu.memory_space<vmem>>) offsets(%dma_start3A_324 : memref<128xi32, #tpu.memory_space<vmem>>) semaphore(%arg18 : memref<!tpu.dma_semaphore, #tpu.memory_space<semaphore_mem>>)
      } else {
      }
      %add3A_294 = arith.constant 3 : i32
      %add3A_295 = arith.addi %mul3A_219, %add3A_294 : i32
      %dma_wait3A_296 = arith.constant 0 : i32
      %dma_wait3A_297 = tpu.memref_slice %arg9[%add3A_295, %dma_wait3A_296] : memref<80x128xi32, #tpu.memory_space<vmem>> -> memref<1x128xi32, #tpu.memory_space<vmem>>
      %dma_wait3A_298 = tpu.memref_squeeze %dma_wait3A_297 : memref<1x128xi32, #tpu.memory_space<vmem>> -> memref<128xi32, #tpu.memory_space<vmem>>
      %dma_wait3A_299 = arith.constant 0 : i32
      %dma_wait3A_300 = arith.constant 0 : i32
      %dma_wait3A_301 = tpu.memref_slice %arg16[%dma_wait3A_299, %dma_wait3A_300] : memref<10240x32xf32, #tpu.memory_space<vmem_shared>> -> memref<10240x32xf32, #tpu.memory_space<vmem_shared>>
      tpu.wait_indirect_dma semaphore(%arg21 : memref<!tpu.dma_semaphore, #tpu.memory_space<semaphore_mem>>) src(%dma_wait3A_301 : memref<10240x32xf32, #tpu.memory_space<vmem_shared>>) dst(%arg14 : memref<128x32xf32, #tpu.memory_space<vmem>>)
      %dma_start3A_302 = arith.constant 0 : i32
      %dma_start3A_303 = tpu.memref_slice %arg10[%add3A_295, %dma_start3A_302] : memref<80x128xi32, #tpu.memory_space<vmem>> -> memref<1x128xi32, #tpu.memory_space<vmem>>
      %dma_start3A_304 = tpu.memref_squeeze %dma_start3A_303 : memref<1x128xi32, #tpu.memory_space<vmem>> -> memref<128xi32, #tpu.memory_space<vmem>>
      %dma_start3A_305 = arith.constant 0 : i32
      %dma_start3A_306 = arith.constant 0 : i32
      %dma_start3A_307 = tpu.memref_slice %arg17[%dma_start3A_305, %dma_start3A_306] : memref<10240x32xf32, #tpu.memory_space<vmem_shared>> -> memref<10240x32xf32, #tpu.memory_space<vmem_shared>>
      tpu.enqueue_indirect_dma source(%arg14 : memref<128x32xf32, #tpu.memory_space<vmem>>) target(%dma_start3A_307 : memref<10240x32xf32, #tpu.memory_space<vmem_shared>>) offsets(%dma_start3A_304 : memref<128xi32, #tpu.memory_space<vmem>>) semaphore(%arg25 : memref<!tpu.dma_semaphore, #tpu.memory_space<semaphore_mem>>) {add = true}
      %ge3A_308 = arith.constant 2 : i32
      %ge3A_309 = arith.cmpi sge, %add3A_295, %ge3A_308 : i32
      %convert_element_type3A_310 = arith.extui %ge3A_309 : i1 to i32
      %cond3A_311 = arith.constant 0 : i32
      %cond3A_312 = arith.cmpi ne, %convert_element_type3A_310, %cond3A_311 : i32
      scf.if %cond3A_312 {
        %dma_wait3A_320 = arith.constant 0 : i32
        %dma_wait3A_321 = tpu.memref_slice %arg10[%add3A_295, %dma_wait3A_320] : memref<80x128xi32, #tpu.memory_space<vmem>> -> memref<1x128xi32, #tpu.memory_space<vmem>>
        %dma_wait3A_322 = tpu.memref_squeeze %dma_wait3A_321 : memref<1x128xi32, #tpu.memory_space<vmem>> -> memref<128xi32, #tpu.memory_space<vmem>>
        %dma_wait3A_323 = arith.constant 0 : i32
        %dma_wait3A_324 = arith.constant 0 : i32
        %dma_wait3A_325 = tpu.memref_slice %arg17[%dma_wait3A_323, %dma_wait3A_324] : memref<10240x32xf32, #tpu.memory_space<vmem_shared>> -> memref<10240x32xf32, #tpu.memory_space<vmem_shared>>
        tpu.wait_indirect_dma semaphore(%arg23 : memref<!tpu.dma_semaphore, #tpu.memory_space<semaphore_mem>>) src(%arg12 : memref<128x32xf32, #tpu.memory_space<vmem>>) dst(%dma_wait3A_325 : memref<10240x32xf32, #tpu.memory_space<vmem_shared>>)
      } else {
      }
      %add3A_313 = arith.constant 2 : i32
      %add3A_314 = arith.addi %add3A_295, %add3A_313 : i32
      %lt3A_315 = arith.constant 80 : i32
      %lt3A_316 = arith.cmpi slt, %add3A_314, %lt3A_315 : i32
      %convert_element_type3A_317 = arith.extui %lt3A_316 : i1 to i32
      %cond3A_318 = arith.constant 0 : i32
      %cond3A_319 = arith.cmpi ne, %convert_element_type3A_317, %cond3A_318 : i32
      scf.if %cond3A_319 {
        %add3A_320 = arith.constant 2 : i32
        %add3A_321 = arith.addi %add3A_295, %add3A_320 : i32
        %dma_start3A_322 = arith.constant 0 : i32
        %dma_start3A_323 = tpu.memref_slice %arg9[%add3A_321, %dma_start3A_322] : memref<80x128xi32, #tpu.memory_space<vmem>> -> memref<1x128xi32, #tpu.memory_space<vmem>>
        %dma_start3A_324 = tpu.memref_squeeze %dma_start3A_323 : memref<1x128xi32, #tpu.memory_space<vmem>> -> memref<128xi32, #tpu.memory_space<vmem>>
        %dma_start3A_325 = arith.constant 0 : i32
        %dma_start3A_326 = arith.constant 0 : i32
        %dma_start3A_327 = tpu.memref_slice %arg16[%dma_start3A_325, %dma_start3A_326] : memref<10240x32xf32, #tpu.memory_space<vmem_shared>> -> memref<10240x32xf32, #tpu.memory_space<vmem_shared>>
        tpu.enqueue_indirect_dma source(%dma_start3A_327 : memref<10240x32xf32, #tpu.memory_space<vmem_shared>>) target(%arg12 : memref<128x32xf32, #tpu.memory_space<vmem>>) offsets(%dma_start3A_324 : memref<128xi32, #tpu.memory_space<vmem>>) semaphore(%arg19 : memref<!tpu.dma_semaphore, #tpu.memory_space<semaphore_mem>>)
      } else {
      }
    }
    %scan3A_200 = arith.constant 20 : i32
    %dma_wait3A_201 = arith.constant 78 : i32
    %dma_wait3A_202 = arith.constant 0 : i32
    %dma_wait3A_203 = tpu.memref_slice %arg10[%dma_wait3A_201, %dma_wait3A_202] : memref<80x128xi32, #tpu.memory_space<vmem>> -> memref<1x128xi32, #tpu.memory_space<vmem>>
    %dma_wait3A_204 = tpu.memref_squeeze %dma_wait3A_203 : memref<1x128xi32, #tpu.memory_space<vmem>> -> memref<128xi32, #tpu.memory_space<vmem>>
    %dma_wait3A_205 = arith.constant 0 : i32
    %dma_wait3A_206 = arith.constant 0 : i32
    %dma_wait3A_207 = tpu.memref_slice %arg17[%dma_wait3A_205, %dma_wait3A_206] : memref<10240x32xf32, #tpu.memory_space<vmem_shared>> -> memref<10240x32xf32, #tpu.memory_space<vmem_shared>>
    tpu.wait_indirect_dma semaphore(%arg24 : memref<!tpu.dma_semaphore, #tpu.memory_space<semaphore_mem>>) src(%arg13 : memref<128x32xf32, #tpu.memory_space<vmem>>) dst(%dma_wait3A_207 : memref<10240x32xf32, #tpu.memory_space<vmem_shared>>)
    %dma_wait3A_208 = arith.constant 79 : i32
    %dma_wait3A_209 = arith.constant 0 : i32
    %dma_wait3A_210 = tpu.memref_slice %arg10[%dma_wait3A_208, %dma_wait3A_209] : memref<80x128xi32, #tpu.memory_space<vmem>> -> memref<1x128xi32, #tpu.memory_space<vmem>>
    %dma_wait3A_211 = tpu.memref_squeeze %dma_wait3A_210 : memref<1x128xi32, #tpu.memory_space<vmem>> -> memref<128xi32, #tpu.memory_space<vmem>>
    %dma_wait3A_212 = arith.constant 0 : i32
    %dma_wait3A_213 = arith.constant 0 : i32
    %dma_wait3A_214 = tpu.memref_slice %arg17[%dma_wait3A_212, %dma_wait3A_213] : memref<10240x32xf32, #tpu.memory_space<vmem_shared>> -> memref<10240x32xf32, #tpu.memory_space<vmem_shared>>
    tpu.wait_indirect_dma semaphore(%arg25 : memref<!tpu.dma_semaphore, #tpu.memory_space<semaphore_mem>>) src(%arg14 : memref<128x32xf32, #tpu.memory_space<vmem>>) dst(%dma_wait3A_214 : memref<10240x32xf32, #tpu.memory_space<vmem_shared>>)
    %barrier3A_215 = arith.constant 0 : index
    tpu.barrier barrier_id(%barrier3A_215)
    %run_scoped3A_216 = arith.constant 3 : i32
    "tpu.region"() ({
      %run_scoped3A_217 = tpu.sem_alloc : memref<!tpu.dma_semaphore, #tpu.memory_space<semaphore_mem>>
      %dma_start3A_218 = arith.constant 0 : i32
      %dma_start3A_219 = tpu.memref_slice %arg8[%arg0, %run_scoped3A_216, %mul3A_8, %dma_start3A_218] : memref<2x4x10240x32xf32, #tpu.memory_space<hbm>> -> memref<1x1x640x32xf32, #tpu.memory_space<hbm>>
      %dma_start3A_220 = tpu.memref_squeeze %dma_start3A_219 : memref<1x1x640x32xf32, #tpu.memory_space<hbm>> -> memref<640x32xf32, #tpu.memory_space<hbm>>
      %dma_start3A_221 = arith.constant 0 : i32
      %dma_start3A_222 = tpu.memref_slice %arg17[%mul3A_8, %dma_start3A_221] : memref<10240x32xf32, #tpu.memory_space<vmem_shared>> -> memref<640x32xf32, #tpu.memory_space<vmem_shared>>
      tpu.enqueue_dma source(%dma_start3A_222 : memref<640x32xf32, #tpu.memory_space<vmem_shared>>) target(%dma_start3A_220 : memref<640x32xf32, #tpu.memory_space<hbm>>) target_semaphore(%run_scoped3A_217 : memref<!tpu.dma_semaphore, #tpu.memory_space<semaphore_mem>>)
      %dma_wait3A_223 = arith.constant 0 : i32
      %dma_wait3A_224 = tpu.memref_slice %arg8[%arg0, %run_scoped3A_216, %mul3A_8, %dma_wait3A_223] : memref<2x4x10240x32xf32, #tpu.memory_space<hbm>> -> memref<1x1x640x32xf32, #tpu.memory_space<hbm>>
      %dma_wait3A_225 = tpu.memref_squeeze %dma_wait3A_224 : memref<1x1x640x32xf32, #tpu.memory_space<hbm>> -> memref<640x32xf32, #tpu.memory_space<hbm>>
      %dma_wait3A_226 = arith.constant 0 : i32
      %dma_wait3A_227 = tpu.memref_slice %arg17[%mul3A_8, %dma_wait3A_226] : memref<10240x32xf32, #tpu.memory_space<vmem_shared>> -> memref<640x32xf32, #tpu.memory_space<vmem_shared>>
      tpu.wait_dma2 semaphore(%run_scoped3A_217 : memref<!tpu.dma_semaphore, #tpu.memory_space<semaphore_mem>>) src(%dma_wait3A_227 : memref<640x32xf32, #tpu.memory_space<vmem_shared>>) dst(%dma_wait3A_225 : memref<640x32xf32, #tpu.memory_space<hbm>>)
      tpu.yield
    }) : () -> ()
    return
  }
}

#map = affine_map<(d0, d1) -> (0, 0, 0)>
module attributes {stable_mosaic.version = 14 : i64} {
  func.func @_deg_body(%arg0: i32, %arg1: i32, %arg2: memref<32x80x128xi32, #tpu.memory_space<hbm>>, %arg3: memref<2x80x128xf32, #tpu.memory_space<hbm>>, %arg4: memref<80x128xi32, #tpu.memory_space<vmem>>, %arg5: memref<80x128xf32, #tpu.memory_space<vmem>>, %arg6: memref<80xi32, #tpu.memory_space<vmem>>, %arg7: memref<80x128xf32, #tpu.memory_space<vmem_shared>>) attributes {dimension_semantics = [#tpu.dimension_semantics<core_parallel>, #tpu.dimension_semantics<subcore_parallel>], iteration_bounds = array<i64: 2, 16>, scalar_prefetch = 0 : i64, scratch_operands = 4 : i64, tpu.core_type = #tpu.core_type<sc_vector_subcore>, window_params = [{transform_indices = #map}, {transform_indices = #map}]} {
    %mul3A = arith.constant 2 : i32
    %mul3A_0 = arith.muli %arg1, %mul3A : i32
    %add3A = arith.addi %mul3A_0, %arg0 : i32
    "tpu.region"() ({
      %run_scoped3A = tpu.sem_alloc : memref<!tpu.dma_semaphore, #tpu.memory_space<semaphore_mem>>
      %dma_start3A = arith.constant 0 : i32
      %dma_start3A_46 = arith.constant 0 : i32
      %dma_start3A_47 = tpu.memref_slice %arg2[%add3A, %dma_start3A, %dma_start3A_46] : memref<32x80x128xi32, #tpu.memory_space<hbm>> -> memref<1x80x128xi32, #tpu.memory_space<hbm>>
      %dma_start3A_48 = tpu.memref_squeeze %dma_start3A_47 : memref<1x80x128xi32, #tpu.memory_space<hbm>> -> memref<80x128xi32, #tpu.memory_space<hbm>>
      %dma_start3A_49 = arith.constant 0 : i32
      %dma_start3A_50 = arith.constant 0 : i32
      %dma_start3A_51 = tpu.memref_slice %arg2[%add3A, %dma_start3A_49, %dma_start3A_50] : memref<32x80x128xi32, #tpu.memory_space<hbm>> -> memref<1x80x128xi32, #tpu.memory_space<hbm>>
      %dma_start3A_52 = tpu.memref_squeeze %dma_start3A_51 : memref<1x80x128xi32, #tpu.memory_space<hbm>> -> memref<80x128xi32, #tpu.memory_space<hbm>>
      tpu.enqueue_dma source(%dma_start3A_52 : memref<80x128xi32, #tpu.memory_space<hbm>>) target(%arg4 : memref<80x128xi32, #tpu.memory_space<vmem>>) target_semaphore(%run_scoped3A : memref<!tpu.dma_semaphore, #tpu.memory_space<semaphore_mem>>)
      %dma_wait3A = arith.constant 0 : i32
      %dma_wait3A_53 = arith.constant 0 : i32
      %dma_wait3A_54 = tpu.memref_slice %arg2[%add3A, %dma_wait3A, %dma_wait3A_53] : memref<32x80x128xi32, #tpu.memory_space<hbm>> -> memref<1x80x128xi32, #tpu.memory_space<hbm>>
      %dma_wait3A_55 = tpu.memref_squeeze %dma_wait3A_54 : memref<1x80x128xi32, #tpu.memory_space<hbm>> -> memref<80x128xi32, #tpu.memory_space<hbm>>
      %dma_wait3A_56 = arith.constant 0 : i32
      %dma_wait3A_57 = arith.constant 0 : i32
      %dma_wait3A_58 = tpu.memref_slice %arg2[%add3A, %dma_wait3A_56, %dma_wait3A_57] : memref<32x80x128xi32, #tpu.memory_space<hbm>> -> memref<1x80x128xi32, #tpu.memory_space<hbm>>
      %dma_wait3A_59 = tpu.memref_squeeze %dma_wait3A_58 : memref<1x80x128xi32, #tpu.memory_space<hbm>> -> memref<80x128xi32, #tpu.memory_space<hbm>>
      tpu.wait_dma2 semaphore(%run_scoped3A : memref<!tpu.dma_semaphore, #tpu.memory_space<semaphore_mem>>) src(%dma_wait3A_59 : memref<80x128xi32, #tpu.memory_space<hbm>>) dst(%arg4 : memref<80x128xi32, #tpu.memory_space<vmem>>)
      tpu.yield
    }) : () -> ()
    %broadcast_in_dim3A = arith.constant 0.000000e+00 : f32
    %broadcast_in_dim3A_1 = vector.broadcast %broadcast_in_dim3A : f32 to vector<16xf32>
    %scan3A = arith.constant 0 : i32
    %scan3A_2 = arith.constant 0 : i32
    %scan3A_3 = arith.constant 80 : i32
    %scan3A_4 = arith.addi %scan3A_2, %scan3A_3 : i32
    %scan3A_5 = arith.constant 1 : i32
    scf.for %scan3A_46 = %scan3A_2 to %scan3A_4 step %scan3A_5  : i32 {
      %swap3A_47 = arith.index_cast %scan3A_46 : i32 to index
      %swap3A_48 = arith.constant 0 : index
      %swap3A_49 = tpu.vector_load %arg5[%swap3A_47, %swap3A_48] {strides = array<i32>} : memref<80x128xf32, #tpu.memory_space<vmem>>, vector<16xf32>,
      tpu.vector_store %arg5[%swap3A_47, %swap3A_48], %broadcast_in_dim3A_1 {strides = array<i32>} : memref<80x128xf32, #tpu.memory_space<vmem>>, vector<16xf32>,
      %swap3A_50 = arith.index_cast %scan3A_46 : i32 to index
      %swap3A_51 = arith.constant 16 : index
      %swap3A_52 = tpu.vector_load %arg5[%swap3A_50, %swap3A_51] {strides = array<i32>} : memref<80x128xf32, #tpu.memory_space<vmem>>, vector<16xf32>,
      tpu.vector_store %arg5[%swap3A_50, %swap3A_51], %broadcast_in_dim3A_1 {strides = array<i32>} : memref<80x128xf32, #tpu.memory_space<vmem>>, vector<16xf32>,
      %swap3A_53 = arith.index_cast %scan3A_46 : i32 to index
      %swap3A_54 = arith.constant 32 : index
      %swap3A_55 = tpu.vector_load %arg5[%swap3A_53, %swap3A_54] {strides = array<i32>} : memref<80x128xf32, #tpu.memory_space<vmem>>, vector<16xf32>,
      tpu.vector_store %arg5[%swap3A_53, %swap3A_54], %broadcast_in_dim3A_1 {strides = array<i32>} : memref<80x128xf32, #tpu.memory_space<vmem>>, vector<16xf32>,
      %swap3A_56 = arith.index_cast %scan3A_46 : i32 to index
      %swap3A_57 = arith.constant 48 : index
      %swap3A_58 = tpu.vector_load %arg5[%swap3A_56, %swap3A_57] {strides = array<i32>} : memref<80x128xf32, #tpu.memory_space<vmem>>, vector<16xf32>,
      tpu.vector_store %arg5[%swap3A_56, %swap3A_57], %broadcast_in_dim3A_1 {strides = array<i32>} : memref<80x128xf32, #tpu.memory_space<vmem>>, vector<16xf32>,
      %swap3A_59 = arith.index_cast %scan3A_46 : i32 to index
      %swap3A_60 = arith.constant 64 : index
      %swap3A_61 = tpu.vector_load %arg5[%swap3A_59, %swap3A_60] {strides = array<i32>} : memref<80x128xf32, #tpu.memory_space<vmem>>, vector<16xf32>,
      tpu.vector_store %arg5[%swap3A_59, %swap3A_60], %broadcast_in_dim3A_1 {strides = array<i32>} : memref<80x128xf32, #tpu.memory_space<vmem>>, vector<16xf32>,
      %swap3A_62 = arith.index_cast %scan3A_46 : i32 to index
      %swap3A_63 = arith.constant 80 : index
      %swap3A_64 = tpu.vector_load %arg5[%swap3A_62, %swap3A_63] {strides = array<i32>} : memref<80x128xf32, #tpu.memory_space<vmem>>, vector<16xf32>,
      tpu.vector_store %arg5[%swap3A_62, %swap3A_63], %broadcast_in_dim3A_1 {strides = array<i32>} : memref<80x128xf32, #tpu.memory_space<vmem>>, vector<16xf32>,
      %swap3A_65 = arith.index_cast %scan3A_46 : i32 to index
      %swap3A_66 = arith.constant 96 : index
      %swap3A_67 = tpu.vector_load %arg5[%swap3A_65, %swap3A_66] {strides = array<i32>} : memref<80x128xf32, #tpu.memory_space<vmem>>, vector<16xf32>,
      tpu.vector_store %arg5[%swap3A_65, %swap3A_66], %broadcast_in_dim3A_1 {strides = array<i32>} : memref<80x128xf32, #tpu.memory_space<vmem>>, vector<16xf32>,
      %swap3A_68 = arith.index_cast %scan3A_46 : i32 to index
      %swap3A_69 = arith.constant 112 : index
      %swap3A_70 = tpu.vector_load %arg5[%swap3A_68, %swap3A_69] {strides = array<i32>} : memref<80x128xf32, #tpu.memory_space<vmem>>, vector<16xf32>,
      tpu.vector_store %arg5[%swap3A_68, %swap3A_69], %broadcast_in_dim3A_1 {strides = array<i32>} : memref<80x128xf32, #tpu.memory_space<vmem>>, vector<16xf32>,
    }
    %scan3A_6 = arith.constant 80 : i32
    %eq3A = arith.constant 0 : i32
    %eq3A_7 = arith.cmpi eq, %arg1, %eq3A : i32
    %convert_element_type3A = arith.extui %eq3A_7 : i1 to i32
    %cond3A = arith.constant 0 : i32
    %cond3A_8 = arith.cmpi ne, %convert_element_type3A, %cond3A : i32
    scf.if %cond3A_8 {
      "tpu.region"() ({
        %run_scoped3A = tpu.sem_alloc : memref<!tpu.dma_semaphore, #tpu.memory_space<semaphore_mem>>
        tpu.enqueue_dma source(%arg5 : memref<80x128xf32, #tpu.memory_space<vmem>>) target(%arg7 : memref<80x128xf32, #tpu.memory_space<vmem_shared>>) target_semaphore(%run_scoped3A : memref<!tpu.dma_semaphore, #tpu.memory_space<semaphore_mem>>)
        tpu.wait_dma2 semaphore(%run_scoped3A : memref<!tpu.dma_semaphore, #tpu.memory_space<semaphore_mem>>) src(%arg5 : memref<80x128xf32, #tpu.memory_space<vmem>>) dst(%arg7 : memref<80x128xf32, #tpu.memory_space<vmem_shared>>)
        tpu.yield
      }) : () -> ()
    } else {
    }
    %barrier3A = arith.constant 0 : index
    tpu.barrier barrier_id(%barrier3A)
    %broadcast_in_dim3A_9 = arith.constant 1.000000e+00 : f32
    %broadcast_in_dim3A_10 = vector.broadcast %broadcast_in_dim3A_9 : f32 to vector<16xf32>
    %scan3A_11 = arith.constant 0 : i32
    %scan3A_12 = arith.constant 0 : i32
    %scan3A_13 = arith.constant 80 : i32
    %scan3A_14 = arith.addi %scan3A_12, %scan3A_13 : i32
    %scan3A_15 = arith.constant 1 : i32
    scf.for %scan3A_46 = %scan3A_12 to %scan3A_14 step %scan3A_15  : i32 {
      %get3A = arith.index_cast %scan3A_46 : i32 to index
      %get3A_47 = arith.constant 0 : index
      %get3A_48 = tpu.vector_load %arg4[%get3A, %get3A_47] {strides = array<i32>} : memref<80x128xi32, #tpu.memory_space<vmem>>, vector<16xi32>,
      %shift_right_arithmetic3A = arith.constant 7 : i32
      %shift_right_arithmetic3A_49 = vector.broadcast %shift_right_arithmetic3A : i32 to vector<16xi32>
      %shift_right_arithmetic3A_50 = arith.shrsi %get3A_48, %shift_right_arithmetic3A_49 : vector<16xi32>
      %and3A = arith.constant 127 : i32
      %and3A_51 = vector.broadcast %and3A : i32 to vector<16xi32>
      %and3A_52 = arith.andi %get3A_48, %and3A_51 : vector<16xi32>
      tpu.vector_store_idx %arg5[%shift_right_arithmetic3A_50, %and3A_52], %broadcast_in_dim3A_10 {add = true} : memref<80x128xf32, #tpu.memory_space<vmem>>[vector<16xi32>, vector<16xi32>], vector<16xf32>,
      %get3A_53 = arith.index_cast %scan3A_46 : i32 to index
      %get3A_54 = arith.constant 16 : index
      %get3A_55 = tpu.vector_load %arg4[%get3A_53, %get3A_54] {strides = array<i32>} : memref<80x128xi32, #tpu.memory_space<vmem>>, vector<16xi32>,
      %shift_right_arithmetic3A_56 = arith.constant 7 : i32
      %shift_right_arithmetic3A_57 = vector.broadcast %shift_right_arithmetic3A_56 : i32 to vector<16xi32>
      %shift_right_arithmetic3A_58 = arith.shrsi %get3A_55, %shift_right_arithmetic3A_57 : vector<16xi32>
      %and3A_59 = arith.constant 127 : i32
      %and3A_60 = vector.broadcast %and3A_59 : i32 to vector<16xi32>
      %and3A_61 = arith.andi %get3A_55, %and3A_60 : vector<16xi32>
      tpu.vector_store_idx %arg5[%shift_right_arithmetic3A_58, %and3A_61], %broadcast_in_dim3A_10 {add = true} : memref<80x128xf32, #tpu.memory_space<vmem>>[vector<16xi32>, vector<16xi32>], vector<16xf32>,
      %get3A_62 = arith.index_cast %scan3A_46 : i32 to index
      %get3A_63 = arith.constant 32 : index
      %get3A_64 = tpu.vector_load %arg4[%get3A_62, %get3A_63] {strides = array<i32>} : memref<80x128xi32, #tpu.memory_space<vmem>>, vector<16xi32>,
      %shift_right_arithmetic3A_65 = arith.constant 7 : i32
      %shift_right_arithmetic3A_66 = vector.broadcast %shift_right_arithmetic3A_65 : i32 to vector<16xi32>
      %shift_right_arithmetic3A_67 = arith.shrsi %get3A_64, %shift_right_arithmetic3A_66 : vector<16xi32>
      %and3A_68 = arith.constant 127 : i32
      %and3A_69 = vector.broadcast %and3A_68 : i32 to vector<16xi32>
      %and3A_70 = arith.andi %get3A_64, %and3A_69 : vector<16xi32>
      tpu.vector_store_idx %arg5[%shift_right_arithmetic3A_67, %and3A_70], %broadcast_in_dim3A_10 {add = true} : memref<80x128xf32, #tpu.memory_space<vmem>>[vector<16xi32>, vector<16xi32>], vector<16xf32>,
      %get3A_71 = arith.index_cast %scan3A_46 : i32 to index
      %get3A_72 = arith.constant 48 : index
      %get3A_73 = tpu.vector_load %arg4[%get3A_71, %get3A_72] {strides = array<i32>} : memref<80x128xi32, #tpu.memory_space<vmem>>, vector<16xi32>,
      %shift_right_arithmetic3A_74 = arith.constant 7 : i32
      %shift_right_arithmetic3A_75 = vector.broadcast %shift_right_arithmetic3A_74 : i32 to vector<16xi32>
      %shift_right_arithmetic3A_76 = arith.shrsi %get3A_73, %shift_right_arithmetic3A_75 : vector<16xi32>
      %and3A_77 = arith.constant 127 : i32
      %and3A_78 = vector.broadcast %and3A_77 : i32 to vector<16xi32>
      %and3A_79 = arith.andi %get3A_73, %and3A_78 : vector<16xi32>
      tpu.vector_store_idx %arg5[%shift_right_arithmetic3A_76, %and3A_79], %broadcast_in_dim3A_10 {add = true} : memref<80x128xf32, #tpu.memory_space<vmem>>[vector<16xi32>, vector<16xi32>], vector<16xf32>,
      %get3A_80 = arith.index_cast %scan3A_46 : i32 to index
      %get3A_81 = arith.constant 64 : index
      %get3A_82 = tpu.vector_load %arg4[%get3A_80, %get3A_81] {strides = array<i32>} : memref<80x128xi32, #tpu.memory_space<vmem>>, vector<16xi32>,
      %shift_right_arithmetic3A_83 = arith.constant 7 : i32
      %shift_right_arithmetic3A_84 = vector.broadcast %shift_right_arithmetic3A_83 : i32 to vector<16xi32>
      %shift_right_arithmetic3A_85 = arith.shrsi %get3A_82, %shift_right_arithmetic3A_84 : vector<16xi32>
      %and3A_86 = arith.constant 127 : i32
      %and3A_87 = vector.broadcast %and3A_86 : i32 to vector<16xi32>
      %and3A_88 = arith.andi %get3A_82, %and3A_87 : vector<16xi32>
      tpu.vector_store_idx %arg5[%shift_right_arithmetic3A_85, %and3A_88], %broadcast_in_dim3A_10 {add = true} : memref<80x128xf32, #tpu.memory_space<vmem>>[vector<16xi32>, vector<16xi32>], vector<16xf32>,
      %get3A_89 = arith.index_cast %scan3A_46 : i32 to index
      %get3A_90 = arith.constant 80 : index
      %get3A_91 = tpu.vector_load %arg4[%get3A_89, %get3A_90] {strides = array<i32>} : memref<80x128xi32, #tpu.memory_space<vmem>>, vector<16xi32>,
      %shift_right_arithmetic3A_92 = arith.constant 7 : i32
      %shift_right_arithmetic3A_93 = vector.broadcast %shift_right_arithmetic3A_92 : i32 to vector<16xi32>
      %shift_right_arithmetic3A_94 = arith.shrsi %get3A_91, %shift_right_arithmetic3A_93 : vector<16xi32>
      %and3A_95 = arith.constant 127 : i32
      %and3A_96 = vector.broadcast %and3A_95 : i32 to vector<16xi32>
      %and3A_97 = arith.andi %get3A_91, %and3A_96 : vector<16xi32>
      tpu.vector_store_idx %arg5[%shift_right_arithmetic3A_94, %and3A_97], %broadcast_in_dim3A_10 {add = true} : memref<80x128xf32, #tpu.memory_space<vmem>>[vector<16xi32>, vector<16xi32>], vector<16xf32>,
      %get3A_98 = arith.index_cast %scan3A_46 : i32 to index
      %get3A_99 = arith.constant 96 : index
      %get3A_100 = tpu.vector_load %arg4[%get3A_98, %get3A_99] {strides = array<i32>} : memref<80x128xi32, #tpu.memory_space<vmem>>, vector<16xi32>,
      %shift_right_arithmetic3A_101 = arith.constant 7 : i32
      %shift_right_arithmetic3A_102 = vector.broadcast %shift_right_arithmetic3A_101 : i32 to vector<16xi32>
      %shift_right_arithmetic3A_103 = arith.shrsi %get3A_100, %shift_right_arithmetic3A_102 : vector<16xi32>
      %and3A_104 = arith.constant 127 : i32
      %and3A_105 = vector.broadcast %and3A_104 : i32 to vector<16xi32>
      %and3A_106 = arith.andi %get3A_100, %and3A_105 : vector<16xi32>
      tpu.vector_store_idx %arg5[%shift_right_arithmetic3A_103, %and3A_106], %broadcast_in_dim3A_10 {add = true} : memref<80x128xf32, #tpu.memory_space<vmem>>[vector<16xi32>, vector<16xi32>], vector<16xf32>,
      %get3A_107 = arith.index_cast %scan3A_46 : i32 to index
      %get3A_108 = arith.constant 112 : index
      %get3A_109 = tpu.vector_load %arg4[%get3A_107, %get3A_108] {strides = array<i32>} : memref<80x128xi32, #tpu.memory_space<vmem>>, vector<16xi32>,
      %shift_right_arithmetic3A_110 = arith.constant 7 : i32
      %shift_right_arithmetic3A_111 = vector.broadcast %shift_right_arithmetic3A_110 : i32 to vector<16xi32>
      %shift_right_arithmetic3A_112 = arith.shrsi %get3A_109, %shift_right_arithmetic3A_111 : vector<16xi32>
      %and3A_113 = arith.constant 127 : i32
      %and3A_114 = vector.broadcast %and3A_113 : i32 to vector<16xi32>
      %and3A_115 = arith.andi %get3A_109, %and3A_114 : vector<16xi32>
      tpu.vector_store_idx %arg5[%shift_right_arithmetic3A_112, %and3A_115], %broadcast_in_dim3A_10 {add = true} : memref<80x128xf32, #tpu.memory_space<vmem>>[vector<16xi32>, vector<16xi32>], vector<16xf32>,
    }
    %scan3A_16 = arith.constant 80 : i32
    %iota3A = tpu.iota {dimensions = array<i32: 0>} : vector<16xi32>
    %add3A_17 = arith.constant 0 : i32
    %add3A_18 = vector.broadcast %add3A_17 : i32 to vector<16xi32>
    %add3A_19 = arith.addi %iota3A, %add3A_18 : vector<16xi32>
    %swap3A = arith.constant 0 : index
    %swap3A_20 = tpu.vector_load %arg6[%swap3A] {strides = array<i32>} : memref<80xi32, #tpu.memory_space<vmem>>, vector<16xi32>,
    tpu.vector_store %arg6[%swap3A], %add3A_19 {strides = array<i32>} : memref<80xi32, #tpu.memory_space<vmem>>, vector<16xi32>,
    %add3A_21 = arith.constant 16 : i32
    %add3A_22 = vector.broadcast %add3A_21 : i32 to vector<16xi32>
    %add3A_23 = arith.addi %iota3A, %add3A_22 : vector<16xi32>
    %swap3A_24 = arith.constant 16 : index
    %swap3A_25 = tpu.vector_load %arg6[%swap3A_24] {strides = array<i32>} : memref<80xi32, #tpu.memory_space<vmem>>, vector<16xi32>,
    tpu.vector_store %arg6[%swap3A_24], %add3A_23 {strides = array<i32>} : memref<80xi32, #tpu.memory_space<vmem>>, vector<16xi32>,
    %add3A_26 = arith.constant 32 : i32
    %add3A_27 = vector.broadcast %add3A_26 : i32 to vector<16xi32>
    %add3A_28 = arith.addi %iota3A, %add3A_27 : vector<16xi32>
    %swap3A_29 = arith.constant 32 : index
    %swap3A_30 = tpu.vector_load %arg6[%swap3A_29] {strides = array<i32>} : memref<80xi32, #tpu.memory_space<vmem>>, vector<16xi32>,
    tpu.vector_store %arg6[%swap3A_29], %add3A_28 {strides = array<i32>} : memref<80xi32, #tpu.memory_space<vmem>>, vector<16xi32>,
    %add3A_31 = arith.constant 48 : i32
    %add3A_32 = vector.broadcast %add3A_31 : i32 to vector<16xi32>
    %add3A_33 = arith.addi %iota3A, %add3A_32 : vector<16xi32>
    %swap3A_34 = arith.constant 48 : index
    %swap3A_35 = tpu.vector_load %arg6[%swap3A_34] {strides = array<i32>} : memref<80xi32, #tpu.memory_space<vmem>>, vector<16xi32>,
    tpu.vector_store %arg6[%swap3A_34], %add3A_33 {strides = array<i32>} : memref<80xi32, #tpu.memory_space<vmem>>, vector<16xi32>,
    %add3A_36 = arith.constant 64 : i32
    %add3A_37 = vector.broadcast %add3A_36 : i32 to vector<16xi32>
    %add3A_38 = arith.addi %iota3A, %add3A_37 : vector<16xi32>
    %swap3A_39 = arith.constant 64 : index
    %swap3A_40 = tpu.vector_load %arg6[%swap3A_39] {strides = array<i32>} : memref<80xi32, #tpu.memory_space<vmem>>, vector<16xi32>,
    tpu.vector_store %arg6[%swap3A_39], %add3A_38 {strides = array<i32>} : memref<80xi32, #tpu.memory_space<vmem>>, vector<16xi32>,
    "tpu.region"() ({
      %run_scoped3A = tpu.sem_alloc : memref<!tpu.dma_semaphore, #tpu.memory_space<semaphore_mem>>
      %dma_start3A = arith.constant 0 : i32
      %dma_start3A_46 = arith.constant 0 : i32
      %dma_start3A_47 = tpu.memref_slice %arg7[%dma_start3A, %dma_start3A_46] : memref<80x128xf32, #tpu.memory_space<vmem_shared>> -> memref<80x128xf32, #tpu.memory_space<vmem_shared>>
      tpu.enqueue_indirect_dma source(%arg5 : memref<80x128xf32, #tpu.memory_space<vmem>>) target(%dma_start3A_47 : memref<80x128xf32, #tpu.memory_space<vmem_shared>>) offsets(%arg6 : memref<80xi32, #tpu.memory_space<vmem>>) semaphore(%run_scoped3A : memref<!tpu.dma_semaphore, #tpu.memory_space<semaphore_mem>>) {add = true}
      %dma_wait3A = arith.constant 0 : i32
      %dma_wait3A_48 = arith.constant 0 : i32
      %dma_wait3A_49 = tpu.memref_slice %arg7[%dma_wait3A, %dma_wait3A_48] : memref<80x128xf32, #tpu.memory_space<vmem_shared>> -> memref<80x128xf32, #tpu.memory_space<vmem_shared>>
      tpu.wait_indirect_dma semaphore(%run_scoped3A : memref<!tpu.dma_semaphore, #tpu.memory_space<semaphore_mem>>) src(%arg5 : memref<80x128xf32, #tpu.memory_space<vmem>>) dst(%dma_wait3A_49 : memref<80x128xf32, #tpu.memory_space<vmem_shared>>)
      tpu.yield
    }) : () -> ()
    %barrier3A_41 = arith.constant 0 : index
    tpu.barrier barrier_id(%barrier3A_41)
    %mul3A_42 = arith.constant 5 : i32
    %mul3A_43 = arith.muli %mul3A_42, %arg1 : i32
    %mul3A_44 = arith.constant 5 : i32
    %mul3A_45 = arith.muli %mul3A_44, %arg1 : i32
    "tpu.region"() ({
      %run_scoped3A = tpu.sem_alloc : memref<!tpu.dma_semaphore, #tpu.memory_space<semaphore_mem>>
      %dma_start3A = arith.constant 0 : i32
      %dma_start3A_46 = tpu.memref_slice %arg3[%arg0, %mul3A_45, %dma_start3A] : memref<2x80x128xf32, #tpu.memory_space<hbm>> -> memref<1x5x128xf32, #tpu.memory_space<hbm>>
      %dma_start3A_47 = tpu.memref_squeeze %dma_start3A_46 : memref<1x5x128xf32, #tpu.memory_space<hbm>> -> memref<5x128xf32, #tpu.memory_space<hbm>>
      %dma_start3A_48 = arith.constant 0 : i32
      %dma_start3A_49 = tpu.memref_slice %arg7[%mul3A_43, %dma_start3A_48] : memref<80x128xf32, #tpu.memory_space<vmem_shared>> -> memref<5x128xf32, #tpu.memory_space<vmem_shared>>
      tpu.enqueue_dma source(%dma_start3A_49 : memref<5x128xf32, #tpu.memory_space<vmem_shared>>) target(%dma_start3A_47 : memref<5x128xf32, #tpu.memory_space<hbm>>) target_semaphore(%run_scoped3A : memref<!tpu.dma_semaphore, #tpu.memory_space<semaphore_mem>>)
      %dma_wait3A = arith.constant 0 : i32
      %dma_wait3A_50 = tpu.memref_slice %arg3[%arg0, %mul3A_45, %dma_wait3A] : memref<2x80x128xf32, #tpu.memory_space<hbm>> -> memref<1x5x128xf32, #tpu.memory_space<hbm>>
      %dma_wait3A_51 = tpu.memref_squeeze %dma_wait3A_50 : memref<1x5x128xf32, #tpu.memory_space<hbm>> -> memref<5x128xf32, #tpu.memory_space<hbm>>
      %dma_wait3A_52 = arith.constant 0 : i32
      %dma_wait3A_53 = tpu.memref_slice %arg7[%mul3A_43, %dma_wait3A_52] : memref<80x128xf32, #tpu.memory_space<vmem_shared>> -> memref<5x128xf32, #tpu.memory_space<vmem_shared>>
      tpu.wait_dma2 semaphore(%run_scoped3A : memref<!tpu.dma_semaphore, #tpu.memory_space<semaphore_mem>>) src(%dma_wait3A_53 : memref<5x128xf32, #tpu.memory_space<vmem_shared>>) dst(%dma_wait3A_51 : memref<5x128xf32, #tpu.memory_space<hbm>>)
      tpu.yield
    }) : () -> ()
    return
  }
}

module attributes {stable_mosaic.version = 14 : i64} {
  func.func @_tc1_body(%arg0: i32, %arg1: memref<512x128xf32, #tpu.memory_space<vmem>>, %arg2: memref<128x128xf32, #tpu.memory_space<vmem>>, %arg3: memref<2x512x1xf32, #tpu.memory_space<vmem>>, %arg4: memref<512x32xf32, #tpu.memory_space<vmem>>, %arg5: memref<512x32xf32, #tpu.memory_space<vmem>>, %arg6: memref<512x32xf32, #tpu.memory_space<vmem>>, %arg7: memref<512x32xf32, #tpu.memory_space<vmem>>, %arg8: memref<512x1xf32, #tpu.memory_space<vmem>>) attributes {dimension_semantics = [#tpu.dimension_semantics<arbitrary>], iteration_bounds = array<i64: 20>, scalar_prefetch = 0 : i64, scratch_operands = 0 : i64, tpu.core_type = #tpu.core_type<tc>, window_params = [{transform_indices = @transform_0, window_bounds = array<i64: 512, 128>}, {pipeline_mode = #tpu.pipeline_mode<synchronous>, transform_indices = @transform_1, window_bounds = array<i64: 128, 128>}, {transform_indices = @transform_2, window_bounds = array<i64: 2, 512, 1>}, {transform_indices = @transform_3, window_bounds = array<i64: 512, 32>}, {transform_indices = @transform_4, window_bounds = array<i64: 512, 32>}, {transform_indices = @transform_5, window_bounds = array<i64: 512, 32>}, {transform_indices = @transform_6, window_bounds = array<i64: 512, 32>}, {transform_indices = @transform_7, window_bounds = array<i64: 512, 1>}]} {
    %get3A = arith.constant 0 : index
    %get3A_0 = arith.constant 0 : index
    %get3A_1 = arith.constant 0 : index
    %get3A_2 = vector.load %arg3[%get3A, %get3A_0, %get3A_1] : memref<2x512x1xf32, #tpu.memory_space<vmem>>, vector<1x512x1xf32>
    %get3A_3 = vector.shape_cast %get3A_2 : vector<1x512x1xf32> to vector<512x1xf32>
    %get3A_4 = arith.constant 1 : index
    %get3A_5 = arith.constant 0 : index
    %get3A_6 = arith.constant 0 : index
    %get3A_7 = vector.load %arg3[%get3A_4, %get3A_5, %get3A_6] : memref<2x512x1xf32, #tpu.memory_space<vmem>>, vector<1x512x1xf32>
    %get3A_8 = vector.shape_cast %get3A_7 : vector<1x512x1xf32> to vector<512x1xf32>
    %add3A = arith.addf %get3A_3, %get3A_8 : vector<512x1xf32>
    %add3A_9 = arith.constant 1.000000e+00 : f32
    %add3A_10 = vector.broadcast %add3A_9 : f32 to vector<512x1xf32>
    %add3A_11 = arith.addf %add3A, %add3A_10 : vector<512x1xf32>
    %rsqrt3A = math.rsqrt %add3A_11 : vector<512x1xf32>
    %get3A_12 = arith.constant 0 : index
    %get3A_13 = arith.constant 0 : index
    %get3A_14 = vector.load %arg1[%get3A_12, %get3A_13] : memref<512x128xf32, #tpu.memory_space<vmem>>, vector<512x128xf32>
    %get3A_15 = arith.constant 0 : index
    %get3A_16 = arith.constant 0 : index
    %get3A_17 = vector.load %arg2[%get3A_15, %get3A_16] : memref<128x128xf32, #tpu.memory_space<vmem>>, vector<128x128xf32>
    %dot_general3A = arith.constant dense<0.000000e+00> : vector<512x128xf32>
    %dot_general3A_18 = tpu.matmul %get3A_14, %get3A_17, %dot_general3A {dimension_numbers = #tpu.dot_dimension_numbers<[1], [0], [0], [1], [0, 0, 1, 1], [], []>, precision = #tpu.contract_precision<fp32>, transpose_lhs_hint = false} : vector<512x128xf32>, vector<128x128xf32>, vector<512x128xf32> -> vector<512x128xf32>
    %mul3A = vector.broadcast %rsqrt3A : vector<512x1xf32> to vector<512x128xf32>
    %mul3A_19 = arith.mulf %mul3A, %dot_general3A_18 : vector<512x128xf32>
    %slice3A = vector.extract_strided_slice %mul3A_19 {offsets = [0, 0], sizes = [512, 32], strides = [1, 1]} : vector<512x128xf32> to vector<512x32xf32>
    %swap3A = arith.constant 0 : index
    %swap3A_20 = arith.constant 0 : index
    %swap3A_21 = vector.load %arg4[%swap3A, %swap3A_20] : memref<512x32xf32, #tpu.memory_space<vmem>>, vector<512x32xf32>
    tpu.vector_store %arg4[%swap3A, %swap3A_20], %slice3A {strides = array<i32>} : memref<512x32xf32, #tpu.memory_space<vmem>>, vector<512x32xf32>,
    %slice3A_22 = vector.extract_strided_slice %mul3A_19 {offsets = [0, 32], sizes = [512, 32], strides = [1, 1]} : vector<512x128xf32> to vector<512x32xf32>
    %swap3A_23 = arith.constant 0 : index
    %swap3A_24 = arith.constant 0 : index
    %swap3A_25 = vector.load %arg5[%swap3A_23, %swap3A_24] : memref<512x32xf32, #tpu.memory_space<vmem>>, vector<512x32xf32>
    tpu.vector_store %arg5[%swap3A_23, %swap3A_24], %slice3A_22 {strides = array<i32>} : memref<512x32xf32, #tpu.memory_space<vmem>>, vector<512x32xf32>,
    %slice3A_26 = vector.extract_strided_slice %mul3A_19 {offsets = [0, 64], sizes = [512, 32], strides = [1, 1]} : vector<512x128xf32> to vector<512x32xf32>
    %swap3A_27 = arith.constant 0 : index
    %swap3A_28 = arith.constant 0 : index
    %swap3A_29 = vector.load %arg6[%swap3A_27, %swap3A_28] : memref<512x32xf32, #tpu.memory_space<vmem>>, vector<512x32xf32>
    tpu.vector_store %arg6[%swap3A_27, %swap3A_28], %slice3A_26 {strides = array<i32>} : memref<512x32xf32, #tpu.memory_space<vmem>>, vector<512x32xf32>,
    %slice3A_30 = vector.extract_strided_slice %mul3A_19 {offsets = [0, 96], sizes = [512, 32], strides = [1, 1]} : vector<512x128xf32> to vector<512x32xf32>
    %swap3A_31 = arith.constant 0 : index
    %swap3A_32 = arith.constant 0 : index
    %swap3A_33 = vector.load %arg7[%swap3A_31, %swap3A_32] : memref<512x32xf32, #tpu.memory_space<vmem>>, vector<512x32xf32>
    tpu.vector_store %arg7[%swap3A_31, %swap3A_32], %slice3A_30 {strides = array<i32>} : memref<512x32xf32, #tpu.memory_space<vmem>>, vector<512x32xf32>,
    %swap3A_34 = arith.constant 0 : index
    %swap3A_35 = arith.constant 0 : index
    %swap3A_36 = vector.load %arg8[%swap3A_34, %swap3A_35] : memref<512x1xf32, #tpu.memory_space<vmem>>, vector<512x1xf32>
    tpu.vector_store %arg8[%swap3A_34, %swap3A_35], %rsqrt3A {strides = array<i32>} : memref<512x1xf32, #tpu.memory_space<vmem>>, vector<512x1xf32>,
    return
  }
  func.func @transform_0(%arg0: i32) -> (i32, i32) {
    %c0_i32 = arith.constant 0 : i32
    %c0_i32_0 = arith.constant 0 : i32
    return %arg0, %c0_i32 : i32, i32
  }
  func.func @transform_1(%arg0: i32) -> (i32, i32) {
    %c0_i32 = arith.constant 0 : i32
    %c0_i32_0 = arith.constant 0 : i32
    %c0_i32_1 = arith.constant 0 : i32
    return %c0_i32, %c0_i32_0 : i32, i32
  }
  func.func @transform_2(%arg0: i32) -> (i32, i32, i32) {
    %c0_i32 = arith.constant 0 : i32
    %c0_i32_0 = arith.constant 0 : i32
    %c0_i32_1 = arith.constant 0 : i32
    return %c0_i32, %arg0, %c0_i32_0 : i32, i32, i32
  }
  func.func @transform_3(%arg0: i32) -> (i32, i32) {
    %c0_i32 = arith.constant 0 : i32
    %c0_i32_0 = arith.constant 0 : i32
    return %arg0, %c0_i32 : i32, i32
  }
  func.func @transform_4(%arg0: i32) -> (i32, i32) {
    %c0_i32 = arith.constant 0 : i32
    %c0_i32_0 = arith.constant 0 : i32
    return %arg0, %c0_i32 : i32, i32
  }
  func.func @transform_5(%arg0: i32) -> (i32, i32) {
    %c0_i32 = arith.constant 0 : i32
    %c0_i32_0 = arith.constant 0 : i32
    return %arg0, %c0_i32 : i32, i32
  }
  func.func @transform_6(%arg0: i32) -> (i32, i32) {
    %c0_i32 = arith.constant 0 : i32
    %c0_i32_0 = arith.constant 0 : i32
    return %arg0, %c0_i32 : i32, i32
  }
  func.func @transform_7(%arg0: i32) -> (i32, i32) {
    %c0_i32 = arith.constant 0 : i32
    %c0_i32_0 = arith.constant 0 : i32
    return %arg0, %c0_i32 : i32, i32
  }
}

module attributes {stable_mosaic.version = 14 : i64} {
  func.func @_tc2_body(%arg0: i32, %arg1: memref<2x4x512x32xf32, #tpu.memory_space<vmem>>, %arg2: memref<512x32xf32, #tpu.memory_space<vmem>>, %arg3: memref<512x32xf32, #tpu.memory_space<vmem>>, %arg4: memref<512x32xf32, #tpu.memory_space<vmem>>, %arg5: memref<512x32xf32, #tpu.memory_space<vmem>>, %arg6: memref<512x1xf32, #tpu.memory_space<vmem>>, %arg7: memref<1x128xf32, #tpu.memory_space<vmem>>, %arg8: memref<128x128xf32, #tpu.memory_space<vmem>>, %arg9: memref<512x32xf32, #tpu.memory_space<vmem>>, %arg10: memref<512x32xf32, #tpu.memory_space<vmem>>, %arg11: memref<512x32xf32, #tpu.memory_space<vmem>>, %arg12: memref<512x32xf32, #tpu.memory_space<vmem>>) attributes {dimension_semantics = [#tpu.dimension_semantics<arbitrary>], iteration_bounds = array<i64: 20>, scalar_prefetch = 0 : i64, scratch_operands = 0 : i64, tpu.core_type = #tpu.core_type<tc>, window_params = [{transform_indices = @transform_0, window_bounds = array<i64: 2, 4, 512, 32>}, {transform_indices = @transform_1, window_bounds = array<i64: 512, 32>}, {transform_indices = @transform_2, window_bounds = array<i64: 512, 32>}, {transform_indices = @transform_3, window_bounds = array<i64: 512, 32>}, {transform_indices = @transform_4, window_bounds = array<i64: 512, 32>}, {transform_indices = @transform_5, window_bounds = array<i64: 512, 1>}, {pipeline_mode = #tpu.pipeline_mode<synchronous>, transform_indices = @transform_6, window_bounds = array<i64: 1, 128>}, {pipeline_mode = #tpu.pipeline_mode<synchronous>, transform_indices = @transform_7, window_bounds = array<i64: 128, 128>}, {transform_indices = @transform_8, window_bounds = array<i64: 512, 32>}, {transform_indices = @transform_9, window_bounds = array<i64: 512, 32>}, {transform_indices = @transform_10, window_bounds = array<i64: 512, 32>}, {transform_indices = @transform_11, window_bounds = array<i64: 512, 32>}]} {
    %get3A = arith.constant 0 : index
    %get3A_0 = arith.constant 0 : index
    %get3A_1 = vector.load %arg6[%get3A, %get3A_0] : memref<512x1xf32, #tpu.memory_space<vmem>>, vector<512x1xf32>
    %get3A_2 = arith.constant 0 : index
    %get3A_3 = arith.constant 0 : index
    %get3A_4 = arith.constant 0 : index
    %get3A_5 = arith.constant 0 : index
    %get3A_6 = vector.load %arg1[%get3A_2, %get3A_3, %get3A_4, %get3A_5] : memref<2x4x512x32xf32, #tpu.memory_space<vmem>>, vector<1x1x512x32xf32>
    %get3A_7 = vector.shape_cast %get3A_6 : vector<1x1x512x32xf32> to vector<512x32xf32>
    %get3A_8 = arith.constant 1 : index
    %get3A_9 = arith.constant 0 : index
    %get3A_10 = arith.constant 0 : index
    %get3A_11 = arith.constant 0 : index
    %get3A_12 = vector.load %arg1[%get3A_8, %get3A_9, %get3A_10, %get3A_11] : memref<2x4x512x32xf32, #tpu.memory_space<vmem>>, vector<1x1x512x32xf32>
    %get3A_13 = vector.shape_cast %get3A_12 : vector<1x1x512x32xf32> to vector<512x32xf32>
    %add3A = arith.addf %get3A_7, %get3A_13 : vector<512x32xf32>
    %get3A_14 = arith.constant 0 : index
    %get3A_15 = arith.constant 0 : index
    %get3A_16 = vector.load %arg2[%get3A_14, %get3A_15] : memref<512x32xf32, #tpu.memory_space<vmem>>, vector<512x32xf32>
    %add3A_17 = arith.addf %add3A, %get3A_16 : vector<512x32xf32>
    %mul3A = vector.broadcast %get3A_1 : vector<512x1xf32> to vector<512x32xf32>
    %mul3A_18 = arith.mulf %mul3A, %add3A_17 : vector<512x32xf32>
    %get3A_19 = arith.constant 0 : index
    %get3A_20 = arith.constant 1 : index
    %get3A_21 = arith.constant 0 : index
    %get3A_22 = arith.constant 0 : index
    %get3A_23 = vector.load %arg1[%get3A_19, %get3A_20, %get3A_21, %get3A_22] : memref<2x4x512x32xf32, #tpu.memory_space<vmem>>, vector<1x1x512x32xf32>
    %get3A_24 = vector.shape_cast %get3A_23 : vector<1x1x512x32xf32> to vector<512x32xf32>
    %get3A_25 = arith.constant 1 : index
    %get3A_26 = arith.constant 1 : index
    %get3A_27 = arith.constant 0 : index
    %get3A_28 = arith.constant 0 : index
    %get3A_29 = vector.load %arg1[%get3A_25, %get3A_26, %get3A_27, %get3A_28] : memref<2x4x512x32xf32, #tpu.memory_space<vmem>>, vector<1x1x512x32xf32>
    %get3A_30 = vector.shape_cast %get3A_29 : vector<1x1x512x32xf32> to vector<512x32xf32>
    %add3A_31 = arith.addf %get3A_24, %get3A_30 : vector<512x32xf32>
    %get3A_32 = arith.constant 0 : index
    %get3A_33 = arith.constant 0 : index
    %get3A_34 = vector.load %arg3[%get3A_32, %get3A_33] : memref<512x32xf32, #tpu.memory_space<vmem>>, vector<512x32xf32>
    %add3A_35 = arith.addf %add3A_31, %get3A_34 : vector<512x32xf32>
    %mul3A_36 = vector.broadcast %get3A_1 : vector<512x1xf32> to vector<512x32xf32>
    %mul3A_37 = arith.mulf %mul3A_36, %add3A_35 : vector<512x32xf32>
    %get3A_38 = arith.constant 0 : index
    %get3A_39 = arith.constant 2 : index
    %get3A_40 = arith.constant 0 : index
    %get3A_41 = arith.constant 0 : index
    %get3A_42 = vector.load %arg1[%get3A_38, %get3A_39, %get3A_40, %get3A_41] : memref<2x4x512x32xf32, #tpu.memory_space<vmem>>, vector<1x1x512x32xf32>
    %get3A_43 = vector.shape_cast %get3A_42 : vector<1x1x512x32xf32> to vector<512x32xf32>
    %get3A_44 = arith.constant 1 : index
    %get3A_45 = arith.constant 2 : index
    %get3A_46 = arith.constant 0 : index
    %get3A_47 = arith.constant 0 : index
    %get3A_48 = vector.load %arg1[%get3A_44, %get3A_45, %get3A_46, %get3A_47] : memref<2x4x512x32xf32, #tpu.memory_space<vmem>>, vector<1x1x512x32xf32>
    %get3A_49 = vector.shape_cast %get3A_48 : vector<1x1x512x32xf32> to vector<512x32xf32>
    %add3A_50 = arith.addf %get3A_43, %get3A_49 : vector<512x32xf32>
    %get3A_51 = arith.constant 0 : index
    %get3A_52 = arith.constant 0 : index
    %get3A_53 = vector.load %arg4[%get3A_51, %get3A_52] : memref<512x32xf32, #tpu.memory_space<vmem>>, vector<512x32xf32>
    %add3A_54 = arith.addf %add3A_50, %get3A_53 : vector<512x32xf32>
    %mul3A_55 = vector.broadcast %get3A_1 : vector<512x1xf32> to vector<512x32xf32>
    %mul3A_56 = arith.mulf %mul3A_55, %add3A_54 : vector<512x32xf32>
    %get3A_57 = arith.constant 0 : index
    %get3A_58 = arith.constant 3 : index
    %get3A_59 = arith.constant 0 : index
    %get3A_60 = arith.constant 0 : index
    %get3A_61 = vector.load %arg1[%get3A_57, %get3A_58, %get3A_59, %get3A_60] : memref<2x4x512x32xf32, #tpu.memory_space<vmem>>, vector<1x1x512x32xf32>
    %get3A_62 = vector.shape_cast %get3A_61 : vector<1x1x512x32xf32> to vector<512x32xf32>
    %get3A_63 = arith.constant 1 : index
    %get3A_64 = arith.constant 3 : index
    %get3A_65 = arith.constant 0 : index
    %get3A_66 = arith.constant 0 : index
    %get3A_67 = vector.load %arg1[%get3A_63, %get3A_64, %get3A_65, %get3A_66] : memref<2x4x512x32xf32, #tpu.memory_space<vmem>>, vector<1x1x512x32xf32>
    %get3A_68 = vector.shape_cast %get3A_67 : vector<1x1x512x32xf32> to vector<512x32xf32>
    %add3A_69 = arith.addf %get3A_62, %get3A_68 : vector<512x32xf32>
    %get3A_70 = arith.constant 0 : index
    %get3A_71 = arith.constant 0 : index
    %get3A_72 = vector.load %arg5[%get3A_70, %get3A_71] : memref<512x32xf32, #tpu.memory_space<vmem>>, vector<512x32xf32>
    %add3A_73 = arith.addf %add3A_69, %get3A_72 : vector<512x32xf32>
    %mul3A_74 = vector.broadcast %get3A_1 : vector<512x1xf32> to vector<512x32xf32>
    %mul3A_75 = arith.mulf %mul3A_74, %add3A_73 : vector<512x32xf32>
    %concatenate3A = tpu.concatenate %mul3A_18, %mul3A_37, %mul3A_56, %mul3A_75 in 1 : vector<512x32xf32>, vector<512x32xf32>, vector<512x32xf32>, vector<512x32xf32> -> vector<512x128xf32>
    %get3A_76 = arith.constant 0 : index
    %get3A_77 = arith.constant 0 : index
    %get3A_78 = vector.load %arg7[%get3A_76, %get3A_77] : memref<1x128xf32, #tpu.memory_space<vmem>>, vector<1x128xf32>
    %add3A_79 = vector.broadcast %get3A_78 : vector<1x128xf32> to vector<512x128xf32>
    %add3A_80 = arith.addf %concatenate3A, %add3A_79 : vector<512x128xf32>
    %max3A = arith.constant 0.000000e+00 : f32
    %max3A_81 = vector.broadcast %max3A : f32 to vector<512x128xf32>
    %max3A_82 = arith.maximumf %add3A_80, %max3A_81 : vector<512x128xf32>
    %get3A_83 = arith.constant 0 : index
    %get3A_84 = arith.constant 0 : index
    %get3A_85 = vector.load %arg6[%get3A_83, %get3A_84] : memref<512x1xf32, #tpu.memory_space<vmem>>, vector<512x1xf32>
    %get3A_86 = arith.constant 0 : index
    %get3A_87 = arith.constant 0 : index
    %get3A_88 = vector.load %arg8[%get3A_86, %get3A_87] : memref<128x128xf32, #tpu.memory_space<vmem>>, vector<128x128xf32>
    %dot_general3A = arith.constant dense<0.000000e+00> : vector<512x128xf32>
    %dot_general3A_89 = tpu.matmul %max3A_82, %get3A_88, %dot_general3A {dimension_numbers = #tpu.dot_dimension_numbers<[1], [0], [0], [1], [0, 0, 1, 1], [], []>, precision = #tpu.contract_precision<fp32>, transpose_lhs_hint = false} : vector<512x128xf32>, vector<128x128xf32>, vector<512x128xf32> -> vector<512x128xf32>
    %mul3A_90 = vector.broadcast %get3A_85 : vector<512x1xf32> to vector<512x128xf32>
    %mul3A_91 = arith.mulf %mul3A_90, %dot_general3A_89 : vector<512x128xf32>
    %slice3A = vector.extract_strided_slice %mul3A_91 {offsets = [0, 0], sizes = [512, 32], strides = [1, 1]} : vector<512x128xf32> to vector<512x32xf32>
    %swap3A = arith.constant 0 : index
    %swap3A_92 = arith.constant 0 : index
    %swap3A_93 = vector.load %arg9[%swap3A, %swap3A_92] : memref<512x32xf32, #tpu.memory_space<vmem>>, vector<512x32xf32>
    tpu.vector_store %arg9[%swap3A, %swap3A_92], %slice3A {strides = array<i32>} : memref<512x32xf32, #tpu.memory_space<vmem>>, vector<512x32xf32>,
    %slice3A_94 = vector.extract_strided_slice %mul3A_91 {offsets = [0, 32], sizes = [512, 32], strides = [1, 1]} : vector<512x128xf32> to vector<512x32xf32>
    %swap3A_95 = arith.constant 0 : index
    %swap3A_96 = arith.constant 0 : index
    %swap3A_97 = vector.load %arg10[%swap3A_95, %swap3A_96] : memref<512x32xf32, #tpu.memory_space<vmem>>, vector<512x32xf32>
    tpu.vector_store %arg10[%swap3A_95, %swap3A_96], %slice3A_94 {strides = array<i32>} : memref<512x32xf32, #tpu.memory_space<vmem>>, vector<512x32xf32>,
    %slice3A_98 = vector.extract_strided_slice %mul3A_91 {offsets = [0, 64], sizes = [512, 32], strides = [1, 1]} : vector<512x128xf32> to vector<512x32xf32>
    %swap3A_99 = arith.constant 0 : index
    %swap3A_100 = arith.constant 0 : index
    %swap3A_101 = vector.load %arg11[%swap3A_99, %swap3A_100] : memref<512x32xf32, #tpu.memory_space<vmem>>, vector<512x32xf32>
    tpu.vector_store %arg11[%swap3A_99, %swap3A_100], %slice3A_98 {strides = array<i32>} : memref<512x32xf32, #tpu.memory_space<vmem>>, vector<512x32xf32>,
    %slice3A_102 = vector.extract_strided_slice %mul3A_91 {offsets = [0, 96], sizes = [512, 32], strides = [1, 1]} : vector<512x128xf32> to vector<512x32xf32>
    %swap3A_103 = arith.constant 0 : index
    %swap3A_104 = arith.constant 0 : index
    %swap3A_105 = vector.load %arg12[%swap3A_103, %swap3A_104] : memref<512x32xf32, #tpu.memory_space<vmem>>, vector<512x32xf32>
    tpu.vector_store %arg12[%swap3A_103, %swap3A_104], %slice3A_102 {strides = array<i32>} : memref<512x32xf32, #tpu.memory_space<vmem>>, vector<512x32xf32>,
    return
  }
  func.func @transform_0(%arg0: i32) -> (i32, i32, i32, i32) {
    %c0_i32 = arith.constant 0 : i32
    %c0_i32_0 = arith.constant 0 : i32
    %c0_i32_1 = arith.constant 0 : i32
    %c0_i32_2 = arith.constant 0 : i32
    return %c0_i32, %c0_i32_0, %arg0, %c0_i32_1 : i32, i32, i32, i32
  }
  func.func @transform_1(%arg0: i32) -> (i32, i32) {
    %c0_i32 = arith.constant 0 : i32
    %c0_i32_0 = arith.constant 0 : i32
    return %arg0, %c0_i32 : i32, i32
  }
  func.func @transform_2(%arg0: i32) -> (i32, i32) {
    %c0_i32 = arith.constant 0 : i32
    %c0_i32_0 = arith.constant 0 : i32
    return %arg0, %c0_i32 : i32, i32
  }
  func.func @transform_3(%arg0: i32) -> (i32, i32) {
    %c0_i32 = arith.constant 0 : i32
    %c0_i32_0 = arith.constant 0 : i32
    return %arg0, %c0_i32 : i32, i32
  }
  func.func @transform_4(%arg0: i32) -> (i32, i32) {
    %c0_i32 = arith.constant 0 : i32
    %c0_i32_0 = arith.constant 0 : i32
    return %arg0, %c0_i32 : i32, i32
  }
  func.func @transform_5(%arg0: i32) -> (i32, i32) {
    %c0_i32 = arith.constant 0 : i32
    %c0_i32_0 = arith.constant 0 : i32
    return %arg0, %c0_i32 : i32, i32
  }
  func.func @transform_6(%arg0: i32) -> (i32, i32) {
    %c0_i32 = arith.constant 0 : i32
    %c0_i32_0 = arith.constant 0 : i32
    %c0_i32_1 = arith.constant 0 : i32
    return %c0_i32, %c0_i32_0 : i32, i32
  }
  func.func @transform_7(%arg0: i32) -> (i32, i32) {
    %c0_i32 = arith.constant 0 : i32
    %c0_i32_0 = arith.constant 0 : i32
    %c0_i32_1 = arith.constant 0 : i32
    return %c0_i32, %c0_i32_0 : i32, i32
  }
  func.func @transform_8(%arg0: i32) -> (i32, i32) {
    %c0_i32 = arith.constant 0 : i32
    %c0_i32_0 = arith.constant 0 : i32
    return %arg0, %c0_i32 : i32, i32
  }
  func.func @transform_9(%arg0: i32) -> (i32, i32) {
    %c0_i32 = arith.constant 0 : i32
    %c0_i32_0 = arith.constant 0 : i32
    return %arg0, %c0_i32 : i32, i32
  }
  func.func @transform_10(%arg0: i32) -> (i32, i32) {
    %c0_i32 = arith.constant 0 : i32
    %c0_i32_0 = arith.constant 0 : i32
    return %arg0, %c0_i32 : i32, i32
  }
  func.func @transform_11(%arg0: i32) -> (i32, i32) {
    %c0_i32 = arith.constant 0 : i32
    %c0_i32_0 = arith.constant 0 : i32
    return %arg0, %c0_i32 : i32, i32
  }
}

module attributes {stable_mosaic.version = 14 : i64} {
  func.func @_tc3_body(%arg0: i32, %arg1: memref<2x4x512x32xf32, #tpu.memory_space<vmem>>, %arg2: memref<512x32xf32, #tpu.memory_space<vmem>>, %arg3: memref<512x32xf32, #tpu.memory_space<vmem>>, %arg4: memref<512x32xf32, #tpu.memory_space<vmem>>, %arg5: memref<512x32xf32, #tpu.memory_space<vmem>>, %arg6: memref<512x1xf32, #tpu.memory_space<vmem>>, %arg7: memref<1x128xf32, #tpu.memory_space<vmem>>, %arg8: memref<1x1x512xi32, #tpu.memory_space<vmem>>, %arg9: memref<64x128xf32, #tpu.memory_space<vmem>>, %arg10: memref<64x128xf32, #tpu.memory_space<vmem>>, %arg11: memref<64x1xf32, #tpu.memory_space<vmem>>) attributes {dimension_semantics = [#tpu.dimension_semantics<arbitrary>], iteration_bounds = array<i64: 20>, scalar_prefetch = 0 : i64, scratch_operands = 2 : i64, tpu.core_type = #tpu.core_type<tc>, window_params = [{transform_indices = @transform_0, window_bounds = array<i64: 2, 4, 512, 32>}, {transform_indices = @transform_1, window_bounds = array<i64: 512, 32>}, {transform_indices = @transform_2, window_bounds = array<i64: 512, 32>}, {transform_indices = @transform_3, window_bounds = array<i64: 512, 32>}, {transform_indices = @transform_4, window_bounds = array<i64: 512, 32>}, {transform_indices = @transform_5, window_bounds = array<i64: 512, 1>}, {pipeline_mode = #tpu.pipeline_mode<synchronous>, transform_indices = @transform_6, window_bounds = array<i64: 1, 128>}, {transform_indices = @transform_7, window_bounds = array<i64: 1, 1, 512>}, {pipeline_mode = #tpu.pipeline_mode<synchronous>, transform_indices = @transform_8, window_bounds = array<i64: 64, 128>}]} {
    %get3A = arith.constant 0 : index
    %get3A_0 = arith.constant 0 : index
    %get3A_1 = vector.load %arg6[%get3A, %get3A_0] : memref<512x1xf32, #tpu.memory_space<vmem>>, vector<512x1xf32>
    %get3A_2 = arith.constant 0 : index
    %get3A_3 = arith.constant 0 : index
    %get3A_4 = arith.constant 0 : index
    %get3A_5 = arith.constant 0 : index
    %get3A_6 = vector.load %arg1[%get3A_2, %get3A_3, %get3A_4, %get3A_5] : memref<2x4x512x32xf32, #tpu.memory_space<vmem>>, vector<1x1x512x32xf32>
    %get3A_7 = vector.shape_cast %get3A_6 : vector<1x1x512x32xf32> to vector<512x32xf32>
    %get3A_8 = arith.constant 1 : index
    %get3A_9 = arith.constant 0 : index
    %get3A_10 = arith.constant 0 : index
    %get3A_11 = arith.constant 0 : index
    %get3A_12 = vector.load %arg1[%get3A_8, %get3A_9, %get3A_10, %get3A_11] : memref<2x4x512x32xf32, #tpu.memory_space<vmem>>, vector<1x1x512x32xf32>
    %get3A_13 = vector.shape_cast %get3A_12 : vector<1x1x512x32xf32> to vector<512x32xf32>
    %add3A = arith.addf %get3A_7, %get3A_13 : vector<512x32xf32>
    %get3A_14 = arith.constant 0 : index
    %get3A_15 = arith.constant 0 : index
    %get3A_16 = vector.load %arg2[%get3A_14, %get3A_15] : memref<512x32xf32, #tpu.memory_space<vmem>>, vector<512x32xf32>
    %add3A_17 = arith.addf %add3A, %get3A_16 : vector<512x32xf32>
    %mul3A = vector.broadcast %get3A_1 : vector<512x1xf32> to vector<512x32xf32>
    %mul3A_18 = arith.mulf %mul3A, %add3A_17 : vector<512x32xf32>
    %get3A_19 = arith.constant 0 : index
    %get3A_20 = arith.constant 1 : index
    %get3A_21 = arith.constant 0 : index
    %get3A_22 = arith.constant 0 : index
    %get3A_23 = vector.load %arg1[%get3A_19, %get3A_20, %get3A_21, %get3A_22] : memref<2x4x512x32xf32, #tpu.memory_space<vmem>>, vector<1x1x512x32xf32>
    %get3A_24 = vector.shape_cast %get3A_23 : vector<1x1x512x32xf32> to vector<512x32xf32>
    %get3A_25 = arith.constant 1 : index
    %get3A_26 = arith.constant 1 : index
    %get3A_27 = arith.constant 0 : index
    %get3A_28 = arith.constant 0 : index
    %get3A_29 = vector.load %arg1[%get3A_25, %get3A_26, %get3A_27, %get3A_28] : memref<2x4x512x32xf32, #tpu.memory_space<vmem>>, vector<1x1x512x32xf32>
    %get3A_30 = vector.shape_cast %get3A_29 : vector<1x1x512x32xf32> to vector<512x32xf32>
    %add3A_31 = arith.addf %get3A_24, %get3A_30 : vector<512x32xf32>
    %get3A_32 = arith.constant 0 : index
    %get3A_33 = arith.constant 0 : index
    %get3A_34 = vector.load %arg3[%get3A_32, %get3A_33] : memref<512x32xf32, #tpu.memory_space<vmem>>, vector<512x32xf32>
    %add3A_35 = arith.addf %add3A_31, %get3A_34 : vector<512x32xf32>
    %mul3A_36 = vector.broadcast %get3A_1 : vector<512x1xf32> to vector<512x32xf32>
    %mul3A_37 = arith.mulf %mul3A_36, %add3A_35 : vector<512x32xf32>
    %get3A_38 = arith.constant 0 : index
    %get3A_39 = arith.constant 2 : index
    %get3A_40 = arith.constant 0 : index
    %get3A_41 = arith.constant 0 : index
    %get3A_42 = vector.load %arg1[%get3A_38, %get3A_39, %get3A_40, %get3A_41] : memref<2x4x512x32xf32, #tpu.memory_space<vmem>>, vector<1x1x512x32xf32>
    %get3A_43 = vector.shape_cast %get3A_42 : vector<1x1x512x32xf32> to vector<512x32xf32>
    %get3A_44 = arith.constant 1 : index
    %get3A_45 = arith.constant 2 : index
    %get3A_46 = arith.constant 0 : index
    %get3A_47 = arith.constant 0 : index
    %get3A_48 = vector.load %arg1[%get3A_44, %get3A_45, %get3A_46, %get3A_47] : memref<2x4x512x32xf32, #tpu.memory_space<vmem>>, vector<1x1x512x32xf32>
    %get3A_49 = vector.shape_cast %get3A_48 : vector<1x1x512x32xf32> to vector<512x32xf32>
    %add3A_50 = arith.addf %get3A_43, %get3A_49 : vector<512x32xf32>
    %get3A_51 = arith.constant 0 : index
    %get3A_52 = arith.constant 0 : index
    %get3A_53 = vector.load %arg4[%get3A_51, %get3A_52] : memref<512x32xf32, #tpu.memory_space<vmem>>, vector<512x32xf32>
    %add3A_54 = arith.addf %add3A_50, %get3A_53 : vector<512x32xf32>
    %mul3A_55 = vector.broadcast %get3A_1 : vector<512x1xf32> to vector<512x32xf32>
    %mul3A_56 = arith.mulf %mul3A_55, %add3A_54 : vector<512x32xf32>
    %get3A_57 = arith.constant 0 : index
    %get3A_58 = arith.constant 3 : index
    %get3A_59 = arith.constant 0 : index
    %get3A_60 = arith.constant 0 : index
    %get3A_61 = vector.load %arg1[%get3A_57, %get3A_58, %get3A_59, %get3A_60] : memref<2x4x512x32xf32, #tpu.memory_space<vmem>>, vector<1x1x512x32xf32>
    %get3A_62 = vector.shape_cast %get3A_61 : vector<1x1x512x32xf32> to vector<512x32xf32>
    %get3A_63 = arith.constant 1 : index
    %get3A_64 = arith.constant 3 : index
    %get3A_65 = arith.constant 0 : index
    %get3A_66 = arith.constant 0 : index
    %get3A_67 = vector.load %arg1[%get3A_63, %get3A_64, %get3A_65, %get3A_66] : memref<2x4x512x32xf32, #tpu.memory_space<vmem>>, vector<1x1x512x32xf32>
    %get3A_68 = vector.shape_cast %get3A_67 : vector<1x1x512x32xf32> to vector<512x32xf32>
    %add3A_69 = arith.addf %get3A_62, %get3A_68 : vector<512x32xf32>
    %get3A_70 = arith.constant 0 : index
    %get3A_71 = arith.constant 0 : index
    %get3A_72 = vector.load %arg5[%get3A_70, %get3A_71] : memref<512x32xf32, #tpu.memory_space<vmem>>, vector<512x32xf32>
    %add3A_73 = arith.addf %add3A_69, %get3A_72 : vector<512x32xf32>
    %mul3A_74 = vector.broadcast %get3A_1 : vector<512x1xf32> to vector<512x32xf32>
    %mul3A_75 = arith.mulf %mul3A_74, %add3A_73 : vector<512x32xf32>
    %concatenate3A = tpu.concatenate %mul3A_18, %mul3A_37, %mul3A_56, %mul3A_75 in 1 : vector<512x32xf32>, vector<512x32xf32>, vector<512x32xf32>, vector<512x32xf32> -> vector<512x128xf32>
    %get3A_76 = arith.constant 0 : index
    %get3A_77 = arith.constant 0 : index
    %get3A_78 = vector.load %arg7[%get3A_76, %get3A_77] : memref<1x128xf32, #tpu.memory_space<vmem>>, vector<1x128xf32>
    %add3A_79 = vector.broadcast %get3A_78 : vector<1x128xf32> to vector<512x128xf32>
    %add3A_80 = arith.addf %concatenate3A, %add3A_79 : vector<512x128xf32>
    %get3A_81 = arith.constant 0 : index
    %get3A_82 = arith.constant 0 : index
    %get3A_83 = arith.constant 0 : index
    %get3A_84 = vector.load %arg8[%get3A_81, %get3A_82, %get3A_83] : memref<1x1x512xi32, #tpu.memory_space<vmem>>, vector<1x1x512xi32>
    %get3A_85 = vector.shape_cast %get3A_84 : vector<1x1x512xi32> to vector<1x512xi32>
    %iota3A = tpu.iota {dimensions = array<i32: 0>} : vector<64x512xi32>
    %eq3A = vector.broadcast %get3A_85 : vector<1x512xi32> to vector<64x512xi32>
    %eq3A_86 = arith.cmpi eq, %eq3A, %iota3A : vector<64x512xi32>
    %convert_element_type3A = arith.extui %eq3A_86 : vector<64x512xi1> to vector<64x512xi32>
    %convert_element_type3A_87 = arith.sitofp %convert_element_type3A : vector<64x512xi32> to vector<64x512xf32>
    %dot_general3A = arith.constant dense<0.000000e+00> : vector<64x128xf32>
    %dot_general3A_88 = tpu.matmul %convert_element_type3A_87, %add3A_80, %dot_general3A {dimension_numbers = #tpu.dot_dimension_numbers<[1], [0], [0], [1], [0, 0, 1, 1], [], []>, precision = #tpu.contract_precision<fp32>, transpose_lhs_hint = false} : vector<64x512xf32>, vector<512x128xf32>, vector<64x128xf32> -> vector<64x128xf32>
    %reduce_sum3A = arith.constant dense<0.000000e+00> : vector<64xf32>
    %reduce_sum3A_89 = vector.multi_reduction <add>, %convert_element_type3A_87, %reduce_sum3A [1] : vector<64x512xf32> to vector<64xf32>
    %broadcast_in_dim3A = vector.shape_cast %reduce_sum3A_89 : vector<64xf32> to vector<64x1xf32>
    %eq3A_90 = arith.constant 0 : i32
    %eq3A_91 = arith.cmpi eq, %arg0, %eq3A_90 : i32
    %convert_element_type3A_92 = arith.extui %eq3A_91 : i1 to i32
    %cond3A = arith.constant 0 : i32
    %cond3A_93 = arith.cmpi ne, %convert_element_type3A_92, %cond3A : i32
    scf.if %cond3A_93 {
      %swap3A = arith.constant 0 : index
      %swap3A_103 = arith.constant 0 : index
      %swap3A_104 = vector.load %arg10[%swap3A, %swap3A_103] : memref<64x128xf32, #tpu.memory_space<vmem>>, vector<64x128xf32>
      tpu.vector_store %arg10[%swap3A, %swap3A_103], %dot_general3A_88 {strides = array<i32>} : memref<64x128xf32, #tpu.memory_space<vmem>>, vector<64x128xf32>,
      %swap3A_105 = arith.constant 0 : index
      %swap3A_106 = arith.constant 0 : index
      %swap3A_107 = vector.load %arg11[%swap3A_105, %swap3A_106] : memref<64x1xf32, #tpu.memory_space<vmem>>, vector<64x1xf32>
      tpu.vector_store %arg11[%swap3A_105, %swap3A_106], %broadcast_in_dim3A {strides = array<i32>} : memref<64x1xf32, #tpu.memory_space<vmem>>, vector<64x1xf32>,
    } else {
    }
    %gt3A = arith.constant 0 : i32
    %gt3A_94 = arith.cmpi sgt, %arg0, %gt3A : i32
    %convert_element_type3A_95 = arith.extui %gt3A_94 : i1 to i32
    %cond3A_96 = arith.constant 0 : i32
    %cond3A_97 = arith.cmpi ne, %convert_element_type3A_95, %cond3A_96 : i32
    scf.if %cond3A_97 {
      %get3A_103 = arith.constant 0 : index
      %get3A_104 = arith.constant 0 : index
      %get3A_105 = vector.load %arg10[%get3A_103, %get3A_104] : memref<64x128xf32, #tpu.memory_space<vmem>>, vector<64x128xf32>
      %add3A_106 = arith.addf %get3A_105, %dot_general3A_88 : vector<64x128xf32>
      %swap3A = arith.constant 0 : index
      %swap3A_107 = arith.constant 0 : index
      %swap3A_108 = vector.load %arg10[%swap3A, %swap3A_107] : memref<64x128xf32, #tpu.memory_space<vmem>>, vector<64x128xf32>
      tpu.vector_store %arg10[%swap3A, %swap3A_107], %add3A_106 {strides = array<i32>} : memref<64x128xf32, #tpu.memory_space<vmem>>, vector<64x128xf32>,
      %get3A_109 = arith.constant 0 : index
      %get3A_110 = arith.constant 0 : index
      %get3A_111 = vector.load %arg11[%get3A_109, %get3A_110] : memref<64x1xf32, #tpu.memory_space<vmem>>, vector<64x1xf32>
      %add3A_112 = arith.addf %get3A_111, %broadcast_in_dim3A : vector<64x1xf32>
      %swap3A_113 = arith.constant 0 : index
      %swap3A_114 = arith.constant 0 : index
      %swap3A_115 = vector.load %arg11[%swap3A_113, %swap3A_114] : memref<64x1xf32, #tpu.memory_space<vmem>>, vector<64x1xf32>
      tpu.vector_store %arg11[%swap3A_113, %swap3A_114], %add3A_112 {strides = array<i32>} : memref<64x1xf32, #tpu.memory_space<vmem>>, vector<64x1xf32>,
    } else {
    }
    %eq3A_98 = arith.constant 19 : i32
    %eq3A_99 = arith.cmpi eq, %arg0, %eq3A_98 : i32
    %convert_element_type3A_100 = arith.extui %eq3A_99 : i1 to i32
    %cond3A_101 = arith.constant 0 : i32
    %cond3A_102 = arith.cmpi ne, %convert_element_type3A_100, %cond3A_101 : i32
    scf.if %cond3A_102 {
      %get3A_103 = arith.constant 0 : index
      %get3A_104 = arith.constant 0 : index
      %get3A_105 = vector.load %arg10[%get3A_103, %get3A_104] : memref<64x128xf32, #tpu.memory_space<vmem>>, vector<64x128xf32>
      %get3A_106 = arith.constant 0 : index
      %get3A_107 = arith.constant 0 : index
      %get3A_108 = vector.load %arg11[%get3A_106, %get3A_107] : memref<64x1xf32, #tpu.memory_space<vmem>>, vector<64x1xf32>
      %max3A = arith.constant 1.000000e+00 : f32
      %max3A_109 = vector.broadcast %max3A : f32 to vector<64x1xf32>
      %max3A_110 = arith.maximumf %get3A_108, %max3A_109 : vector<64x1xf32>
      %div3A = vector.broadcast %max3A_110 : vector<64x1xf32> to vector<64x128xf32>
      %div3A_111 = arith.divf %get3A_105, %div3A : vector<64x128xf32>
      %swap3A = arith.constant 0 : index
      %swap3A_112 = arith.constant 0 : index
      %swap3A_113 = vector.load %arg9[%swap3A, %swap3A_112] : memref<64x128xf32, #tpu.memory_space<vmem>>, vector<64x128xf32>
      tpu.vector_store %arg9[%swap3A, %swap3A_112], %div3A_111 {strides = array<i32>} : memref<64x128xf32, #tpu.memory_space<vmem>>, vector<64x128xf32>,
    } else {
    }
    return
  }
  func.func @transform_0(%arg0: i32) -> (i32, i32, i32, i32) {
    %c0_i32 = arith.constant 0 : i32
    %c0_i32_0 = arith.constant 0 : i32
    %c0_i32_1 = arith.constant 0 : i32
    %c0_i32_2 = arith.constant 0 : i32
    return %c0_i32, %c0_i32_0, %arg0, %c0_i32_1 : i32, i32, i32, i32
  }
  func.func @transform_1(%arg0: i32) -> (i32, i32) {
    %c0_i32 = arith.constant 0 : i32
    %c0_i32_0 = arith.constant 0 : i32
    return %arg0, %c0_i32 : i32, i32
  }
  func.func @transform_2(%arg0: i32) -> (i32, i32) {
    %c0_i32 = arith.constant 0 : i32
    %c0_i32_0 = arith.constant 0 : i32
    return %arg0, %c0_i32 : i32, i32
  }
  func.func @transform_3(%arg0: i32) -> (i32, i32) {
    %c0_i32 = arith.constant 0 : i32
    %c0_i32_0 = arith.constant 0 : i32
    return %arg0, %c0_i32 : i32, i32
  }
  func.func @transform_4(%arg0: i32) -> (i32, i32) {
    %c0_i32 = arith.constant 0 : i32
    %c0_i32_0 = arith.constant 0 : i32
    return %arg0, %c0_i32 : i32, i32
  }
  func.func @transform_5(%arg0: i32) -> (i32, i32) {
    %c0_i32 = arith.constant 0 : i32
    %c0_i32_0 = arith.constant 0 : i32
    return %arg0, %c0_i32 : i32, i32
  }
  func.func @transform_6(%arg0: i32) -> (i32, i32) {
    %c0_i32 = arith.constant 0 : i32
    %c0_i32_0 = arith.constant 0 : i32
    %c0_i32_1 = arith.constant 0 : i32
    return %c0_i32, %c0_i32_0 : i32, i32
  }
  func.func @transform_7(%arg0: i32) -> (i32, i32, i32) {
    %c0_i32 = arith.constant 0 : i32
    %c0_i32_0 = arith.constant 0 : i32
    %c0_i32_1 = arith.constant 0 : i32
    return %arg0, %c0_i32, %c0_i32_0 : i32, i32, i32
  }
  func.func @transform_8(%arg0: i32) -> (i32, i32) {
    %c0_i32 = arith.constant 0 : i32
    %c0_i32_0 = arith.constant 0 : i32
    %c0_i32_1 = arith.constant 0 : i32
    return %c0_i32, %c0_i32_0 : i32, i32
  }
}

</mosaic_0001>

<sc_bundles>
// kernel: kernel.11.cloned.1.call-start
scs
__scs_entry_jumppad:
0x0: {  	(pc) =	sbr.rel $0x88, $3  }
0x1: {  	(tag) =	ssettag $0x0;
	lr =	simm.s32 $0x1  }
0x2: {  	[smem:$0x3F9A] =	sst lr;
	_ =	strace $0xD0000000  }
0x3: {  	_ = 	snop  }
0x4: {  	_ = 	snop  }
0x5: {  	_ = 	snop  }
0x6: {  	_ = 	snop  }
0x7: {  	_ = 	snop  }
__scs_overlays_trampoline_lowered:
0x8: {  	[smem:$0x3FA9] =	sst s0  }
0x9: {  	[smem:$0x3FAA] =	sst s1  }
0xa: {  	[smem:$0x3FAB] =	sst s2  }
0xb: {  	[smem:$0x3FAC] =	sst s3  }
0xc: {  	[smem:$0x3FAD] =	sst s4  }
0xd: {  	[smem:$0x3FAE] =	sst s5  }
0xe: {  	[smem:$0x3FAF] =	sst s6  }
0xf: {  	[smem:$0x3FB0] =	sst s7  }
0x10: {  	[smem:$0x3FB1] =	sst s8  }
0x11: {  	[smem:$0x3FB2] =	sst s9;
	s0 =	simm.s32 @!p0 $0x0  }
0x12: {  	s1 =	sld [smem:$0x3F98];
	s0 =	simm.s32 @p0 $0x1  }
0x13: {  	[smem:$0x3FB3] =	sst s0;
	s0 =	simm.s32 @!p1 $0x0  }
0x14: {  	s2 =	sld [smem:$0x3F97];
	s0 =	simm.s32 @p1 $0x1  }
0x15: {  	[smem:$0x3FB4] =	sst s0;
	s0 =	simm.s32 @!p2 $0x0  }
0x16: {  	s3 =	sld [smem:$0x3FDB];
	s0 =	simm.s32 @p2 $0x1  }
0x17: {  	s4 =	simm.s32 $0x1BF5;
	[smem:$0x3FB6] =	sst s0  }
0x18: {  	s0 =	sld [smem:$0x3F99];
	_ =	swait.ge [sflag:s4], $0x0  }
0x19: {  	s7 =	sld [smem:$0x3F9A]  }
0x1a: {  	s8 =	sadd.s32 $0xFFFFE003, lr  }
0x1b: {  	s9 =	sadd.s32 $0xFFFFFEF7, lr;
	s5 =	simm.s32 $0xFFFFFFFF;
	p2 =	slt.u32 s8, $0xFFFFF086  }
0x1c: {  	p1 =	slt.u32 s9, $0xF7A;
	s5 =	simm.s32 @!p2 $0x0  }
0x1d: {  	s5 =	simm.s32 @p1 $0x1;
	p0 =	seq.s32 s7, s2  }
0x1e: {  	s7 =	smul.u32 @!p0 $0xF7A, s2;
	p2 =	seq.s32 @!p0 s5, $0x0  }
0x1f: {  	s9 =	smul.u32 $0xF7A, s1;
	s8 =	simm.s32 @!p0 $0x1BF5;
	p2 =	por !p2, p0  }
0x20: {  	[sflag:s8] =	ssyncset.s32 @!p0 $0xFFFFF086;
	s6 =	sadd.s32 @!p0 s3, s7;
	s7 =	simm.s32 @!p0 $0x108  }
0x21: {  	s3 =	sadd.s32 s3, s9;
	s6 =	sadd.s32 @!p0 $0x88, s6;
	s7 =	simm.s32 @p2 $0x1082  }
0x22: {  	[simem:s7], [sflag:s8] =	dma.local @!p0 [hbm:s6], $0xF7A  }
0x23: {  	s9 =	sor.u32 $0xD0000000, s2;
	s6 =	simm.s32 $0x108;
	_ =	swait.ge @!p0 [sflag:s8], $0x0  }
0x24: {  	s3 =	sadd.s32 $0x88, s3;
	s6 =	simm.s32 @!p1 $0x1082;
	[sflag:s4] =	ssyncset.s32 $0xFFFFF086  }
0x25: {  	[simem:s6], [sflag:s4] =	dma.local [hbm:s3], $0xF7A  }
0x26: {  	[smem:$0x3F9A] =	sst s1;
	(tag) =	ssettag s2;
	_ =	strace s9  }
0x27: {  	s1 =	sld [smem:$0x3FAA]  }
0x28: {  	s2 =	sld [smem:$0x3FAB]  }
0x29: {  	s4 =	sld [smem:$0x3FAD]  }
0x2a: {  	p0 =	seq.s32 s5, $0x0;
	s5 =	sld [smem:$0x3FAE]  }
0x2b: {  	s6 =	sld [smem:$0x3FAF]  }
0x2c: {  	s7 =	sld [smem:$0x3FB0]  }
0x2d: {  	s3 =	simm.s32 $0x108;
	s8 =	sld [smem:$0x3FB1]  }
0x2e: {  	s3 =	simm.s32 @!p0 $0x1082;
	s9 =	sld [smem:$0x3FB2]  }
0x2f: {  	lr =	sadd.s32 s0, s3;
	s0 =	sld [smem:$0x3FA9]  }
0x30: {  	s3 =	sld [smem:$0x3FAC]  }
0x31: {  	[smem:$0x3FB5] =	sst s10  }
0x32: {  	s10 =	sld [smem:$0x3FB3];
	_ =	sdelay $0x3  }
0x33: {  	p0 =	seq.s32 s10, $0x1;
	s10 =	sld [smem:$0x3FB5];
	_ =	sdelay $0x3  }
0x34: {  	[smem:$0x3FB5] =	sst s10  }
0x35: {  	s10 =	sld [smem:$0x3FB4];
	_ =	sdelay $0x3  }
0x36: {  	p1 =	seq.s32 s10, $0x1;
	s10 =	sld [smem:$0x3FB5];
	_ =	sdelay $0x3  }
0x37: {  	[smem:$0x3FB5] =	sst s10  }
0x38: {  	s10 =	sld [smem:$0x3FB6]  }
0x39: {  	_ = 	snop;
	(pc) =	sbr.ind lr, $3  }
0x3a: {  	_ = 	snop  }
0x3b: {  	_ = 	snop  }
0x3c: {  	p2 =	seq.s32 s10, $0x1;
	s10 =	sld [smem:$0x3FB5]  }
0x3d: {  	_ =	shalt  }
0x3e: {  	_ =	shalt  }
0x3f: {  	_ =	shalt  }
0x40: {  	_ =	shalt  }
0x41: {  	_ =	shalt  }
0x42: {  	_ =	shalt  }
0x43: {  	_ =	shalt  }
0x44: {  	_ =	shalt  }
0x45: {  	_ =	shalt  }
0x46: {  	_ =	shalt  }
0x47: {  	_ =	shalt  }
0x48: {  	_ =	shalt  }
0x49: {  	_ =	shalt  }
0x4a: {  	_ =	shalt  }
0x4b: {  	_ =	shalt  }
0x4c: {  	_ =	shalt  }
0x4d: {  	_ =	shalt  }
0x4e: {  	_ =	shalt  }
0x4f: {  	_ =	shalt  }
0x50: {  	_ =	shalt  }
0x51: {  	_ =	shalt  }
0x52: {  	_ =	shalt  }
0x53: {  	_ =	shalt  }
0x54: {  	_ =	shalt  }
0x55: {  	_ =	shalt  }
0x56: {  	_ =	shalt  }
0x57: {  	_ =	shalt  }
0x58: {  	_ =	shalt  }
0x59: {  	_ =	shalt  }
0x5a: {  	_ =	shalt  }
0x5b: {  	_ =	shalt  }
0x5c: {  	_ =	shalt  }
0x5d: {  	_ =	shalt  }
0x5e: {  	_ =	shalt  }
0x5f: {  	_ =	shalt  }
0x60: {  	_ =	shalt  }
0x61: {  	_ =	shalt  }
0x62: {  	_ =	shalt  }
0x63: {  	_ =	shalt  }
0x64: {  	_ =	shalt  }
0x65: {  	_ =	shalt  }
0x66: {  	_ =	shalt  }
0x67: {  	_ =	shalt  }
0x68: {  	_ =	shalt  }
0x69: {  	_ =	shalt  }
0x6a: {  	_ =	shalt  }
0x6b: {  	_ =	shalt  }
0x6c: {  	_ =	shalt  }
0x6d: {  	_ =	shalt  }
0x6e: {  	_ =	shalt  }
0x6f: {  	_ =	shalt  }
0x70: {  	_ =	shalt  }
0x71: {  	_ =	shalt  }
0x72: {  	_ =	shalt  }
0x73: {  	_ =	shalt  }
0x74: {  	_ =	shalt  }
0x75: {  	_ =	shalt  }
0x76: {  	_ =	shalt  }
0x77: {  	_ =	shalt  }
0x78: {  	_ =	shalt  }
0x79: {  	_ =	shalt  }
0x7a: {  	_ =	shalt  }
0x7b: {  	_ =	shalt  }
0x7c: {  	_ =	shalt  }
0x7d: {  	_ =	shalt  }
0x7e: {  	_ =	shalt  }
0x7f: {  	_ =	shalt  }
0x80: {  	_ =	shalt  }
0x81: {  	_ =	shalt  }
0x82: {  	_ =	shalt  }
0x83: {  	_ =	shalt  }
0x84: {  	_ =	shalt  }
0x85: {  	_ =	shalt  }
0x86: {  	_ =	shalt  }
0x87: {  	_ =	shalt  }
.Lfunc_end0:
.L_simem_size_0:
called_computation.1_lowered:
.L_overlay_start_0:
0x88: {  	s2 =	sld [smem:$0x3FD9]  }
0x89: {  	s3 =	sld [smem:$0x3FFE];
	_ =	sdelay $0x1  }
0x8a: {  	s1 =	srdreg.scid  }
0x8b: {  	s0 =	sand.u32 $0x1, s1  }
0x8c: {  	s16 =	sshll.u32 s0, $0xA;
	s2 =	sadd.s32 s3, s2  }
0x8d: {  	s2 =	sadd.s32 s2, s16  }
0x8e: {  	[smem:$0x3FC1] =	sst s2  }
0x8f: {  	_ = 	snop  }
0x90: {  	(tm) =	ssettm $0x1  }
0x91: {  	s17 =	sld [smem:$0x3FFB];
	_ =	sdelay $0x3  }
0x92: {  	_ =	strace s17  }
0x93: {  	s2 =	sld [smem:$0x3FFC];
	_ =	sdelay $0x3  }
0x94: {  	_ =	strace s2  }
0x95: {  	s2 =	sld [smem:$0x3FFD];
	_ =	sdelay $0x3  }
0x96: {  	_ =	strace s2  }
0x97: {  	_ =	strace $0x8FFFFFFF  }
0x98: {  	s18 =	sld [smem:$0x3FDB];
	_ =	sdelay $0x1  }
0x99: {  	s19 =	simm.s32 $_scs_section_size  }
0x9a: {  	s4 =	simm.s32 $_size__tile_overlayer_lowered;
	s5 =	simm.s32 $_tile_overlayer_lowered  }
0x9b: {  	s22 =	simm.s32 $0x1BFF;
	s21 =	sshll.u32 s5, $0x1;
	s2 =	sadd.s32 s19, s18  }
0x9c: {  	s6 =	simm.s32 $0x0;
	s20 =	sshll.u32 s4, $0x1;
	s4 =	sadd.s32 s21, s2  }
0x9d: {  	[timem:s6], [sflag:s22] =	dma.local [hbm:s4], s20  }
0x9e: {  	_ =	swait.ge [sflag:s22], s20  }
0x9f: {  	s3 =	ssub.s32 $0x0, s20;
	[sflag:s22] =	ssyncset.done $0x0  }
0xa0: {  	[sflag:s22] =	ssyncadd.s32 s3;
	_ =	sdelay $0x1  }
0xa1: {  	s23 =	simm.s32 $0x1B8B  }
0xa2: {  	_ =	swait.ge [sflag:s23], $0x1  }
0xa3: {  	[sflag:s23] =	ssyncset.done $0x0  }
0xa4: {  	s25 =	simm.s32 $0x1B8E;
	s24 =	sld [smem:$0x3FFE];
	[sflag:s23] =	ssyncadd.s32 $0xFFFFFFFF  }
0xa5: {  	s26 =	simm.s32 $execute0_lowered;
	[smem:$0x3FD2] =	sst s25  }
0xa6: {  	s4 =	sshll.u32 s26, $0x1;
	_ =	strace $0x80000049;
	[dreg:$0x1] =	wrdreg $0xFFFFFFFF  }
0xa7: {  	s28 =	simm.s32 $_size_execute0_lowered;
	s2 =	sadd.s32 s2, s4;
	[dreg:$0x0] =	wrdreg $0x0  }
0xa8: {  	s4 =	sshll.u32 s28, $0x1;
	[dreg:$0x2] =	wrdreg s2  }
0xa9: {  	[dreg:$0x3] =	wrdreg s4  }
0xaa: {  	[dreg:$0x4] =	wrdreg $0xC0  }
0xab: {  	_ =	task [dreg:s6], $0x5FFFF  }
0xac: {  	[dreg:$0x1] =	wrdreg $0xFFFFFFFF  }
0xad: {  	[dreg:$0x0] =	wrdreg $0x60  }
0xae: {  	[dreg:$0x2] =	wrdreg s24  }
0xaf: {  	[dreg:$0x3] =	wrdreg $0xE0000  }
0xb0: {  	[dreg:$0x4] =	wrdreg $0x130000  }
0xb1: {  	[dreg:$0x5] =	wrdreg $0x9  }
0xb2: {  	_ =	task.clear_ibuf [dreg:s6], $0x6FFFF;
	_ =	strace $0x90000049  }
0xb3: {  	s29 =	simm.s32 $0x9;
	_ =	strace $0x8000004B  }
0xb4: {  	_ =	swait.ge [sflag:s29], $0x1  }
0xb5: {  	[sflag:s29] =	ssyncadd.s32 $0xFFFFFFFF  }
0xb6: {  	_ =	strace $0x9000004B  }
0xb7: {  	_ =	sfence  }
0xb8: {  	s30 =	sld [smem:$0x0];
	_ =	sdelay $0x2  }
0xb9: {  	s31 =	sshll.u32 s1, $0xD;
	s1 =	sshrl.u32 s1, $0x2  }
0xba: {  	s3 =	sand.u32 $0x4000, s31;
	s1 =	sadd.s32 s1, s30  }
0xbb: {  	s0 =	sor.u32 s3, s0;
	s1 =	sshll.u32 s1, $0x11  }
0xbc: {  	s0 =	sor.u32 s1, s0  }
0xbd: {  	s0 =	sadd.s32 $0x8F2B, s0  }
0xbe: {  	[sflag:s0] =	ssyncadd.remote.s32 $0x1  }
0xbf: {  	_ =	sfence.sel $0xFFFF  }
0xc0: {  	[dreg:$0x0] =	wrdreg $0xFFFFFFFF;
	(pc) =	sbr.abs _section_cstart, $3  }
0xc1: {  	[dreg:$0x1] =	wrdreg $0xFFFFFFFF  }
0xc2: {  	_ =	task.clear_ibuf [dreg:s6], $0x2FFFF;
	_ =	strace $0x9FFFFFFF  }
0xc3: {  	(tm) =	ssettm $0x7FFFFFFF  }
tec
execute0_lowered:
.L_overlay_start_1:
0x0: {  	(tag) =	ssettag $0x1  }
0x1: {  	s0 =	rddreg [dreg:$0x0]  }
0x2: {  	s2 =	rddreg [dreg:$0x1]  }
0x3: {  	s3 =	rddreg [dreg:$0x2]  }
0x4: {  	s6 =	simm.s32 $0x0;
	s9 =	stileid.u32;
	s1 =	srdreg.scid  }
0x5: {  	s28 =	simm.s32 $0x6000;
	s30 =	simm.s32 $0x7000;
	s10 =	simm.s32 $0x2980  }
0x6: {  	s11 =	simm.s32 $0x6;
	s12 =	simm.s32 $0x280;
	s13 =	simm.s32 $0x7  }
0x7: {  	s14 =	simm.s32 $0x8;
	s15 =	simm.s32 $0x0;
	s4 =	smul.u32 $0x5000, s9  }
0x8: {  	s1 =	sand.u32 $0x1, s1;
	s5 =	sshll.u32 s9, $0x1;
	[smem:$0x7FF] =	sst s6  }
0x9: {  	s31 =	sshll.u32 s9, $0x6;
	s9 =	simm.s32 $0x4;
	s5 =	sor.u32 s1, s5  }
0xa: {  	s17 =	smul.u32 $0x140000, s1;
	_ =	strace $0x8000004A;
	s1 =	ssub.s32 $0x2, s1  }
0xb: {  	[dreg:$0xf] =	wrdreg s31;
	s7 =	sshrl.u32 s4, $0x3;
	s5 =	smul.u32 $0x500, s5  }
0xc: {  	s8 =	sshrl.u32 s1, $0x1;
	s19 =	sadd.s32 s4, s2;
	s7 =	sadd.s32 s7, s0  }
0xd: {  	s6 =	sadd.s32 s4, s17;
	s1 =	ssub.s32 s1, s8;
	s8 =	sadd.s32 s4, s3  }
0xe: {  	s17 =	simm.s32 $0x9;
	s4 =	simm.s32 $0x3;
	s5 =	sadd.s32 s5, s0  }
0xf: {  	s6 =	sshrl.u32 s6, $0x3;
	s20 =	sadd.s32 $0xFC600, s7;
	s23 =	sadd.s32 $0xF2600, s7  }
0x10: {  	s24 =	sadd.s32 $0xE8600, s7;
	s26 =	sadd.s32 $0xDE600, s7;
	[dreg:$0x6] =	wrdreg s20  }
0x11: {  	s29 =	smax.u32 s1, $0x1;
	s1 =	simm.s32 $0x8000;
	[dreg:$0x9] =	wrdreg s23  }
0x12: {  	s7 =	simm.s32 $0x200;
	s0 =	sadd.s32 s6, s0;
	[dreg:$0xa] =	wrdreg s24  }
0x13: {  	s18 =	sadd.s32 $0x34600, s5;
	s5 =	sadd.s32 $0x1C00, s5;
	[dreg:$0xc] =	wrdreg s26  }
0x14: {  	[dreg:$0xe] =	wrdreg s29;
	s20 =	sor.u32 $0x1C01, s31;
	s23 =	simm.s32 $0x1  }
0x15: {  	s24 =	simm.s32 $0x2;
	s26 =	simm.s32 $0x5000;
	[dreg:$0x4] =	wrdreg s18  }
.Ltmp0:
0x16: {  	[dreg:$0x5] =	wrdreg s5;
	s21 =	sadd.s32 $0x106600, s0;
	(pc) =	sbr.rel .LBB2_1-.Ltmp0, $4  }
0x17: {  	s6 =	simm.s32 $0x5;
	s22 =	sadd.s32 $0x110600, s0;
	[dreg:$0x7] =	wrdreg s21  }
0x18: {  	s25 =	sadd.s32 $0x11A600, s0;
	s0 =	sadd.s32 $0x124600, s0;
	[dreg:$0x8] =	wrdreg s22  }
0x19: {  	s18 =	simm.s32 $0x2800;
	s5 =	simm.s32 $0x2900;
	[dreg:$0xb] =	wrdreg s25  }
0x1a: {  	v0 =	vimm.f32 $0.0e+00;
	[dreg:$0xd] =	wrdreg s0;
	s21 =	sshrl.u32 s19, $0x3;
	s25 =	simm.s32 $0x80  }
.LBB2_15:
0x1b: {  	_ =	swait.ge [sflag:s9], $0x1000  }
0x1c: {  	[sflag:s9] =	ssyncset.done $0x0  }
0x1d: {  	[sflag:s9] =	ssyncadd.s32 $0xFFFFF000  }
0x1e: {  	[spmem:s3] =	stream.indirect.scatter.add.f32 [tilespmem:s1], [sflag:$0x8], $0x20, s31, s25, $0xb8;
	[tilespmem:$0x18000] =	vst v63  }
0x1f: {  	_ =	swait.ge [sflag:s11], $0x1000  }
0x20: {  	[sflag:s11] =	ssyncset.done $0x0  }
0x21: {  	[sflag:s11] =	ssyncadd.s32 $0xFFFFF000  }
0x22: {  	_ =	swait.ge [sflag:s13], $0x1000  }
0x23: {  	[sflag:s13] =	ssyncset.done $0x0  }
0x24: {  	[sflag:s13] =	ssyncadd.s32 $0xFFFFF000  }
0x25: {  	_ =	swait.ge [sflag:s14], $0x1000  }
0x26: {  	[sflag:s14] =	ssyncset.done $0x0  }
0x27: {  	[sflag:s14] =	ssyncadd.s32 $0xFFFFF000  }
0x28: {  	[bflag:$0x0] =	sbarrier.arrive $0xFFFF  }
0x29: {  	s0 =	rddreg [dreg:$0xd]  }
0x2a: {  	[hbm:s0], [sflag:s16] =	dma.local [spmem:s19], $0xA00  }
0x2b: {  	_ =	swait.ge [sflag:s17], $0xA00  }
0x2c: {  	s15 =	sadd.s32 $0x1, s15;
	s31 =	rddreg [dreg:$0xe]  }
0x2d: {  	p0 =	sne.s32 s15, s31  }
.Ltmp1:
0x2e: {  	_ = 	snop;
	(pc) =	sbr.rel @!p0 .LBB2_16-.Ltmp1, $3  }
0x2f: {  	_ =	sdelay $0x1  }
0x30: {  	[sflag:s17] =	ssyncset.done $0x0  }
0x31: {  	[sflag:s17] =	ssyncadd.s32 $0xFFFFF600  }
.LBB2_1:
0x32: {  	s0 =	simm.s32 $0x0;
	s16 =	rddreg [dreg:$0x4]  }
0x33: {  	[tilespmem:s0], [sflag:$0x9] =	stream.linear.gather [hbm4b:s16+s0], $0x2800, $0x38;
	[tilespmem:$0x18000] =	vst v63  }
0x34: {  	_ =	swait.ge [sflag:s17], $0x2800  }
0x35: {  	[sflag:s17] =	ssyncset.done $0x0  }
0x36: {  	s31 =	rddreg [dreg:$0x5];
	[sflag:s17] =	ssyncadd.s32 $0xFFFFD800  }
0x37: {  	[tilespmem:s18], [sflag:$0x9] =	stream.linear.gather [hbm4b:s31+s0], $0x2800, $0x38;
	[tilespmem:$0x18000] =	vst v63  }
0x38: {  	_ =	swait.ge [sflag:s17], $0x2800  }
0x39: {  	[sflag:s17] =	ssyncset.done $0x0  }
0x3a: {  	s19 =	simm.s32 $0x0;
	s16 =	simm.s32 $0x80;
	[sflag:s17] =	ssyncadd.s32 $0xFFFFD800  }
.LBB2_2:
0x3b: {  	p0 =	sne.s32 s16, $0x13F80;
	[tilespmem:s19+$0x9000] =	vst v0;
	s22 =	smov.u32 s16;
	s16 =	sadd.s32 $0x80, s16  }
.Ltmp2:
0x3c: {  	[tilespmem:s19+$0x9010] =	vst v0;
	(pc) =	sbr.rel @p0 .LBB2_2-.Ltmp2, $2  }
0x3d: {  	_ =	sdelay $0x2  }
0x3e: {  	s19 =	sshra.s32 s22, $0x2  }
0x3f: {  	[tilespmem:s19+$0x9000] =	vst v0  }
0x40: {  	[tilespmem:s19+$0x9010] =	vst v0;
	s0 =	rddreg [dreg:$0x6];
	s19 =	simm.s32 $0x9000  }
0x41: {  	[spmem:s21], [sflag:s20] =	dma.local [hbm:s0], $0xA00  }
0x42: {  	[spmem:s8] =	stream.linear.scatter [tilespmem:s19], [sflag:$0x2], $0x5000, $0x38;
	[tilespmem:$0x18000] =	vst v63  }
0x43: {  	_ =	swait.ge [sflag:s23], $0xA00  }
0x44: {  	[sflag:s23] =	ssyncset.done $0x0  }
0x45: {  	[sflag:s23] =	ssyncadd.s32 $0xFFFFF600  }
0x46: {  	_ =	swait.ge [sflag:s24], $0x5000  }
0x47: {  	[sflag:s24] =	ssyncset.done $0x0  }
0x48: {  	[sflag:s24] =	ssyncadd.s32 $0xFFFFB000  }
0x49: {  	s16 =	simm.s32 $0x0;
	[bflag:$0x0] =	sbarrier.arrive $0xFFFF  }
0x4a: {  	[tilespmem:s26], [sflag:$0x1] =	stream.indirect.gather [spmem:s2], $0x20, s16, s25, $0xb8;
	[tilespmem:$0x18000] =	vst v63  }
0x4b: {  	_ = 	snop  }
0x4c: {  	[tilespmem:s28], [sflag:$0x2] =	stream.indirect.gather [spmem:s2], $0x20, s25, s25, $0xb8;
	[tilespmem:$0x18000] =	vst v63  }
0x4d: {  	_ =	swait.ge [sflag:s23], $0x1000  }
0x4e: {  	[sflag:s23] =	ssyncset.done $0x0  }
0x4f: {  	[sflag:s23] =	ssyncadd.s32 $0xFFFFF000  }
0x50: {  	[spmem:s3] =	stream.indirect.scatter.add.f32 [tilespmem:s26], [sflag:$0x5], $0x20, s18, s25, $0xb8;
	[tilespmem:$0x18000] =	vst v63  }
0x51: {  	s22 =	simm.s32 $0x100  }
0x52: {  	[tilespmem:s30], [sflag:$0x3] =	stream.indirect.gather [spmem:s2], $0x20, s22, s25, $0xb8;
	[tilespmem:$0x18000] =	vst v63  }
0x53: {  	_ =	swait.ge [sflag:s24], $0x1000  }
0x54: {  	[sflag:s24] =	ssyncset.done $0x0  }
0x55: {  	s29 =	simm.s32 $0x2880;
	[sflag:s24] =	ssyncadd.s32 $0xFFFFF000  }
0x56: {  	[spmem:s3] =	stream.indirect.scatter.add.f32 [tilespmem:s28], [sflag:$0x6], $0x20, s29, s25, $0xb8;
	[tilespmem:$0x18000] =	vst v63  }
0x57: {  	s31 =	simm.s32 $0x180  }
0x58: {  	[tilespmem:s1], [sflag:$0x4] =	stream.indirect.gather [spmem:s2], $0x20, s31, s25, $0xb8;
	[tilespmem:$0x18000] =	vst v63  }
0x59: {  	_ =	swait.ge [sflag:s4], $0x1000  }
0x5a: {  	[sflag:s4] =	ssyncset.done $0x0  }
0x5b: {  	[sflag:s4] =	ssyncadd.s32 $0xFFFFF000  }
0x5c: {  	[spmem:s3] =	stream.indirect.scatter.add.f32 [tilespmem:s30], [sflag:$0x7], $0x20, s5, s25, $0xb8;
	[tilespmem:$0x18000] =	vst v63  }
0x5d: {  	_ =	swait.ge [sflag:s6], $0x1000  }
0x5e: {  	[sflag:s6] =	ssyncset.done $0x0  }
0x5f: {  	[sflag:s6] =	ssyncadd.s32 $0xFFFFF000  }
0x60: {  	[tilespmem:s26], [sflag:$0x1] =	stream.indirect.gather [spmem:s2], $0x20, s7, s25, $0xb8;
	[tilespmem:$0x18000] =	vst v63  }
0x61: {  	_ =	swait.ge [sflag:s9], $0x1000  }
0x62: {  	[sflag:s9] =	ssyncset.done $0x0  }
0x63: {  	[sflag:s9] =	ssyncadd.s32 $0xFFFFF000  }
0x64: {  	[spmem:s3] =	stream.indirect.scatter.add.f32 [tilespmem:s1], [sflag:$0x8], $0x20, s10, s25, $0xb8;
	[tilespmem:$0x18000] =	vst v63  }
0x65: {  	_ =	swait.ge [sflag:s11], $0x1000  }
0x66: {  	[sflag:s11] =	ssyncset.done $0x0  }
0x67: {  	[sflag:s11] =	ssyncadd.s32 $0xFFFFF000  }
0x68: {  	[tilespmem:s28], [sflag:$0x2] =	stream.indirect.gather [spmem:s2], $0x20, s12, s25, $0xb8;
	[tilespmem:$0x18000] =	vst v63  }
.LBB2_4:
0x69: {  	_ =	swait.ge [sflag:s23], $0x1000  }
0x6a: {  	s19 =	sshra.s32 s16, $0x2;
	[sflag:s23] =	ssyncset.done $0x0  }
0x6b: {  	s22 =	sadd.s32 $0x2A00, s19;
	[sflag:s23] =	ssyncadd.s32 $0xFFFFF000  }
0x6c: {  	[spmem:s3] =	stream.indirect.scatter.add.f32 [tilespmem:s26], [sflag:$0x5], $0x20, s22, s25, $0xb8;
	[tilespmem:$0x18000] =	vst v63  }
0x6d: {  	_ =	swait.ge [sflag:s13], $0x1000  }
0x6e: {  	[sflag:s13] =	ssyncset.done $0x0  }
0x6f: {  	s31 =	sadd.s32 $0x300, s19;
	[sflag:s13] =	ssyncadd.s32 $0xFFFFF000  }
0x70: {  	[tilespmem:s30], [sflag:$0x3] =	stream.indirect.gather [spmem:s2], $0x20, s31, s25, $0xb8;
	[tilespmem:$0x18000] =	vst v63  }
0x71: {  	_ =	swait.ge [sflag:s24], $0x1000  }
0x72: {  	[sflag:s24] =	ssyncset.done $0x0  }
0x73: {  	s0 =	sadd.s32 $0x2A80, s19;
	[sflag:s24] =	ssyncadd.s32 $0xFFFFF000  }
0x74: {  	[spmem:s3] =	stream.indirect.scatter.add.f32 [tilespmem:s28], [sflag:$0x6], $0x20, s0, s25, $0xb8;
	[tilespmem:$0x18000] =	vst v63  }
0x75: {  	_ =	swait.ge [sflag:s14], $0x1000  }
0x76: {  	[sflag:s14] =	ssyncset.done $0x0  }
0x77: {  	s29 =	sadd.s32 $0x380, s19;
	[sflag:s14] =	ssyncadd.s32 $0xFFFFF000  }
0x78: {  	[tilespmem:s1], [sflag:$0x4] =	stream.indirect.gather [spmem:s2], $0x20, s29, s25, $0xb8;
	[tilespmem:$0x18000] =	vst v63  }
0x79: {  	_ =	swait.ge [sflag:s4], $0x1000  }
0x7a: {  	p0 =	seq.s32 s16, $0x9000;
	[sflag:s4] =	ssyncset.done $0x0  }
.Ltmp3:
0x7b: {  	s31 =	sadd.s32 $0x2B00, s19;
	[sflag:s4] =	ssyncadd.s32 $0xFFFFF000;
	(pc) =	sbr.rel @p0 .LBB2_6-.Ltmp3, $4  }
0x7c: {  	[spmem:s3] =	stream.indirect.scatter.add.f32 [tilespmem:s30], [sflag:$0x7], $0x20, s31, s25, $0xb8;
	[tilespmem:$0x18000] =	vst v63  }
0x7d: {  	_ =	swait.ge [sflag:s6], $0x1000  }
0x7e: {  	[sflag:s6] =	ssyncset.done $0x0  }
0x7f: {  	s22 =	sadd.s32 $0x2B80, s19;
	[sflag:s6] =	ssyncadd.s32 $0xFFFFF000  }
0x80: {  	s29 =	sadd.s32 $0x400, s19  }
0x81: {  	[tilespmem:s26], [sflag:$0x1] =	stream.indirect.gather [spmem:s2], $0x20, s29, s25, $0xb8;
	[tilespmem:$0x18000] =	vst v63  }
0x82: {  	_ =	swait.ge [sflag:s9], $0x1000  }
0x83: {  	[sflag:s9] =	ssyncset.done $0x0  }
0x84: {  	[sflag:s9] =	ssyncadd.s32 $0xFFFFF000  }
0x85: {  	[spmem:s3] =	stream.indirect.scatter.add.f32 [tilespmem:s1], [sflag:$0x8], $0x20, s22, s25, $0xb8;
	[tilespmem:$0x18000] =	vst v63  }
.Ltmp4:
0x86: {  	_ = 	snop;
	(pc) =	sbr.rel .LBB2_4-.Ltmp4, $4  }
0x87: {  	_ =	swait.ge [sflag:s11], $0x1000  }
0x88: {  	[sflag:s11] =	ssyncset.done $0x0  }
0x89: {  	s31 =	sadd.s32 $0x480, s19;
	s16 =	sadd.s32 $0x800, s16;
	[sflag:s11] =	ssyncadd.s32 $0xFFFFF000  }
0x8a: {  	[tilespmem:s28], [sflag:$0x2] =	stream.indirect.gather [spmem:s2], $0x20, s31, s25, $0xb8;
	[tilespmem:$0x18000] =	vst v63  }
.LBB2_6:
0x8b: {  	_ =	swait.ge [sflag:s9], $0x1000  }
0x8c: {  	[sflag:s9] =	ssyncset.done $0x0  }
0x8d: {  	[sflag:s9] =	ssyncadd.s32 $0xFFFFF000  }
0x8e: {  	[spmem:s3] =	stream.indirect.scatter.add.f32 [tilespmem:s1], [sflag:$0x8], $0x20, s22, s25, $0xb8;
	[tilespmem:$0x18000] =	vst v63  }
0x8f: {  	_ =	swait.ge [sflag:s11], $0x1000  }
0x90: {  	[sflag:s11] =	ssyncset.done $0x0  }
0x91: {  	[sflag:s11] =	ssyncadd.s32 $0xFFFFF000  }
0x92: {  	_ =	swait.ge [sflag:s13], $0x1000  }
0x93: {  	[sflag:s13] =	ssyncset.done $0x0  }
0x94: {  	[sflag:s13] =	ssyncadd.s32 $0xFFFFF000  }
0x95: {  	_ =	swait.ge [sflag:s14], $0x1000  }
0x96: {  	[sflag:s14] =	ssyncset.done $0x0  }
0x97: {  	[sflag:s14] =	ssyncadd.s32 $0xFFFFF000  }
0x98: {  	[bflag:$0x0] =	sbarrier.arrive $0xFFFF  }
0x99: {  	s0 =	rddreg [dreg:$0xf]  }
0x9a: {  	s19 =	sshrl.u32 s8, $0x3;
	s31 =	rddreg [dreg:$0x7];
	s16 =	sor.u32 $0x1C09, s0  }
0x9b: {  	[hbm:s31], [sflag:s16] =	dma.local [spmem:s19], $0xA00  }
0x9c: {  	_ =	swait.ge [sflag:s17], $0xA00  }
0x9d: {  	[sflag:s17] =	ssyncset.done $0x0  }
0x9e: {  	s29 =	simm.s32 $0x9000;
	s22 =	rddreg [dreg:$0x9];
	[sflag:s17] =	ssyncadd.s32 $0xFFFFF600  }
0x9f: {  	[spmem:s21], [sflag:s20] =	dma.local [hbm:s22], $0xA00  }
0xa0: {  	[spmem:s8] =	stream.linear.scatter [tilespmem:s29], [sflag:$0x2], $0x5000, $0x38;
	[tilespmem:$0x18000] =	vst v63  }
0xa1: {  	_ =	swait.ge [sflag:s23], $0xA00  }
0xa2: {  	[sflag:s23] =	ssyncset.done $0x0  }
0xa3: {  	[sflag:s23] =	ssyncadd.s32 $0xFFFFF600  }
0xa4: {  	_ =	swait.ge [sflag:s24], $0x5000  }
0xa5: {  	[sflag:s24] =	ssyncset.done $0x0  }
0xa6: {  	[sflag:s24] =	ssyncadd.s32 $0xFFFFB000  }
0xa7: {  	s22 =	simm.s32 $0x0;
	[bflag:$0x0] =	sbarrier.arrive $0xFFFF  }
0xa8: {  	[tilespmem:s26], [sflag:$0x1] =	stream.indirect.gather [spmem:s2], $0x20, s22, s25, $0xb8;
	[tilespmem:$0x18000] =	vst v63  }
0xa9: {  	_ = 	snop  }
0xaa: {  	[tilespmem:s28], [sflag:$0x2] =	stream.indirect.gather [spmem:s2], $0x20, s25, s25, $0xb8;
	[tilespmem:$0x18000] =	vst v63  }
0xab: {  	_ =	swait.ge [sflag:s23], $0x1000  }
0xac: {  	[sflag:s23] =	ssyncset.done $0x0  }
0xad: {  	[sflag:s23] =	ssyncadd.s32 $0xFFFFF000  }
0xae: {  	[spmem:s3] =	stream.indirect.scatter.add.f32 [tilespmem:s26], [sflag:$0x5], $0x20, s18, s25, $0xb8;
	[tilespmem:$0x18000] =	vst v63  }
0xaf: {  	s31 =	simm.s32 $0x100  }
0xb0: {  	[tilespmem:s30], [sflag:$0x3] =	stream.indirect.gather [spmem:s2], $0x20, s31, s25, $0xb8;
	[tilespmem:$0x18000] =	vst v63  }
0xb1: {  	_ =	swait.ge [sflag:s24], $0x1000  }
0xb2: {  	[sflag:s24] =	ssyncset.done $0x0  }
0xb3: {  	s29 =	simm.s32 $0x2880;
	[sflag:s24] =	ssyncadd.s32 $0xFFFFF000  }
0xb4: {  	[spmem:s3] =	stream.indirect.scatter.add.f32 [tilespmem:s28], [sflag:$0x6], $0x20, s29, s25, $0xb8;
	[tilespmem:$0x18000] =	vst v63  }
0xb5: {  	s31 =	simm.s32 $0x180  }
0xb6: {  	[tilespmem:s1], [sflag:$0x4] =	stream.indirect.gather [spmem:s2], $0x20, s31, s25, $0xb8;
	[tilespmem:$0x18000] =	vst v63  }
0xb7: {  	_ =	swait.ge [sflag:s4], $0x1000  }
0xb8: {  	[sflag:s4] =	ssyncset.done $0x0  }
0xb9: {  	[sflag:s4] =	ssyncadd.s32 $0xFFFFF000  }
0xba: {  	[spmem:s3] =	stream.indirect.scatter.add.f32 [tilespmem:s30], [sflag:$0x7], $0x20, s5, s25, $0xb8;
	[tilespmem:$0x18000] =	vst v63  }
0xbb: {  	_ =	swait.ge [sflag:s6], $0x1000  }
0xbc: {  	[sflag:s6] =	ssyncset.done $0x0  }
0xbd: {  	[sflag:s6] =	ssyncadd.s32 $0xFFFFF000  }
0xbe: {  	[tilespmem:s26], [sflag:$0x1] =	stream.indirect.gather [spmem:s2], $0x20, s7, s25, $0xb8;
	[tilespmem:$0x18000] =	vst v63  }
0xbf: {  	_ =	swait.ge [sflag:s9], $0x1000  }
0xc0: {  	[sflag:s9] =	ssyncset.done $0x0  }
0xc1: {  	[sflag:s9] =	ssyncadd.s32 $0xFFFFF000  }
0xc2: {  	[spmem:s3] =	stream.indirect.scatter.add.f32 [tilespmem:s1], [sflag:$0x8], $0x20, s10, s25, $0xb8;
	[tilespmem:$0x18000] =	vst v63  }
0xc3: {  	_ =	swait.ge [sflag:s11], $0x1000  }
0xc4: {  	[sflag:s11] =	ssyncset.done $0x0  }
0xc5: {  	[sflag:s11] =	ssyncadd.s32 $0xFFFFF000  }
0xc6: {  	[tilespmem:s28], [sflag:$0x2] =	stream.indirect.gather [spmem:s2], $0x20, s12, s25, $0xb8;
	[tilespmem:$0x18000] =	vst v63  }
.LBB2_7:
0xc7: {  	_ =	swait.ge [sflag:s23], $0x1000  }
0xc8: {  	s29 =	sshra.s32 s22, $0x2;
	[sflag:s23] =	ssyncset.done $0x0  }
0xc9: {  	s31 =	sadd.s32 $0x2A00, s29;
	[sflag:s23] =	ssyncadd.s32 $0xFFFFF000  }
0xca: {  	[spmem:s3] =	stream.indirect.scatter.add.f32 [tilespmem:s26], [sflag:$0x5], $0x20, s31, s25, $0xb8;
	[tilespmem:$0x18000] =	vst v63  }
0xcb: {  	_ =	swait.ge [sflag:s13], $0x1000  }
0xcc: {  	[sflag:s13] =	ssyncset.done $0x0  }
0xcd: {  	s31 =	sadd.s32 $0x300, s29;
	[sflag:s13] =	ssyncadd.s32 $0xFFFFF000  }
0xce: {  	[tilespmem:s30], [sflag:$0x3] =	stream.indirect.gather [spmem:s2], $0x20, s31, s25, $0xb8;
	[tilespmem:$0x18000] =	vst v63  }
0xcf: {  	_ =	swait.ge [sflag:s24], $0x1000  }
0xd0: {  	[sflag:s24] =	ssyncset.done $0x0  }
0xd1: {  	s31 =	sadd.s32 $0x2A80, s29;
	[sflag:s24] =	ssyncadd.s32 $0xFFFFF000  }
0xd2: {  	[spmem:s3] =	stream.indirect.scatter.add.f32 [tilespmem:s28], [sflag:$0x6], $0x20, s31, s25, $0xb8;
	[tilespmem:$0x18000] =	vst v63  }
0xd3: {  	_ =	swait.ge [sflag:s14], $0x1000  }
0xd4: {  	[sflag:s14] =	ssyncset.done $0x0  }
0xd5: {  	s31 =	sadd.s32 $0x380, s29;
	[sflag:s14] =	ssyncadd.s32 $0xFFFFF000  }
0xd6: {  	[tilespmem:s1], [sflag:$0x4] =	stream.indirect.gather [spmem:s2], $0x20, s31, s25, $0xb8;
	[tilespmem:$0x18000] =	vst v63  }
0xd7: {  	_ =	swait.ge [sflag:s4], $0x1000  }
0xd8: {  	p0 =	seq.s32 s22, $0x9000;
	[sflag:s4] =	ssyncset.done $0x0  }
.Ltmp5:
0xd9: {  	s31 =	sadd.s32 $0x2B00, s29;
	[sflag:s4] =	ssyncadd.s32 $0xFFFFF000;
	(pc) =	sbr.rel @p0 .LBB2_9-.Ltmp5, $4  }
0xda: {  	[spmem:s3] =	stream.indirect.scatter.add.f32 [tilespmem:s30], [sflag:$0x7], $0x20, s31, s25, $0xb8;
	[tilespmem:$0x18000] =	vst v63  }
0xdb: {  	_ =	swait.ge [sflag:s6], $0x1000  }
0xdc: {  	[sflag:s6] =	ssyncset.done $0x0  }
0xdd: {  	s31 =	sadd.s32 $0x2B80, s29;
	[sflag:s6] =	ssyncadd.s32 $0xFFFFF000  }
0xde: {  	s0 =	sadd.s32 $0x400, s29  }
0xdf: {  	[tilespmem:s26], [sflag:$0x1] =	stream.indirect.gather [spmem:s2], $0x20, s0, s25, $0xb8;
	[tilespmem:$0x18000] =	vst v63  }
0xe0: {  	_ =	swait.ge [sflag:s9], $0x1000  }
0xe1: {  	[sflag:s9] =	ssyncset.done $0x0  }
0xe2: {  	[sflag:s9] =	ssyncadd.s32 $0xFFFFF000  }
0xe3: {  	[spmem:s3] =	stream.indirect.scatter.add.f32 [tilespmem:s1], [sflag:$0x8], $0x20, s31, s25, $0xb8;
	[tilespmem:$0x18000] =	vst v63  }
.Ltmp6:
0xe4: {  	_ = 	snop;
	(pc) =	sbr.rel .LBB2_7-.Ltmp6, $4  }
0xe5: {  	_ =	swait.ge [sflag:s11], $0x1000  }
0xe6: {  	[sflag:s11] =	ssyncset.done $0x0  }
0xe7: {  	s22 =	sadd.s32 $0x800, s22;
	s31 =	sadd.s32 $0x480, s29;
	[sflag:s11] =	ssyncadd.s32 $0xFFFFF000  }
0xe8: {  	[tilespmem:s28], [sflag:$0x2] =	stream.indirect.gather [spmem:s2], $0x20, s31, s25, $0xb8;
	[tilespmem:$0x18000] =	vst v63  }
.LBB2_9:
0xe9: {  	_ =	swait.ge [sflag:s9], $0x1000  }
0xea: {  	[sflag:s9] =	ssyncset.done $0x0  }
0xeb: {  	[sflag:s9] =	ssyncadd.s32 $0xFFFFF000  }
0xec: {  	[spmem:s3] =	stream.indirect.scatter.add.f32 [tilespmem:s1], [sflag:$0x8], $0x20, s31, s25, $0xb8;
	[tilespmem:$0x18000] =	vst v63  }
0xed: {  	_ =	swait.ge [sflag:s11], $0x1000  }
0xee: {  	[sflag:s11] =	ssyncset.done $0x0  }
0xef: {  	[sflag:s11] =	ssyncadd.s32 $0xFFFFF000  }
0xf0: {  	_ =	swait.ge [sflag:s13], $0x1000  }
0xf1: {  	[sflag:s13] =	ssyncset.done $0x0  }
0xf2: {  	[sflag:s13] =	ssyncadd.s32 $0xFFFFF000  }
0xf3: {  	_ =	swait.ge [sflag:s14], $0x1000  }
0xf4: {  	[sflag:s14] =	ssyncset.done $0x0  }
0xf5: {  	[sflag:s14] =	ssyncadd.s32 $0xFFFFF000  }
0xf6: {  	[bflag:$0x0] =	sbarrier.arrive $0xFFFF  }
0xf7: {  	s0 =	rddreg [dreg:$0x8]  }
0xf8: {  	[hbm:s0], [sflag:s16] =	dma.local [spmem:s19], $0xA00  }
0xf9: {  	_ =	swait.ge [sflag:s17], $0xA00  }
0xfa: {  	[sflag:s17] =	ssyncset.done $0x0  }
0xfb: {  	s29 =	simm.s32 $0x9000;
	s22 =	rddreg [dreg:$0xa];
	[sflag:s17] =	ssyncadd.s32 $0xFFFFF600  }
0xfc: {  	[spmem:s21], [sflag:s20] =	dma.local [hbm:s22], $0xA00  }
0xfd: {  	[spmem:s8] =	stream.linear.scatter [tilespmem:s29], [sflag:$0x2], $0x5000, $0x38;
	[tilespmem:$0x18000] =	vst v63  }
0xfe: {  	_ =	swait.ge [sflag:s23], $0xA00  }
0xff: {  	[sflag:s23] =	ssyncset.done $0x0  }
0x100: {  	[sflag:s23] =	ssyncadd.s32 $0xFFFFF600  }
0x101: {  	_ =	swait.ge [sflag:s24], $0x5000  }
0x102: {  	[sflag:s24] =	ssyncset.done $0x0  }
0x103: {  	[sflag:s24] =	ssyncadd.s32 $0xFFFFB000  }
0x104: {  	s22 =	simm.s32 $0x0;
	[bflag:$0x0] =	sbarrier.arrive $0xFFFF  }
0x105: {  	[tilespmem:s26], [sflag:$0x1] =	stream.indirect.gather [spmem:s2], $0x20, s22, s25, $0xb8;
	[tilespmem:$0x18000] =	vst v63  }
0x106: {  	_ = 	snop  }
0x107: {  	[tilespmem:s28], [sflag:$0x2] =	stream.indirect.gather [spmem:s2], $0x20, s25, s25, $0xb8;
	[tilespmem:$0x18000] =	vst v63  }
0x108: {  	_ =	swait.ge [sflag:s23], $0x1000  }
0x109: {  	[sflag:s23] =	ssyncset.done $0x0  }
0x10a: {  	[sflag:s23] =	ssyncadd.s32 $0xFFFFF000  }
0x10b: {  	[spmem:s3] =	stream.indirect.scatter.add.f32 [tilespmem:s26], [sflag:$0x5], $0x20, s18, s25, $0xb8;
	[tilespmem:$0x18000] =	vst v63  }
0x10c: {  	s31 =	simm.s32 $0x100  }
0x10d: {  	[tilespmem:s30], [sflag:$0x3] =	stream.indirect.gather [spmem:s2], $0x20, s31, s25, $0xb8;
	[tilespmem:$0x18000] =	vst v63  }
0x10e: {  	_ =	swait.ge [sflag:s24], $0x1000  }
0x10f: {  	[sflag:s24] =	ssyncset.done $0x0  }
0x110: {  	s29 =	simm.s32 $0x2880;
	[sflag:s24] =	ssyncadd.s32 $0xFFFFF000  }
0x111: {  	[spmem:s3] =	stream.indirect.scatter.add.f32 [tilespmem:s28], [sflag:$0x6], $0x20, s29, s25, $0xb8;
	[tilespmem:$0x18000] =	vst v63  }
0x112: {  	s31 =	simm.s32 $0x180  }
0x113: {  	[tilespmem:s1], [sflag:$0x4] =	stream.indirect.gather [spmem:s2], $0x20, s31, s25, $0xb8;
	[tilespmem:$0x18000] =	vst v63  }
0x114: {  	_ =	swait.ge [sflag:s4], $0x1000  }
0x115: {  	[sflag:s4] =	ssyncset.done $0x0  }
0x116: {  	[sflag:s4] =	ssyncadd.s32 $0xFFFFF000  }
0x117: {  	[spmem:s3] =	stream.indirect.scatter.add.f32 [tilespmem:s30], [sflag:$0x7], $0x20, s5, s25, $0xb8;
	[tilespmem:$0x18000] =	vst v63  }
0x118: {  	_ =	swait.ge [sflag:s6], $0x1000  }
0x119: {  	[sflag:s6] =	ssyncset.done $0x0  }
0x11a: {  	[sflag:s6] =	ssyncadd.s32 $0xFFFFF000  }
0x11b: {  	[tilespmem:s26], [sflag:$0x1] =	stream.indirect.gather [spmem:s2], $0x20, s7, s25, $0xb8;
	[tilespmem:$0x18000] =	vst v63  }
0x11c: {  	_ =	swait.ge [sflag:s9], $0x1000  }
0x11d: {  	[sflag:s9] =	ssyncset.done $0x0  }
0x11e: {  	[sflag:s9] =	ssyncadd.s32 $0xFFFFF000  }
0x11f: {  	[spmem:s3] =	stream.indirect.scatter.add.f32 [tilespmem:s1], [sflag:$0x8], $0x20, s10, s25, $0xb8;
	[tilespmem:$0x18000] =	vst v63  }
0x120: {  	_ =	swait.ge [sflag:s11], $0x1000  }
0x121: {  	[sflag:s11] =	ssyncset.done $0x0  }
0x122: {  	[sflag:s11] =	ssyncadd.s32 $0xFFFFF000  }
0x123: {  	[tilespmem:s28], [sflag:$0x2] =	stream.indirect.gather [spmem:s2], $0x20, s12, s25, $0xb8;
	[tilespmem:$0x18000] =	vst v63  }
.LBB2_10:
0x124: {  	_ =	swait.ge [sflag:s23], $0x1000  }
0x125: {  	s29 =	sshra.s32 s22, $0x2;
	[sflag:s23] =	ssyncset.done $0x0  }
0x126: {  	s0 =	sadd.s32 $0x2A00, s29;
	[sflag:s23] =	ssyncadd.s32 $0xFFFFF000  }
0x127: {  	[spmem:s3] =	stream.indirect.scatter.add.f32 [tilespmem:s26], [sflag:$0x5], $0x20, s0, s25, $0xb8;
	[tilespmem:$0x18000] =	vst v63  }
0x128: {  	_ =	swait.ge [sflag:s13], $0x1000  }
0x129: {  	[sflag:s13] =	ssyncset.done $0x0  }
0x12a: {  	s0 =	sadd.s32 $0x300, s29;
	[sflag:s13] =	ssyncadd.s32 $0xFFFFF000  }
0x12b: {  	[tilespmem:s30], [sflag:$0x3] =	stream.indirect.gather [spmem:s2], $0x20, s0, s25, $0xb8;
	[tilespmem:$0x18000] =	vst v63  }
0x12c: {  	_ =	swait.ge [sflag:s24], $0x1000  }
0x12d: {  	[sflag:s24] =	ssyncset.done $0x0  }
0x12e: {  	s0 =	sadd.s32 $0x2A80, s29;
	[sflag:s24] =	ssyncadd.s32 $0xFFFFF000  }
0x12f: {  	[spmem:s3] =	stream.indirect.scatter.add.f32 [tilespmem:s28], [sflag:$0x6], $0x20, s0, s25, $0xb8;
	[tilespmem:$0x18000] =	vst v63  }
0x130: {  	_ =	swait.ge [sflag:s14], $0x1000  }
0x131: {  	[sflag:s14] =	ssyncset.done $0x0  }
0x132: {  	s0 =	sadd.s32 $0x380, s29;
	[sflag:s14] =	ssyncadd.s32 $0xFFFFF000  }
0x133: {  	[tilespmem:s1], [sflag:$0x4] =	stream.indirect.gather [spmem:s2], $0x20, s0, s25, $0xb8;
	[tilespmem:$0x18000] =	vst v63  }
0x134: {  	_ =	swait.ge [sflag:s4], $0x1000  }
0x135: {  	p0 =	seq.s32 s22, $0x9000;
	[sflag:s4] =	ssyncset.done $0x0  }
.Ltmp7:
0x136: {  	s0 =	sadd.s32 $0x2B00, s29;
	[sflag:s4] =	ssyncadd.s32 $0xFFFFF000;
	(pc) =	sbr.rel @p0 .LBB2_12-.Ltmp7, $4  }
0x137: {  	[spmem:s3] =	stream.indirect.scatter.add.f32 [tilespmem:s30], [sflag:$0x7], $0x20, s0, s25, $0xb8;
	[tilespmem:$0x18000] =	vst v63  }
0x138: {  	_ =	swait.ge [sflag:s6], $0x1000  }
0x139: {  	[sflag:s6] =	ssyncset.done $0x0  }
0x13a: {  	s31 =	sadd.s32 $0x2B80, s29;
	[sflag:s6] =	ssyncadd.s32 $0xFFFFF000  }
0x13b: {  	s0 =	sadd.s32 $0x400, s29  }
0x13c: {  	[tilespmem:s26], [sflag:$0x1] =	stream.indirect.gather [spmem:s2], $0x20, s0, s25, $0xb8;
	[tilespmem:$0x18000] =	vst v63  }
0x13d: {  	_ =	swait.ge [sflag:s9], $0x1000  }
0x13e: {  	[sflag:s9] =	ssyncset.done $0x0  }
0x13f: {  	[sflag:s9] =	ssyncadd.s32 $0xFFFFF000  }
0x140: {  	[spmem:s3] =	stream.indirect.scatter.add.f32 [tilespmem:s1], [sflag:$0x8], $0x20, s31, s25, $0xb8;
	[tilespmem:$0x18000] =	vst v63  }
.Ltmp8:
0x141: {  	_ = 	snop;
	(pc) =	sbr.rel .LBB2_10-.Ltmp8, $4  }
0x142: {  	_ =	swait.ge [sflag:s11], $0x1000  }
0x143: {  	[sflag:s11] =	ssyncset.done $0x0  }
0x144: {  	s22 =	sadd.s32 $0x800, s22;
	s31 =	sadd.s32 $0x480, s29;
	[sflag:s11] =	ssyncadd.s32 $0xFFFFF000  }
0x145: {  	[tilespmem:s28], [sflag:$0x2] =	stream.indirect.gather [spmem:s2], $0x20, s31, s25, $0xb8;
	[tilespmem:$0x18000] =	vst v63  }
.LBB2_12:
0x146: {  	_ =	swait.ge [sflag:s9], $0x1000  }
0x147: {  	[sflag:s9] =	ssyncset.done $0x0  }
0x148: {  	[sflag:s9] =	ssyncadd.s32 $0xFFFFF000  }
0x149: {  	[spmem:s3] =	stream.indirect.scatter.add.f32 [tilespmem:s1], [sflag:$0x8], $0x20, s31, s25, $0xb8;
	[tilespmem:$0x18000] =	vst v63  }
0x14a: {  	_ =	swait.ge [sflag:s11], $0x1000  }
0x14b: {  	[sflag:s11] =	ssyncset.done $0x0  }
0x14c: {  	[sflag:s11] =	ssyncadd.s32 $0xFFFFF000  }
0x14d: {  	_ =	swait.ge [sflag:s13], $0x1000  }
0x14e: {  	[sflag:s13] =	ssyncset.done $0x0  }
0x14f: {  	[sflag:s13] =	ssyncadd.s32 $0xFFFFF000  }
0x150: {  	_ =	swait.ge [sflag:s14], $0x1000  }
0x151: {  	[sflag:s14] =	ssyncset.done $0x0  }
0x152: {  	[sflag:s14] =	ssyncadd.s32 $0xFFFFF000  }
0x153: {  	[bflag:$0x0] =	sbarrier.arrive $0xFFFF  }
0x154: {  	s0 =	rddreg [dreg:$0xb]  }
0x155: {  	[hbm:s0], [sflag:s16] =	dma.local [spmem:s19], $0xA00  }
0x156: {  	_ =	swait.ge [sflag:s17], $0xA00  }
0x157: {  	[sflag:s17] =	ssyncset.done $0x0  }
0x158: {  	s29 =	simm.s32 $0x9000;
	s22 =	rddreg [dreg:$0xc];
	[sflag:s17] =	ssyncadd.s32 $0xFFFFF600  }
0x159: {  	[spmem:s21], [sflag:s20] =	dma.local [hbm:s22], $0xA00  }
0x15a: {  	[spmem:s8] =	stream.linear.scatter [tilespmem:s29], [sflag:$0x2], $0x5000, $0x38;
	[tilespmem:$0x18000] =	vst v63  }
0x15b: {  	_ =	swait.ge [sflag:s23], $0xA00  }
0x15c: {  	[sflag:s23] =	ssyncset.done $0x0  }
0x15d: {  	[sflag:s23] =	ssyncadd.s32 $0xFFFFF600  }
0x15e: {  	_ =	swait.ge [sflag:s24], $0x5000  }
0x15f: {  	[sflag:s24] =	ssyncset.done $0x0  }
0x160: {  	[sflag:s24] =	ssyncadd.s32 $0xFFFFB000  }
0x161: {  	s22 =	simm.s32 $0x0;
	[bflag:$0x0] =	sbarrier.arrive $0xFFFF  }
0x162: {  	[tilespmem:s26], [sflag:$0x1] =	stream.indirect.gather [spmem:s2], $0x20, s22, s25, $0xb8;
	[tilespmem:$0x18000] =	vst v63  }
0x163: {  	_ = 	snop  }
0x164: {  	[tilespmem:s28], [sflag:$0x2] =	stream.indirect.gather [spmem:s2], $0x20, s25, s25, $0xb8;
	[tilespmem:$0x18000] =	vst v63  }
0x165: {  	_ =	swait.ge [sflag:s23], $0x1000  }
0x166: {  	[sflag:s23] =	ssyncset.done $0x0  }
0x167: {  	[sflag:s23] =	ssyncadd.s32 $0xFFFFF000  }
0x168: {  	[spmem:s3] =	stream.indirect.scatter.add.f32 [tilespmem:s26], [sflag:$0x5], $0x20, s18, s25, $0xb8;
	[tilespmem:$0x18000] =	vst v63  }
0x169: {  	s31 =	simm.s32 $0x100  }
0x16a: {  	[tilespmem:s30], [sflag:$0x3] =	stream.indirect.gather [spmem:s2], $0x20, s31, s25, $0xb8;
	[tilespmem:$0x18000] =	vst v63  }
0x16b: {  	_ =	swait.ge [sflag:s24], $0x1000  }
0x16c: {  	[sflag:s24] =	ssyncset.done $0x0  }
0x16d: {  	s29 =	simm.s32 $0x2880;
	[sflag:s24] =	ssyncadd.s32 $0xFFFFF000  }
0x16e: {  	[spmem:s3] =	stream.indirect.scatter.add.f32 [tilespmem:s28], [sflag:$0x6], $0x20, s29, s25, $0xb8;
	[tilespmem:$0x18000] =	vst v63  }
0x16f: {  	s31 =	simm.s32 $0x180  }
0x170: {  	[tilespmem:s1], [sflag:$0x4] =	stream.indirect.gather [spmem:s2], $0x20, s31, s25, $0xb8;
	[tilespmem:$0x18000] =	vst v63  }
0x171: {  	_ =	swait.ge [sflag:s4], $0x1000  }
0x172: {  	[sflag:s4] =	ssyncset.done $0x0  }
0x173: {  	[sflag:s4] =	ssyncadd.s32 $0xFFFFF000  }
0x174: {  	[spmem:s3] =	stream.indirect.scatter.add.f32 [tilespmem:s30], [sflag:$0x7], $0x20, s5, s25, $0xb8;
	[tilespmem:$0x18000] =	vst v63  }
0x175: {  	_ =	swait.ge [sflag:s6], $0x1000  }
0x176: {  	[sflag:s6] =	ssyncset.done $0x0  }
0x177: {  	[sflag:s6] =	ssyncadd.s32 $0xFFFFF000  }
0x178: {  	[tilespmem:s26], [sflag:$0x1] =	stream.indirect.gather [spmem:s2], $0x20, s7, s25, $0xb8;
	[tilespmem:$0x18000] =	vst v63  }
0x179: {  	_ =	swait.ge [sflag:s9], $0x1000  }
0x17a: {  	[sflag:s9] =	ssyncset.done $0x0  }
0x17b: {  	[sflag:s9] =	ssyncadd.s32 $0xFFFFF000  }
0x17c: {  	[spmem:s3] =	stream.indirect.scatter.add.f32 [tilespmem:s1], [sflag:$0x8], $0x20, s10, s25, $0xb8;
	[tilespmem:$0x18000] =	vst v63  }
0x17d: {  	_ =	swait.ge [sflag:s11], $0x1000  }
0x17e: {  	[sflag:s11] =	ssyncset.done $0x0  }
0x17f: {  	[sflag:s11] =	ssyncadd.s32 $0xFFFFF000  }
0x180: {  	[tilespmem:s28], [sflag:$0x2] =	stream.indirect.gather [spmem:s2], $0x20, s12, s25, $0xb8;
	[tilespmem:$0x18000] =	vst v63  }
.LBB2_13:
0x181: {  	_ =	swait.ge [sflag:s23], $0x1000  }
0x182: {  	s29 =	sshra.s32 s22, $0x2;
	[sflag:s23] =	ssyncset.done $0x0  }
0x183: {  	s0 =	sadd.s32 $0x2A00, s29;
	[sflag:s23] =	ssyncadd.s32 $0xFFFFF000  }
0x184: {  	[spmem:s3] =	stream.indirect.scatter.add.f32 [tilespmem:s26], [sflag:$0x5], $0x20, s0, s25, $0xb8;
	[tilespmem:$0x18000] =	vst v63  }
0x185: {  	_ =	swait.ge [sflag:s13], $0x1000  }
0x186: {  	[sflag:s13] =	ssyncset.done $0x0  }
0x187: {  	s0 =	sadd.s32 $0x300, s29;
	[sflag:s13] =	ssyncadd.s32 $0xFFFFF000  }
0x188: {  	[tilespmem:s30], [sflag:$0x3] =	stream.indirect.gather [spmem:s2], $0x20, s0, s25, $0xb8;
	[tilespmem:$0x18000] =	vst v63  }
0x189: {  	_ =	swait.ge [sflag:s24], $0x1000  }
0x18a: {  	[sflag:s24] =	ssyncset.done $0x0  }
0x18b: {  	s0 =	sadd.s32 $0x2A80, s29;
	[sflag:s24] =	ssyncadd.s32 $0xFFFFF000  }
0x18c: {  	[spmem:s3] =	stream.indirect.scatter.add.f32 [tilespmem:s28], [sflag:$0x6], $0x20, s0, s25, $0xb8;
	[tilespmem:$0x18000] =	vst v63  }
0x18d: {  	_ =	swait.ge [sflag:s14], $0x1000  }
0x18e: {  	[sflag:s14] =	ssyncset.done $0x0  }
0x18f: {  	s0 =	sadd.s32 $0x380, s29;
	[sflag:s14] =	ssyncadd.s32 $0xFFFFF000  }
0x190: {  	[tilespmem:s1], [sflag:$0x4] =	stream.indirect.gather [spmem:s2], $0x20, s0, s25, $0xb8;
	[tilespmem:$0x18000] =	vst v63  }
0x191: {  	_ =	swait.ge [sflag:s4], $0x1000  }
0x192: {  	p0 =	seq.s32 s22, $0x9000;
	[sflag:s4] =	ssyncset.done $0x0  }
.Ltmp9:
0x193: {  	s0 =	sadd.s32 $0x2B00, s29;
	[sflag:s4] =	ssyncadd.s32 $0xFFFFF000;
	(pc) =	sbr.rel @p0 .LBB2_15-.Ltmp9, $4  }
0x194: {  	[spmem:s3] =	stream.indirect.scatter.add.f32 [tilespmem:s30], [sflag:$0x7], $0x20, s0, s25, $0xb8;
	[tilespmem:$0x18000] =	vst v63  }
0x195: {  	_ =	swait.ge [sflag:s6], $0x1000  }
0x196: {  	[sflag:s6] =	ssyncset.done $0x0  }
0x197: {  	s31 =	sadd.s32 $0x2B80, s29;
	[sflag:s6] =	ssyncadd.s32 $0xFFFFF000  }
0x198: {  	s0 =	sadd.s32 $0x400, s29  }
0x199: {  	[tilespmem:s26], [sflag:$0x1] =	stream.indirect.gather [spmem:s2], $0x20, s0, s25, $0xb8;
	[tilespmem:$0x18000] =	vst v63  }
0x19a: {  	_ =	swait.ge [sflag:s9], $0x1000  }
0x19b: {  	[sflag:s9] =	ssyncset.done $0x0  }
0x19c: {  	[sflag:s9] =	ssyncadd.s32 $0xFFFFF000  }
0x19d: {  	[spmem:s3] =	stream.indirect.scatter.add.f32 [tilespmem:s1], [sflag:$0x8], $0x20, s31, s25, $0xb8;
	[tilespmem:$0x18000] =	vst v63  }
.Ltmp10:
0x19e: {  	_ = 	snop;
	(pc) =	sbr.rel .LBB2_13-.Ltmp10, $4  }
0x19f: {  	_ =	swait.ge [sflag:s11], $0x1000  }
0x1a0: {  	[sflag:s11] =	ssyncset.done $0x0  }
0x1a1: {  	s22 =	sadd.s32 $0x800, s22;
	s31 =	sadd.s32 $0x480, s29;
	[sflag:s11] =	ssyncadd.s32 $0xFFFFF000  }
0x1a2: {  	[tilespmem:s28], [sflag:$0x2] =	stream.indirect.gather [spmem:s2], $0x20, s31, s25, $0xb8;
	[tilespmem:$0x18000] =	vst v63  }
.LBB2_16:
0x1a3: {  	_ =	sfence.sel $0x180000  }
0x1a4: {  	[bflag:$0x0] =	sbarrier.arrive $0xFFFF  }
0x1a5: {  	_ =	strace $0x9000004A  }
0x1a6: {  	s0 =	stileid.u32;
	[bflag:$0x2] =	sbarrier.arrive $0xFFFF  }
0x1a7: {  	p0 =	sne.s32 s0, $0x0;
	s0 =	rddreg [dreg:$0x3]  }
0x1a8: {  	s0 =	sadd.s32 @!p0 $0x100000, s0  }
0x1a9: {  	[sflag:s0] =	ssyncadd.tile.s32 @!p0 $0x1;
	_ =	shalt  }
.Lfunc_end2:
_tile_overlayer_lowered:
.L_overlay_start_2:
0x1aa: {  	(tag) =	ssettag $0x2  }
0x1ab: {  	s0 =	rddreg [dreg:$0x0];
	s2 =	stileid.u32  }
0x1ac: {  	s1 =	rddreg [dreg:$0x1];
	p0 =	sne.s32 s2, $0x0  }
0x1ad: {  	s3 =	rddreg [dreg:$0x2];
	[bflag:$0x3] =	sbarrier.arrive $0xFFFF;
	s2 =	simm.s32 @!p0 $0x1C09  }
0x1ae: {  	[timem:s3], [sflag:s2] =	dma.local @!p0 [hbm:s0], s1  }
0x1af: {  	s0 =	simm.s32 @!p0 $0x9  }
0x1b0: {  	_ =	swait.ge @!p0 [sflag:s0], s1  }
0x1b1: {  	s1 =	ssub.s32 @!p0 $0x0, s1;
	[sflag:s0] =	ssyncset.done @!p0 $0x0  }
0x1b2: {  	[sflag:s0] =	ssyncadd.s32 @!p0 s1  }
0x1b3: {  	[bflag:$0x3] =	sbarrier.arrive $0xFFFF  }
0x1b4: {  	_ =	shalt  }

// kernel: kernel.14.cloned.1.call-start
scs
__scs_entry_jumppad:
0x0: {  	(pc) =	sbr.rel $0x88, $3  }
0x1: {  	(tag) =	ssettag $0x0;
	lr =	simm.s32 $0x1  }
0x2: {  	[smem:$0x3F9A] =	sst lr;
	_ =	strace $0xD0000000  }
0x3: {  	_ = 	snop  }
0x4: {  	_ = 	snop  }
0x5: {  	_ = 	snop  }
0x6: {  	_ = 	snop  }
0x7: {  	_ = 	snop  }
__scs_overlays_trampoline_lowered:
0x8: {  	[smem:$0x3FA9] =	sst s0  }
0x9: {  	[smem:$0x3FAA] =	sst s1  }
0xa: {  	[smem:$0x3FAB] =	sst s2  }
0xb: {  	[smem:$0x3FAC] =	sst s3  }
0xc: {  	[smem:$0x3FAD] =	sst s4  }
0xd: {  	[smem:$0x3FAE] =	sst s5  }
0xe: {  	[smem:$0x3FAF] =	sst s6  }
0xf: {  	[smem:$0x3FB0] =	sst s7  }
0x10: {  	[smem:$0x3FB1] =	sst s8  }
0x11: {  	[smem:$0x3FB2] =	sst s9;
	s0 =	simm.s32 @!p0 $0x0  }
0x12: {  	s1 =	sld [smem:$0x3F98];
	s0 =	simm.s32 @p0 $0x1  }
0x13: {  	[smem:$0x3FB3] =	sst s0;
	s0 =	simm.s32 @!p1 $0x0  }
0x14: {  	s2 =	sld [smem:$0x3F97];
	s0 =	simm.s32 @p1 $0x1  }
0x15: {  	[smem:$0x3FB4] =	sst s0;
	s0 =	simm.s32 @!p2 $0x0  }
0x16: {  	s3 =	sld [smem:$0x3FDB];
	s0 =	simm.s32 @p2 $0x1  }
0x17: {  	s4 =	simm.s32 $0x1BF5;
	[smem:$0x3FB6] =	sst s0  }
0x18: {  	s0 =	sld [smem:$0x3F99];
	_ =	swait.ge [sflag:s4], $0x0  }
0x19: {  	s7 =	sld [smem:$0x3F9A]  }
0x1a: {  	s8 =	sadd.s32 $0xFFFFE003, lr  }
0x1b: {  	s9 =	sadd.s32 $0xFFFFFEF7, lr;
	s5 =	simm.s32 $0xFFFFFFFF;
	p2 =	slt.u32 s8, $0xFFFFF086  }
0x1c: {  	p1 =	slt.u32 s9, $0xF7A;
	s5 =	simm.s32 @!p2 $0x0  }
0x1d: {  	s5 =	simm.s32 @p1 $0x1;
	p0 =	seq.s32 s7, s2  }
0x1e: {  	s7 =	smul.u32 @!p0 $0xF7A, s2;
	p2 =	seq.s32 @!p0 s5, $0x0  }
0x1f: {  	s9 =	smul.u32 $0xF7A, s1;
	s8 =	simm.s32 @!p0 $0x1BF5;
	p2 =	por !p2, p0  }
0x20: {  	[sflag:s8] =	ssyncset.s32 @!p0 $0xFFFFF086;
	s6 =	sadd.s32 @!p0 s3, s7;
	s7 =	simm.s32 @!p0 $0x108  }
0x21: {  	s3 =	sadd.s32 s3, s9;
	s6 =	sadd.s32 @!p0 $0x88, s6;
	s7 =	simm.s32 @p2 $0x1082  }
0x22: {  	[simem:s7], [sflag:s8] =	dma.local @!p0 [hbm:s6], $0xF7A  }
0x23: {  	s9 =	sor.u32 $0xD0000000, s2;
	s6 =	simm.s32 $0x108;
	_ =	swait.ge @!p0 [sflag:s8], $0x0  }
0x24: {  	s3 =	sadd.s32 $0x88, s3;
	s6 =	simm.s32 @!p1 $0x1082;
	[sflag:s4] =	ssyncset.s32 $0xFFFFF086  }
0x25: {  	[simem:s6], [sflag:s4] =	dma.local [hbm:s3], $0xF7A  }
0x26: {  	[smem:$0x3F9A] =	sst s1;
	(tag) =	ssettag s2;
	_ =	strace s9  }
0x27: {  	s1 =	sld [smem:$0x3FAA]  }
0x28: {  	s2 =	sld [smem:$0x3FAB]  }
0x29: {  	s4 =	sld [smem:$0x3FAD]  }
0x2a: {  	p0 =	seq.s32 s5, $0x0;
	s5 =	sld [smem:$0x3FAE]  }
0x2b: {  	s6 =	sld [smem:$0x3FAF]  }
0x2c: {  	s7 =	sld [smem:$0x3FB0]  }
0x2d: {  	s3 =	simm.s32 $0x108;
	s8 =	sld [smem:$0x3FB1]  }
0x2e: {  	s3 =	simm.s32 @!p0 $0x1082;
	s9 =	sld [smem:$0x3FB2]  }
0x2f: {  	lr =	sadd.s32 s0, s3;
	s0 =	sld [smem:$0x3FA9]  }
0x30: {  	s3 =	sld [smem:$0x3FAC]  }
0x31: {  	[smem:$0x3FB5] =	sst s10  }
0x32: {  	s10 =	sld [smem:$0x3FB3];
	_ =	sdelay $0x3  }
0x33: {  	p0 =	seq.s32 s10, $0x1;
	s10 =	sld [smem:$0x3FB5];
	_ =	sdelay $0x3  }
0x34: {  	[smem:$0x3FB5] =	sst s10  }
0x35: {  	s10 =	sld [smem:$0x3FB4];
	_ =	sdelay $0x3  }
0x36: {  	p1 =	seq.s32 s10, $0x1;
	s10 =	sld [smem:$0x3FB5];
	_ =	sdelay $0x3  }
0x37: {  	[smem:$0x3FB5] =	sst s10  }
0x38: {  	s10 =	sld [smem:$0x3FB6]  }
0x39: {  	_ = 	snop;
	(pc) =	sbr.ind lr, $3  }
0x3a: {  	_ = 	snop  }
0x3b: {  	_ = 	snop  }
0x3c: {  	p2 =	seq.s32 s10, $0x1;
	s10 =	sld [smem:$0x3FB5]  }
0x3d: {  	_ =	shalt  }
0x3e: {  	_ =	shalt  }
0x3f: {  	_ =	shalt  }
0x40: {  	_ =	shalt  }
0x41: {  	_ =	shalt  }
0x42: {  	_ =	shalt  }
0x43: {  	_ =	shalt  }
0x44: {  	_ =	shalt  }
0x45: {  	_ =	shalt  }
0x46: {  	_ =	shalt  }
0x47: {  	_ =	shalt  }
0x48: {  	_ =	shalt  }
0x49: {  	_ =	shalt  }
0x4a: {  	_ =	shalt  }
0x4b: {  	_ =	shalt  }
0x4c: {  	_ =	shalt  }
0x4d: {  	_ =	shalt  }
0x4e: {  	_ =	shalt  }
0x4f: {  	_ =	shalt  }
0x50: {  	_ =	shalt  }
0x51: {  	_ =	shalt  }
0x52: {  	_ =	shalt  }
0x53: {  	_ =	shalt  }
0x54: {  	_ =	shalt  }
0x55: {  	_ =	shalt  }
0x56: {  	_ =	shalt  }
0x57: {  	_ =	shalt  }
0x58: {  	_ =	shalt  }
0x59: {  	_ =	shalt  }
0x5a: {  	_ =	shalt  }
0x5b: {  	_ =	shalt  }
0x5c: {  	_ =	shalt  }
0x5d: {  	_ =	shalt  }
0x5e: {  	_ =	shalt  }
0x5f: {  	_ =	shalt  }
0x60: {  	_ =	shalt  }
0x61: {  	_ =	shalt  }
0x62: {  	_ =	shalt  }
0x63: {  	_ =	shalt  }
0x64: {  	_ =	shalt  }
0x65: {  	_ =	shalt  }
0x66: {  	_ =	shalt  }
0x67: {  	_ =	shalt  }
0x68: {  	_ =	shalt  }
0x69: {  	_ =	shalt  }
0x6a: {  	_ =	shalt  }
0x6b: {  	_ =	shalt  }
0x6c: {  	_ =	shalt  }
0x6d: {  	_ =	shalt  }
0x6e: {  	_ =	shalt  }
0x6f: {  	_ =	shalt  }
0x70: {  	_ =	shalt  }
0x71: {  	_ =	shalt  }
0x72: {  	_ =	shalt  }
0x73: {  	_ =	shalt  }
0x74: {  	_ =	shalt  }
0x75: {  	_ =	shalt  }
0x76: {  	_ =	shalt  }
0x77: {  	_ =	shalt  }
0x78: {  	_ =	shalt  }
0x79: {  	_ =	shalt  }
0x7a: {  	_ =	shalt  }
0x7b: {  	_ =	shalt  }
0x7c: {  	_ =	shalt  }
0x7d: {  	_ =	shalt  }
0x7e: {  	_ =	shalt  }
0x7f: {  	_ =	shalt  }
0x80: {  	_ =	shalt  }
0x81: {  	_ =	shalt  }
0x82: {  	_ =	shalt  }
0x83: {  	_ =	shalt  }
0x84: {  	_ =	shalt  }
0x85: {  	_ =	shalt  }
0x86: {  	_ =	shalt  }
0x87: {  	_ =	shalt  }
.Lfunc_end0:
.L_simem_size_0:
called_computation.2_lowered:
.L_overlay_start_0:
0x88: {  	s2 =	sld [smem:$0x3FD9]  }
0x89: {  	s3 =	sld [smem:$0x3FFE];
	_ =	sdelay $0x1  }
0x8a: {  	s1 =	srdreg.scid  }
0x8b: {  	s0 =	sand.u32 $0x1, s1  }
0x8c: {  	s16 =	sshll.u32 s0, $0xA;
	s2 =	sadd.s32 s3, s2  }
0x8d: {  	s2 =	sadd.s32 s2, s16  }
0x8e: {  	[smem:$0x3FC1] =	sst s2  }
0x8f: {  	_ = 	snop  }
0x90: {  	(tm) =	ssettm $0x1  }
0x91: {  	s17 =	sld [smem:$0x3FFB];
	_ =	sdelay $0x3  }
0x92: {  	_ =	strace s17  }
0x93: {  	s2 =	sld [smem:$0x3FFC];
	_ =	sdelay $0x3  }
0x94: {  	_ =	strace s2  }
0x95: {  	s2 =	sld [smem:$0x3FFD];
	_ =	sdelay $0x3  }
0x96: {  	_ =	strace s2  }
0x97: {  	_ =	strace $0x8FFFFFFF  }
0x98: {  	s18 =	sld [smem:$0x3FDB];
	_ =	sdelay $0x1  }
0x99: {  	s19 =	simm.s32 $_scs_section_size  }
0x9a: {  	s4 =	simm.s32 $_size__tile_overlayer_lowered;
	s5 =	simm.s32 $_tile_overlayer_lowered  }
0x9b: {  	s22 =	simm.s32 $0x1BFF;
	s21 =	sshll.u32 s5, $0x1;
	s2 =	sadd.s32 s19, s18  }
0x9c: {  	s6 =	simm.s32 $0x0;
	s20 =	sshll.u32 s4, $0x1;
	s4 =	sadd.s32 s21, s2  }
0x9d: {  	[timem:s6], [sflag:s22] =	dma.local [hbm:s4], s20  }
0x9e: {  	_ =	swait.ge [sflag:s22], s20  }
0x9f: {  	s3 =	ssub.s32 $0x0, s20;
	[sflag:s22] =	ssyncset.done $0x0  }
0xa0: {  	[sflag:s22] =	ssyncadd.s32 s3;
	_ =	sdelay $0x1  }
0xa1: {  	s23 =	simm.s32 $0x1B8B  }
0xa2: {  	_ =	swait.ge [sflag:s23], $0x1  }
0xa3: {  	[sflag:s23] =	ssyncset.done $0x0  }
0xa4: {  	s25 =	simm.s32 $0x1B8E;
	s24 =	sld [smem:$0x3FFE];
	[sflag:s23] =	ssyncadd.s32 $0xFFFFFFFF  }
0xa5: {  	s26 =	simm.s32 $execute0_lowered;
	[smem:$0x3FD2] =	sst s25  }
0xa6: {  	s4 =	sshll.u32 s26, $0x1;
	_ =	strace $0x8000004C;
	[dreg:$0x1] =	wrdreg $0xFFFFFFFF  }
0xa7: {  	s28 =	simm.s32 $_size_execute0_lowered;
	s2 =	sadd.s32 s2, s4;
	[dreg:$0x0] =	wrdreg $0x0  }
0xa8: {  	s4 =	sshll.u32 s28, $0x1;
	[dreg:$0x2] =	wrdreg s2  }
0xa9: {  	[dreg:$0x3] =	wrdreg s4  }
0xaa: {  	[dreg:$0x4] =	wrdreg $0xC0  }
0xab: {  	_ =	task [dreg:s6], $0x5FFFF  }
0xac: {  	[dreg:$0x1] =	wrdreg $0xFFFFFFFF  }
0xad: {  	[dreg:$0x0] =	wrdreg $0x60  }
0xae: {  	[dreg:$0x2] =	wrdreg s24  }
0xaf: {  	[dreg:$0x3] =	wrdreg $0xE0000  }
0xb0: {  	[dreg:$0x4] =	wrdreg $0x130000  }
0xb1: {  	[dreg:$0x5] =	wrdreg $0x9  }
0xb2: {  	_ =	task.clear_ibuf [dreg:s6], $0x6FFFF;
	_ =	strace $0x9000004C  }
0xb3: {  	s29 =	simm.s32 $0x9;
	_ =	strace $0x8000004E  }
0xb4: {  	_ =	swait.ge [sflag:s29], $0x1  }
0xb5: {  	[sflag:s29] =	ssyncadd.s32 $0xFFFFFFFF  }
0xb6: {  	_ =	strace $0x9000004E  }
0xb7: {  	_ =	sfence  }
0xb8: {  	s30 =	sld [smem:$0x0];
	_ =	sdelay $0x2  }
0xb9: {  	s31 =	sshll.u32 s1, $0xD;
	s1 =	sshrl.u32 s1, $0x2  }
0xba: {  	s3 =	sand.u32 $0x4000, s31;
	s1 =	sadd.s32 s1, s30  }
0xbb: {  	s0 =	sor.u32 s3, s0;
	s1 =	sshll.u32 s1, $0x11  }
0xbc: {  	s0 =	sor.u32 s1, s0  }
0xbd: {  	s0 =	sadd.s32 $0x8F2B, s0  }
0xbe: {  	[sflag:s0] =	ssyncadd.remote.s32 $0x1  }
0xbf: {  	_ =	sfence.sel $0xFFFF  }
0xc0: {  	[dreg:$0x0] =	wrdreg $0xFFFFFFFF;
	(pc) =	sbr.abs _section_cstart, $3  }
0xc1: {  	[dreg:$0x1] =	wrdreg $0xFFFFFFFF  }
0xc2: {  	_ =	task.clear_ibuf [dreg:s6], $0x2FFFF;
	_ =	strace $0x9FFFFFFF  }
0xc3: {  	(tm) =	ssettm $0x7FFFFFFF  }
tec
execute0_lowered:
.L_overlay_start_1:
0x0: {  	(tag) =	ssettag $0x1  }
0x1: {  	s0 =	rddreg [dreg:$0x0]  }
0x2: {  	s2 =	rddreg [dreg:$0x1]  }
0x3: {  	s3 =	rddreg [dreg:$0x2]  }
0x4: {  	s6 =	simm.s32 $0x0;
	s9 =	stileid.u32;
	s1 =	srdreg.scid  }
0x5: {  	s28 =	simm.s32 $0x6000;
	s30 =	simm.s32 $0x7000;
	s10 =	simm.s32 $0x2980  }
0x6: {  	s11 =	simm.s32 $0x6;
	s12 =	simm.s32 $0x280;
	s13 =	simm.s32 $0x7  }
0x7: {  	s14 =	simm.s32 $0x8;
	s15 =	simm.s32 $0x0;
	s4 =	smul.u32 $0x5000, s9  }
0x8: {  	s1 =	sand.u32 $0x1, s1;
	s5 =	sshll.u32 s9, $0x1;
	[smem:$0x7FF] =	sst s6  }
0x9: {  	s31 =	sshll.u32 s9, $0x6;
	s9 =	simm.s32 $0x4;
	s5 =	sor.u32 s1, s5  }
0xa: {  	s17 =	smul.u32 $0x140000, s1;
	_ =	strace $0x8000004D;
	s1 =	ssub.s32 $0x2, s1  }
0xb: {  	[dreg:$0xf] =	wrdreg s31;
	s7 =	sshrl.u32 s4, $0x3;
	s5 =	smul.u32 $0x500, s5  }
0xc: {  	s8 =	sshrl.u32 s1, $0x1;
	s19 =	sadd.s32 s4, s2;
	s7 =	sadd.s32 s7, s0  }
0xd: {  	s6 =	sadd.s32 s4, s17;
	s1 =	ssub.s32 s1, s8;
	s8 =	sadd.s32 s4, s3  }
0xe: {  	s17 =	simm.s32 $0x9;
	s4 =	simm.s32 $0x3;
	s20 =	sadd.s32 $0x29C00, s7  }
0xf: {  	s5 =	sadd.s32 s5, s0;
	s22 =	sadd.s32 $0x1FC00, s7;
	[dreg:$0x6] =	wrdreg s20  }
0x10: {  	s6 =	sshrl.u32 s6, $0x3;
	s24 =	sadd.s32 $0x15C00, s7;
	[dreg:$0x8] =	wrdreg s22  }
0x11: {  	s26 =	sadd.s32 $0xBC00, s7;
	s29 =	smax.u32 s1, $0x1;
	[dreg:$0xa] =	wrdreg s24  }
0x12: {  	s1 =	simm.s32 $0x8000;
	s7 =	simm.s32 $0x200;
	[dreg:$0xc] =	wrdreg s26  }
0x13: {  	s0 =	sadd.s32 s6, s0;
	s18 =	sadd.s32 $0x34600, s5;
	[dreg:$0xe] =	wrdreg s29  }
0x14: {  	s5 =	sadd.s32 $0x1C00, s5;
	s20 =	sor.u32 $0x1C01, s31;
	[dreg:$0x4] =	wrdreg s18  }
0x15: {  	s24 =	simm.s32 $0x2;
	[dreg:$0x5] =	wrdreg s5;
	s21 =	sadd.s32 $0x3E600, s0  }
.Ltmp0:
0x16: {  	s23 =	sadd.s32 $0x48600, s0;
	[dreg:$0x7] =	wrdreg s21;
	(pc) =	sbr.rel .LBB2_1-.Ltmp0, $4  }
0x17: {  	s26 =	simm.s32 $0x5000;
	s25 =	sadd.s32 $0x52600, s0;
	[dreg:$0x9] =	wrdreg s23  }
0x18: {  	s6 =	simm.s32 $0x5;
	s0 =	sadd.s32 $0x5C600, s0;
	[dreg:$0xb] =	wrdreg s25  }
0x19: {  	s18 =	simm.s32 $0x2800;
	s5 =	simm.s32 $0x2900;
	[dreg:$0xd] =	wrdreg s0  }
0x1a: {  	v0 =	vimm.f32 $0.0e+00;
	s21 =	sshrl.u32 s19, $0x3;
	s23 =	simm.s32 $0x1;
	s25 =	simm.s32 $0x80  }
.LBB2_15:
0x1b: {  	_ =	swait.ge [sflag:s9], $0x1000  }
0x1c: {  	[sflag:s9] =	ssyncset.done $0x0  }
0x1d: {  	[sflag:s9] =	ssyncadd.s32 $0xFFFFF000  }
0x1e: {  	[spmem:s3] =	stream.indirect.scatter.add.f32 [tilespmem:s1], [sflag:$0x8], $0x20, s31, s25, $0xb8;
	[tilespmem:$0x18000] =	vst v63  }
0x1f: {  	_ =	swait.ge [sflag:s11], $0x1000  }
0x20: {  	[sflag:s11] =	ssyncset.done $0x0  }
0x21: {  	[sflag:s11] =	ssyncadd.s32 $0xFFFFF000  }
0x22: {  	_ =	swait.ge [sflag:s13], $0x1000  }
0x23: {  	[sflag:s13] =	ssyncset.done $0x0  }
0x24: {  	[sflag:s13] =	ssyncadd.s32 $0xFFFFF000  }
0x25: {  	_ =	swait.ge [sflag:s14], $0x1000  }
0x26: {  	[sflag:s14] =	ssyncset.done $0x0  }
0x27: {  	[sflag:s14] =	ssyncadd.s32 $0xFFFFF000  }
0x28: {  	[bflag:$0x0] =	sbarrier.arrive $0xFFFF  }
0x29: {  	s0 =	rddreg [dreg:$0xd]  }
0x2a: {  	[hbm:s0], [sflag:s16] =	dma.local [spmem:s19], $0xA00  }
0x2b: {  	_ =	swait.ge [sflag:s17], $0xA00  }
0x2c: {  	s15 =	sadd.s32 $0x1, s15;
	s31 =	rddreg [dreg:$0xe]  }
0x2d: {  	p0 =	sne.s32 s15, s31  }
.Ltmp1:
0x2e: {  	_ = 	snop;
	(pc) =	sbr.rel @!p0 .LBB2_16-.Ltmp1, $3  }
0x2f: {  	_ =	sdelay $0x1  }
0x30: {  	[sflag:s17] =	ssyncset.done $0x0  }
0x31: {  	[sflag:s17] =	ssyncadd.s32 $0xFFFFF600  }
.LBB2_1:
0x32: {  	s0 =	simm.s32 $0x0;
	s16 =	rddreg [dreg:$0x4]  }
0x33: {  	[tilespmem:s0], [sflag:$0x9] =	stream.linear.gather [hbm4b:s16+s0], $0x2800, $0x38;
	[tilespmem:$0x18000] =	vst v63  }
0x34: {  	_ =	swait.ge [sflag:s17], $0x2800  }
0x35: {  	[sflag:s17] =	ssyncset.done $0x0  }
0x36: {  	s31 =	rddreg [dreg:$0x5];
	[sflag:s17] =	ssyncadd.s32 $0xFFFFD800  }
0x37: {  	[tilespmem:s18], [sflag:$0x9] =	stream.linear.gather [hbm4b:s31+s0], $0x2800, $0x38;
	[tilespmem:$0x18000] =	vst v63  }
0x38: {  	_ =	swait.ge [sflag:s17], $0x2800  }
0x39: {  	[sflag:s17] =	ssyncset.done $0x0  }
0x3a: {  	s19 =	simm.s32 $0x0;
	s16 =	simm.s32 $0x80;
	[sflag:s17] =	ssyncadd.s32 $0xFFFFD800  }
.LBB2_2:
0x3b: {  	p0 =	sne.s32 s16, $0x13F80;
	[tilespmem:s19+$0x9000] =	vst v0;
	s22 =	smov.u32 s16;
	s16 =	sadd.s32 $0x80, s16  }
.Ltmp2:
0x3c: {  	[tilespmem:s19+$0x9010] =	vst v0;
	(pc) =	sbr.rel @p0 .LBB2_2-.Ltmp2, $2  }
0x3d: {  	_ =	sdelay $0x2  }
0x3e: {  	s19 =	sshra.s32 s22, $0x2  }
0x3f: {  	[tilespmem:s19+$0x9000] =	vst v0  }
0x40: {  	[tilespmem:s19+$0x9010] =	vst v0;
	s0 =	rddreg [dreg:$0x6];
	s19 =	simm.s32 $0x9000  }
0x41: {  	[spmem:s21], [sflag:s20] =	dma.local [hbm:s0], $0xA00  }
0x42: {  	[spmem:s8] =	stream.linear.scatter [tilespmem:s19], [sflag:$0x2], $0x5000, $0x38;
	[tilespmem:$0x18000] =	vst v63  }
0x43: {  	_ =	swait.ge [sflag:s23], $0xA00  }
0x44: {  	[sflag:s23] =	ssyncset.done $0x0  }
0x45: {  	[sflag:s23] =	ssyncadd.s32 $0xFFFFF600  }
0x46: {  	_ =	swait.ge [sflag:s24], $0x5000  }
0x47: {  	[sflag:s24] =	ssyncset.done $0x0  }
0x48: {  	[sflag:s24] =	ssyncadd.s32 $0xFFFFB000  }
0x49: {  	s16 =	simm.s32 $0x0;
	[bflag:$0x0] =	sbarrier.arrive $0xFFFF  }
0x4a: {  	[tilespmem:s26], [sflag:$0x1] =	stream.indirect.gather [spmem:s2], $0x20, s16, s25, $0xb8;
	[tilespmem:$0x18000] =	vst v63  }
0x4b: {  	_ = 	snop  }
0x4c: {  	[tilespmem:s28], [sflag:$0x2] =	stream.indirect.gather [spmem:s2], $0x20, s25, s25, $0xb8;
	[tilespmem:$0x18000] =	vst v63  }
0x4d: {  	_ =	swait.ge [sflag:s23], $0x1000  }
0x4e: {  	[sflag:s23] =	ssyncset.done $0x0  }
0x4f: {  	[sflag:s23] =	ssyncadd.s32 $0xFFFFF000  }
0x50: {  	[spmem:s3] =	stream.indirect.scatter.add.f32 [tilespmem:s26], [sflag:$0x5], $0x20, s18, s25, $0xb8;
	[tilespmem:$0x18000] =	vst v63  }
0x51: {  	s22 =	simm.s32 $0x100  }
0x52: {  	[tilespmem:s30], [sflag:$0x3] =	stream.indirect.gather [spmem:s2], $0x20, s22, s25, $0xb8;
	[tilespmem:$0x18000] =	vst v63  }
0x53: {  	_ =	swait.ge [sflag:s24], $0x1000  }
0x54: {  	[sflag:s24] =	ssyncset.done $0x0  }
0x55: {  	s29 =	simm.s32 $0x2880;
	[sflag:s24] =	ssyncadd.s32 $0xFFFFF000  }
0x56: {  	[spmem:s3] =	stream.indirect.scatter.add.f32 [tilespmem:s28], [sflag:$0x6], $0x20, s29, s25, $0xb8;
	[tilespmem:$0x18000] =	vst v63  }
0x57: {  	s31 =	simm.s32 $0x180  }
0x58: {  	[tilespmem:s1], [sflag:$0x4] =	stream.indirect.gather [spmem:s2], $0x20, s31, s25, $0xb8;
	[tilespmem:$0x18000] =	vst v63  }
0x59: {  	_ =	swait.ge [sflag:s4], $0x1000  }
0x5a: {  	[sflag:s4] =	ssyncset.done $0x0  }
0x5b: {  	[sflag:s4] =	ssyncadd.s32 $0xFFFFF000  }
0x5c: {  	[spmem:s3] =	stream.indirect.scatter.add.f32 [tilespmem:s30], [sflag:$0x7], $0x20, s5, s25, $0xb8;
	[tilespmem:$0x18000] =	vst v63  }
0x5d: {  	_ =	swait.ge [sflag:s6], $0x1000  }
0x5e: {  	[sflag:s6] =	ssyncset.done $0x0  }
0x5f: {  	[sflag:s6] =	ssyncadd.s32 $0xFFFFF000  }
0x60: {  	[tilespmem:s26], [sflag:$0x1] =	stream.indirect.gather [spmem:s2], $0x20, s7, s25, $0xb8;
	[tilespmem:$0x18000] =	vst v63  }
0x61: {  	_ =	swait.ge [sflag:s9], $0x1000  }
0x62: {  	[sflag:s9] =	ssyncset.done $0x0  }
0x63: {  	[sflag:s9] =	ssyncadd.s32 $0xFFFFF000  }
0x64: {  	[spmem:s3] =	stream.indirect.scatter.add.f32 [tilespmem:s1], [sflag:$0x8], $0x20, s10, s25, $0xb8;
	[tilespmem:$0x18000] =	vst v63  }
0x65: {  	_ =	swait.ge [sflag:s11], $0x1000  }
0x66: {  	[sflag:s11] =	ssyncset.done $0x0  }
0x67: {  	[sflag:s11] =	ssyncadd.s32 $0xFFFFF000  }
0x68: {  	[tilespmem:s28], [sflag:$0x2] =	stream.indirect.gather [spmem:s2], $0x20, s12, s25, $0xb8;
	[tilespmem:$0x18000] =	vst v63  }
.LBB2_4:
0x69: {  	_ =	swait.ge [sflag:s23], $0x1000  }
0x6a: {  	s19 =	sshra.s32 s16, $0x2;
	[sflag:s23] =	ssyncset.done $0x0  }
0x6b: {  	s22 =	sadd.s32 $0x2A00, s19;
	[sflag:s23] =	ssyncadd.s32 $0xFFFFF000  }
0x6c: {  	[spmem:s3] =	stream.indirect.scatter.add.f32 [tilespmem:s26], [sflag:$0x5], $0x20, s22, s25, $0xb8;
	[tilespmem:$0x18000] =	vst v63  }
0x6d: {  	_ =	swait.ge [sflag:s13], $0x1000  }
0x6e: {  	[sflag:s13] =	ssyncset.done $0x0  }
0x6f: {  	s31 =	sadd.s32 $0x300, s19;
	[sflag:s13] =	ssyncadd.s32 $0xFFFFF000  }
0x70: {  	[tilespmem:s30], [sflag:$0x3] =	stream.indirect.gather [spmem:s2], $0x20, s31, s25, $0xb8;
	[tilespmem:$0x18000] =	vst v63  }
0x71: {  	_ =	swait.ge [sflag:s24], $0x1000  }
0x72: {  	[sflag:s24] =	ssyncset.done $0x0  }
0x73: {  	s0 =	sadd.s32 $0x2A80, s19;
	[sflag:s24] =	ssyncadd.s32 $0xFFFFF000  }
0x74: {  	[spmem:s3] =	stream.indirect.scatter.add.f32 [tilespmem:s28], [sflag:$0x6], $0x20, s0, s25, $0xb8;
	[tilespmem:$0x18000] =	vst v63  }
0x75: {  	_ =	swait.ge [sflag:s14], $0x1000  }
0x76: {  	[sflag:s14] =	ssyncset.done $0x0  }
0x77: {  	s29 =	sadd.s32 $0x380, s19;
	[sflag:s14] =	ssyncadd.s32 $0xFFFFF000  }
0x78: {  	[tilespmem:s1], [sflag:$0x4] =	stream.indirect.gather [spmem:s2], $0x20, s29, s25, $0xb8;
	[tilespmem:$0x18000] =	vst v63  }
0x79: {  	_ =	swait.ge [sflag:s4], $0x1000  }
0x7a: {  	p0 =	seq.s32 s16, $0x9000;
	[sflag:s4] =	ssyncset.done $0x0  }
.Ltmp3:
0x7b: {  	s31 =	sadd.s32 $0x2B00, s19;
	[sflag:s4] =	ssyncadd.s32 $0xFFFFF000;
	(pc) =	sbr.rel @p0 .LBB2_6-.Ltmp3, $4  }
0x7c: {  	[spmem:s3] =	stream.indirect.scatter.add.f32 [tilespmem:s30], [sflag:$0x7], $0x20, s31, s25, $0xb8;
	[tilespmem:$0x18000] =	vst v63  }
0x7d: {  	_ =	swait.ge [sflag:s6], $0x1000  }
0x7e: {  	[sflag:s6] =	ssyncset.done $0x0  }
0x7f: {  	s22 =	sadd.s32 $0x2B80, s19;
	[sflag:s6] =	ssyncadd.s32 $0xFFFFF000  }
0x80: {  	s29 =	sadd.s32 $0x400, s19  }
0x81: {  	[tilespmem:s26], [sflag:$0x1] =	stream.indirect.gather [spmem:s2], $0x20, s29, s25, $0xb8;
	[tilespmem:$0x18000] =	vst v63  }
0x82: {  	_ =	swait.ge [sflag:s9], $0x1000  }
0x83: {  	[sflag:s9] =	ssyncset.done $0x0  }
0x84: {  	[sflag:s9] =	ssyncadd.s32 $0xFFFFF000  }
0x85: {  	[spmem:s3] =	stream.indirect.scatter.add.f32 [tilespmem:s1], [sflag:$0x8], $0x20, s22, s25, $0xb8;
	[tilespmem:$0x18000] =	vst v63  }
.Ltmp4:
0x86: {  	_ = 	snop;
	(pc) =	sbr.rel .LBB2_4-.Ltmp4, $4  }
0x87: {  	_ =	swait.ge [sflag:s11], $0x1000  }
0x88: {  	[sflag:s11] =	ssyncset.done $0x0  }
0x89: {  	s31 =	sadd.s32 $0x480, s19;
	s16 =	sadd.s32 $0x800, s16;
	[sflag:s11] =	ssyncadd.s32 $0xFFFFF000  }
0x8a: {  	[tilespmem:s28], [sflag:$0x2] =	stream.indirect.gather [spmem:s2], $0x20, s31, s25, $0xb8;
	[tilespmem:$0x18000] =	vst v63  }
.LBB2_6:
0x8b: {  	_ =	swait.ge [sflag:s9], $0x1000  }
0x8c: {  	[sflag:s9] =	ssyncset.done $0x0  }
0x8d: {  	[sflag:s9] =	ssyncadd.s32 $0xFFFFF000  }
0x8e: {  	[spmem:s3] =	stream.indirect.scatter.add.f32 [tilespmem:s1], [sflag:$0x8], $0x20, s22, s25, $0xb8;
	[tilespmem:$0x18000] =	vst v63  }
0x8f: {  	_ =	swait.ge [sflag:s11], $0x1000  }
0x90: {  	[sflag:s11] =	ssyncset.done $0x0  }
0x91: {  	[sflag:s11] =	ssyncadd.s32 $0xFFFFF000  }
0x92: {  	_ =	swait.ge [sflag:s13], $0x1000  }
0x93: {  	[sflag:s13] =	ssyncset.done $0x0  }
0x94: {  	[sflag:s13] =	ssyncadd.s32 $0xFFFFF000  }
0x95: {  	_ =	swait.ge [sflag:s14], $0x1000  }
0x96: {  	[sflag:s14] =	ssyncset.done $0x0  }
0x97: {  	[sflag:s14] =	ssyncadd.s32 $0xFFFFF000  }
0x98: {  	[bflag:$0x0] =	sbarrier.arrive $0xFFFF  }
0x99: {  	s0 =	rddreg [dreg:$0xf]  }
0x9a: {  	s19 =	sshrl.u32 s8, $0x3;
	s31 =	rddreg [dreg:$0x7];
	s16 =	sor.u32 $0x1C09, s0  }
0x9b: {  	[hbm:s31], [sflag:s16] =	dma.local [spmem:s19], $0xA00  }
0x9c: {  	_ =	swait.ge [sflag:s17], $0xA00  }
0x9d: {  	[sflag:s17] =	ssyncset.done $0x0  }
0x9e: {  	s29 =	simm.s32 $0x9000;
	s22 =	rddreg [dreg:$0x8];
	[sflag:s17] =	ssyncadd.s32 $0xFFFFF600  }
0x9f: {  	[spmem:s21], [sflag:s20] =	dma.local [hbm:s22], $0xA00  }
0xa0: {  	[spmem:s8] =	stream.linear.scatter [tilespmem:s29], [sflag:$0x2], $0x5000, $0x38;
	[tilespmem:$0x18000] =	vst v63  }
0xa1: {  	_ =	swait.ge [sflag:s23], $0xA00  }
0xa2: {  	[sflag:s23] =	ssyncset.done $0x0  }
0xa3: {  	[sflag:s23] =	ssyncadd.s32 $0xFFFFF600  }
0xa4: {  	_ =	swait.ge [sflag:s24], $0x5000  }
0xa5: {  	[sflag:s24] =	ssyncset.done $0x0  }
0xa6: {  	[sflag:s24] =	ssyncadd.s32 $0xFFFFB000  }
0xa7: {  	s22 =	simm.s32 $0x0;
	[bflag:$0x0] =	sbarrier.arrive $0xFFFF  }
0xa8: {  	[tilespmem:s26], [sflag:$0x1] =	stream.indirect.gather [spmem:s2], $0x20, s22, s25, $0xb8;
	[tilespmem:$0x18000] =	vst v63  }
0xa9: {  	_ = 	snop  }
0xaa: {  	[tilespmem:s28], [sflag:$0x2] =	stream.indirect.gather [spmem:s2], $0x20, s25, s25, $0xb8;
	[tilespmem:$0x18000] =	vst v63  }
0xab: {  	_ =	swait.ge [sflag:s23], $0x1000  }
0xac: {  	[sflag:s23] =	ssyncset.done $0x0  }
0xad: {  	[sflag:s23] =	ssyncadd.s32 $0xFFFFF000  }
0xae: {  	[spmem:s3] =	stream.indirect.scatter.add.f32 [tilespmem:s26], [sflag:$0x5], $0x20, s18, s25, $0xb8;
	[tilespmem:$0x18000] =	vst v63  }
0xaf: {  	s31 =	simm.s32 $0x100  }
0xb0: {  	[tilespmem:s30], [sflag:$0x3] =	stream.indirect.gather [spmem:s2], $0x20, s31, s25, $0xb8;
	[tilespmem:$0x18000] =	vst v63  }
0xb1: {  	_ =	swait.ge [sflag:s24], $0x1000  }
0xb2: {  	[sflag:s24] =	ssyncset.done $0x0  }
0xb3: {  	s29 =	simm.s32 $0x2880;
	[sflag:s24] =	ssyncadd.s32 $0xFFFFF000  }
0xb4: {  	[spmem:s3] =	stream.indirect.scatter.add.f32 [tilespmem:s28], [sflag:$0x6], $0x20, s29, s25, $0xb8;
	[tilespmem:$0x18000] =	vst v63  }
0xb5: {  	s31 =	simm.s32 $0x180  }
0xb6: {  	[tilespmem:s1], [sflag:$0x4] =	stream.indirect.gather [spmem:s2], $0x20, s31, s25, $0xb8;
	[tilespmem:$0x18000] =	vst v63  }
0xb7: {  	_ =	swait.ge [sflag:s4], $0x1000  }
0xb8: {  	[sflag:s4] =	ssyncset.done $0x0  }
0xb9: {  	[sflag:s4] =	ssyncadd.s32 $0xFFFFF000  }
0xba: {  	[spmem:s3] =	stream.indirect.scatter.add.f32 [tilespmem:s30], [sflag:$0x7], $0x20, s5, s25, $0xb8;
	[tilespmem:$0x18000] =	vst v63  }
0xbb: {  	_ =	swait.ge [sflag:s6], $0x1000  }
0xbc: {  	[sflag:s6] =	ssyncset.done $0x0  }
0xbd: {  	[sflag:s6] =	ssyncadd.s32 $0xFFFFF000  }
0xbe: {  	[tilespmem:s26], [sflag:$0x1] =	stream.indirect.gather [spmem:s2], $0x20, s7, s25, $0xb8;
	[tilespmem:$0x18000] =	vst v63  }
0xbf: {  	_ =	swait.ge [sflag:s9], $0x1000  }
0xc0: {  	[sflag:s9] =	ssyncset.done $0x0  }
0xc1: {  	[sflag:s9] =	ssyncadd.s32 $0xFFFFF000  }
0xc2: {  	[spmem:s3] =	stream.indirect.scatter.add.f32 [tilespmem:s1], [sflag:$0x8], $0x20, s10, s25, $0xb8;
	[tilespmem:$0x18000] =	vst v63  }
0xc3: {  	_ =	swait.ge [sflag:s11], $0x1000  }
0xc4: {  	[sflag:s11] =	ssyncset.done $0x0  }
0xc5: {  	[sflag:s11] =	ssyncadd.s32 $0xFFFFF000  }
0xc6: {  	[tilespmem:s28], [sflag:$0x2] =	stream.indirect.gather [spmem:s2], $0x20, s12, s25, $0xb8;
	[tilespmem:$0x18000] =	vst v63  }
.LBB2_7:
0xc7: {  	_ =	swait.ge [sflag:s23], $0x1000  }
0xc8: {  	s29 =	sshra.s32 s22, $0x2;
	[sflag:s23] =	ssyncset.done $0x0  }
0xc9: {  	s31 =	sadd.s32 $0x2A00, s29;
	[sflag:s23] =	ssyncadd.s32 $0xFFFFF000  }
0xca: {  	[spmem:s3] =	stream.indirect.scatter.add.f32 [tilespmem:s26], [sflag:$0x5], $0x20, s31, s25, $0xb8;
	[tilespmem:$0x18000] =	vst v63  }
0xcb: {  	_ =	swait.ge [sflag:s13], $0x1000  }
0xcc: {  	[sflag:s13] =	ssyncset.done $0x0  }
0xcd: {  	s31 =	sadd.s32 $0x300, s29;
	[sflag:s13] =	ssyncadd.s32 $0xFFFFF000  }
0xce: {  	[tilespmem:s30], [sflag:$0x3] =	stream.indirect.gather [spmem:s2], $0x20, s31, s25, $0xb8;
	[tilespmem:$0x18000] =	vst v63  }
0xcf: {  	_ =	swait.ge [sflag:s24], $0x1000  }
0xd0: {  	[sflag:s24] =	ssyncset.done $0x0  }
0xd1: {  	s31 =	sadd.s32 $0x2A80, s29;
	[sflag:s24] =	ssyncadd.s32 $0xFFFFF000  }
0xd2: {  	[spmem:s3] =	stream.indirect.scatter.add.f32 [tilespmem:s28], [sflag:$0x6], $0x20, s31, s25, $0xb8;
	[tilespmem:$0x18000] =	vst v63  }
0xd3: {  	_ =	swait.ge [sflag:s14], $0x1000  }
0xd4: {  	[sflag:s14] =	ssyncset.done $0x0  }
0xd5: {  	s31 =	sadd.s32 $0x380, s29;
	[sflag:s14] =	ssyncadd.s32 $0xFFFFF000  }
0xd6: {  	[tilespmem:s1], [sflag:$0x4] =	stream.indirect.gather [spmem:s2], $0x20, s31, s25, $0xb8;
	[tilespmem:$0x18000] =	vst v63  }
0xd7: {  	_ =	swait.ge [sflag:s4], $0x1000  }
0xd8: {  	p0 =	seq.s32 s22, $0x9000;
	[sflag:s4] =	ssyncset.done $0x0  }
.Ltmp5:
0xd9: {  	s31 =	sadd.s32 $0x2B00, s29;
	[sflag:s4] =	ssyncadd.s32 $0xFFFFF000;
	(pc) =	sbr.rel @p0 .LBB2_9-.Ltmp5, $4  }
0xda: {  	[spmem:s3] =	stream.indirect.scatter.add.f32 [tilespmem:s30], [sflag:$0x7], $0x20, s31, s25, $0xb8;
	[tilespmem:$0x18000] =	vst v63  }
0xdb: {  	_ =	swait.ge [sflag:s6], $0x1000  }
0xdc: {  	[sflag:s6] =	ssyncset.done $0x0  }
0xdd: {  	s31 =	sadd.s32 $0x2B80, s29;
	[sflag:s6] =	ssyncadd.s32 $0xFFFFF000  }
0xde: {  	s0 =	sadd.s32 $0x400, s29  }
0xdf: {  	[tilespmem:s26], [sflag:$0x1] =	stream.indirect.gather [spmem:s2], $0x20, s0, s25, $0xb8;
	[tilespmem:$0x18000] =	vst v63  }
0xe0: {  	_ =	swait.ge [sflag:s9], $0x1000  }
0xe1: {  	[sflag:s9] =	ssyncset.done $0x0  }
0xe2: {  	[sflag:s9] =	ssyncadd.s32 $0xFFFFF000  }
0xe3: {  	[spmem:s3] =	stream.indirect.scatter.add.f32 [tilespmem:s1], [sflag:$0x8], $0x20, s31, s25, $0xb8;
	[tilespmem:$0x18000] =	vst v63  }
.Ltmp6:
0xe4: {  	_ = 	snop;
	(pc) =	sbr.rel .LBB2_7-.Ltmp6, $4  }
0xe5: {  	_ =	swait.ge [sflag:s11], $0x1000  }
0xe6: {  	[sflag:s11] =	ssyncset.done $0x0  }
0xe7: {  	s22 =	sadd.s32 $0x800, s22;
	s31 =	sadd.s32 $0x480, s29;
	[sflag:s11] =	ssyncadd.s32 $0xFFFFF000  }
0xe8: {  	[tilespmem:s28], [sflag:$0x2] =	stream.indirect.gather [spmem:s2], $0x20, s31, s25, $0xb8;
	[tilespmem:$0x18000] =	vst v63  }
.LBB2_9:
0xe9: {  	_ =	swait.ge [sflag:s9], $0x1000  }
0xea: {  	[sflag:s9] =	ssyncset.done $0x0  }
0xeb: {  	[sflag:s9] =	ssyncadd.s32 $0xFFFFF000  }
0xec: {  	[spmem:s3] =	stream.indirect.scatter.add.f32 [tilespmem:s1], [sflag:$0x8], $0x20, s31, s25, $0xb8;
	[tilespmem:$0x18000] =	vst v63  }
0xed: {  	_ =	swait.ge [sflag:s11], $0x1000  }
0xee: {  	[sflag:s11] =	ssyncset.done $0x0  }
0xef: {  	[sflag:s11] =	ssyncadd.s32 $0xFFFFF000  }
0xf0: {  	_ =	swait.ge [sflag:s13], $0x1000  }
0xf1: {  	[sflag:s13] =	ssyncset.done $0x0  }
0xf2: {  	[sflag:s13] =	ssyncadd.s32 $0xFFFFF000  }
0xf3: {  	_ =	swait.ge [sflag:s14], $0x1000  }
0xf4: {  	[sflag:s14] =	ssyncset.done $0x0  }
0xf5: {  	[sflag:s14] =	ssyncadd.s32 $0xFFFFF000  }
0xf6: {  	[bflag:$0x0] =	sbarrier.arrive $0xFFFF  }
0xf7: {  	s0 =	rddreg [dreg:$0x9]  }
0xf8: {  	[hbm:s0], [sflag:s16] =	dma.local [spmem:s19], $0xA00  }
0xf9: {  	_ =	swait.ge [sflag:s17], $0xA00  }
0xfa: {  	[sflag:s17] =	ssyncset.done $0x0  }
0xfb: {  	s29 =	simm.s32 $0x9000;
	s22 =	rddreg [dreg:$0xa];
	[sflag:s17] =	ssyncadd.s32 $0xFFFFF600  }
0xfc: {  	[spmem:s21], [sflag:s20] =	dma.local [hbm:s22], $0xA00  }
0xfd: {  	[spmem:s8] =	stream.linear.scatter [tilespmem:s29], [sflag:$0x2], $0x5000, $0x38;
	[tilespmem:$0x18000] =	vst v63  }
0xfe: {  	_ =	swait.ge [sflag:s23], $0xA00  }
0xff: {  	[sflag:s23] =	ssyncset.done $0x0  }
0x100: {  	[sflag:s23] =	ssyncadd.s32 $0xFFFFF600  }
0x101: {  	_ =	swait.ge [sflag:s24], $0x5000  }
0x102: {  	[sflag:s24] =	ssyncset.done $0x0  }
0x103: {  	[sflag:s24] =	ssyncadd.s32 $0xFFFFB000  }
0x104: {  	s22 =	simm.s32 $0x0;
	[bflag:$0x0] =	sbarrier.arrive $0xFFFF  }
0x105: {  	[tilespmem:s26], [sflag:$0x1] =	stream.indirect.gather [spmem:s2], $0x20, s22, s25, $0xb8;
	[tilespmem:$0x18000] =	vst v63  }
0x106: {  	_ = 	snop  }
0x107: {  	[tilespmem:s28], [sflag:$0x2] =	stream.indirect.gather [spmem:s2], $0x20, s25, s25, $0xb8;
	[tilespmem:$0x18000] =	vst v63  }
0x108: {  	_ =	swait.ge [sflag:s23], $0x1000  }
0x109: {  	[sflag:s23] =	ssyncset.done $0x0  }
0x10a: {  	[sflag:s23] =	ssyncadd.s32 $0xFFFFF000  }
0x10b: {  	[spmem:s3] =	stream.indirect.scatter.add.f32 [tilespmem:s26], [sflag:$0x5], $0x20, s18, s25, $0xb8;
	[tilespmem:$0x18000] =	vst v63  }
0x10c: {  	s31 =	simm.s32 $0x100  }
0x10d: {  	[tilespmem:s30], [sflag:$0x3] =	stream.indirect.gather [spmem:s2], $0x20, s31, s25, $0xb8;
	[tilespmem:$0x18000] =	vst v63  }
0x10e: {  	_ =	swait.ge [sflag:s24], $0x1000  }
0x10f: {  	[sflag:s24] =	ssyncset.done $0x0  }
0x110: {  	s29 =	simm.s32 $0x2880;
	[sflag:s24] =	ssyncadd.s32 $0xFFFFF000  }
0x111: {  	[spmem:s3] =	stream.indirect.scatter.add.f32 [tilespmem:s28], [sflag:$0x6], $0x20, s29, s25, $0xb8;
	[tilespmem:$0x18000] =	vst v63  }
0x112: {  	s31 =	simm.s32 $0x180  }
0x113: {  	[tilespmem:s1], [sflag:$0x4] =	stream.indirect.gather [spmem:s2], $0x20, s31, s25, $0xb8;
	[tilespmem:$0x18000] =	vst v63  }
0x114: {  	_ =	swait.ge [sflag:s4], $0x1000  }
0x115: {  	[sflag:s4] =	ssyncset.done $0x0  }
0x116: {  	[sflag:s4] =	ssyncadd.s32 $0xFFFFF000  }
0x117: {  	[spmem:s3] =	stream.indirect.scatter.add.f32 [tilespmem:s30], [sflag:$0x7], $0x20, s5, s25, $0xb8;
	[tilespmem:$0x18000] =	vst v63  }
0x118: {  	_ =	swait.ge [sflag:s6], $0x1000  }
0x119: {  	[sflag:s6] =	ssyncset.done $0x0  }
0x11a: {  	[sflag:s6] =	ssyncadd.s32 $0xFFFFF000  }
0x11b: {  	[tilespmem:s26], [sflag:$0x1] =	stream.indirect.gather [spmem:s2], $0x20, s7, s25, $0xb8;
	[tilespmem:$0x18000] =	vst v63  }
0x11c: {  	_ =	swait.ge [sflag:s9], $0x1000  }
0x11d: {  	[sflag:s9] =	ssyncset.done $0x0  }
0x11e: {  	[sflag:s9] =	ssyncadd.s32 $0xFFFFF000  }
0x11f: {  	[spmem:s3] =	stream.indirect.scatter.add.f32 [tilespmem:s1], [sflag:$0x8], $0x20, s10, s25, $0xb8;
	[tilespmem:$0x18000] =	vst v63  }
0x120: {  	_ =	swait.ge [sflag:s11], $0x1000  }
0x121: {  	[sflag:s11] =	ssyncset.done $0x0  }
0x122: {  	[sflag:s11] =	ssyncadd.s32 $0xFFFFF000  }
0x123: {  	[tilespmem:s28], [sflag:$0x2] =	stream.indirect.gather [spmem:s2], $0x20, s12, s25, $0xb8;
	[tilespmem:$0x18000] =	vst v63  }
.LBB2_10:
0x124: {  	_ =	swait.ge [sflag:s23], $0x1000  }
0x125: {  	s29 =	sshra.s32 s22, $0x2;
	[sflag:s23] =	ssyncset.done $0x0  }
0x126: {  	s0 =	sadd.s32 $0x2A00, s29;
	[sflag:s23] =	ssyncadd.s32 $0xFFFFF000  }
0x127: {  	[spmem:s3] =	stream.indirect.scatter.add.f32 [tilespmem:s26], [sflag:$0x5], $0x20, s0, s25, $0xb8;
	[tilespmem:$0x18000] =	vst v63  }
0x128: {  	_ =	swait.ge [sflag:s13], $0x1000  }
0x129: {  	[sflag:s13] =	ssyncset.done $0x0  }
0x12a: {  	s0 =	sadd.s32 $0x300, s29;
	[sflag:s13] =	ssyncadd.s32 $0xFFFFF000  }
0x12b: {  	[tilespmem:s30], [sflag:$0x3] =	stream.indirect.gather [spmem:s2], $0x20, s0, s25, $0xb8;
	[tilespmem:$0x18000] =	vst v63  }
0x12c: {  	_ =	swait.ge [sflag:s24], $0x1000  }
0x12d: {  	[sflag:s24] =	ssyncset.done $0x0  }
0x12e: {  	s0 =	sadd.s32 $0x2A80, s29;
	[sflag:s24] =	ssyncadd.s32 $0xFFFFF000  }
0x12f: {  	[spmem:s3] =	stream.indirect.scatter.add.f32 [tilespmem:s28], [sflag:$0x6], $0x20, s0, s25, $0xb8;
	[tilespmem:$0x18000] =	vst v63  }
0x130: {  	_ =	swait.ge [sflag:s14], $0x1000  }
0x131: {  	[sflag:s14] =	ssyncset.done $0x0  }
0x132: {  	s0 =	sadd.s32 $0x380, s29;
	[sflag:s14] =	ssyncadd.s32 $0xFFFFF000  }
0x133: {  	[tilespmem:s1], [sflag:$0x4] =	stream.indirect.gather [spmem:s2], $0x20, s0, s25, $0xb8;
	[tilespmem:$0x18000] =	vst v63  }
0x134: {  	_ =	swait.ge [sflag:s4], $0x1000  }
0x135: {  	p0 =	seq.s32 s22, $0x9000;
	[sflag:s4] =	ssyncset.done $0x0  }
.Ltmp7:
0x136: {  	s0 =	sadd.s32 $0x2B00, s29;
	[sflag:s4] =	ssyncadd.s32 $0xFFFFF000;
	(pc) =	sbr.rel @p0 .LBB2_12-.Ltmp7, $4  }
0x137: {  	[spmem:s3] =	stream.indirect.scatter.add.f32 [tilespmem:s30], [sflag:$0x7], $0x20, s0, s25, $0xb8;
	[tilespmem:$0x18000] =	vst v63  }
0x138: {  	_ =	swait.ge [sflag:s6], $0x1000  }
0x139: {  	[sflag:s6] =	ssyncset.done $0x0  }
0x13a: {  	s31 =	sadd.s32 $0x2B80, s29;
	[sflag:s6] =	ssyncadd.s32 $0xFFFFF000  }
0x13b: {  	s0 =	sadd.s32 $0x400, s29  }
0x13c: {  	[tilespmem:s26], [sflag:$0x1] =	stream.indirect.gather [spmem:s2], $0x20, s0, s25, $0xb8;
	[tilespmem:$0x18000] =	vst v63  }
0x13d: {  	_ =	swait.ge [sflag:s9], $0x1000  }
0x13e: {  	[sflag:s9] =	ssyncset.done $0x0  }
0x13f: {  	[sflag:s9] =	ssyncadd.s32 $0xFFFFF000  }
0x140: {  	[spmem:s3] =	stream.indirect.scatter.add.f32 [tilespmem:s1], [sflag:$0x8], $0x20, s31, s25, $0xb8;
	[tilespmem:$0x18000] =	vst v63  }
.Ltmp8:
0x141: {  	_ = 	snop;
	(pc) =	sbr.rel .LBB2_10-.Ltmp8, $4  }
0x142: {  	_ =	swait.ge [sflag:s11], $0x1000  }
0x143: {  	[sflag:s11] =	ssyncset.done $0x0  }
0x144: {  	s22 =	sadd.s32 $0x800, s22;
	s31 =	sadd.s32 $0x480, s29;
	[sflag:s11] =	ssyncadd.s32 $0xFFFFF000  }
0x145: {  	[tilespmem:s28], [sflag:$0x2] =	stream.indirect.gather [spmem:s2], $0x20, s31, s25, $0xb8;
	[tilespmem:$0x18000] =	vst v63  }
.LBB2_12:
0x146: {  	_ =	swait.ge [sflag:s9], $0x1000  }
0x147: {  	[sflag:s9] =	ssyncset.done $0x0  }
0x148: {  	[sflag:s9] =	ssyncadd.s32 $0xFFFFF000  }
0x149: {  	[spmem:s3] =	stream.indirect.scatter.add.f32 [tilespmem:s1], [sflag:$0x8], $0x20, s31, s25, $0xb8;
	[tilespmem:$0x18000] =	vst v63  }
0x14a: {  	_ =	swait.ge [sflag:s11], $0x1000  }
0x14b: {  	[sflag:s11] =	ssyncset.done $0x0  }
0x14c: {  	[sflag:s11] =	ssyncadd.s32 $0xFFFFF000  }
0x14d: {  	_ =	swait.ge [sflag:s13], $0x1000  }
0x14e: {  	[sflag:s13] =	ssyncset.done $0x0  }
0x14f: {  	[sflag:s13] =	ssyncadd.s32 $0xFFFFF000  }
0x150: {  	_ =	swait.ge [sflag:s14], $0x1000  }
0x151: {  	[sflag:s14] =	ssyncset.done $0x0  }
0x152: {  	[sflag:s14] =	ssyncadd.s32 $0xFFFFF000  }
0x153: {  	[bflag:$0x0] =	sbarrier.arrive $0xFFFF  }
0x154: {  	s0 =	rddreg [dreg:$0xb]  }
0x155: {  	[hbm:s0], [sflag:s16] =	dma.local [spmem:s19], $0xA00  }
0x156: {  	_ =	swait.ge [sflag:s17], $0xA00  }
0x157: {  	[sflag:s17] =	ssyncset.done $0x0  }
0x158: {  	s29 =	simm.s32 $0x9000;
	s22 =	rddreg [dreg:$0xc];
	[sflag:s17] =	ssyncadd.s32 $0xFFFFF600  }
0x159: {  	[spmem:s21], [sflag:s20] =	dma.local [hbm:s22], $0xA00  }
0x15a: {  	[spmem:s8] =	stream.linear.scatter [tilespmem:s29], [sflag:$0x2], $0x5000, $0x38;
	[tilespmem:$0x18000] =	vst v63  }
0x15b: {  	_ =	swait.ge [sflag:s23], $0xA00  }
0x15c: {  	[sflag:s23] =	ssyncset.done $0x0  }
0x15d: {  	[sflag:s23] =	ssyncadd.s32 $0xFFFFF600  }
0x15e: {  	_ =	swait.ge [sflag:s24], $0x5000  }
0x15f: {  	[sflag:s24] =	ssyncset.done $0x0  }
0x160: {  	[sflag:s24] =	ssyncadd.s32 $0xFFFFB000  }
0x161: {  	s22 =	simm.s32 $0x0;
	[bflag:$0x0] =	sbarrier.arrive $0xFFFF  }
0x162: {  	[tilespmem:s26], [sflag:$0x1] =	stream.indirect.gather [spmem:s2], $0x20, s22, s25, $0xb8;
	[tilespmem:$0x18000] =	vst v63  }
0x163: {  	_ = 	snop  }
0x164: {  	[tilespmem:s28], [sflag:$0x2] =	stream.indirect.gather [spmem:s2], $0x20, s25, s25, $0xb8;
	[tilespmem:$0x18000] =	vst v63  }
0x165: {  	_ =	swait.ge [sflag:s23], $0x1000  }
0x166: {  	[sflag:s23] =	ssyncset.done $0x0  }
0x167: {  	[sflag:s23] =	ssyncadd.s32 $0xFFFFF000  }
0x168: {  	[spmem:s3] =	stream.indirect.scatter.add.f32 [tilespmem:s26], [sflag:$0x5], $0x20, s18, s25, $0xb8;
	[tilespmem:$0x18000] =	vst v63  }
0x169: {  	s31 =	simm.s32 $0x100  }
0x16a: {  	[tilespmem:s30], [sflag:$0x3] =	stream.indirect.gather [spmem:s2], $0x20, s31, s25, $0xb8;
	[tilespmem:$0x18000] =	vst v63  }
0x16b: {  	_ =	swait.ge [sflag:s24], $0x1000  }
0x16c: {  	[sflag:s24] =	ssyncset.done $0x0  }
0x16d: {  	s29 =	simm.s32 $0x2880;
	[sflag:s24] =	ssyncadd.s32 $0xFFFFF000  }
0x16e: {  	[spmem:s3] =	stream.indirect.scatter.add.f32 [tilespmem:s28], [sflag:$0x6], $0x20, s29, s25, $0xb8;
	[tilespmem:$0x18000] =	vst v63  }
0x16f: {  	s31 =	simm.s32 $0x180  }
0x170: {  	[tilespmem:s1], [sflag:$0x4] =	stream.indirect.gather [spmem:s2], $0x20, s31, s25, $0xb8;
	[tilespmem:$0x18000] =	vst v63  }
0x171: {  	_ =	swait.ge [sflag:s4], $0x1000  }
0x172: {  	[sflag:s4] =	ssyncset.done $0x0  }
0x173: {  	[sflag:s4] =	ssyncadd.s32 $0xFFFFF000  }
0x174: {  	[spmem:s3] =	stream.indirect.scatter.add.f32 [tilespmem:s30], [sflag:$0x7], $0x20, s5, s25, $0xb8;
	[tilespmem:$0x18000] =	vst v63  }
0x175: {  	_ =	swait.ge [sflag:s6], $0x1000  }
0x176: {  	[sflag:s6] =	ssyncset.done $0x0  }
0x177: {  	[sflag:s6] =	ssyncadd.s32 $0xFFFFF000  }
0x178: {  	[tilespmem:s26], [sflag:$0x1] =	stream.indirect.gather [spmem:s2], $0x20, s7, s25, $0xb8;
	[tilespmem:$0x18000] =	vst v63  }
0x179: {  	_ =	swait.ge [sflag:s9], $0x1000  }
0x17a: {  	[sflag:s9] =	ssyncset.done $0x0  }
0x17b: {  	[sflag:s9] =	ssyncadd.s32 $0xFFFFF000  }
0x17c: {  	[spmem:s3] =	stream.indirect.scatter.add.f32 [tilespmem:s1], [sflag:$0x8], $0x20, s10, s25, $0xb8;
	[tilespmem:$0x18000] =	vst v63  }
0x17d: {  	_ =	swait.ge [sflag:s11], $0x1000  }
0x17e: {  	[sflag:s11] =	ssyncset.done $0x0  }
0x17f: {  	[sflag:s11] =	ssyncadd.s32 $0xFFFFF000  }
0x180: {  	[tilespmem:s28], [sflag:$0x2] =	stream.indirect.gather [spmem:s2], $0x20, s12, s25, $0xb8;
	[tilespmem:$0x18000] =	vst v63  }
.LBB2_13:
0x181: {  	_ =	swait.ge [sflag:s23], $0x1000  }
0x182: {  	s29 =	sshra.s32 s22, $0x2;
	[sflag:s23] =	ssyncset.done $0x0  }
0x183: {  	s0 =	sadd.s32 $0x2A00, s29;
	[sflag:s23] =	ssyncadd.s32 $0xFFFFF000  }
0x184: {  	[spmem:s3] =	stream.indirect.scatter.add.f32 [tilespmem:s26], [sflag:$0x5], $0x20, s0, s25, $0xb8;
	[tilespmem:$0x18000] =	vst v63  }
0x185: {  	_ =	swait.ge [sflag:s13], $0x1000  }
0x186: {  	[sflag:s13] =	ssyncset.done $0x0  }
0x187: {  	s0 =	sadd.s32 $0x300, s29;
	[sflag:s13] =	ssyncadd.s32 $0xFFFFF000  }
0x188: {  	[tilespmem:s30], [sflag:$0x3] =	stream.indirect.gather [spmem:s2], $0x20, s0, s25, $0xb8;
	[tilespmem:$0x18000] =	vst v63  }
0x189: {  	_ =	swait.ge [sflag:s24], $0x1000  }
0x18a: {  	[sflag:s24] =	ssyncset.done $0x0  }
0x18b: {  	s0 =	sadd.s32 $0x2A80, s29;
	[sflag:s24] =	ssyncadd.s32 $0xFFFFF000  }
0x18c: {  	[spmem:s3] =	stream.indirect.scatter.add.f32 [tilespmem:s28], [sflag:$0x6], $0x20, s0, s25, $0xb8;
	[tilespmem:$0x18000] =	vst v63  }
0x18d: {  	_ =	swait.ge [sflag:s14], $0x1000  }
0x18e: {  	[sflag:s14] =	ssyncset.done $0x0  }
0x18f: {  	s0 =	sadd.s32 $0x380, s29;
	[sflag:s14] =	ssyncadd.s32 $0xFFFFF000  }
0x190: {  	[tilespmem:s1], [sflag:$0x4] =	stream.indirect.gather [spmem:s2], $0x20, s0, s25, $0xb8;
	[tilespmem:$0x18000] =	vst v63  }
0x191: {  	_ =	swait.ge [sflag:s4], $0x1000  }
0x192: {  	p0 =	seq.s32 s22, $0x9000;
	[sflag:s4] =	ssyncset.done $0x0  }
.Ltmp9:
0x193: {  	s0 =	sadd.s32 $0x2B00, s29;
	[sflag:s4] =	ssyncadd.s32 $0xFFFFF000;
	(pc) =	sbr.rel @p0 .LBB2_15-.Ltmp9, $4  }
0x194: {  	[spmem:s3] =	stream.indirect.scatter.add.f32 [tilespmem:s30], [sflag:$0x7], $0x20, s0, s25, $0xb8;
	[tilespmem:$0x18000] =	vst v63  }
0x195: {  	_ =	swait.ge [sflag:s6], $0x1000  }
0x196: {  	[sflag:s6] =	ssyncset.done $0x0  }
0x197: {  	s31 =	sadd.s32 $0x2B80, s29;
	[sflag:s6] =	ssyncadd.s32 $0xFFFFF000  }
0x198: {  	s0 =	sadd.s32 $0x400, s29  }
0x199: {  	[tilespmem:s26], [sflag:$0x1] =	stream.indirect.gather [spmem:s2], $0x20, s0, s25, $0xb8;
	[tilespmem:$0x18000] =	vst v63  }
0x19a: {  	_ =	swait.ge [sflag:s9], $0x1000  }
0x19b: {  	[sflag:s9] =	ssyncset.done $0x0  }
0x19c: {  	[sflag:s9] =	ssyncadd.s32 $0xFFFFF000  }
0x19d: {  	[spmem:s3] =	stream.indirect.scatter.add.f32 [tilespmem:s1], [sflag:$0x8], $0x20, s31, s25, $0xb8;
	[tilespmem:$0x18000] =	vst v63  }
.Ltmp10:
0x19e: {  	_ = 	snop;
	(pc) =	sbr.rel .LBB2_13-.Ltmp10, $4  }
0x19f: {  	_ =	swait.ge [sflag:s11], $0x1000  }
0x1a0: {  	[sflag:s11] =	ssyncset.done $0x0  }
0x1a1: {  	s22 =	sadd.s32 $0x800, s22;
	s31 =	sadd.s32 $0x480, s29;
	[sflag:s11] =	ssyncadd.s32 $0xFFFFF000  }
0x1a2: {  	[tilespmem:s28], [sflag:$0x2] =	stream.indirect.gather [spmem:s2], $0x20, s31, s25, $0xb8;
	[tilespmem:$0x18000] =	vst v63  }
.LBB2_16:
0x1a3: {  	_ =	sfence.sel $0x180000  }
0x1a4: {  	[bflag:$0x0] =	sbarrier.arrive $0xFFFF  }
0x1a5: {  	_ =	strace $0x9000004D  }
0x1a6: {  	s0 =	stileid.u32;
	[bflag:$0x2] =	sbarrier.arrive $0xFFFF  }
0x1a7: {  	p0 =	sne.s32 s0, $0x0;
	s0 =	rddreg [dreg:$0x3]  }
0x1a8: {  	s0 =	sadd.s32 @!p0 $0x100000, s0  }
0x1a9: {  	[sflag:s0] =	ssyncadd.tile.s32 @!p0 $0x1;
	_ =	shalt  }
.Lfunc_end2:
_tile_overlayer_lowered:
.L_overlay_start_2:
0x1aa: {  	(tag) =	ssettag $0x2  }
0x1ab: {  	s0 =	rddreg [dreg:$0x0];
	s2 =	stileid.u32  }
0x1ac: {  	s1 =	rddreg [dreg:$0x1];
	p0 =	sne.s32 s2, $0x0  }
0x1ad: {  	s3 =	rddreg [dreg:$0x2];
	[bflag:$0x3] =	sbarrier.arrive $0xFFFF;
	s2 =	simm.s32 @!p0 $0x1C09  }
0x1ae: {  	[timem:s3], [sflag:s2] =	dma.local @!p0 [hbm:s0], s1  }
0x1af: {  	s0 =	simm.s32 @!p0 $0x9  }
0x1b0: {  	_ =	swait.ge @!p0 [sflag:s0], s1  }
0x1b1: {  	s1 =	ssub.s32 @!p0 $0x0, s1;
	[sflag:s0] =	ssyncset.done @!p0 $0x0  }
0x1b2: {  	[sflag:s0] =	ssyncadd.s32 @!p0 s1  }
0x1b3: {  	[bflag:$0x3] =	sbarrier.arrive $0xFFFF  }
0x1b4: {  	_ =	shalt  }

// kernel: kernel.8.cloned.1.call-start
scs
__scs_entry_jumppad:
0x0: {  	(pc) =	sbr.rel $0x88, $3  }
0x1: {  	(tag) =	ssettag $0x0;
	lr =	simm.s32 $0x1  }
0x2: {  	[smem:$0x3F9A] =	sst lr;
	_ =	strace $0xD0000000  }
0x3: {  	_ = 	snop  }
0x4: {  	_ = 	snop  }
0x5: {  	_ = 	snop  }
0x6: {  	_ = 	snop  }
0x7: {  	_ = 	snop  }
__scs_overlays_trampoline_lowered:
0x8: {  	[smem:$0x3FA9] =	sst s0  }
0x9: {  	[smem:$0x3FAA] =	sst s1  }
0xa: {  	[smem:$0x3FAB] =	sst s2  }
0xb: {  	[smem:$0x3FAC] =	sst s3  }
0xc: {  	[smem:$0x3FAD] =	sst s4  }
0xd: {  	[smem:$0x3FAE] =	sst s5  }
0xe: {  	[smem:$0x3FAF] =	sst s6  }
0xf: {  	[smem:$0x3FB0] =	sst s7  }
0x10: {  	[smem:$0x3FB1] =	sst s8  }
0x11: {  	[smem:$0x3FB2] =	sst s9;
	s0 =	simm.s32 @!p0 $0x0  }
0x12: {  	s1 =	sld [smem:$0x3F98];
	s0 =	simm.s32 @p0 $0x1  }
0x13: {  	[smem:$0x3FB3] =	sst s0;
	s0 =	simm.s32 @!p1 $0x0  }
0x14: {  	s2 =	sld [smem:$0x3F97];
	s0 =	simm.s32 @p1 $0x1  }
0x15: {  	[smem:$0x3FB4] =	sst s0;
	s0 =	simm.s32 @!p2 $0x0  }
0x16: {  	s3 =	sld [smem:$0x3FDB];
	s0 =	simm.s32 @p2 $0x1  }
0x17: {  	s4 =	simm.s32 $0x1BF5;
	[smem:$0x3FB6] =	sst s0  }
0x18: {  	s0 =	sld [smem:$0x3F99];
	_ =	swait.ge [sflag:s4], $0x0  }
0x19: {  	s7 =	sld [smem:$0x3F9A]  }
0x1a: {  	s8 =	sadd.s32 $0xFFFFE003, lr  }
0x1b: {  	s9 =	sadd.s32 $0xFFFFFEF7, lr;
	s5 =	simm.s32 $0xFFFFFFFF;
	p2 =	slt.u32 s8, $0xFFFFF086  }
0x1c: {  	p1 =	slt.u32 s9, $0xF7A;
	s5 =	simm.s32 @!p2 $0x0  }
0x1d: {  	s5 =	simm.s32 @p1 $0x1;
	p0 =	seq.s32 s7, s2  }
0x1e: {  	s7 =	smul.u32 @!p0 $0xF7A, s2;
	p2 =	seq.s32 @!p0 s5, $0x0  }
0x1f: {  	s9 =	smul.u32 $0xF7A, s1;
	s8 =	simm.s32 @!p0 $0x1BF5;
	p2 =	por !p2, p0  }
0x20: {  	[sflag:s8] =	ssyncset.s32 @!p0 $0xFFFFF086;
	s6 =	sadd.s32 @!p0 s3, s7;
	s7 =	simm.s32 @!p0 $0x108  }
0x21: {  	s3 =	sadd.s32 s3, s9;
	s6 =	sadd.s32 @!p0 $0x88, s6;
	s7 =	simm.s32 @p2 $0x1082  }
0x22: {  	[simem:s7], [sflag:s8] =	dma.local @!p0 [hbm:s6], $0xF7A  }
0x23: {  	s9 =	sor.u32 $0xD0000000, s2;
	s6 =	simm.s32 $0x108;
	_ =	swait.ge @!p0 [sflag:s8], $0x0  }
0x24: {  	s3 =	sadd.s32 $0x88, s3;
	s6 =	simm.s32 @!p1 $0x1082;
	[sflag:s4] =	ssyncset.s32 $0xFFFFF086  }
0x25: {  	[simem:s6], [sflag:s4] =	dma.local [hbm:s3], $0xF7A  }
0x26: {  	[smem:$0x3F9A] =	sst s1;
	(tag) =	ssettag s2;
	_ =	strace s9  }
0x27: {  	s1 =	sld [smem:$0x3FAA]  }
0x28: {  	s2 =	sld [smem:$0x3FAB]  }
0x29: {  	s4 =	sld [smem:$0x3FAD]  }
0x2a: {  	p0 =	seq.s32 s5, $0x0;
	s5 =	sld [smem:$0x3FAE]  }
0x2b: {  	s6 =	sld [smem:$0x3FAF]  }
0x2c: {  	s7 =	sld [smem:$0x3FB0]  }
0x2d: {  	s3 =	simm.s32 $0x108;
	s8 =	sld [smem:$0x3FB1]  }
0x2e: {  	s3 =	simm.s32 @!p0 $0x1082;
	s9 =	sld [smem:$0x3FB2]  }
0x2f: {  	lr =	sadd.s32 s0, s3;
	s0 =	sld [smem:$0x3FA9]  }
0x30: {  	s3 =	sld [smem:$0x3FAC]  }
0x31: {  	[smem:$0x3FB5] =	sst s10  }
0x32: {  	s10 =	sld [smem:$0x3FB3];
	_ =	sdelay $0x3  }
0x33: {  	p0 =	seq.s32 s10, $0x1;
	s10 =	sld [smem:$0x3FB5];
	_ =	sdelay $0x3  }
0x34: {  	[smem:$0x3FB5] =	sst s10  }
0x35: {  	s10 =	sld [smem:$0x3FB4];
	_ =	sdelay $0x3  }
0x36: {  	p1 =	seq.s32 s10, $0x1;
	s10 =	sld [smem:$0x3FB5];
	_ =	sdelay $0x3  }
0x37: {  	[smem:$0x3FB5] =	sst s10  }
0x38: {  	s10 =	sld [smem:$0x3FB6]  }
0x39: {  	_ = 	snop;
	(pc) =	sbr.ind lr, $3  }
0x3a: {  	_ = 	snop  }
0x3b: {  	_ = 	snop  }
0x3c: {  	p2 =	seq.s32 s10, $0x1;
	s10 =	sld [smem:$0x3FB5]  }
0x3d: {  	_ =	shalt  }
0x3e: {  	_ =	shalt  }
0x3f: {  	_ =	shalt  }
0x40: {  	_ =	shalt  }
0x41: {  	_ =	shalt  }
0x42: {  	_ =	shalt  }
0x43: {  	_ =	shalt  }
0x44: {  	_ =	shalt  }
0x45: {  	_ =	shalt  }
0x46: {  	_ =	shalt  }
0x47: {  	_ =	shalt  }
0x48: {  	_ =	shalt  }
0x49: {  	_ =	shalt  }
0x4a: {  	_ =	shalt  }
0x4b: {  	_ =	shalt  }
0x4c: {  	_ =	shalt  }
0x4d: {  	_ =	shalt  }
0x4e: {  	_ =	shalt  }
0x4f: {  	_ =	shalt  }
0x50: {  	_ =	shalt  }
0x51: {  	_ =	shalt  }
0x52: {  	_ =	shalt  }
0x53: {  	_ =	shalt  }
0x54: {  	_ =	shalt  }
0x55: {  	_ =	shalt  }
0x56: {  	_ =	shalt  }
0x57: {  	_ =	shalt  }
0x58: {  	_ =	shalt  }
0x59: {  	_ =	shalt  }
0x5a: {  	_ =	shalt  }
0x5b: {  	_ =	shalt  }
0x5c: {  	_ =	shalt  }
0x5d: {  	_ =	shalt  }
0x5e: {  	_ =	shalt  }
0x5f: {  	_ =	shalt  }
0x60: {  	_ =	shalt  }
0x61: {  	_ =	shalt  }
0x62: {  	_ =	shalt  }
0x63: {  	_ =	shalt  }
0x64: {  	_ =	shalt  }
0x65: {  	_ =	shalt  }
0x66: {  	_ =	shalt  }
0x67: {  	_ =	shalt  }
0x68: {  	_ =	shalt  }
0x69: {  	_ =	shalt  }
0x6a: {  	_ =	shalt  }
0x6b: {  	_ =	shalt  }
0x6c: {  	_ =	shalt  }
0x6d: {  	_ =	shalt  }
0x6e: {  	_ =	shalt  }
0x6f: {  	_ =	shalt  }
0x70: {  	_ =	shalt  }
0x71: {  	_ =	shalt  }
0x72: {  	_ =	shalt  }
0x73: {  	_ =	shalt  }
0x74: {  	_ =	shalt  }
0x75: {  	_ =	shalt  }
0x76: {  	_ =	shalt  }
0x77: {  	_ =	shalt  }
0x78: {  	_ =	shalt  }
0x79: {  	_ =	shalt  }
0x7a: {  	_ =	shalt  }
0x7b: {  	_ =	shalt  }
0x7c: {  	_ =	shalt  }
0x7d: {  	_ =	shalt  }
0x7e: {  	_ =	shalt  }
0x7f: {  	_ =	shalt  }
0x80: {  	_ =	shalt  }
0x81: {  	_ =	shalt  }
0x82: {  	_ =	shalt  }
0x83: {  	_ =	shalt  }
0x84: {  	_ =	shalt  }
0x85: {  	_ =	shalt  }
0x86: {  	_ =	shalt  }
0x87: {  	_ =	shalt  }
.Lfunc_end0:
.L_simem_size_0:
called_computation_lowered:
.L_overlay_start_0:
0x88: {  	s2 =	sld [smem:$0x3FD9]  }
0x89: {  	s3 =	sld [smem:$0x3FFE];
	_ =	sdelay $0x1  }
0x8a: {  	s1 =	srdreg.scid  }
0x8b: {  	s0 =	sand.u32 $0x1, s1  }
0x8c: {  	s16 =	sshll.u32 s0, $0xA;
	s2 =	sadd.s32 s3, s2  }
0x8d: {  	s2 =	sadd.s32 s2, s16  }
0x8e: {  	[smem:$0x3FC1] =	sst s2  }
0x8f: {  	_ = 	snop  }
0x90: {  	(tm) =	ssettm $0x1  }
0x91: {  	s17 =	sld [smem:$0x3FFB];
	_ =	sdelay $0x3  }
0x92: {  	_ =	strace s17  }
0x93: {  	s2 =	sld [smem:$0x3FFC];
	_ =	sdelay $0x3  }
0x94: {  	_ =	strace s2  }
0x95: {  	s2 =	sld [smem:$0x3FFD];
	_ =	sdelay $0x3  }
0x96: {  	_ =	strace s2  }
0x97: {  	_ =	strace $0x8FFFFFFF  }
0x98: {  	s18 =	sld [smem:$0x3FDB];
	_ =	sdelay $0x1  }
0x99: {  	s19 =	simm.s32 $_scs_section_size  }
0x9a: {  	s4 =	simm.s32 $_size__tile_overlayer_lowered;
	s5 =	simm.s32 $_tile_overlayer_lowered  }
0x9b: {  	s22 =	simm.s32 $0x1BFF;
	s21 =	sshll.u32 s5, $0x1;
	s2 =	sadd.s32 s19, s18  }
0x9c: {  	s6 =	simm.s32 $0x0;
	s20 =	sshll.u32 s4, $0x1;
	s4 =	sadd.s32 s21, s2  }
0x9d: {  	[timem:s6], [sflag:s22] =	dma.local [hbm:s4], s20  }
0x9e: {  	_ =	swait.ge [sflag:s22], s20  }
0x9f: {  	s3 =	ssub.s32 $0x0, s20;
	[sflag:s22] =	ssyncset.done $0x0  }
0xa0: {  	[sflag:s22] =	ssyncadd.s32 s3;
	_ =	sdelay $0x1  }
0xa1: {  	s23 =	simm.s32 $0x1B8B  }
0xa2: {  	_ =	swait.ge [sflag:s23], $0x1  }
0xa3: {  	[sflag:s23] =	ssyncset.done $0x0  }
0xa4: {  	s25 =	simm.s32 $0x1B8E;
	s24 =	sld [smem:$0x3FFE];
	[sflag:s23] =	ssyncadd.s32 $0xFFFFFFFF  }
0xa5: {  	s26 =	simm.s32 $execute0_lowered;
	[smem:$0x3FD2] =	sst s25  }
0xa6: {  	s4 =	sshll.u32 s26, $0x1;
	_ =	strace $0x80000046;
	[dreg:$0x1] =	wrdreg $0xFFFFFFFF  }
0xa7: {  	s28 =	simm.s32 $_size_execute0_lowered;
	s2 =	sadd.s32 s2, s4;
	[dreg:$0x0] =	wrdreg $0x0  }
0xa8: {  	s4 =	sshll.u32 s28, $0x1;
	[dreg:$0x2] =	wrdreg s2  }
0xa9: {  	[dreg:$0x3] =	wrdreg s4  }
0xaa: {  	[dreg:$0x4] =	wrdreg $0xC0  }
0xab: {  	_ =	task [dreg:s6], $0x5FFFF  }
0xac: {  	[dreg:$0x1] =	wrdreg $0xFFFFFFFF  }
0xad: {  	[dreg:$0x0] =	wrdreg $0x60  }
0xae: {  	[dreg:$0x2] =	wrdreg s24  }
0xaf: {  	[dreg:$0x3] =	wrdreg $0x50500  }
0xb0: {  	[dreg:$0x4] =	wrdreg $0x9  }
0xb1: {  	_ =	task.clear_ibuf [dreg:s6], $0x5FFFF;
	_ =	strace $0x90000046  }
0xb2: {  	s29 =	simm.s32 $0x9;
	_ =	strace $0x80000048  }
0xb3: {  	_ =	swait.ge [sflag:s29], $0x1  }
0xb4: {  	[sflag:s29] =	ssyncadd.s32 $0xFFFFFFFF  }
0xb5: {  	_ =	strace $0x90000048  }
0xb6: {  	_ =	sfence  }
0xb7: {  	s30 =	sld [smem:$0x0];
	_ =	sdelay $0x2  }
0xb8: {  	s31 =	sshll.u32 s1, $0xD;
	s1 =	sshrl.u32 s1, $0x2  }
0xb9: {  	s3 =	sand.u32 $0x4000, s31;
	s1 =	sadd.s32 s1, s30  }
0xba: {  	s0 =	sor.u32 s3, s0;
	s1 =	sshll.u32 s1, $0x11  }
0xbb: {  	s0 =	sor.u32 s1, s0  }
0xbc: {  	s0 =	sadd.s32 $0x8F2B, s0  }
0xbd: {  	[sflag:s0] =	ssyncadd.remote.s32 $0x1  }
0xbe: {  	_ =	sfence.sel $0xFFFF  }
0xbf: {  	[dreg:$0x0] =	wrdreg $0xFFFFFFFF;
	(pc) =	sbr.abs _section_cstart, $3  }
0xc0: {  	[dreg:$0x1] =	wrdreg $0xFFFFFFFF  }
0xc1: {  	_ =	task.clear_ibuf [dreg:s6], $0x2FFFF;
	_ =	strace $0x9FFFFFFF  }
0xc2: {  	(tm) =	ssettm $0x7FFFFFFF  }
0xc3: {  	_ =	shalt  }
tec
execute0_lowered:
.L_overlay_start_1:
0x0: {  	(tag) =	ssettag $0x1  }
0x1: {  	s3 =	rddreg [dreg:$0x0];
	s0 =	srdreg.scid  }
0x2: {  	s1 =	rddreg [dreg:$0x1];
	s10 =	stileid.u32  }
0x3: {  	s2 =	simm.s32 $0x0;
	s9 =	simm.s32 $0x5000;
	s12 =	simm.s32 $0x0  }
0x4: {  	s4 =	sand.u32 $0x1, s0;
	s0 =	rddreg [dreg:$0x2];
	s5 =	sshll.u32 s10, $0x1  }
0x5: {  	s7 =	smul.u32 $0x280, s10;
	[smem:$0x7FF] =	sst s2;
	p0 =	sne.s32 s10, $0x0  }
0x6: {  	s10 =	sshll.u32 s10, $0x6;
	s6 =	smul.u32 $0x2800, s4;
	s5 =	sor.u32 s4, s5  }
0x7: {  	_ =	strace $0x80000047;
	s4 =	ssub.s32 $0x2, s4;
	s10 =	sor.u32 $0x1C01, s10  }
0x8: {  	s5 =	smul.u32 $0x500, s5;
	s8 =	sshrl.u32 s4, $0x1;
	s11 =	sadd.s32 s7, s1  }
0x9: {  	s6 =	sadd.s32 s7, s6;
	s8 =	ssub.s32 s4, s8;
	s7 =	simm.s32 $0x2800  }
0xa: {  	v0 =	vlaneseq.u32;
	s11 =	sshrl.u32 s11, $0x3;
	s5 =	sadd.s32 s5, s3;
	s6 =	sshrl.u32 s6, $0x3  }
0xb: {  	v1 =	vimm.f32 $0.0e+00;
	v2 =	vimm.f32 $1.000000000e+00;
	v3 =	vor.u32 $0x10, v0;
	s6 =	sadd.s32 s6, s3;
	s3 =	sadd.s32 $0x1C00, s5;
	s5 =	smax.u32 s8, $0x1  }
0xc: {  	v4 =	vor.u32 $0x20, v0;
	v5 =	vor.u32 $0x30, v0;
	v6 =	vor.u32 $0x40, v0;
	s8 =	simm.s32 $0x50;
	s4 =	sadd.s32 $0xBC00, s6;
	s6 =	simm.s32 $0x1  }
.LBB2_1:
0xd: {  	[tilespmem:s2], [sflag:$0x1] =	stream.linear.gather [hbm4b:s3+s2], $0x2800, $0x38;
	[tilespmem:$0x52D0] =	vst v63  }
0xe: {  	_ =	swait.ge [sflag:s6], $0x2800  }
0xf: {  	[sflag:s6] =	ssyncset.done $0x0  }
0x10: {  	s13 =	simm.s32 $0x0;
	s14 =	simm.s32 $0x200;
	[sflag:s6] =	ssyncadd.s32 $0xFFFFD800  }
.LBB2_2:
0x11: {  	p1 =	sne.s32 s14, $0x9E00;
	[tilespmem:s13+$0x2870] =	vst v1  }
0x12: {  	[tilespmem:s13+$0x2800] =	vst v1  }
0x13: {  	[tilespmem:s13+$0x2810] =	vst v1  }
.Ltmp0:
0x14: {  	[tilespmem:s13+$0x2820] =	vst v1;
	(pc) =	sbr.rel @p1 .LBB2_2-.Ltmp0, $4  }
0x15: {  	[tilespmem:s13+$0x2830] =	vst v1  }
0x16: {  	[tilespmem:s13+$0x2840] =	vst v1  }
0x17: {  	[tilespmem:s13+$0x2850] =	vst v1  }
0x18: {  	[tilespmem:s13+$0x2860] =	vst v1;
	s13 =	sshra.s32 s14, $0x2;
	s14 =	sadd.s32 $0x200, s14  }
0x19: {  	[tilespmem:s13+$0x2870] =	vst v1  }
0x1a: {  	[tilespmem:s13+$0x2800] =	vst v1  }
0x1b: {  	[tilespmem:s13+$0x2810] =	vst v1  }
0x1c: {  	[tilespmem:s13+$0x2820] =	vst v1  }
0x1d: {  	[tilespmem:s13+$0x2830] =	vst v1  }
0x1e: {  	[tilespmem:s13+$0x2840] =	vst v1  }
0x1f: {  	[tilespmem:s13+$0x2850] =	vst v1  }
0x20: {  	[tilespmem:s13+$0x2860] =	vst v1;
	s13 =	simm.s32 @!p0 $0x2800  }
0x21: {  	[spmem:s1] =	stream.linear.scatter @!p0 [tilespmem:s13], [sflag:$0x1], $0x2800, $0x38;
	[tilespmem:$0x52D0] =	vst v63  }
0x22: {  	s13 =	simm.s32 @!p0 $0x1  }
0x23: {  	_ =	swait.ge @!p0 [sflag:s13], $0x2800  }
0x24: {  	[sflag:s13] =	ssyncset.done @!p0 $0x0  }
0x25: {  	[sflag:s13] =	ssyncadd.s32 @!p0 $0xFFFFD800  }
0x26: {  	s13 =	simm.s32 $0x0;
	[bflag:$0x0] =	sbarrier.arrive $0xFFFF  }
.LBB2_4:
0x27: {  	s14 =	sshra.s32 s13, $0x2  }
0x28: {  	v7 =	vld [tilespmem:s14+$0x0];
	_ =	sdelay $0x7  }
0x29: {  	[tilespmem:v7+s7+$0x0] =	vst.idx.add.f32.msk $0xffff, v2  }
0x2a: {  	v7 =	vld [tilespmem:s14+$0x10];
	_ =	sdelay $0x7  }
0x2b: {  	[tilespmem:v7+s7+$0x0] =	vst.idx.add.f32.msk $0xffff, v2  }
0x2c: {  	v7 =	vld [tilespmem:s14+$0x20];
	_ =	sdelay $0x7  }
0x2d: {  	[tilespmem:v7+s7+$0x0] =	vst.idx.add.f32.msk $0xffff, v2  }
0x2e: {  	v7 =	vld [tilespmem:s14+$0x30];
	_ =	sdelay $0x7  }
0x2f: {  	[tilespmem:v7+s7+$0x0] =	vst.idx.add.f32.msk $0xffff, v2  }
0x30: {  	v7 =	vld [tilespmem:s14+$0x40];
	_ =	sdelay $0x7  }
0x31: {  	[tilespmem:v7+s7+$0x0] =	vst.idx.add.f32.msk $0xffff, v2  }
0x32: {  	v7 =	vld [tilespmem:s14+$0x50];
	_ =	sdelay $0x7  }
0x33: {  	[tilespmem:v7+s7+$0x0] =	vst.idx.add.f32.msk $0xffff, v2  }
0x34: {  	v7 =	vld [tilespmem:s14+$0x60];
	_ =	sdelay $0x7  }
0x35: {  	[tilespmem:v7+s7+$0x0] =	vst.idx.add.f32.msk $0xffff, v2  }
0x36: {  	v7 =	vld [tilespmem:s14+$0x70];
	_ =	sdelay $0x2  }
0x37: {  	p1 =	sne.s32 s13, $0x9E00  }
.Ltmp1:
0x38: {  	_ = 	snop;
	(pc) =	sbr.rel @p1 .LBB2_4-.Ltmp1, $2  }
0x39: {  	_ =	sdelay $0x2  }
0x3a: {  	s13 =	sadd.s32 $0x200, s13;
	[tilespmem:v7+s7+$0x0] =	vst.idx.add.f32.msk $0xffff, v2  }
0x3b: {  	[tilespmem:$0x5000] =	vst v0  }
0x3c: {  	[tilespmem:$0x5010] =	vst v3  }
0x3d: {  	[tilespmem:$0x5020] =	vst v4  }
0x3e: {  	[tilespmem:$0x5030] =	vst v5  }
0x3f: {  	[tilespmem:$0x5040] =	vst v6  }
0x40: {  	[spmem:s1] =	stream.indirect.scatter.add.f32 [tilespmem:s7], [sflag:$0x1], $0x80, s9, s8, $0xb8;
	[tilespmem:$0x52D0] =	vst v63  }
0x41: {  	_ =	swait.ge [sflag:s6], $0x2800  }
0x42: {  	s12 =	sadd.s32 $0x1, s12;
	[sflag:s6] =	ssyncset.done $0x0  }
0x43: {  	p1 =	sne.s32 s12, s5;
	[sflag:s6] =	ssyncadd.s32 $0xFFFFD800  }
.Ltmp2:
0x44: {  	[bflag:$0x0] =	sbarrier.arrive $0xFFFF;
	(pc) =	sbr.rel @p1 .LBB2_1-.Ltmp2, $4  }
0x45: {  	[hbm:s4], [sflag:s10] =	dma.local [spmem:s11], $0x50  }
0x46: {  	_ =	swait.ge [sflag:s6], $0x50  }
0x47: {  	[sflag:s6] =	ssyncset.done $0x0  }
0x48: {  	[sflag:s6] =	ssyncadd.s32 $0xFFFFFFB0  }
0x49: {  	_ =	sfence.sel $0x180000  }
0x4a: {  	[bflag:$0x0] =	sbarrier.arrive $0xFFFF  }
0x4b: {  	_ =	strace $0x90000047  }
0x4c: {  	s0 =	sadd.s32 @!p0 $0x100000, s0;
	[bflag:$0x2] =	sbarrier.arrive $0xFFFF  }
0x4d: {  	[sflag:s0] =	ssyncadd.tile.s32 @!p0 $0x1;
	_ =	shalt  }
.Lfunc_end2:
_tile_overlayer_lowered:
.L_overlay_start_2:
0x4e: {  	(tag) =	ssettag $0x2  }
0x4f: {  	s0 =	rddreg [dreg:$0x0];
	s2 =	stileid.u32  }
0x50: {  	s1 =	rddreg [dreg:$0x1];
	p0 =	sne.s32 s2, $0x0  }
0x51: {  	s3 =	rddreg [dreg:$0x2];
	[bflag:$0x3] =	sbarrier.arrive $0xFFFF;
	s2 =	simm.s32 @!p0 $0x1C01  }
0x52: {  	[timem:s3], [sflag:s2] =	dma.local @!p0 [hbm:s0], s1  }
0x53: {  	s0 =	simm.s32 @!p0 $0x1  }
0x54: {  	_ =	swait.ge @!p0 [sflag:s0], s1  }
0x55: {  	s1 =	ssub.s32 @!p0 $0x0, s1;
	[sflag:s0] =	ssyncset.done @!p0 $0x0  }
0x56: {  	[sflag:s0] =	ssyncadd.s32 @!p0 s1  }
0x57: {  	[bflag:$0x3] =	sbarrier.arrive $0xFFFF  }
0x58: {  	_ =	shalt  }

</sc_bundles>
